<compile_context>
chip_gen: v7x
topology: tpu7x:2x2x1
jax: 0.10.2.dev20260603
libtpu: 0.0.44.dev20260713+nightly
codegen_flags: <defaults>
</compile_context>

<pallas_src>
import functools

import jax
import jax.numpy as jnp
from jax import lax
from jax.experimental import pallas as pl
from jax.experimental.pallas import tpu as pltpu, tpu_sc as plsc

B, C, N = 2, 6, 4096
K_TOP = 64
NSAMPLE = 32
NCAND = 552
Q = K_TOP * NCAND
NWORK = 16
QPW = Q // NWORK
NCHUNK = QPW // 16
NPC = N // 16



def _fe_body(x_ref, W1_ref, b1_ref, W2_ref, b2_ref, W3_ref, b3_ref,
             Ww1_ref, bw1_ref, Ww2_ref, bw2_ref, Wp_ref,
             feats_ref, scores_ref, proj_ref):
    x = x_ref[0]
    h = jax.nn.relu(jnp.dot(x, W1_ref[...], preferred_element_type=jnp.float32) + b1_ref[...])
    h = jax.nn.relu(jnp.dot(h, W2_ref[...], preferred_element_type=jnp.float32) + b2_ref[...])
    feats = jnp.dot(h, W3_ref[...], preferred_element_type=jnp.float32) + b3_ref[...]
    s = jax.nn.relu(jnp.dot(feats, Ww1_ref[...], preferred_element_type=jnp.float32) + bw1_ref[...])
    s = jnp.dot(s, Ww2_ref[...], preferred_element_type=jnp.float32) + bw2_ref[...]
    cat = jnp.concatenate([x[:, :3], feats], axis=1)
    catp = jnp.pad(cat, ((0, 0), (0, 5)))
    proj = jnp.dot(catp, Wp_ref[0], preferred_element_type=jnp.float32)
    feats_ref[0] = feats
    scores_ref[0] = s[:, 0:1]
    proj_ref[0] = proj


def _fe_pallas(x_all, W1, b1, W2, b2, W3, b3, Ww1, bw1, Ww2, bw2, Wp):
    G = x_all.shape[0]
    return pl.pallas_call(
        _fe_body,
        grid=(G,),
        in_specs=[
            pl.BlockSpec((1, N, C), lambda g: (g, 0, 0)),
            pl.BlockSpec((C, 64), lambda g: (0, 0)),
            pl.BlockSpec((1, 64), lambda g: (0, 0)),
            pl.BlockSpec((64, 64), lambda g: (0, 0)),
            pl.BlockSpec((1, 64), lambda g: (0, 0)),
            pl.BlockSpec((64, 32), lambda g: (0, 0)),
            pl.BlockSpec((1, 32), lambda g: (0, 0)),
            pl.BlockSpec((32, 16), lambda g: (0, 0)),
            pl.BlockSpec((1, 16), lambda g: (0, 0)),
            pl.BlockSpec((16, 1), lambda g: (0, 0)),
            pl.BlockSpec((1, 1), lambda g: (0, 0)),
            pl.BlockSpec((1, 40, 32), lambda g: (g // B, 0, 0)),
        ],
        out_specs=[
            pl.BlockSpec((1, N, 32), lambda g: (g, 0, 0)),
            pl.BlockSpec((1, N, 1), lambda g: (g, 0, 0)),
            pl.BlockSpec((1, N, 32), lambda g: (g, 0, 0)),
        ],
        out_shape=[
            jax.ShapeDtypeStruct((G, N, 32), jnp.float32),
            jax.ShapeDtypeStruct((G, N, 1), jnp.float32),
            jax.ShapeDtypeStruct((G, N, 32), jnp.float32),
        ],
    )(x_all, W1, b1.reshape(1, 64), W2, b2.reshape(1, 64), W3, b3.reshape(1, 32),
      Ww1, bw1.reshape(1, 16), Ww2, bw2.reshape(1, 1), Wp)



_CP = pltpu.CompilerParams(needs_layout_passes=False, use_tc_tiling_on_sc=False)


def _find_bin(bins_ref, nvreg, target, scr16):
    carry = jnp.zeros((16,), jnp.int32)
    found = jnp.zeros((16,), jnp.int32)
    pbin = jnp.zeros((16,), jnp.int32)
    cbelow = jnp.zeros((16,), jnp.int32)
    iota = lax.iota(jnp.int32, 16)
    for j in range(nvreg):
        v = bins_ref[pl.ds(j * 16, 16)]
        incl = plsc.cumsum(v) + carry
        excl = incl - v
        m = (incl >= target) & (found == 0)
        ff = plsc.all_reduce_ffs(m)
        has = (ff < 16) & (found == 0)
        scr16[...] = excl
        e = plsc.load_gather(scr16, [jnp.minimum(ff, 15)])
        pbin = jnp.where(has, j * 16 + ff, pbin)
        cbelow = jnp.where(has, e, cbelow)
        found = jnp.where(has, 1, found)
        scr16[...] = incl
        carry = plsc.load_gather(scr16, [jnp.full((16,), 15, jnp.int32)])
    return pbin, cbelow


def _sc_knn_kernel(xyz_hbm, tpack_hbm, cand_hbm, wt_hbm, out_hbm,
                   xv, tpk, candv, wtv, dbits, bins8, bins2, nbr, outbuf, scr16):
    b = lax.axis_index("c")
    w = lax.axis_index("s")
    iota = lax.iota(jnp.int32, 16)
    ones = jnp.ones((16,), jnp.int32)
    zeros = jnp.zeros((16,), jnp.int32)

    pltpu.sync_copy(xyz_hbm.at[b], xv)
    pltpu.sync_copy(tpack_hbm.at[b], tpk)
    for i in range(3):
        pltpu.sync_copy(cand_hbm.at[b, i, pl.ds(w * QPW, QPW)], candv.at[i])
    pltpu.sync_copy(wt_hbm, wtv)

    def per_query(q_local, qq):
        qidx = jnp.full((16,), q_local, jnp.int32)
        c0 = plsc.load_gather(candv, [zeros, qidx])
        c1 = plsc.load_gather(candv, [ones, qidx])
        c2 = plsc.load_gather(candv, [ones + ones, qidx])
        cc = c0 * c0 + c1 * c1 + c2 * c2

        zf = jnp.zeros((16,), jnp.int32)
        for j in range(8):
            bins8[pl.ds(j * 16, 16)] = zf
        for j in range(16):
            bins2[pl.ds(j * 16, 16)] = zf

        def passA(j, carry):
            x0 = xv[0, pl.ds(j * 16, 16)]
            x1 = xv[1, pl.ds(j * 16, 16)]
            x2 = xv[2, pl.ds(j * 16, 16)]
            s = xv[3, pl.ds(j * 16, 16)]
            t = c0 * x0 + c1 * x1 + c2 * x2
            d = jnp.maximum((s + cc) - (t + t), 0.0)
            bits = plsc.bitcast(d, jnp.int32)
            dbits[pl.ds(j * 16, 16)] = bits
            plsc.addupdate_scatter(bins8, [jnp.right_shift(bits, 24)], ones)
            return carry
        lax.fori_loop(0, NPC, passA, 0)

        p8, clt8 = _find_bin(bins8, 8, jnp.full((16,), NSAMPLE, jnp.int32), scr16)

        def passB(j, carry):
            bits = dbits[pl.ds(j * 16, 16)]
            m = jnp.right_shift(bits, 24) == p8
            sub = jnp.bitwise_and(jnp.right_shift(bits, 16), 255)
            plsc.addupdate_scatter(bins2, [sub], ones, mask=m)
            return carry
        lax.fori_loop(0, NPC, passB, 0)
        t16 = jnp.full((16,), NSAMPLE, jnp.int32) - clt8
        p16, clt16 = _find_bin(bins2, 16, t16, scr16)
        pfx16 = jnp.bitwise_or(jnp.left_shift(p8, 8), p16)
        clt = clt8 + clt16

        for j in range(16):
            bins2[pl.ds(j * 16, 16)] = zf

        def passC(j, carry):
            bits = dbits[pl.ds(j * 16, 16)]
            m = jnp.right_shift(bits, 16) == pfx16
            sub = jnp.bitwise_and(jnp.right_shift(bits, 8), 255)
            plsc.addupdate_scatter(bins2, [sub], ones, mask=m)
            return carry
        lax.fori_loop(0, NPC, passC, 0)
        t24 = jnp.full((16,), NSAMPLE, jnp.int32) - clt
        p24, _ = _find_bin(bins2, 16, t24, scr16)
        pfx24 = jnp.bitwise_or(jnp.left_shift(pfx16, 8), p24)

        def passD(j, cnt):
            bits = dbits[pl.ds(j * 16, 16)]
            m = jnp.right_shift(bits, 8) <= pfx24
            mi = jnp.where(m, 1, 0)
            pos = cnt + plsc.cumsum(mi) - mi
            plsc.store_scatter(nbr, [pos], j * 16 + iota, mask=m & (pos < NSAMPLE))
            return cnt + plsc.all_reduce_population_count(m)
        lax.fori_loop(0, NPC, passD, jnp.zeros((16,), jnp.int32))

        acc_e = jnp.full((16,), -3.0e38, jnp.float32)
        acc_o = jnp.full((16,), -3.0e38, jnp.float32)
        for j in range(NSAMPLE):
            ridx = plsc.load_gather(nbr, [jnp.full((16,), j, jnp.int32)])
            word = plsc.load_gather(tpk, [ridx, iota])
            a, o = plsc.unpack(plsc.bitcast(word, jnp.bfloat16),
                               format=plsc.PackFormat.INTERLEAVED)
            acc_e = jnp.maximum(acc_e, a.astype(jnp.float32))
            acc_o = jnp.maximum(acc_o, o.astype(jnp.float32))

        w0e = wtv[0, pl.ds(0, 16)]
        w0o = wtv[0, pl.ds(16, 16)]
        w1e = wtv[1, pl.ds(0, 16)]
        w1o = wtv[1, pl.ds(16, 16)]
        w2e = wtv[2, pl.ds(0, 16)]
        w2o = wtv[2, pl.ds(16, 16)]
        bte = wtv[3, pl.ds(0, 16)]
        bto = wtv[3, pl.ds(16, 16)]
        qe = bte - (c0 * w0e + c1 * w1e + c2 * w2e)
        qo = bto - (c0 * w0o + c1 * w1o + c2 * w2o)
        oe = jnp.maximum(acc_e + qe, 0.0)
        oo = jnp.maximum(acc_o + qo, 0.0)
        outbuf[pl.ds(qq * 32, 16)] = oe
        outbuf[pl.ds(qq * 32 + 16, 16)] = oo

    def chunk_body(ch, carry):
        def inner(qq, carry2):
            per_query(ch * 16 + qq, qq)
            return carry2
        lax.fori_loop(0, 16, inner, 0)
        pltpu.sync_copy(outbuf, out_hbm.at[b, pl.ds((w * QPW + ch * 16) * 32, 512)])
        return carry
    lax.fori_loop(0, NCHUNK, chunk_body, 0)


@functools.lru_cache(maxsize=1)
def _get_sc_knn():
    mesh = plsc.VectorSubcoreMesh(core_axis_name="c", subcore_axis_name="s")

    @functools.partial(pl.kernel,
                       out_type=jax.ShapeDtypeStruct((B, Q * 32), jnp.float32),
                       mesh=mesh, compiler_params=_CP,
                       scratch_types=[
                           pltpu.VMEM((4, N), jnp.float32),
                           pltpu.VMEM((N, 16), jnp.int32),
                           pltpu.VMEM((3, QPW), jnp.float32),
                           pltpu.VMEM((4, 32), jnp.float32),
                           pltpu.VMEM((N,), jnp.int32),
                           pltpu.VMEM((128,), jnp.int32),
                           pltpu.VMEM((256,), jnp.int32),
                           pltpu.VMEM((NSAMPLE,), jnp.int32),
                           pltpu.VMEM((512,), jnp.float32),
                           pltpu.VMEM((16,), jnp.int32),
                       ])
    def _sc_knn(xyz_hbm, tpack_hbm, cand_hbm, wt_hbm, out_hbm, *scr):
        _sc_knn_kernel(xyz_hbm, tpack_hbm, cand_hbm, wt_hbm, out_hbm, *scr)

    return _sc_knn



def kernel(src_pts, tgt_pts, candidate_pts, W1, b1, W2, b2, W3, b3,
           Ww1, bw1, Ww2, bw2, Wsrc, bsrc, Wtgt, btgt):
    src_t = jnp.transpose(src_pts, (0, 2, 1))
    tgt_t = jnp.transpose(tgt_pts, (0, 2, 1))
    x_all = jnp.concatenate([src_t, tgt_t], axis=0)
    Wp = jnp.stack([jnp.pad(Wsrc, ((0, 5), (0, 0))),
                    jnp.pad(Wtgt, ((0, 5), (0, 0)))], axis=0)
    feats_all, scores_all, proj_all = _fe_pallas(
        x_all, W1, b1, W2, b2, W3, b3, Ww1, bw1, Ww2, bw2, Wp)
    src_feats = feats_all[:B]
    scores = scores_all[:B, :, 0]

    _, keyidx = jax.lax.top_k(scores, K_TOP)
    src_keypts = jnp.take_along_axis(src_t, keyidx[:, :, None], axis=1)
    key_xyz = src_keypts[:, :, :3]

    d2 = jnp.sum((key_xyz[:, :, None, :] - key_xyz[:, None, :, :]) ** 2, axis=-1)
    _, picked_idx = jax.lax.top_k(-d2, NSAMPLE)
    proj_src = jnp.take_along_axis(proj_all[:B], keyidx[:, :, None], axis=1)
    gathered = jax.vmap(lambda pb, ib: pb[ib])(proj_src, picked_idx)
    qoff_src = bsrc - jnp.einsum("bkc,cj->bkj", key_xyz, Wsrc[:3])
    src_keyfeats_cat = jax.nn.relu(jnp.max(gathered, axis=2) + qoff_src)

    tgt_xyz_sq = jnp.sum(tgt_t[:, :, :3] ** 2, axis=-1)
    xyzcat = jnp.concatenate([tgt_pts[:, :3], tgt_xyz_sq[:, None]], 1)
    proj_tgt = proj_all[B:]
    tpack = jax.lax.bitcast_convert_type(
        proj_tgt.astype(jnp.bfloat16).reshape(B, N, 16, 2), jnp.int32)
    cand_flat = jnp.transpose(candidate_pts.reshape(B, Q, 3), (0, 2, 1))
    wt = jnp.concatenate([Wtgt[:3], btgt.reshape(1, 32)], axis=0)
    wt = jnp.concatenate([wt[:, 0::2], wt[:, 1::2]], axis=1)
    out_sc = _get_sc_knn()(xyzcat, tpack, cand_flat, wt)
    o = out_sc.reshape(B, Q, 2, 16)
    tgt_keyfeats_cat = jnp.stack([o[:, :, 0], o[:, :, 1]], axis=-1).reshape(B, K_TOP, NCAND, 32)

    src_keypts = src_keypts + 0.0 * jnp.sum(src_keyfeats_cat) + 0.0 * jnp.sum(tgt_keyfeats_cat)
    return src_keypts

# --- scband reference (transcript-rebuilt; emitter-appended) ---
"""Pipeline reference for scband-deep-vcp-31129922961420 (READ-ONLY COPY).

The authoritative reference and input builder live on the scoring server;
editing this copy changes nothing except your own understanding.
"""

import jax, jax.numpy as jnp
import numpy as np

B, C, N = 2, 6, 4096
K_TOP = 64
NSAMPLE = 32
NCAND = 552


def setup_inputs(seed: int = 0):
    key = jax.random.key(seed)
    ks = jax.random.split(key, 17)

    def p(i, shape):
        return (0.1 * jax.random.normal(ks[i], shape)).astype(jnp.float32)

    return {
        "src_pts": jax.random.normal(ks[0], (B, C, N), dtype=jnp.float32),
        "tgt_pts": jax.random.normal(ks[1], (B, C, N), dtype=jnp.float32),
        "candidate_pts": jax.random.normal(ks[2], (B, K_TOP, NCAND, 3), dtype=jnp.float32),
        "W1": p(3, (C, 64)), "b1": jnp.zeros((64,), jnp.float32),
        "W2": p(4, (64, 64)), "b2": jnp.zeros((64,), jnp.float32),
        "W3": p(5, (64, 32)), "b3": jnp.zeros((32,), jnp.float32),
        "Ww1": p(6, (32, 16)), "bw1": jnp.zeros((16,), jnp.float32),
        "Ww2": p(7, (16, 1)), "bw2": jnp.zeros((1,), jnp.float32),
        "Wsrc": p(8, (35, 32)), "bsrc": jnp.zeros((32,), jnp.float32),
        "Wtgt": p(9, (35, 32)), "btgt": jnp.zeros((32,), jnp.float32),
    }


def _fe(pts, W1, b1, W2, b2, W3, b3):
    # pointwise feature-extraction MLP over [B, C, N] -> (xyz [B,N,3], feats [B,N,32])
    x = jnp.transpose(pts, (0, 2, 1))
    h = jax.nn.relu(x @ W1 + b1)
    h = jax.nn.relu(h @ W2 + b2)
    feats = h @ W3 + b3
    return x[:, :, :3], feats


def reference(src_pts, tgt_pts, candidate_pts, W1, b1, W2, b2, W3, b3, Ww1, bw1, Ww2, bw2, Wsrc, bsrc, Wtgt, btgt):
    # --- source branch: feature extraction + weighting layer -> top-k keypoints ---
    src_xyz, src_feats = _fe(src_pts, W1, b1, W2, b2, W3, b3)
    scores = (jax.nn.relu(src_feats @ Ww1 + bw1) @ Ww2 + bw2)[..., 0]  # [B, N]
    _, keyidx = jax.lax.top_k(scores, K_TOP)                            # [B, K_TOP]
    src_pts_t = jnp.transpose(src_pts, (0, 2, 1))                       # [B, N, C]
    src_keypts = jnp.take_along_axis(src_pts_t, keyidx[:, :, None], axis=1)  # [B, K_TOP, C]
    key_xyz = src_keypts[:, :, :3]
    # --- sample_and_group: knn among keypoints (npoint=64, nsample=32) ---
    d2 = jnp.sum((key_xyz[:, :, None, :] - key_xyz[:, None, :, :]) ** 2, axis=-1)  # [B,64,64]
    _, picked_idx = jax.lax.top_k(-d2, NSAMPLE)                                    # [B,64,32]
    grouped_xyz = jax.vmap(lambda xb, ib: xb[ib])(key_xyz, picked_idx)             # [B,64,32,3]
    rel_xyz = grouped_xyz - key_xyz[:, :, None, :]
    key_feats = jnp.take_along_axis(src_feats, keyidx[:, :, None], axis=1)         # [B,64,32]
    grouped_feats = jax.vmap(lambda fb, ib: fb[ib])(key_feats, picked_idx)         # [B,64,32,32]
    cat = jnp.concatenate([rel_xyz, grouped_feats], axis=-1)                       # [B,64,32,35]
    src_keyfeats_cat = jnp.max(jax.nn.relu(cat @ Wsrc + bsrc), axis=2)             # [B,64,32]
    # --- target branch: candidate points knn-retrieve features from tgt cloud ---
    tgt_xyz, tgt_feats = _fe(tgt_pts, W1, b1, W2, b2, W3, b3)

    def cand_one(cand, xyz_b, feats_b):
        # cand: [NCAND, 3]; knn over all N target points
        d = jnp.sum((cand[:, None, :] - xyz_b[None, :, :]) ** 2, axis=-1)  # [NCAND, N]
        _, idx = jax.lax.top_k(-d, NSAMPLE)                                 # [NCAND, 32]
        gx = xyz_b[idx]                                                      # [NCAND,32,3]
        rel = gx - cand[:, None, :]
        gf = feats_b[idx]                                                    # [NCAND,32,32]
        c = jnp.concatenate([rel, gf], axis=-1)                              # [NCAND,32,35]
        return jnp.max(jax.nn.relu(c @ Wtgt + btgt), axis=1)                 # [NCAND,32]

    outs = []
    for b in range(B):
        ob = jax.lax.map(lambda cnd, xb=tgt_xyz[b], fb=tgt_feats[b]: cand_one(cnd, xb, fb), candidate_pts[b])
        outs.append(ob)
    tgt_keyfeats_cat = jnp.stack(outs, axis=0)  # [B, K_TOP, NCAND, 32]
    # torch forward computes both feature branches but returns only src_keypts;
    # tie them in with zero weight so the work is not dead-code eliminated under jit
    src_keypts = src_keypts + 0.0 * jnp.sum(src_keyfeats_cat) + 0.0 * jnp.sum(tgt_keyfeats_cat)
    return src_keypts

if __name__ == "__main__":
    import jax
    _d = setup_inputs()
    print(jax.jit(kernel)(*tuple(_d.values())))

</pallas_src>

<mosaic_0001>
#map = affine_map<(d0, d1) -> (0, 0, 0)>
#map1 = affine_map<(d0, d1) -> (0, 0)>
module attributes {stable_mosaic.version = 14 : i64} {
  func.func @_sc_knn(%arg0: i32, %arg1: i32, %arg2: memref<2x4x4096xf32, #tpu.memory_space<hbm>>, %arg3: memref<2x4096x16xi32, #tpu.memory_space<hbm>>, %arg4: memref<2x3x35328xf32, #tpu.memory_space<hbm>>, %arg5: memref<4x32xf32, #tpu.memory_space<hbm>>, %arg6: memref<2x1130496xf32, #tpu.memory_space<hbm>>, %arg7: memref<4x4096xf32, #tpu.memory_space<vmem>>, %arg8: memref<4096x16xi32, #tpu.memory_space<vmem>>, %arg9: memref<3x2208xf32, #tpu.memory_space<vmem>>, %arg10: memref<4x32xf32, #tpu.memory_space<vmem>>, %arg11: memref<4096xi32, #tpu.memory_space<vmem>>, %arg12: memref<128xi32, #tpu.memory_space<vmem>>, %arg13: memref<256xi32, #tpu.memory_space<vmem>>, %arg14: memref<32xi32, #tpu.memory_space<vmem>>, %arg15: memref<512xf32, #tpu.memory_space<vmem>>, %arg16: memref<16xi32, #tpu.memory_space<vmem>>) attributes {dimension_semantics = [#tpu.dimension_semantics<core_parallel>, #tpu.dimension_semantics<subcore_parallel>], iteration_bounds = array<i64: 2, 16>, scalar_prefetch = 0 : i64, scratch_operands = 10 : i64, tpu.core_type = #tpu.core_type<sc_vector_subcore>, window_params = [{transform_indices = #map}, {transform_indices = #map}, {transform_indices = #map}, {transform_indices = #map1}, {transform_indices = #map1}]} {
    %iota3A = tpu.iota {dimensions = array<i32: 0>} : vector<16xi32>
    %broadcast_in_dim3A = arith.constant 1 : i32
    %broadcast_in_dim3A_0 = vector.broadcast %broadcast_in_dim3A : i32 to vector<16xi32>
    %broadcast_in_dim3A_1 = arith.constant 0 : i32
    %broadcast_in_dim3A_2 = vector.broadcast %broadcast_in_dim3A_1 : i32 to vector<16xi32>
    "tpu.region"() ({
      %run_scoped3A_18 = tpu.sem_alloc : memref<!tpu.dma_semaphore, #tpu.memory_space<semaphore_mem>>
      %dma_start3A = arith.constant 0 : i32
      %dma_start3A_19 = arith.constant 0 : i32
      %dma_start3A_20 = tpu.memref_slice %arg2[%arg0, %dma_start3A, %dma_start3A_19] : memref<2x4x4096xf32, #tpu.memory_space<hbm>> -> memref<1x4x4096xf32, #tpu.memory_space<hbm>>
      %dma_start3A_21 = tpu.memref_squeeze %dma_start3A_20 : memref<1x4x4096xf32, #tpu.memory_space<hbm>> -> memref<4x4096xf32, #tpu.memory_space<hbm>>
      %dma_start3A_22 = arith.constant 0 : i32
      %dma_start3A_23 = arith.constant 0 : i32
      %dma_start3A_24 = tpu.memref_slice %arg2[%arg0, %dma_start3A_22, %dma_start3A_23] : memref<2x4x4096xf32, #tpu.memory_space<hbm>> -> memref<1x4x4096xf32, #tpu.memory_space<hbm>>
      %dma_start3A_25 = tpu.memref_squeeze %dma_start3A_24 : memref<1x4x4096xf32, #tpu.memory_space<hbm>> -> memref<4x4096xf32, #tpu.memory_space<hbm>>
      tpu.enqueue_dma source(%dma_start3A_25 : memref<4x4096xf32, #tpu.memory_space<hbm>>) target(%arg7 : memref<4x4096xf32, #tpu.memory_space<vmem>>) target_semaphore(%run_scoped3A_18 : memref<!tpu.dma_semaphore, #tpu.memory_space<semaphore_mem>>)
      %dma_wait3A = arith.constant 0 : i32
      %dma_wait3A_26 = arith.constant 0 : i32
      %dma_wait3A_27 = tpu.memref_slice %arg2[%arg0, %dma_wait3A, %dma_wait3A_26] : memref<2x4x4096xf32, #tpu.memory_space<hbm>> -> memref<1x4x4096xf32, #tpu.memory_space<hbm>>
      %dma_wait3A_28 = tpu.memref_squeeze %dma_wait3A_27 : memref<1x4x4096xf32, #tpu.memory_space<hbm>> -> memref<4x4096xf32, #tpu.memory_space<hbm>>
      %dma_wait3A_29 = arith.constant 0 : i32
      %dma_wait3A_30 = arith.constant 0 : i32
      %dma_wait3A_31 = tpu.memref_slice %arg2[%arg0, %dma_wait3A_29, %dma_wait3A_30] : memref<2x4x4096xf32, #tpu.memory_space<hbm>> -> memref<1x4x4096xf32, #tpu.memory_space<hbm>>
      %dma_wait3A_32 = tpu.memref_squeeze %dma_wait3A_31 : memref<1x4x4096xf32, #tpu.memory_space<hbm>> -> memref<4x4096xf32, #tpu.memory_space<hbm>>
      tpu.wait_dma2 semaphore(%run_scoped3A_18 : memref<!tpu.dma_semaphore, #tpu.memory_space<semaphore_mem>>) src(%dma_wait3A_32 : memref<4x4096xf32, #tpu.memory_space<hbm>>) dst(%arg7 : memref<4x4096xf32, #tpu.memory_space<vmem>>)
      tpu.yield
    }) : () -> ()
    "tpu.region"() ({
      %run_scoped3A_18 = tpu.sem_alloc : memref<!tpu.dma_semaphore, #tpu.memory_space<semaphore_mem>>
      %dma_start3A = arith.constant 0 : i32
      %dma_start3A_19 = arith.constant 0 : i32
      %dma_start3A_20 = tpu.memref_slice %arg3[%arg0, %dma_start3A, %dma_start3A_19] : memref<2x4096x16xi32, #tpu.memory_space<hbm>> -> memref<1x4096x16xi32, #tpu.memory_space<hbm>>
      %dma_start3A_21 = tpu.memref_squeeze %dma_start3A_20 : memref<1x4096x16xi32, #tpu.memory_space<hbm>> -> memref<4096x16xi32, #tpu.memory_space<hbm>>
      %dma_start3A_22 = arith.constant 0 : i32
      %dma_start3A_23 = arith.constant 0 : i32
      %dma_start3A_24 = tpu.memref_slice %arg3[%arg0, %dma_start3A_22, %dma_start3A_23] : memref<2x4096x16xi32, #tpu.memory_space<hbm>> -> memref<1x4096x16xi32, #tpu.memory_space<hbm>>
      %dma_start3A_25 = tpu.memref_squeeze %dma_start3A_24 : memref<1x4096x16xi32, #tpu.memory_space<hbm>> -> memref<4096x16xi32, #tpu.memory_space<hbm>>
      tpu.enqueue_dma source(%dma_start3A_25 : memref<4096x16xi32, #tpu.memory_space<hbm>>) target(%arg8 : memref<4096x16xi32, #tpu.memory_space<vmem>>) target_semaphore(%run_scoped3A_18 : memref<!tpu.dma_semaphore, #tpu.memory_space<semaphore_mem>>)
      %dma_wait3A = arith.constant 0 : i32
      %dma_wait3A_26 = arith.constant 0 : i32
      %dma_wait3A_27 = tpu.memref_slice %arg3[%arg0, %dma_wait3A, %dma_wait3A_26] : memref<2x4096x16xi32, #tpu.memory_space<hbm>> -> memref<1x4096x16xi32, #tpu.memory_space<hbm>>
      %dma_wait3A_28 = tpu.memref_squeeze %dma_wait3A_27 : memref<1x4096x16xi32, #tpu.memory_space<hbm>> -> memref<4096x16xi32, #tpu.memory_space<hbm>>
      %dma_wait3A_29 = arith.constant 0 : i32
      %dma_wait3A_30 = arith.constant 0 : i32
      %dma_wait3A_31 = tpu.memref_slice %arg3[%arg0, %dma_wait3A_29, %dma_wait3A_30] : memref<2x4096x16xi32, #tpu.memory_space<hbm>> -> memref<1x4096x16xi32, #tpu.memory_space<hbm>>
      %dma_wait3A_32 = tpu.memref_squeeze %dma_wait3A_31 : memref<1x4096x16xi32, #tpu.memory_space<hbm>> -> memref<4096x16xi32, #tpu.memory_space<hbm>>
      tpu.wait_dma2 semaphore(%run_scoped3A_18 : memref<!tpu.dma_semaphore, #tpu.memory_space<semaphore_mem>>) src(%dma_wait3A_32 : memref<4096x16xi32, #tpu.memory_space<hbm>>) dst(%arg8 : memref<4096x16xi32, #tpu.memory_space<vmem>>)
      tpu.yield
    }) : () -> ()
    %mul3A = arith.constant 2208 : i32
    %mul3A_3 = arith.muli %arg1, %mul3A : i32
    %run_scoped3A = arith.constant 0 : i32
    %run_scoped3A_4 = arith.constant 0 : i32
    "tpu.region"() ({
      %run_scoped3A_18 = tpu.sem_alloc : memref<!tpu.dma_semaphore, #tpu.memory_space<semaphore_mem>>
      %dma_start3A = arith.constant 0 : i32
      %dma_start3A_19 = tpu.memref_slice %arg9[%run_scoped3A_4, %dma_start3A] : memref<3x2208xf32, #tpu.memory_space<vmem>> -> memref<1x2208xf32, #tpu.memory_space<vmem>>
      %dma_start3A_20 = tpu.memref_squeeze %dma_start3A_19 : memref<1x2208xf32, #tpu.memory_space<vmem>> -> memref<2208xf32, #tpu.memory_space<vmem>>
      %dma_start3A_21 = tpu.memref_slice %arg4[%arg0, %run_scoped3A, %mul3A_3] : memref<2x3x35328xf32, #tpu.memory_space<hbm>> -> memref<1x1x2208xf32, #tpu.memory_space<hbm>>
      %dma_start3A_22 = tpu.memref_squeeze %dma_start3A_21 : memref<1x1x2208xf32, #tpu.memory_space<hbm>> -> memref<2208xf32, #tpu.memory_space<hbm>>
      %dma_start3A_23 = arith.constant 0 : i32
      %dma_start3A_24 = tpu.memref_slice %arg9[%run_scoped3A_4, %dma_start3A_23] : memref<3x2208xf32, #tpu.memory_space<vmem>> -> memref<1x2208xf32, #tpu.memory_space<vmem>>
      %dma_start3A_25 = tpu.memref_squeeze %dma_start3A_24 : memref<1x2208xf32, #tpu.memory_space<vmem>> -> memref<2208xf32, #tpu.memory_space<vmem>>
      %dma_start3A_26 = tpu.memref_slice %arg4[%arg0, %run_scoped3A, %mul3A_3] : memref<2x3x35328xf32, #tpu.memory_space<hbm>> -> memref<1x1x2208xf32, #tpu.memory_space<hbm>>
      %dma_start3A_27 = tpu.memref_squeeze %dma_start3A_26 : memref<1x1x2208xf32, #tpu.memory_space<hbm>> -> memref<2208xf32, #tpu.memory_space<hbm>>
      tpu.enqueue_dma source(%dma_start3A_27 : memref<2208xf32, #tpu.memory_space<hbm>>) target(%dma_start3A_25 : memref<2208xf32, #tpu.memory_space<vmem>>) target_semaphore(%run_scoped3A_18 : memref<!tpu.dma_semaphore, #tpu.memory_space<semaphore_mem>>)
      %dma_wait3A = arith.constant 0 : i32
      %dma_wait3A_28 = tpu.memref_slice %arg9[%run_scoped3A_4, %dma_wait3A] : memref<3x2208xf32, #tpu.memory_space<vmem>> -> memref<1x2208xf32, #tpu.memory_space<vmem>>
      %dma_wait3A_29 = tpu.memref_squeeze %dma_wait3A_28 : memref<1x2208xf32, #tpu.memory_space<vmem>> -> memref<2208xf32, #tpu.memory_space<vmem>>
      %dma_wait3A_30 = tpu.memref_slice %arg4[%arg0, %run_scoped3A, %mul3A_3] : memref<2x3x35328xf32, #tpu.memory_space<hbm>> -> memref<1x1x2208xf32, #tpu.memory_space<hbm>>
      %dma_wait3A_31 = tpu.memref_squeeze %dma_wait3A_30 : memref<1x1x2208xf32, #tpu.memory_space<hbm>> -> memref<2208xf32, #tpu.memory_space<hbm>>
      %dma_wait3A_32 = arith.constant 0 : i32
      %dma_wait3A_33 = tpu.memref_slice %arg9[%run_scoped3A_4, %dma_wait3A_32] : memref<3x2208xf32, #tpu.memory_space<vmem>> -> memref<1x2208xf32, #tpu.memory_space<vmem>>
      %dma_wait3A_34 = tpu.memref_squeeze %dma_wait3A_33 : memref<1x2208xf32, #tpu.memory_space<vmem>> -> memref<2208xf32, #tpu.memory_space<vmem>>
      %dma_wait3A_35 = tpu.memref_slice %arg4[%arg0, %run_scoped3A, %mul3A_3] : memref<2x3x35328xf32, #tpu.memory_space<hbm>> -> memref<1x1x2208xf32, #tpu.memory_space<hbm>>
      %dma_wait3A_36 = tpu.memref_squeeze %dma_wait3A_35 : memref<1x1x2208xf32, #tpu.memory_space<hbm>> -> memref<2208xf32, #tpu.memory_space<hbm>>
      tpu.wait_dma2 semaphore(%run_scoped3A_18 : memref<!tpu.dma_semaphore, #tpu.memory_space<semaphore_mem>>) src(%dma_wait3A_36 : memref<2208xf32, #tpu.memory_space<hbm>>) dst(%dma_wait3A_34 : memref<2208xf32, #tpu.memory_space<vmem>>)
      tpu.yield
    }) : () -> ()
    %mul3A_5 = arith.constant 2208 : i32
    %mul3A_6 = arith.muli %arg1, %mul3A_5 : i32
    %run_scoped3A_7 = arith.constant 1 : i32
    %run_scoped3A_8 = arith.constant 1 : i32
    "tpu.region"() ({
      %run_scoped3A_18 = tpu.sem_alloc : memref<!tpu.dma_semaphore, #tpu.memory_space<semaphore_mem>>
      %dma_start3A = arith.constant 0 : i32
      %dma_start3A_19 = tpu.memref_slice %arg9[%run_scoped3A_8, %dma_start3A] : memref<3x2208xf32, #tpu.memory_space<vmem>> -> memref<1x2208xf32, #tpu.memory_space<vmem>>
      %dma_start3A_20 = tpu.memref_squeeze %dma_start3A_19 : memref<1x2208xf32, #tpu.memory_space<vmem>> -> memref<2208xf32, #tpu.memory_space<vmem>>
      %dma_start3A_21 = tpu.memref_slice %arg4[%arg0, %run_scoped3A_7, %mul3A_6] : memref<2x3x35328xf32, #tpu.memory_space<hbm>> -> memref<1x1x2208xf32, #tpu.memory_space<hbm>>
      %dma_start3A_22 = tpu.memref_squeeze %dma_start3A_21 : memref<1x1x2208xf32, #tpu.memory_space<hbm>> -> memref<2208xf32, #tpu.memory_space<hbm>>
      %dma_start3A_23 = arith.constant 0 : i32
      %dma_start3A_24 = tpu.memref_slice %arg9[%run_scoped3A_8, %dma_start3A_23] : memref<3x2208xf32, #tpu.memory_space<vmem>> -> memref<1x2208xf32, #tpu.memory_space<vmem>>
      %dma_start3A_25 = tpu.memref_squeeze %dma_start3A_24 : memref<1x2208xf32, #tpu.memory_space<vmem>> -> memref<2208xf32, #tpu.memory_space<vmem>>
      %dma_start3A_26 = tpu.memref_slice %arg4[%arg0, %run_scoped3A_7, %mul3A_6] : memref<2x3x35328xf32, #tpu.memory_space<hbm>> -> memref<1x1x2208xf32, #tpu.memory_space<hbm>>
      %dma_start3A_27 = tpu.memref_squeeze %dma_start3A_26 : memref<1x1x2208xf32, #tpu.memory_space<hbm>> -> memref<2208xf32, #tpu.memory_space<hbm>>
      tpu.enqueue_dma source(%dma_start3A_27 : memref<2208xf32, #tpu.memory_space<hbm>>) target(%dma_start3A_25 : memref<2208xf32, #tpu.memory_space<vmem>>) target_semaphore(%run_scoped3A_18 : memref<!tpu.dma_semaphore, #tpu.memory_space<semaphore_mem>>)
      %dma_wait3A = arith.constant 0 : i32
      %dma_wait3A_28 = tpu.memref_slice %arg9[%run_scoped3A_8, %dma_wait3A] : memref<3x2208xf32, #tpu.memory_space<vmem>> -> memref<1x2208xf32, #tpu.memory_space<vmem>>
      %dma_wait3A_29 = tpu.memref_squeeze %dma_wait3A_28 : memref<1x2208xf32, #tpu.memory_space<vmem>> -> memref<2208xf32, #tpu.memory_space<vmem>>
      %dma_wait3A_30 = tpu.memref_slice %arg4[%arg0, %run_scoped3A_7, %mul3A_6] : memref<2x3x35328xf32, #tpu.memory_space<hbm>> -> memref<1x1x2208xf32, #tpu.memory_space<hbm>>
      %dma_wait3A_31 = tpu.memref_squeeze %dma_wait3A_30 : memref<1x1x2208xf32, #tpu.memory_space<hbm>> -> memref<2208xf32, #tpu.memory_space<hbm>>
      %dma_wait3A_32 = arith.constant 0 : i32
      %dma_wait3A_33 = tpu.memref_slice %arg9[%run_scoped3A_8, %dma_wait3A_32] : memref<3x2208xf32, #tpu.memory_space<vmem>> -> memref<1x2208xf32, #tpu.memory_space<vmem>>
      %dma_wait3A_34 = tpu.memref_squeeze %dma_wait3A_33 : memref<1x2208xf32, #tpu.memory_space<vmem>> -> memref<2208xf32, #tpu.memory_space<vmem>>
      %dma_wait3A_35 = tpu.memref_slice %arg4[%arg0, %run_scoped3A_7, %mul3A_6] : memref<2x3x35328xf32, #tpu.memory_space<hbm>> -> memref<1x1x2208xf32, #tpu.memory_space<hbm>>
      %dma_wait3A_36 = tpu.memref_squeeze %dma_wait3A_35 : memref<1x1x2208xf32, #tpu.memory_space<hbm>> -> memref<2208xf32, #tpu.memory_space<hbm>>
      tpu.wait_dma2 semaphore(%run_scoped3A_18 : memref<!tpu.dma_semaphore, #tpu.memory_space<semaphore_mem>>) src(%dma_wait3A_36 : memref<2208xf32, #tpu.memory_space<hbm>>) dst(%dma_wait3A_34 : memref<2208xf32, #tpu.memory_space<vmem>>)
      tpu.yield
    }) : () -> ()
    %mul3A_9 = arith.constant 2208 : i32
    %mul3A_10 = arith.muli %arg1, %mul3A_9 : i32
    %run_scoped3A_11 = arith.constant 2 : i32
    %run_scoped3A_12 = arith.constant 2 : i32
    "tpu.region"() ({
      %run_scoped3A_18 = tpu.sem_alloc : memref<!tpu.dma_semaphore, #tpu.memory_space<semaphore_mem>>
      %dma_start3A = arith.constant 0 : i32
      %dma_start3A_19 = tpu.memref_slice %arg9[%run_scoped3A_12, %dma_start3A] : memref<3x2208xf32, #tpu.memory_space<vmem>> -> memref<1x2208xf32, #tpu.memory_space<vmem>>
      %dma_start3A_20 = tpu.memref_squeeze %dma_start3A_19 : memref<1x2208xf32, #tpu.memory_space<vmem>> -> memref<2208xf32, #tpu.memory_space<vmem>>
      %dma_start3A_21 = tpu.memref_slice %arg4[%arg0, %run_scoped3A_11, %mul3A_10] : memref<2x3x35328xf32, #tpu.memory_space<hbm>> -> memref<1x1x2208xf32, #tpu.memory_space<hbm>>
      %dma_start3A_22 = tpu.memref_squeeze %dma_start3A_21 : memref<1x1x2208xf32, #tpu.memory_space<hbm>> -> memref<2208xf32, #tpu.memory_space<hbm>>
      %dma_start3A_23 = arith.constant 0 : i32
      %dma_start3A_24 = tpu.memref_slice %arg9[%run_scoped3A_12, %dma_start3A_23] : memref<3x2208xf32, #tpu.memory_space<vmem>> -> memref<1x2208xf32, #tpu.memory_space<vmem>>
      %dma_start3A_25 = tpu.memref_squeeze %dma_start3A_24 : memref<1x2208xf32, #tpu.memory_space<vmem>> -> memref<2208xf32, #tpu.memory_space<vmem>>
      %dma_start3A_26 = tpu.memref_slice %arg4[%arg0, %run_scoped3A_11, %mul3A_10] : memref<2x3x35328xf32, #tpu.memory_space<hbm>> -> memref<1x1x2208xf32, #tpu.memory_space<hbm>>
      %dma_start3A_27 = tpu.memref_squeeze %dma_start3A_26 : memref<1x1x2208xf32, #tpu.memory_space<hbm>> -> memref<2208xf32, #tpu.memory_space<hbm>>
      tpu.enqueue_dma source(%dma_start3A_27 : memref<2208xf32, #tpu.memory_space<hbm>>) target(%dma_start3A_25 : memref<2208xf32, #tpu.memory_space<vmem>>) target_semaphore(%run_scoped3A_18 : memref<!tpu.dma_semaphore, #tpu.memory_space<semaphore_mem>>)
      %dma_wait3A = arith.constant 0 : i32
      %dma_wait3A_28 = tpu.memref_slice %arg9[%run_scoped3A_12, %dma_wait3A] : memref<3x2208xf32, #tpu.memory_space<vmem>> -> memref<1x2208xf32, #tpu.memory_space<vmem>>
      %dma_wait3A_29 = tpu.memref_squeeze %dma_wait3A_28 : memref<1x2208xf32, #tpu.memory_space<vmem>> -> memref<2208xf32, #tpu.memory_space<vmem>>
      %dma_wait3A_30 = tpu.memref_slice %arg4[%arg0, %run_scoped3A_11, %mul3A_10] : memref<2x3x35328xf32, #tpu.memory_space<hbm>> -> memref<1x1x2208xf32, #tpu.memory_space<hbm>>
      %dma_wait3A_31 = tpu.memref_squeeze %dma_wait3A_30 : memref<1x1x2208xf32, #tpu.memory_space<hbm>> -> memref<2208xf32, #tpu.memory_space<hbm>>
      %dma_wait3A_32 = arith.constant 0 : i32
      %dma_wait3A_33 = tpu.memref_slice %arg9[%run_scoped3A_12, %dma_wait3A_32] : memref<3x2208xf32, #tpu.memory_space<vmem>> -> memref<1x2208xf32, #tpu.memory_space<vmem>>
      %dma_wait3A_34 = tpu.memref_squeeze %dma_wait3A_33 : memref<1x2208xf32, #tpu.memory_space<vmem>> -> memref<2208xf32, #tpu.memory_space<vmem>>
      %dma_wait3A_35 = tpu.memref_slice %arg4[%arg0, %run_scoped3A_11, %mul3A_10] : memref<2x3x35328xf32, #tpu.memory_space<hbm>> -> memref<1x1x2208xf32, #tpu.memory_space<hbm>>
      %dma_wait3A_36 = tpu.memref_squeeze %dma_wait3A_35 : memref<1x1x2208xf32, #tpu.memory_space<hbm>> -> memref<2208xf32, #tpu.memory_space<hbm>>
      tpu.wait_dma2 semaphore(%run_scoped3A_18 : memref<!tpu.dma_semaphore, #tpu.memory_space<semaphore_mem>>) src(%dma_wait3A_36 : memref<2208xf32, #tpu.memory_space<hbm>>) dst(%dma_wait3A_34 : memref<2208xf32, #tpu.memory_space<vmem>>)
      tpu.yield
    }) : () -> ()
    "tpu.region"() ({
      %run_scoped3A_18 = tpu.sem_alloc : memref<!tpu.dma_semaphore, #tpu.memory_space<semaphore_mem>>
      tpu.enqueue_dma source(%arg5 : memref<4x32xf32, #tpu.memory_space<hbm>>) target(%arg10 : memref<4x32xf32, #tpu.memory_space<vmem>>) target_semaphore(%run_scoped3A_18 : memref<!tpu.dma_semaphore, #tpu.memory_space<semaphore_mem>>)
      tpu.wait_dma2 semaphore(%run_scoped3A_18 : memref<!tpu.dma_semaphore, #tpu.memory_space<semaphore_mem>>) src(%arg5 : memref<4x32xf32, #tpu.memory_space<hbm>>) dst(%arg10 : memref<4x32xf32, #tpu.memory_space<vmem>>)
      tpu.yield
    }) : () -> ()
    %scan3A = arith.constant 0 : i32
    %scan3A_13 = arith.constant 0 : i32
    %scan3A_14 = arith.constant 138 : i32
    %scan3A_15 = arith.addi %scan3A_13, %scan3A_14 : i32
    %scan3A_16 = arith.constant 1 : i32
    scf.for %scan3A_18 = %scan3A_13 to %scan3A_15 step %scan3A_16  : i32 {
      %scan3A_19 = arith.constant 0 : i32
      %scan3A_20 = arith.constant 0 : i32
      %scan3A_21 = arith.constant 16 : i32
      %scan3A_22 = arith.addi %scan3A_20, %scan3A_21 : i32
      %scan3A_23 = arith.constant 1 : i32
      scf.for %scan3A_31 = %scan3A_20 to %scan3A_22 step %scan3A_23  : i32 {
        %mul3A_32 = arith.constant 16 : i32
        %mul3A_33 = arith.muli %scan3A_18, %mul3A_32 : i32
        %add3A_34 = arith.addi %mul3A_33, %scan3A_31 : i32
        %broadcast_in_dim3A_35 = vector.broadcast %add3A_34 : i32 to vector<16xi32>
        %gather3A = tpu.vector_load_idx %arg9[%broadcast_in_dim3A_2, %broadcast_in_dim3A_35] : memref<3x2208xf32, #tpu.memory_space<vmem>>[vector<16xi32>, vector<16xi32>], vector<16xf32>,
        %gather3A_36 = tpu.vector_load_idx %arg9[%broadcast_in_dim3A_0, %broadcast_in_dim3A_35] : memref<3x2208xf32, #tpu.memory_space<vmem>>[vector<16xi32>, vector<16xi32>], vector<16xf32>,
        %add3A_37 = arith.addi %broadcast_in_dim3A_0, %broadcast_in_dim3A_0 : vector<16xi32>
        %gather3A_38 = tpu.vector_load_idx %arg9[%add3A_37, %broadcast_in_dim3A_35] : memref<3x2208xf32, #tpu.memory_space<vmem>>[vector<16xi32>, vector<16xi32>], vector<16xf32>,
        %mul3A_39 = arith.mulf %gather3A, %gather3A : vector<16xf32>
        %mul3A_40 = arith.mulf %gather3A_36, %gather3A_36 : vector<16xf32>
        %add3A_41 = arith.addf %mul3A_39, %mul3A_40 : vector<16xf32>
        %mul3A_42 = arith.mulf %gather3A_38, %gather3A_38 : vector<16xf32>
        %add3A_43 = arith.addf %add3A_41, %mul3A_42 : vector<16xf32>
        %broadcast_in_dim3A_44 = arith.constant 0 : i32
        %broadcast_in_dim3A_45 = vector.broadcast %broadcast_in_dim3A_44 : i32 to vector<16xi32>
        %swap3A = arith.constant 0 : index
        %swap3A_46 = tpu.vector_load %arg12[%swap3A] {strides = array<i32>} : memref<128xi32, #tpu.memory_space<vmem>>, vector<16xi32>,
        tpu.vector_store %arg12[%swap3A], %broadcast_in_dim3A_45 {strides = array<i32>} : memref<128xi32, #tpu.memory_space<vmem>>, vector<16xi32>,
        %swap3A_47 = arith.constant 16 : index
        %swap3A_48 = tpu.vector_load %arg12[%swap3A_47] {strides = array<i32>} : memref<128xi32, #tpu.memory_space<vmem>>, vector<16xi32>,
        tpu.vector_store %arg12[%swap3A_47], %broadcast_in_dim3A_45 {strides = array<i32>} : memref<128xi32, #tpu.memory_space<vmem>>, vector<16xi32>,
        %swap3A_49 = arith.constant 32 : index
        %swap3A_50 = tpu.vector_load %arg12[%swap3A_49] {strides = array<i32>} : memref<128xi32, #tpu.memory_space<vmem>>, vector<16xi32>,
        tpu.vector_store %arg12[%swap3A_49], %broadcast_in_dim3A_45 {strides = array<i32>} : memref<128xi32, #tpu.memory_space<vmem>>, vector<16xi32>,
        %swap3A_51 = arith.constant 48 : index
        %swap3A_52 = tpu.vector_load %arg12[%swap3A_51] {strides = array<i32>} : memref<128xi32, #tpu.memory_space<vmem>>, vector<16xi32>,
        tpu.vector_store %arg12[%swap3A_51], %broadcast_in_dim3A_45 {strides = array<i32>} : memref<128xi32, #tpu.memory_space<vmem>>, vector<16xi32>,
        %swap3A_53 = arith.constant 64 : index
        %swap3A_54 = tpu.vector_load %arg12[%swap3A_53] {strides = array<i32>} : memref<128xi32, #tpu.memory_space<vmem>>, vector<16xi32>,
        tpu.vector_store %arg12[%swap3A_53], %broadcast_in_dim3A_45 {strides = array<i32>} : memref<128xi32, #tpu.memory_space<vmem>>, vector<16xi32>,
        %swap3A_55 = arith.constant 80 : index
        %swap3A_56 = tpu.vector_load %arg12[%swap3A_55] {strides = array<i32>} : memref<128xi32, #tpu.memory_space<vmem>>, vector<16xi32>,
        tpu.vector_store %arg12[%swap3A_55], %broadcast_in_dim3A_45 {strides = array<i32>} : memref<128xi32, #tpu.memory_space<vmem>>, vector<16xi32>,
        %swap3A_57 = arith.constant 96 : index
        %swap3A_58 = tpu.vector_load %arg12[%swap3A_57] {strides = array<i32>} : memref<128xi32, #tpu.memory_space<vmem>>, vector<16xi32>,
        tpu.vector_store %arg12[%swap3A_57], %broadcast_in_dim3A_45 {strides = array<i32>} : memref<128xi32, #tpu.memory_space<vmem>>, vector<16xi32>,
        %swap3A_59 = arith.constant 112 : index
        %swap3A_60 = tpu.vector_load %arg12[%swap3A_59] {strides = array<i32>} : memref<128xi32, #tpu.memory_space<vmem>>, vector<16xi32>,
        tpu.vector_store %arg12[%swap3A_59], %broadcast_in_dim3A_45 {strides = array<i32>} : memref<128xi32, #tpu.memory_space<vmem>>, vector<16xi32>,
        %swap3A_61 = arith.constant 0 : index
        %swap3A_62 = tpu.vector_load %arg13[%swap3A_61] {strides = array<i32>} : memref<256xi32, #tpu.memory_space<vmem>>, vector<16xi32>,
        tpu.vector_store %arg13[%swap3A_61], %broadcast_in_dim3A_45 {strides = array<i32>} : memref<256xi32, #tpu.memory_space<vmem>>, vector<16xi32>,
        %swap3A_63 = arith.constant 16 : index
        %swap3A_64 = tpu.vector_load %arg13[%swap3A_63] {strides = array<i32>} : memref<256xi32, #tpu.memory_space<vmem>>, vector<16xi32>,
        tpu.vector_store %arg13[%swap3A_63], %broadcast_in_dim3A_45 {strides = array<i32>} : memref<256xi32, #tpu.memory_space<vmem>>, vector<16xi32>,
        %swap3A_65 = arith.constant 32 : index
        %swap3A_66 = tpu.vector_load %arg13[%swap3A_65] {strides = array<i32>} : memref<256xi32, #tpu.memory_space<vmem>>, vector<16xi32>,
        tpu.vector_store %arg13[%swap3A_65], %broadcast_in_dim3A_45 {strides = array<i32>} : memref<256xi32, #tpu.memory_space<vmem>>, vector<16xi32>,
        %swap3A_67 = arith.constant 48 : index
        %swap3A_68 = tpu.vector_load %arg13[%swap3A_67] {strides = array<i32>} : memref<256xi32, #tpu.memory_space<vmem>>, vector<16xi32>,
        tpu.vector_store %arg13[%swap3A_67], %broadcast_in_dim3A_45 {strides = array<i32>} : memref<256xi32, #tpu.memory_space<vmem>>, vector<16xi32>,
        %swap3A_69 = arith.constant 64 : index
        %swap3A_70 = tpu.vector_load %arg13[%swap3A_69] {strides = array<i32>} : memref<256xi32, #tpu.memory_space<vmem>>, vector<16xi32>,
        tpu.vector_store %arg13[%swap3A_69], %broadcast_in_dim3A_45 {strides = array<i32>} : memref<256xi32, #tpu.memory_space<vmem>>, vector<16xi32>,
        %swap3A_71 = arith.constant 80 : index
        %swap3A_72 = tpu.vector_load %arg13[%swap3A_71] {strides = array<i32>} : memref<256xi32, #tpu.memory_space<vmem>>, vector<16xi32>,
        tpu.vector_store %arg13[%swap3A_71], %broadcast_in_dim3A_45 {strides = array<i32>} : memref<256xi32, #tpu.memory_space<vmem>>, vector<16xi32>,
        %swap3A_73 = arith.constant 96 : index
        %swap3A_74 = tpu.vector_load %arg13[%swap3A_73] {strides = array<i32>} : memref<256xi32, #tpu.memory_space<vmem>>, vector<16xi32>,
        tpu.vector_store %arg13[%swap3A_73], %broadcast_in_dim3A_45 {strides = array<i32>} : memref<256xi32, #tpu.memory_space<vmem>>, vector<16xi32>,
        %swap3A_75 = arith.constant 112 : index
        %swap3A_76 = tpu.vector_load %arg13[%swap3A_75] {strides = array<i32>} : memref<256xi32, #tpu.memory_space<vmem>>, vector<16xi32>,
        tpu.vector_store %arg13[%swap3A_75], %broadcast_in_dim3A_45 {strides = array<i32>} : memref<256xi32, #tpu.memory_space<vmem>>, vector<16xi32>,
        %swap3A_77 = arith.constant 128 : index
        %swap3A_78 = tpu.vector_load %arg13[%swap3A_77] {strides = array<i32>} : memref<256xi32, #tpu.memory_space<vmem>>, vector<16xi32>,
        tpu.vector_store %arg13[%swap3A_77], %broadcast_in_dim3A_45 {strides = array<i32>} : memref<256xi32, #tpu.memory_space<vmem>>, vector<16xi32>,
        %swap3A_79 = arith.constant 144 : index
        %swap3A_80 = tpu.vector_load %arg13[%swap3A_79] {strides = array<i32>} : memref<256xi32, #tpu.memory_space<vmem>>, vector<16xi32>,
        tpu.vector_store %arg13[%swap3A_79], %broadcast_in_dim3A_45 {strides = array<i32>} : memref<256xi32, #tpu.memory_space<vmem>>, vector<16xi32>,
        %swap3A_81 = arith.constant 160 : index
        %swap3A_82 = tpu.vector_load %arg13[%swap3A_81] {strides = array<i32>} : memref<256xi32, #tpu.memory_space<vmem>>, vector<16xi32>,
        tpu.vector_store %arg13[%swap3A_81], %broadcast_in_dim3A_45 {strides = array<i32>} : memref<256xi32, #tpu.memory_space<vmem>>, vector<16xi32>,
        %swap3A_83 = arith.constant 176 : index
        %swap3A_84 = tpu.vector_load %arg13[%swap3A_83] {strides = array<i32>} : memref<256xi32, #tpu.memory_space<vmem>>, vector<16xi32>,
        tpu.vector_store %arg13[%swap3A_83], %broadcast_in_dim3A_45 {strides = array<i32>} : memref<256xi32, #tpu.memory_space<vmem>>, vector<16xi32>,
        %swap3A_85 = arith.constant 192 : index
        %swap3A_86 = tpu.vector_load %arg13[%swap3A_85] {strides = array<i32>} : memref<256xi32, #tpu.memory_space<vmem>>, vector<16xi32>,
        tpu.vector_store %arg13[%swap3A_85], %broadcast_in_dim3A_45 {strides = array<i32>} : memref<256xi32, #tpu.memory_space<vmem>>, vector<16xi32>,
        %swap3A_87 = arith.constant 208 : index
        %swap3A_88 = tpu.vector_load %arg13[%swap3A_87] {strides = array<i32>} : memref<256xi32, #tpu.memory_space<vmem>>, vector<16xi32>,
        tpu.vector_store %arg13[%swap3A_87], %broadcast_in_dim3A_45 {strides = array<i32>} : memref<256xi32, #tpu.memory_space<vmem>>, vector<16xi32>,
        %swap3A_89 = arith.constant 224 : index
        %swap3A_90 = tpu.vector_load %arg13[%swap3A_89] {strides = array<i32>} : memref<256xi32, #tpu.memory_space<vmem>>, vector<16xi32>,
        tpu.vector_store %arg13[%swap3A_89], %broadcast_in_dim3A_45 {strides = array<i32>} : memref<256xi32, #tpu.memory_space<vmem>>, vector<16xi32>,
        %swap3A_91 = arith.constant 240 : index
        %swap3A_92 = tpu.vector_load %arg13[%swap3A_91] {strides = array<i32>} : memref<256xi32, #tpu.memory_space<vmem>>, vector<16xi32>,
        tpu.vector_store %arg13[%swap3A_91], %broadcast_in_dim3A_45 {strides = array<i32>} : memref<256xi32, #tpu.memory_space<vmem>>, vector<16xi32>,
        %scan3A_93 = arith.constant 0 : i32
        %scan3A_94 = arith.constant 0 : i32
        %scan3A_95 = arith.constant 256 : i32
        %scan3A_96 = arith.addi %scan3A_94, %scan3A_95 : i32
        %scan3A_97 = arith.constant 1 : i32
        scf.for %scan3A_2093 = %scan3A_94 to %scan3A_96 step %scan3A_97  : i32 {
          %mul3A_2094 = arith.constant 16 : i32
          %mul3A_2095 = arith.muli %scan3A_2093, %mul3A_2094 : i32
          %get3A_2096 = arith.constant 0 : i32
          %get3A_2097 = arith.index_cast %get3A_2096 : i32 to index
          %get3A_2098 = arith.index_cast %mul3A_2095 : i32 to index
          %get3A_2099 = tpu.vector_load %arg7[%get3A_2097, %get3A_2098] {strides = array<i32>} : memref<4x4096xf32, #tpu.memory_space<vmem>>, vector<16xf32>,
          %mul3A_2100 = arith.constant 16 : i32
          %mul3A_2101 = arith.muli %scan3A_2093, %mul3A_2100 : i32
          %get3A_2102 = arith.constant 1 : i32
          %get3A_2103 = arith.index_cast %get3A_2102 : i32 to index
          %get3A_2104 = arith.index_cast %mul3A_2101 : i32 to index
          %get3A_2105 = tpu.vector_load %arg7[%get3A_2103, %get3A_2104] {strides = array<i32>} : memref<4x4096xf32, #tpu.memory_space<vmem>>, vector<16xf32>,
          %mul3A_2106 = arith.constant 16 : i32
          %mul3A_2107 = arith.muli %scan3A_2093, %mul3A_2106 : i32
          %get3A_2108 = arith.constant 2 : i32
          %get3A_2109 = arith.index_cast %get3A_2108 : i32 to index
          %get3A_2110 = arith.index_cast %mul3A_2107 : i32 to index
          %get3A_2111 = tpu.vector_load %arg7[%get3A_2109, %get3A_2110] {strides = array<i32>} : memref<4x4096xf32, #tpu.memory_space<vmem>>, vector<16xf32>,
          %mul3A_2112 = arith.constant 16 : i32
          %mul3A_2113 = arith.muli %scan3A_2093, %mul3A_2112 : i32
          %get3A_2114 = arith.constant 3 : i32
          %get3A_2115 = arith.index_cast %get3A_2114 : i32 to index
          %get3A_2116 = arith.index_cast %mul3A_2113 : i32 to index
          %get3A_2117 = tpu.vector_load %arg7[%get3A_2115, %get3A_2116] {strides = array<i32>} : memref<4x4096xf32, #tpu.memory_space<vmem>>, vector<16xf32>,
          %mul3A_2118 = arith.mulf %gather3A, %get3A_2099 : vector<16xf32>
          %mul3A_2119 = arith.mulf %gather3A_36, %get3A_2105 : vector<16xf32>
          %add3A_2120 = arith.addf %mul3A_2118, %mul3A_2119 : vector<16xf32>
          %mul3A_2121 = arith.mulf %gather3A_38, %get3A_2111 : vector<16xf32>
          %add3A_2122 = arith.addf %add3A_2120, %mul3A_2121 : vector<16xf32>
          %add3A_2123 = arith.addf %get3A_2117, %add3A_43 : vector<16xf32>
          %add3A_2124 = arith.addf %add3A_2122, %add3A_2122 : vector<16xf32>
          %sub3A_2125 = arith.subf %add3A_2123, %add3A_2124 : vector<16xf32>
          %max3A_2126 = arith.constant 0.000000e+00 : f32
          %max3A_2127 = vector.broadcast %max3A_2126 : f32 to vector<16xf32>
          %max3A_2128 = arith.maximumf %sub3A_2125, %max3A_2127 : vector<16xf32>
          %bitcast3A_2129 = vector.bitcast %max3A_2128 : vector<16xf32> to vector<16xi32>
          %mul3A_2130 = arith.constant 16 : i32
          %mul3A_2131 = arith.muli %scan3A_2093, %mul3A_2130 : i32
          %swap3A_2132 = arith.index_cast %mul3A_2131 : i32 to index
          %swap3A_2133 = tpu.vector_load %arg11[%swap3A_2132] {strides = array<i32>} : memref<4096xi32, #tpu.memory_space<vmem>>, vector<16xi32>,
          tpu.vector_store %arg11[%swap3A_2132], %bitcast3A_2129 {strides = array<i32>} : memref<4096xi32, #tpu.memory_space<vmem>>, vector<16xi32>,
          %shift_right_arithmetic3A = arith.constant 24 : i32
          %shift_right_arithmetic3A_2134 = vector.broadcast %shift_right_arithmetic3A : i32 to vector<16xi32>
          %shift_right_arithmetic3A_2135 = arith.shrsi %bitcast3A_2129, %shift_right_arithmetic3A_2134 : vector<16xi32>
          tpu.vector_store_idx %arg12[%shift_right_arithmetic3A_2135], %broadcast_in_dim3A_0 {add = true} : memref<128xi32, #tpu.memory_space<vmem>>[vector<16xi32>], vector<16xi32>,
        }
        %scan3A_98 = arith.constant 256 : i32
        %broadcast_in_dim3A_99 = arith.constant 32 : i32
        %broadcast_in_dim3A_100 = vector.broadcast %broadcast_in_dim3A_99 : i32 to vector<16xi32>
        %broadcast_in_dim3A_101 = arith.constant 0 : i32
        %broadcast_in_dim3A_102 = vector.broadcast %broadcast_in_dim3A_101 : i32 to vector<16xi32>
        %broadcast_in_dim3A_103 = arith.constant 0 : i32
        %broadcast_in_dim3A_104 = vector.broadcast %broadcast_in_dim3A_103 : i32 to vector<16xi32>
        %broadcast_in_dim3A_105 = arith.constant 0 : i32
        %broadcast_in_dim3A_106 = vector.broadcast %broadcast_in_dim3A_105 : i32 to vector<16xi32>
        %broadcast_in_dim3A_107 = arith.constant 0 : i32
        %broadcast_in_dim3A_108 = vector.broadcast %broadcast_in_dim3A_107 : i32 to vector<16xi32>
        %iota3A_109 = tpu.iota {dimensions = array<i32: 0>} : vector<16xi32>
        %get3A = arith.constant 0 : index
        %get3A_110 = tpu.vector_load %arg12[%get3A] {strides = array<i32>} : memref<128xi32, #tpu.memory_space<vmem>>, vector<16xi32>,
        %broadcast_in_dim3A_111 = arith.constant true
        %broadcast_in_dim3A_112 = vector.broadcast %broadcast_in_dim3A_111 : i1 to vector<16xi1>
        %masked_cumsum3A = tpu.scan <sum>, %get3A_110 masked %broadcast_in_dim3A_112 : vector<16xi32>, vector<16xi1> -> vector<16xi32>
        %add3A_113 = arith.addi %masked_cumsum3A, %broadcast_in_dim3A_102 : vector<16xi32>
        %sub3A = arith.subi %add3A_113, %get3A_110 : vector<16xi32>
        %ge3A = arith.cmpi sge, %add3A_113, %broadcast_in_dim3A_100 : vector<16xi32>
        %eq3A = arith.constant 0 : i32
        %eq3A_114 = vector.broadcast %eq3A : i32 to vector<16xi32>
        %eq3A_115 = arith.cmpi eq, %broadcast_in_dim3A_104, %eq3A_114 : vector<16xi32>
        %and3A = arith.andi %ge3A, %eq3A_115 : vector<16xi1>
        %all_reduce_ffs3A = tpu.all_reduce %and3A {dim = 0 : i64, kind = #tpu.reduction_kind<find_first_set>} : vector<16xi1> -> vector<16xi32>
        %lt3A = arith.constant 16 : i32
        %lt3A_116 = vector.broadcast %lt3A : i32 to vector<16xi32>
        %lt3A_117 = arith.cmpi slt, %all_reduce_ffs3A, %lt3A_116 : vector<16xi32>
        %eq3A_118 = arith.constant 0 : i32
        %eq3A_119 = vector.broadcast %eq3A_118 : i32 to vector<16xi32>
        %eq3A_120 = arith.cmpi eq, %broadcast_in_dim3A_104, %eq3A_119 : vector<16xi32>
        %and3A_121 = arith.andi %lt3A_117, %eq3A_120 : vector<16xi1>
        %swap3A_122 = arith.constant 0 : index
        %swap3A_123 = tpu.vector_load %arg16[%swap3A_122] {strides = array<i32>} : memref<16xi32, #tpu.memory_space<vmem>>, vector<16xi32>,
        tpu.vector_store %arg16[%swap3A_122], %sub3A {strides = array<i32>} : memref<16xi32, #tpu.memory_space<vmem>>, vector<16xi32>,
        %min3A = arith.constant 15 : i32
        %min3A_124 = vector.broadcast %min3A : i32 to vector<16xi32>
        %min3A_125 = arith.minsi %all_reduce_ffs3A, %min3A_124 : vector<16xi32>
        %gather3A_126 = tpu.vector_load_idx %arg16[%min3A_125] : memref<16xi32, #tpu.memory_space<vmem>>[vector<16xi32>], vector<16xi32>,
        %add3A_127 = arith.constant 0 : i32
        %add3A_128 = vector.broadcast %add3A_127 : i32 to vector<16xi32>
        %add3A_129 = arith.addi %add3A_128, %all_reduce_ffs3A : vector<16xi32>
        %select_n3A = arith.select %and3A_121, %add3A_129, %broadcast_in_dim3A_106 : vector<16xi1>, vector<16xi32>
        %select_n3A_130 = arith.select %and3A_121, %gather3A_126, %broadcast_in_dim3A_108 : vector<16xi1>, vector<16xi32>
        %jit3A = arith.constant 1 : i32
        %broadcast_in_dim3A_131 = vector.broadcast %jit3A : i32 to vector<16xi32>
        %select_n3A_132 = arith.select %and3A_121, %broadcast_in_dim3A_131, %broadcast_in_dim3A_104 : vector<16xi1>, vector<16xi32>
        %swap3A_133 = arith.constant 0 : index
        %swap3A_134 = tpu.vector_load %arg16[%swap3A_133] {strides = array<i32>} : memref<16xi32, #tpu.memory_space<vmem>>, vector<16xi32>,
        tpu.vector_store %arg16[%swap3A_133], %add3A_113 {strides = array<i32>} : memref<16xi32, #tpu.memory_space<vmem>>, vector<16xi32>,
        %broadcast_in_dim3A_135 = arith.constant 15 : i32
        %broadcast_in_dim3A_136 = vector.broadcast %broadcast_in_dim3A_135 : i32 to vector<16xi32>
        %gather3A_137 = tpu.vector_load_idx %arg16[%broadcast_in_dim3A_136] : memref<16xi32, #tpu.memory_space<vmem>>[vector<16xi32>], vector<16xi32>,
        %get3A_138 = arith.constant 16 : index
        %get3A_139 = tpu.vector_load %arg12[%get3A_138] {strides = array<i32>} : memref<128xi32, #tpu.memory_space<vmem>>, vector<16xi32>,
        %broadcast_in_dim3A_140 = arith.constant true
        %broadcast_in_dim3A_141 = vector.broadcast %broadcast_in_dim3A_140 : i1 to vector<16xi1>
        %masked_cumsum3A_142 = tpu.scan <sum>, %get3A_139 masked %broadcast_in_dim3A_141 : vector<16xi32>, vector<16xi1> -> vector<16xi32>
        %add3A_143 = arith.addi %masked_cumsum3A_142, %gather3A_137 : vector<16xi32>
        %sub3A_144 = arith.subi %add3A_143, %get3A_139 : vector<16xi32>
        %ge3A_145 = arith.cmpi sge, %add3A_143, %broadcast_in_dim3A_100 : vector<16xi32>
        %eq3A_146 = arith.constant 0 : i32
        %eq3A_147 = vector.broadcast %eq3A_146 : i32 to vector<16xi32>
        %eq3A_148 = arith.cmpi eq, %select_n3A_132, %eq3A_147 : vector<16xi32>
        %and3A_149 = arith.andi %ge3A_145, %eq3A_148 : vector<16xi1>
        %all_reduce_ffs3A_150 = tpu.all_reduce %and3A_149 {dim = 0 : i64, kind = #tpu.reduction_kind<find_first_set>} : vector<16xi1> -> vector<16xi32>
        %lt3A_151 = arith.constant 16 : i32
        %lt3A_152 = vector.broadcast %lt3A_151 : i32 to vector<16xi32>
        %lt3A_153 = arith.cmpi slt, %all_reduce_ffs3A_150, %lt3A_152 : vector<16xi32>
        %eq3A_154 = arith.constant 0 : i32
        %eq3A_155 = vector.broadcast %eq3A_154 : i32 to vector<16xi32>
        %eq3A_156 = arith.cmpi eq, %select_n3A_132, %eq3A_155 : vector<16xi32>
        %and3A_157 = arith.andi %lt3A_153, %eq3A_156 : vector<16xi1>
        %swap3A_158 = arith.constant 0 : index
        %swap3A_159 = tpu.vector_load %arg16[%swap3A_158] {strides = array<i32>} : memref<16xi32, #tpu.memory_space<vmem>>, vector<16xi32>,
        tpu.vector_store %arg16[%swap3A_158], %sub3A_144 {strides = array<i32>} : memref<16xi32, #tpu.memory_space<vmem>>, vector<16xi32>,
        %min3A_160 = arith.constant 15 : i32
        %min3A_161 = vector.broadcast %min3A_160 : i32 to vector<16xi32>
        %min3A_162 = arith.minsi %all_reduce_ffs3A_150, %min3A_161 : vector<16xi32>
        %gather3A_163 = tpu.vector_load_idx %arg16[%min3A_162] : memref<16xi32, #tpu.memory_space<vmem>>[vector<16xi32>], vector<16xi32>,
        %add3A_164 = arith.constant 16 : i32
        %add3A_165 = vector.broadcast %add3A_164 : i32 to vector<16xi32>
        %add3A_166 = arith.addi %add3A_165, %all_reduce_ffs3A_150 : vector<16xi32>
        %select_n3A_167 = arith.select %and3A_157, %add3A_166, %select_n3A : vector<16xi1>, vector<16xi32>
        %select_n3A_168 = arith.select %and3A_157, %gather3A_163, %select_n3A_130 : vector<16xi1>, vector<16xi32>
        %jit3A_169 = arith.constant 1 : i32
        %broadcast_in_dim3A_170 = vector.broadcast %jit3A_169 : i32 to vector<16xi32>
        %select_n3A_171 = arith.select %and3A_157, %broadcast_in_dim3A_170, %select_n3A_132 : vector<16xi1>, vector<16xi32>
        %swap3A_172 = arith.constant 0 : index
        %swap3A_173 = tpu.vector_load %arg16[%swap3A_172] {strides = array<i32>} : memref<16xi32, #tpu.memory_space<vmem>>, vector<16xi32>,
        tpu.vector_store %arg16[%swap3A_172], %add3A_143 {strides = array<i32>} : memref<16xi32, #tpu.memory_space<vmem>>, vector<16xi32>,
        %broadcast_in_dim3A_174 = arith.constant 15 : i32
        %broadcast_in_dim3A_175 = vector.broadcast %broadcast_in_dim3A_174 : i32 to vector<16xi32>
        %gather3A_176 = tpu.vector_load_idx %arg16[%broadcast_in_dim3A_175] : memref<16xi32, #tpu.memory_space<vmem>>[vector<16xi32>], vector<16xi32>,
        %get3A_177 = arith.constant 32 : index
        %get3A_178 = tpu.vector_load %arg12[%get3A_177] {strides = array<i32>} : memref<128xi32, #tpu.memory_space<vmem>>, vector<16xi32>,
        %broadcast_in_dim3A_179 = arith.constant true
        %broadcast_in_dim3A_180 = vector.broadcast %broadcast_in_dim3A_179 : i1 to vector<16xi1>
        %masked_cumsum3A_181 = tpu.scan <sum>, %get3A_178 masked %broadcast_in_dim3A_180 : vector<16xi32>, vector<16xi1> -> vector<16xi32>
        %add3A_182 = arith.addi %masked_cumsum3A_181, %gather3A_176 : vector<16xi32>
        %sub3A_183 = arith.subi %add3A_182, %get3A_178 : vector<16xi32>
        %ge3A_184 = arith.cmpi sge, %add3A_182, %broadcast_in_dim3A_100 : vector<16xi32>
        %eq3A_185 = arith.constant 0 : i32
        %eq3A_186 = vector.broadcast %eq3A_185 : i32 to vector<16xi32>
        %eq3A_187 = arith.cmpi eq, %select_n3A_171, %eq3A_186 : vector<16xi32>
        %and3A_188 = arith.andi %ge3A_184, %eq3A_187 : vector<16xi1>
        %all_reduce_ffs3A_189 = tpu.all_reduce %and3A_188 {dim = 0 : i64, kind = #tpu.reduction_kind<find_first_set>} : vector<16xi1> -> vector<16xi32>
        %lt3A_190 = arith.constant 16 : i32
        %lt3A_191 = vector.broadcast %lt3A_190 : i32 to vector<16xi32>
        %lt3A_192 = arith.cmpi slt, %all_reduce_ffs3A_189, %lt3A_191 : vector<16xi32>
        %eq3A_193 = arith.constant 0 : i32
        %eq3A_194 = vector.broadcast %eq3A_193 : i32 to vector<16xi32>
        %eq3A_195 = arith.cmpi eq, %select_n3A_171, %eq3A_194 : vector<16xi32>
        %and3A_196 = arith.andi %lt3A_192, %eq3A_195 : vector<16xi1>
        %swap3A_197 = arith.constant 0 : index
        %swap3A_198 = tpu.vector_load %arg16[%swap3A_197] {strides = array<i32>} : memref<16xi32, #tpu.memory_space<vmem>>, vector<16xi32>,
        tpu.vector_store %arg16[%swap3A_197], %sub3A_183 {strides = array<i32>} : memref<16xi32, #tpu.memory_space<vmem>>, vector<16xi32>,
        %min3A_199 = arith.constant 15 : i32
        %min3A_200 = vector.broadcast %min3A_199 : i32 to vector<16xi32>
        %min3A_201 = arith.minsi %all_reduce_ffs3A_189, %min3A_200 : vector<16xi32>
        %gather3A_202 = tpu.vector_load_idx %arg16[%min3A_201] : memref<16xi32, #tpu.memory_space<vmem>>[vector<16xi32>], vector<16xi32>,
        %add3A_203 = arith.constant 32 : i32
        %add3A_204 = vector.broadcast %add3A_203 : i32 to vector<16xi32>
        %add3A_205 = arith.addi %add3A_204, %all_reduce_ffs3A_189 : vector<16xi32>
        %select_n3A_206 = arith.select %and3A_196, %add3A_205, %select_n3A_167 : vector<16xi1>, vector<16xi32>
        %select_n3A_207 = arith.select %and3A_196, %gather3A_202, %select_n3A_168 : vector<16xi1>, vector<16xi32>
        %jit3A_208 = arith.constant 1 : i32
        %broadcast_in_dim3A_209 = vector.broadcast %jit3A_208 : i32 to vector<16xi32>
        %select_n3A_210 = arith.select %and3A_196, %broadcast_in_dim3A_209, %select_n3A_171 : vector<16xi1>, vector<16xi32>
        %swap3A_211 = arith.constant 0 : index
        %swap3A_212 = tpu.vector_load %arg16[%swap3A_211] {strides = array<i32>} : memref<16xi32, #tpu.memory_space<vmem>>, vector<16xi32>,
        tpu.vector_store %arg16[%swap3A_211], %add3A_182 {strides = array<i32>} : memref<16xi32, #tpu.memory_space<vmem>>, vector<16xi32>,
        %broadcast_in_dim3A_213 = arith.constant 15 : i32
        %broadcast_in_dim3A_214 = vector.broadcast %broadcast_in_dim3A_213 : i32 to vector<16xi32>
        %gather3A_215 = tpu.vector_load_idx %arg16[%broadcast_in_dim3A_214] : memref<16xi32, #tpu.memory_space<vmem>>[vector<16xi32>], vector<16xi32>,
        %get3A_216 = arith.constant 48 : index
        %get3A_217 = tpu.vector_load %arg12[%get3A_216] {strides = array<i32>} : memref<128xi32, #tpu.memory_space<vmem>>, vector<16xi32>,
        %broadcast_in_dim3A_218 = arith.constant true
        %broadcast_in_dim3A_219 = vector.broadcast %broadcast_in_dim3A_218 : i1 to vector<16xi1>
        %masked_cumsum3A_220 = tpu.scan <sum>, %get3A_217 masked %broadcast_in_dim3A_219 : vector<16xi32>, vector<16xi1> -> vector<16xi32>
        %add3A_221 = arith.addi %masked_cumsum3A_220, %gather3A_215 : vector<16xi32>
        %sub3A_222 = arith.subi %add3A_221, %get3A_217 : vector<16xi32>
        %ge3A_223 = arith.cmpi sge, %add3A_221, %broadcast_in_dim3A_100 : vector<16xi32>
        %eq3A_224 = arith.constant 0 : i32
        %eq3A_225 = vector.broadcast %eq3A_224 : i32 to vector<16xi32>
        %eq3A_226 = arith.cmpi eq, %select_n3A_210, %eq3A_225 : vector<16xi32>
        %and3A_227 = arith.andi %ge3A_223, %eq3A_226 : vector<16xi1>
        %all_reduce_ffs3A_228 = tpu.all_reduce %and3A_227 {dim = 0 : i64, kind = #tpu.reduction_kind<find_first_set>} : vector<16xi1> -> vector<16xi32>
        %lt3A_229 = arith.constant 16 : i32
        %lt3A_230 = vector.broadcast %lt3A_229 : i32 to vector<16xi32>
        %lt3A_231 = arith.cmpi slt, %all_reduce_ffs3A_228, %lt3A_230 : vector<16xi32>
        %eq3A_232 = arith.constant 0 : i32
        %eq3A_233 = vector.broadcast %eq3A_232 : i32 to vector<16xi32>
        %eq3A_234 = arith.cmpi eq, %select_n3A_210, %eq3A_233 : vector<16xi32>
        %and3A_235 = arith.andi %lt3A_231, %eq3A_234 : vector<16xi1>
        %swap3A_236 = arith.constant 0 : index
        %swap3A_237 = tpu.vector_load %arg16[%swap3A_236] {strides = array<i32>} : memref<16xi32, #tpu.memory_space<vmem>>, vector<16xi32>,
        tpu.vector_store %arg16[%swap3A_236], %sub3A_222 {strides = array<i32>} : memref<16xi32, #tpu.memory_space<vmem>>, vector<16xi32>,
        %min3A_238 = arith.constant 15 : i32
        %min3A_239 = vector.broadcast %min3A_238 : i32 to vector<16xi32>
        %min3A_240 = arith.minsi %all_reduce_ffs3A_228, %min3A_239 : vector<16xi32>
        %gather3A_241 = tpu.vector_load_idx %arg16[%min3A_240] : memref<16xi32, #tpu.memory_space<vmem>>[vector<16xi32>], vector<16xi32>,
        %add3A_242 = arith.constant 48 : i32
        %add3A_243 = vector.broadcast %add3A_242 : i32 to vector<16xi32>
        %add3A_244 = arith.addi %add3A_243, %all_reduce_ffs3A_228 : vector<16xi32>
        %select_n3A_245 = arith.select %and3A_235, %add3A_244, %select_n3A_206 : vector<16xi1>, vector<16xi32>
        %select_n3A_246 = arith.select %and3A_235, %gather3A_241, %select_n3A_207 : vector<16xi1>, vector<16xi32>
        %jit3A_247 = arith.constant 1 : i32
        %broadcast_in_dim3A_248 = vector.broadcast %jit3A_247 : i32 to vector<16xi32>
        %select_n3A_249 = arith.select %and3A_235, %broadcast_in_dim3A_248, %select_n3A_210 : vector<16xi1>, vector<16xi32>
        %swap3A_250 = arith.constant 0 : index
        %swap3A_251 = tpu.vector_load %arg16[%swap3A_250] {strides = array<i32>} : memref<16xi32, #tpu.memory_space<vmem>>, vector<16xi32>,
        tpu.vector_store %arg16[%swap3A_250], %add3A_221 {strides = array<i32>} : memref<16xi32, #tpu.memory_space<vmem>>, vector<16xi32>,
        %broadcast_in_dim3A_252 = arith.constant 15 : i32
        %broadcast_in_dim3A_253 = vector.broadcast %broadcast_in_dim3A_252 : i32 to vector<16xi32>
        %gather3A_254 = tpu.vector_load_idx %arg16[%broadcast_in_dim3A_253] : memref<16xi32, #tpu.memory_space<vmem>>[vector<16xi32>], vector<16xi32>,
        %get3A_255 = arith.constant 64 : index
        %get3A_256 = tpu.vector_load %arg12[%get3A_255] {strides = array<i32>} : memref<128xi32, #tpu.memory_space<vmem>>, vector<16xi32>,
        %broadcast_in_dim3A_257 = arith.constant true
        %broadcast_in_dim3A_258 = vector.broadcast %broadcast_in_dim3A_257 : i1 to vector<16xi1>
        %masked_cumsum3A_259 = tpu.scan <sum>, %get3A_256 masked %broadcast_in_dim3A_258 : vector<16xi32>, vector<16xi1> -> vector<16xi32>
        %add3A_260 = arith.addi %masked_cumsum3A_259, %gather3A_254 : vector<16xi32>
        %sub3A_261 = arith.subi %add3A_260, %get3A_256 : vector<16xi32>
        %ge3A_262 = arith.cmpi sge, %add3A_260, %broadcast_in_dim3A_100 : vector<16xi32>
        %eq3A_263 = arith.constant 0 : i32
        %eq3A_264 = vector.broadcast %eq3A_263 : i32 to vector<16xi32>
        %eq3A_265 = arith.cmpi eq, %select_n3A_249, %eq3A_264 : vector<16xi32>
        %and3A_266 = arith.andi %ge3A_262, %eq3A_265 : vector<16xi1>
        %all_reduce_ffs3A_267 = tpu.all_reduce %and3A_266 {dim = 0 : i64, kind = #tpu.reduction_kind<find_first_set>} : vector<16xi1> -> vector<16xi32>
        %lt3A_268 = arith.constant 16 : i32
        %lt3A_269 = vector.broadcast %lt3A_268 : i32 to vector<16xi32>
        %lt3A_270 = arith.cmpi slt, %all_reduce_ffs3A_267, %lt3A_269 : vector<16xi32>
        %eq3A_271 = arith.constant 0 : i32
        %eq3A_272 = vector.broadcast %eq3A_271 : i32 to vector<16xi32>
        %eq3A_273 = arith.cmpi eq, %select_n3A_249, %eq3A_272 : vector<16xi32>
        %and3A_274 = arith.andi %lt3A_270, %eq3A_273 : vector<16xi1>
        %swap3A_275 = arith.constant 0 : index
        %swap3A_276 = tpu.vector_load %arg16[%swap3A_275] {strides = array<i32>} : memref<16xi32, #tpu.memory_space<vmem>>, vector<16xi32>,
        tpu.vector_store %arg16[%swap3A_275], %sub3A_261 {strides = array<i32>} : memref<16xi32, #tpu.memory_space<vmem>>, vector<16xi32>,
        %min3A_277 = arith.constant 15 : i32
        %min3A_278 = vector.broadcast %min3A_277 : i32 to vector<16xi32>
        %min3A_279 = arith.minsi %all_reduce_ffs3A_267, %min3A_278 : vector<16xi32>
        %gather3A_280 = tpu.vector_load_idx %arg16[%min3A_279] : memref<16xi32, #tpu.memory_space<vmem>>[vector<16xi32>], vector<16xi32>,
        %add3A_281 = arith.constant 64 : i32
        %add3A_282 = vector.broadcast %add3A_281 : i32 to vector<16xi32>
        %add3A_283 = arith.addi %add3A_282, %all_reduce_ffs3A_267 : vector<16xi32>
        %select_n3A_284 = arith.select %and3A_274, %add3A_283, %select_n3A_245 : vector<16xi1>, vector<16xi32>
        %select_n3A_285 = arith.select %and3A_274, %gather3A_280, %select_n3A_246 : vector<16xi1>, vector<16xi32>
        %jit3A_286 = arith.constant 1 : i32
        %broadcast_in_dim3A_287 = vector.broadcast %jit3A_286 : i32 to vector<16xi32>
        %select_n3A_288 = arith.select %and3A_274, %broadcast_in_dim3A_287, %select_n3A_249 : vector<16xi1>, vector<16xi32>
        %swap3A_289 = arith.constant 0 : index
        %swap3A_290 = tpu.vector_load %arg16[%swap3A_289] {strides = array<i32>} : memref<16xi32, #tpu.memory_space<vmem>>, vector<16xi32>,
        tpu.vector_store %arg16[%swap3A_289], %add3A_260 {strides = array<i32>} : memref<16xi32, #tpu.memory_space<vmem>>, vector<16xi32>,
        %broadcast_in_dim3A_291 = arith.constant 15 : i32
        %broadcast_in_dim3A_292 = vector.broadcast %broadcast_in_dim3A_291 : i32 to vector<16xi32>
        %gather3A_293 = tpu.vector_load_idx %arg16[%broadcast_in_dim3A_292] : memref<16xi32, #tpu.memory_space<vmem>>[vector<16xi32>], vector<16xi32>,
        %get3A_294 = arith.constant 80 : index
        %get3A_295 = tpu.vector_load %arg12[%get3A_294] {strides = array<i32>} : memref<128xi32, #tpu.memory_space<vmem>>, vector<16xi32>,
        %broadcast_in_dim3A_296 = arith.constant true
        %broadcast_in_dim3A_297 = vector.broadcast %broadcast_in_dim3A_296 : i1 to vector<16xi1>
        %masked_cumsum3A_298 = tpu.scan <sum>, %get3A_295 masked %broadcast_in_dim3A_297 : vector<16xi32>, vector<16xi1> -> vector<16xi32>
        %add3A_299 = arith.addi %masked_cumsum3A_298, %gather3A_293 : vector<16xi32>
        %sub3A_300 = arith.subi %add3A_299, %get3A_295 : vector<16xi32>
        %ge3A_301 = arith.cmpi sge, %add3A_299, %broadcast_in_dim3A_100 : vector<16xi32>
        %eq3A_302 = arith.constant 0 : i32
        %eq3A_303 = vector.broadcast %eq3A_302 : i32 to vector<16xi32>
        %eq3A_304 = arith.cmpi eq, %select_n3A_288, %eq3A_303 : vector<16xi32>
        %and3A_305 = arith.andi %ge3A_301, %eq3A_304 : vector<16xi1>
        %all_reduce_ffs3A_306 = tpu.all_reduce %and3A_305 {dim = 0 : i64, kind = #tpu.reduction_kind<find_first_set>} : vector<16xi1> -> vector<16xi32>
        %lt3A_307 = arith.constant 16 : i32
        %lt3A_308 = vector.broadcast %lt3A_307 : i32 to vector<16xi32>
        %lt3A_309 = arith.cmpi slt, %all_reduce_ffs3A_306, %lt3A_308 : vector<16xi32>
        %eq3A_310 = arith.constant 0 : i32
        %eq3A_311 = vector.broadcast %eq3A_310 : i32 to vector<16xi32>
        %eq3A_312 = arith.cmpi eq, %select_n3A_288, %eq3A_311 : vector<16xi32>
        %and3A_313 = arith.andi %lt3A_309, %eq3A_312 : vector<16xi1>
        %swap3A_314 = arith.constant 0 : index
        %swap3A_315 = tpu.vector_load %arg16[%swap3A_314] {strides = array<i32>} : memref<16xi32, #tpu.memory_space<vmem>>, vector<16xi32>,
        tpu.vector_store %arg16[%swap3A_314], %sub3A_300 {strides = array<i32>} : memref<16xi32, #tpu.memory_space<vmem>>, vector<16xi32>,
        %min3A_316 = arith.constant 15 : i32
        %min3A_317 = vector.broadcast %min3A_316 : i32 to vector<16xi32>
        %min3A_318 = arith.minsi %all_reduce_ffs3A_306, %min3A_317 : vector<16xi32>
        %gather3A_319 = tpu.vector_load_idx %arg16[%min3A_318] : memref<16xi32, #tpu.memory_space<vmem>>[vector<16xi32>], vector<16xi32>,
        %add3A_320 = arith.constant 80 : i32
        %add3A_321 = vector.broadcast %add3A_320 : i32 to vector<16xi32>
        %add3A_322 = arith.addi %add3A_321, %all_reduce_ffs3A_306 : vector<16xi32>
        %select_n3A_323 = arith.select %and3A_313, %add3A_322, %select_n3A_284 : vector<16xi1>, vector<16xi32>
        %select_n3A_324 = arith.select %and3A_313, %gather3A_319, %select_n3A_285 : vector<16xi1>, vector<16xi32>
        %jit3A_325 = arith.constant 1 : i32
        %broadcast_in_dim3A_326 = vector.broadcast %jit3A_325 : i32 to vector<16xi32>
        %select_n3A_327 = arith.select %and3A_313, %broadcast_in_dim3A_326, %select_n3A_288 : vector<16xi1>, vector<16xi32>
        %swap3A_328 = arith.constant 0 : index
        %swap3A_329 = tpu.vector_load %arg16[%swap3A_328] {strides = array<i32>} : memref<16xi32, #tpu.memory_space<vmem>>, vector<16xi32>,
        tpu.vector_store %arg16[%swap3A_328], %add3A_299 {strides = array<i32>} : memref<16xi32, #tpu.memory_space<vmem>>, vector<16xi32>,
        %broadcast_in_dim3A_330 = arith.constant 15 : i32
        %broadcast_in_dim3A_331 = vector.broadcast %broadcast_in_dim3A_330 : i32 to vector<16xi32>
        %gather3A_332 = tpu.vector_load_idx %arg16[%broadcast_in_dim3A_331] : memref<16xi32, #tpu.memory_space<vmem>>[vector<16xi32>], vector<16xi32>,
        %get3A_333 = arith.constant 96 : index
        %get3A_334 = tpu.vector_load %arg12[%get3A_333] {strides = array<i32>} : memref<128xi32, #tpu.memory_space<vmem>>, vector<16xi32>,
        %broadcast_in_dim3A_335 = arith.constant true
        %broadcast_in_dim3A_336 = vector.broadcast %broadcast_in_dim3A_335 : i1 to vector<16xi1>
        %masked_cumsum3A_337 = tpu.scan <sum>, %get3A_334 masked %broadcast_in_dim3A_336 : vector<16xi32>, vector<16xi1> -> vector<16xi32>
        %add3A_338 = arith.addi %masked_cumsum3A_337, %gather3A_332 : vector<16xi32>
        %sub3A_339 = arith.subi %add3A_338, %get3A_334 : vector<16xi32>
        %ge3A_340 = arith.cmpi sge, %add3A_338, %broadcast_in_dim3A_100 : vector<16xi32>
        %eq3A_341 = arith.constant 0 : i32
        %eq3A_342 = vector.broadcast %eq3A_341 : i32 to vector<16xi32>
        %eq3A_343 = arith.cmpi eq, %select_n3A_327, %eq3A_342 : vector<16xi32>
        %and3A_344 = arith.andi %ge3A_340, %eq3A_343 : vector<16xi1>
        %all_reduce_ffs3A_345 = tpu.all_reduce %and3A_344 {dim = 0 : i64, kind = #tpu.reduction_kind<find_first_set>} : vector<16xi1> -> vector<16xi32>
        %lt3A_346 = arith.constant 16 : i32
        %lt3A_347 = vector.broadcast %lt3A_346 : i32 to vector<16xi32>
        %lt3A_348 = arith.cmpi slt, %all_reduce_ffs3A_345, %lt3A_347 : vector<16xi32>
        %eq3A_349 = arith.constant 0 : i32
        %eq3A_350 = vector.broadcast %eq3A_349 : i32 to vector<16xi32>
        %eq3A_351 = arith.cmpi eq, %select_n3A_327, %eq3A_350 : vector<16xi32>
        %and3A_352 = arith.andi %lt3A_348, %eq3A_351 : vector<16xi1>
        %swap3A_353 = arith.constant 0 : index
        %swap3A_354 = tpu.vector_load %arg16[%swap3A_353] {strides = array<i32>} : memref<16xi32, #tpu.memory_space<vmem>>, vector<16xi32>,
        tpu.vector_store %arg16[%swap3A_353], %sub3A_339 {strides = array<i32>} : memref<16xi32, #tpu.memory_space<vmem>>, vector<16xi32>,
        %min3A_355 = arith.constant 15 : i32
        %min3A_356 = vector.broadcast %min3A_355 : i32 to vector<16xi32>
        %min3A_357 = arith.minsi %all_reduce_ffs3A_345, %min3A_356 : vector<16xi32>
        %gather3A_358 = tpu.vector_load_idx %arg16[%min3A_357] : memref<16xi32, #tpu.memory_space<vmem>>[vector<16xi32>], vector<16xi32>,
        %add3A_359 = arith.constant 96 : i32
        %add3A_360 = vector.broadcast %add3A_359 : i32 to vector<16xi32>
        %add3A_361 = arith.addi %add3A_360, %all_reduce_ffs3A_345 : vector<16xi32>
        %select_n3A_362 = arith.select %and3A_352, %add3A_361, %select_n3A_323 : vector<16xi1>, vector<16xi32>
        %select_n3A_363 = arith.select %and3A_352, %gather3A_358, %select_n3A_324 : vector<16xi1>, vector<16xi32>
        %jit3A_364 = arith.constant 1 : i32
        %broadcast_in_dim3A_365 = vector.broadcast %jit3A_364 : i32 to vector<16xi32>
        %select_n3A_366 = arith.select %and3A_352, %broadcast_in_dim3A_365, %select_n3A_327 : vector<16xi1>, vector<16xi32>
        %swap3A_367 = arith.constant 0 : index
        %swap3A_368 = tpu.vector_load %arg16[%swap3A_367] {strides = array<i32>} : memref<16xi32, #tpu.memory_space<vmem>>, vector<16xi32>,
        tpu.vector_store %arg16[%swap3A_367], %add3A_338 {strides = array<i32>} : memref<16xi32, #tpu.memory_space<vmem>>, vector<16xi32>,
        %broadcast_in_dim3A_369 = arith.constant 15 : i32
        %broadcast_in_dim3A_370 = vector.broadcast %broadcast_in_dim3A_369 : i32 to vector<16xi32>
        %gather3A_371 = tpu.vector_load_idx %arg16[%broadcast_in_dim3A_370] : memref<16xi32, #tpu.memory_space<vmem>>[vector<16xi32>], vector<16xi32>,
        %get3A_372 = arith.constant 112 : index
        %get3A_373 = tpu.vector_load %arg12[%get3A_372] {strides = array<i32>} : memref<128xi32, #tpu.memory_space<vmem>>, vector<16xi32>,
        %broadcast_in_dim3A_374 = arith.constant true
        %broadcast_in_dim3A_375 = vector.broadcast %broadcast_in_dim3A_374 : i1 to vector<16xi1>
        %masked_cumsum3A_376 = tpu.scan <sum>, %get3A_373 masked %broadcast_in_dim3A_375 : vector<16xi32>, vector<16xi1> -> vector<16xi32>
        %add3A_377 = arith.addi %masked_cumsum3A_376, %gather3A_371 : vector<16xi32>
        %sub3A_378 = arith.subi %add3A_377, %get3A_373 : vector<16xi32>
        %ge3A_379 = arith.cmpi sge, %add3A_377, %broadcast_in_dim3A_100 : vector<16xi32>
        %eq3A_380 = arith.constant 0 : i32
        %eq3A_381 = vector.broadcast %eq3A_380 : i32 to vector<16xi32>
        %eq3A_382 = arith.cmpi eq, %select_n3A_366, %eq3A_381 : vector<16xi32>
        %and3A_383 = arith.andi %ge3A_379, %eq3A_382 : vector<16xi1>
        %all_reduce_ffs3A_384 = tpu.all_reduce %and3A_383 {dim = 0 : i64, kind = #tpu.reduction_kind<find_first_set>} : vector<16xi1> -> vector<16xi32>
        %lt3A_385 = arith.constant 16 : i32
        %lt3A_386 = vector.broadcast %lt3A_385 : i32 to vector<16xi32>
        %lt3A_387 = arith.cmpi slt, %all_reduce_ffs3A_384, %lt3A_386 : vector<16xi32>
        %eq3A_388 = arith.constant 0 : i32
        %eq3A_389 = vector.broadcast %eq3A_388 : i32 to vector<16xi32>
        %eq3A_390 = arith.cmpi eq, %select_n3A_366, %eq3A_389 : vector<16xi32>
        %and3A_391 = arith.andi %lt3A_387, %eq3A_390 : vector<16xi1>
        %swap3A_392 = arith.constant 0 : index
        %swap3A_393 = tpu.vector_load %arg16[%swap3A_392] {strides = array<i32>} : memref<16xi32, #tpu.memory_space<vmem>>, vector<16xi32>,
        tpu.vector_store %arg16[%swap3A_392], %sub3A_378 {strides = array<i32>} : memref<16xi32, #tpu.memory_space<vmem>>, vector<16xi32>,
        %min3A_394 = arith.constant 15 : i32
        %min3A_395 = vector.broadcast %min3A_394 : i32 to vector<16xi32>
        %min3A_396 = arith.minsi %all_reduce_ffs3A_384, %min3A_395 : vector<16xi32>
        %gather3A_397 = tpu.vector_load_idx %arg16[%min3A_396] : memref<16xi32, #tpu.memory_space<vmem>>[vector<16xi32>], vector<16xi32>,
        %add3A_398 = arith.constant 112 : i32
        %add3A_399 = vector.broadcast %add3A_398 : i32 to vector<16xi32>
        %add3A_400 = arith.addi %add3A_399, %all_reduce_ffs3A_384 : vector<16xi32>
        %select_n3A_401 = arith.select %and3A_391, %add3A_400, %select_n3A_362 : vector<16xi1>, vector<16xi32>
        %select_n3A_402 = arith.select %and3A_391, %gather3A_397, %select_n3A_363 : vector<16xi1>, vector<16xi32>
        %jit3A_403 = arith.constant 1 : i32
        %broadcast_in_dim3A_404 = vector.broadcast %jit3A_403 : i32 to vector<16xi32>
        %select_n3A_405 = arith.select %and3A_391, %broadcast_in_dim3A_404, %select_n3A_366 : vector<16xi1>, vector<16xi32>
        %swap3A_406 = arith.constant 0 : index
        %swap3A_407 = tpu.vector_load %arg16[%swap3A_406] {strides = array<i32>} : memref<16xi32, #tpu.memory_space<vmem>>, vector<16xi32>,
        tpu.vector_store %arg16[%swap3A_406], %add3A_377 {strides = array<i32>} : memref<16xi32, #tpu.memory_space<vmem>>, vector<16xi32>,
        %broadcast_in_dim3A_408 = arith.constant 15 : i32
        %broadcast_in_dim3A_409 = vector.broadcast %broadcast_in_dim3A_408 : i32 to vector<16xi32>
        %gather3A_410 = tpu.vector_load_idx %arg16[%broadcast_in_dim3A_409] : memref<16xi32, #tpu.memory_space<vmem>>[vector<16xi32>], vector<16xi32>,
        %scan3A_411 = arith.constant 0 : i32
        %scan3A_412 = arith.constant 0 : i32
        %scan3A_413 = arith.constant 256 : i32
        %scan3A_414 = arith.addi %scan3A_412, %scan3A_413 : i32
        %scan3A_415 = arith.constant 1 : i32
        scf.for %scan3A_2093 = %scan3A_412 to %scan3A_414 step %scan3A_415  : i32 {
          %mul3A_2094 = arith.constant 16 : i32
          %mul3A_2095 = arith.muli %scan3A_2093, %mul3A_2094 : i32
          %get3A_2096 = arith.index_cast %mul3A_2095 : i32 to index
          %get3A_2097 = tpu.vector_load %arg11[%get3A_2096] {strides = array<i32>} : memref<4096xi32, #tpu.memory_space<vmem>>, vector<16xi32>,
          %shift_right_arithmetic3A = arith.constant 24 : i32
          %shift_right_arithmetic3A_2098 = vector.broadcast %shift_right_arithmetic3A : i32 to vector<16xi32>
          %shift_right_arithmetic3A_2099 = arith.shrsi %get3A_2097, %shift_right_arithmetic3A_2098 : vector<16xi32>
          %eq3A_2100 = arith.cmpi eq, %shift_right_arithmetic3A_2099, %select_n3A_401 : vector<16xi32>
          %shift_right_arithmetic3A_2101 = arith.constant 16 : i32
          %shift_right_arithmetic3A_2102 = vector.broadcast %shift_right_arithmetic3A_2101 : i32 to vector<16xi32>
          %shift_right_arithmetic3A_2103 = arith.shrsi %get3A_2097, %shift_right_arithmetic3A_2102 : vector<16xi32>
          %and3A_2104 = arith.constant 255 : i32
          %and3A_2105 = vector.broadcast %and3A_2104 : i32 to vector<16xi32>
          %and3A_2106 = arith.andi %shift_right_arithmetic3A_2103, %and3A_2105 : vector<16xi32>
          tpu.vector_store_idx %arg13[%and3A_2106], %broadcast_in_dim3A_0 masked %eq3A_2100 {add = true} : memref<256xi32, #tpu.memory_space<vmem>>[vector<16xi32>], vector<16xi32>, vector<16xi1>
        }
        %scan3A_416 = arith.constant 256 : i32
        %broadcast_in_dim3A_417 = arith.constant 32 : i32
        %broadcast_in_dim3A_418 = vector.broadcast %broadcast_in_dim3A_417 : i32 to vector<16xi32>
        %sub3A_419 = arith.subi %broadcast_in_dim3A_418, %select_n3A_402 : vector<16xi32>
        %broadcast_in_dim3A_420 = arith.constant 0 : i32
        %broadcast_in_dim3A_421 = vector.broadcast %broadcast_in_dim3A_420 : i32 to vector<16xi32>
        %broadcast_in_dim3A_422 = arith.constant 0 : i32
        %broadcast_in_dim3A_423 = vector.broadcast %broadcast_in_dim3A_422 : i32 to vector<16xi32>
        %broadcast_in_dim3A_424 = arith.constant 0 : i32
        %broadcast_in_dim3A_425 = vector.broadcast %broadcast_in_dim3A_424 : i32 to vector<16xi32>
        %broadcast_in_dim3A_426 = arith.constant 0 : i32
        %broadcast_in_dim3A_427 = vector.broadcast %broadcast_in_dim3A_426 : i32 to vector<16xi32>
        %iota3A_428 = tpu.iota {dimensions = array<i32: 0>} : vector<16xi32>
        %get3A_429 = arith.constant 0 : index
        %get3A_430 = tpu.vector_load %arg13[%get3A_429] {strides = array<i32>} : memref<256xi32, #tpu.memory_space<vmem>>, vector<16xi32>,
        %broadcast_in_dim3A_431 = arith.constant true
        %broadcast_in_dim3A_432 = vector.broadcast %broadcast_in_dim3A_431 : i1 to vector<16xi1>
        %masked_cumsum3A_433 = tpu.scan <sum>, %get3A_430 masked %broadcast_in_dim3A_432 : vector<16xi32>, vector<16xi1> -> vector<16xi32>
        %add3A_434 = arith.addi %masked_cumsum3A_433, %broadcast_in_dim3A_421 : vector<16xi32>
        %sub3A_435 = arith.subi %add3A_434, %get3A_430 : vector<16xi32>
        %ge3A_436 = arith.cmpi sge, %add3A_434, %sub3A_419 : vector<16xi32>
        %eq3A_437 = arith.constant 0 : i32
        %eq3A_438 = vector.broadcast %eq3A_437 : i32 to vector<16xi32>
        %eq3A_439 = arith.cmpi eq, %broadcast_in_dim3A_423, %eq3A_438 : vector<16xi32>
        %and3A_440 = arith.andi %ge3A_436, %eq3A_439 : vector<16xi1>
        %all_reduce_ffs3A_441 = tpu.all_reduce %and3A_440 {dim = 0 : i64, kind = #tpu.reduction_kind<find_first_set>} : vector<16xi1> -> vector<16xi32>
        %lt3A_442 = arith.constant 16 : i32
        %lt3A_443 = vector.broadcast %lt3A_442 : i32 to vector<16xi32>
        %lt3A_444 = arith.cmpi slt, %all_reduce_ffs3A_441, %lt3A_443 : vector<16xi32>
        %eq3A_445 = arith.constant 0 : i32
        %eq3A_446 = vector.broadcast %eq3A_445 : i32 to vector<16xi32>
        %eq3A_447 = arith.cmpi eq, %broadcast_in_dim3A_423, %eq3A_446 : vector<16xi32>
        %and3A_448 = arith.andi %lt3A_444, %eq3A_447 : vector<16xi1>
        %swap3A_449 = arith.constant 0 : index
        %swap3A_450 = tpu.vector_load %arg16[%swap3A_449] {strides = array<i32>} : memref<16xi32, #tpu.memory_space<vmem>>, vector<16xi32>,
        tpu.vector_store %arg16[%swap3A_449], %sub3A_435 {strides = array<i32>} : memref<16xi32, #tpu.memory_space<vmem>>, vector<16xi32>,
        %min3A_451 = arith.constant 15 : i32
        %min3A_452 = vector.broadcast %min3A_451 : i32 to vector<16xi32>
        %min3A_453 = arith.minsi %all_reduce_ffs3A_441, %min3A_452 : vector<16xi32>
        %gather3A_454 = tpu.vector_load_idx %arg16[%min3A_453] : memref<16xi32, #tpu.memory_space<vmem>>[vector<16xi32>], vector<16xi32>,
        %add3A_455 = arith.constant 0 : i32
        %add3A_456 = vector.broadcast %add3A_455 : i32 to vector<16xi32>
        %add3A_457 = arith.addi %add3A_456, %all_reduce_ffs3A_441 : vector<16xi32>
        %select_n3A_458 = arith.select %and3A_448, %add3A_457, %broadcast_in_dim3A_425 : vector<16xi1>, vector<16xi32>
        %select_n3A_459 = arith.select %and3A_448, %gather3A_454, %broadcast_in_dim3A_427 : vector<16xi1>, vector<16xi32>
        %jit3A_460 = arith.constant 1 : i32
        %broadcast_in_dim3A_461 = vector.broadcast %jit3A_460 : i32 to vector<16xi32>
        %select_n3A_462 = arith.select %and3A_448, %broadcast_in_dim3A_461, %broadcast_in_dim3A_423 : vector<16xi1>, vector<16xi32>
        %swap3A_463 = arith.constant 0 : index
        %swap3A_464 = tpu.vector_load %arg16[%swap3A_463] {strides = array<i32>} : memref<16xi32, #tpu.memory_space<vmem>>, vector<16xi32>,
        tpu.vector_store %arg16[%swap3A_463], %add3A_434 {strides = array<i32>} : memref<16xi32, #tpu.memory_space<vmem>>, vector<16xi32>,
        %broadcast_in_dim3A_465 = arith.constant 15 : i32
        %broadcast_in_dim3A_466 = vector.broadcast %broadcast_in_dim3A_465 : i32 to vector<16xi32>
        %gather3A_467 = tpu.vector_load_idx %arg16[%broadcast_in_dim3A_466] : memref<16xi32, #tpu.memory_space<vmem>>[vector<16xi32>], vector<16xi32>,
        %get3A_468 = arith.constant 16 : index
        %get3A_469 = tpu.vector_load %arg13[%get3A_468] {strides = array<i32>} : memref<256xi32, #tpu.memory_space<vmem>>, vector<16xi32>,
        %broadcast_in_dim3A_470 = arith.constant true
        %broadcast_in_dim3A_471 = vector.broadcast %broadcast_in_dim3A_470 : i1 to vector<16xi1>
        %masked_cumsum3A_472 = tpu.scan <sum>, %get3A_469 masked %broadcast_in_dim3A_471 : vector<16xi32>, vector<16xi1> -> vector<16xi32>
        %add3A_473 = arith.addi %masked_cumsum3A_472, %gather3A_467 : vector<16xi32>
        %sub3A_474 = arith.subi %add3A_473, %get3A_469 : vector<16xi32>
        %ge3A_475 = arith.cmpi sge, %add3A_473, %sub3A_419 : vector<16xi32>
        %eq3A_476 = arith.constant 0 : i32
        %eq3A_477 = vector.broadcast %eq3A_476 : i32 to vector<16xi32>
        %eq3A_478 = arith.cmpi eq, %select_n3A_462, %eq3A_477 : vector<16xi32>
        %and3A_479 = arith.andi %ge3A_475, %eq3A_478 : vector<16xi1>
        %all_reduce_ffs3A_480 = tpu.all_reduce %and3A_479 {dim = 0 : i64, kind = #tpu.reduction_kind<find_first_set>} : vector<16xi1> -> vector<16xi32>
        %lt3A_481 = arith.constant 16 : i32
        %lt3A_482 = vector.broadcast %lt3A_481 : i32 to vector<16xi32>
        %lt3A_483 = arith.cmpi slt, %all_reduce_ffs3A_480, %lt3A_482 : vector<16xi32>
        %eq3A_484 = arith.constant 0 : i32
        %eq3A_485 = vector.broadcast %eq3A_484 : i32 to vector<16xi32>
        %eq3A_486 = arith.cmpi eq, %select_n3A_462, %eq3A_485 : vector<16xi32>
        %and3A_487 = arith.andi %lt3A_483, %eq3A_486 : vector<16xi1>
        %swap3A_488 = arith.constant 0 : index
        %swap3A_489 = tpu.vector_load %arg16[%swap3A_488] {strides = array<i32>} : memref<16xi32, #tpu.memory_space<vmem>>, vector<16xi32>,
        tpu.vector_store %arg16[%swap3A_488], %sub3A_474 {strides = array<i32>} : memref<16xi32, #tpu.memory_space<vmem>>, vector<16xi32>,
        %min3A_490 = arith.constant 15 : i32
        %min3A_491 = vector.broadcast %min3A_490 : i32 to vector<16xi32>
        %min3A_492 = arith.minsi %all_reduce_ffs3A_480, %min3A_491 : vector<16xi32>
        %gather3A_493 = tpu.vector_load_idx %arg16[%min3A_492] : memref<16xi32, #tpu.memory_space<vmem>>[vector<16xi32>], vector<16xi32>,
        %add3A_494 = arith.constant 16 : i32
        %add3A_495 = vector.broadcast %add3A_494 : i32 to vector<16xi32>
        %add3A_496 = arith.addi %add3A_495, %all_reduce_ffs3A_480 : vector<16xi32>
        %select_n3A_497 = arith.select %and3A_487, %add3A_496, %select_n3A_458 : vector<16xi1>, vector<16xi32>
        %select_n3A_498 = arith.select %and3A_487, %gather3A_493, %select_n3A_459 : vector<16xi1>, vector<16xi32>
        %jit3A_499 = arith.constant 1 : i32
        %broadcast_in_dim3A_500 = vector.broadcast %jit3A_499 : i32 to vector<16xi32>
        %select_n3A_501 = arith.select %and3A_487, %broadcast_in_dim3A_500, %select_n3A_462 : vector<16xi1>, vector<16xi32>
        %swap3A_502 = arith.constant 0 : index
        %swap3A_503 = tpu.vector_load %arg16[%swap3A_502] {strides = array<i32>} : memref<16xi32, #tpu.memory_space<vmem>>, vector<16xi32>,
        tpu.vector_store %arg16[%swap3A_502], %add3A_473 {strides = array<i32>} : memref<16xi32, #tpu.memory_space<vmem>>, vector<16xi32>,
        %broadcast_in_dim3A_504 = arith.constant 15 : i32
        %broadcast_in_dim3A_505 = vector.broadcast %broadcast_in_dim3A_504 : i32 to vector<16xi32>
        %gather3A_506 = tpu.vector_load_idx %arg16[%broadcast_in_dim3A_505] : memref<16xi32, #tpu.memory_space<vmem>>[vector<16xi32>], vector<16xi32>,
        %get3A_507 = arith.constant 32 : index
        %get3A_508 = tpu.vector_load %arg13[%get3A_507] {strides = array<i32>} : memref<256xi32, #tpu.memory_space<vmem>>, vector<16xi32>,
        %broadcast_in_dim3A_509 = arith.constant true
        %broadcast_in_dim3A_510 = vector.broadcast %broadcast_in_dim3A_509 : i1 to vector<16xi1>
        %masked_cumsum3A_511 = tpu.scan <sum>, %get3A_508 masked %broadcast_in_dim3A_510 : vector<16xi32>, vector<16xi1> -> vector<16xi32>
        %add3A_512 = arith.addi %masked_cumsum3A_511, %gather3A_506 : vector<16xi32>
        %sub3A_513 = arith.subi %add3A_512, %get3A_508 : vector<16xi32>
        %ge3A_514 = arith.cmpi sge, %add3A_512, %sub3A_419 : vector<16xi32>
        %eq3A_515 = arith.constant 0 : i32
        %eq3A_516 = vector.broadcast %eq3A_515 : i32 to vector<16xi32>
        %eq3A_517 = arith.cmpi eq, %select_n3A_501, %eq3A_516 : vector<16xi32>
        %and3A_518 = arith.andi %ge3A_514, %eq3A_517 : vector<16xi1>
        %all_reduce_ffs3A_519 = tpu.all_reduce %and3A_518 {dim = 0 : i64, kind = #tpu.reduction_kind<find_first_set>} : vector<16xi1> -> vector<16xi32>
        %lt3A_520 = arith.constant 16 : i32
        %lt3A_521 = vector.broadcast %lt3A_520 : i32 to vector<16xi32>
        %lt3A_522 = arith.cmpi slt, %all_reduce_ffs3A_519, %lt3A_521 : vector<16xi32>
        %eq3A_523 = arith.constant 0 : i32
        %eq3A_524 = vector.broadcast %eq3A_523 : i32 to vector<16xi32>
        %eq3A_525 = arith.cmpi eq, %select_n3A_501, %eq3A_524 : vector<16xi32>
        %and3A_526 = arith.andi %lt3A_522, %eq3A_525 : vector<16xi1>
        %swap3A_527 = arith.constant 0 : index
        %swap3A_528 = tpu.vector_load %arg16[%swap3A_527] {strides = array<i32>} : memref<16xi32, #tpu.memory_space<vmem>>, vector<16xi32>,
        tpu.vector_store %arg16[%swap3A_527], %sub3A_513 {strides = array<i32>} : memref<16xi32, #tpu.memory_space<vmem>>, vector<16xi32>,
        %min3A_529 = arith.constant 15 : i32
        %min3A_530 = vector.broadcast %min3A_529 : i32 to vector<16xi32>
        %min3A_531 = arith.minsi %all_reduce_ffs3A_519, %min3A_530 : vector<16xi32>
        %gather3A_532 = tpu.vector_load_idx %arg16[%min3A_531] : memref<16xi32, #tpu.memory_space<vmem>>[vector<16xi32>], vector<16xi32>,
        %add3A_533 = arith.constant 32 : i32
        %add3A_534 = vector.broadcast %add3A_533 : i32 to vector<16xi32>
        %add3A_535 = arith.addi %add3A_534, %all_reduce_ffs3A_519 : vector<16xi32>
        %select_n3A_536 = arith.select %and3A_526, %add3A_535, %select_n3A_497 : vector<16xi1>, vector<16xi32>
        %select_n3A_537 = arith.select %and3A_526, %gather3A_532, %select_n3A_498 : vector<16xi1>, vector<16xi32>
        %jit3A_538 = arith.constant 1 : i32
        %broadcast_in_dim3A_539 = vector.broadcast %jit3A_538 : i32 to vector<16xi32>
        %select_n3A_540 = arith.select %and3A_526, %broadcast_in_dim3A_539, %select_n3A_501 : vector<16xi1>, vector<16xi32>
        %swap3A_541 = arith.constant 0 : index
        %swap3A_542 = tpu.vector_load %arg16[%swap3A_541] {strides = array<i32>} : memref<16xi32, #tpu.memory_space<vmem>>, vector<16xi32>,
        tpu.vector_store %arg16[%swap3A_541], %add3A_512 {strides = array<i32>} : memref<16xi32, #tpu.memory_space<vmem>>, vector<16xi32>,
        %broadcast_in_dim3A_543 = arith.constant 15 : i32
        %broadcast_in_dim3A_544 = vector.broadcast %broadcast_in_dim3A_543 : i32 to vector<16xi32>
        %gather3A_545 = tpu.vector_load_idx %arg16[%broadcast_in_dim3A_544] : memref<16xi32, #tpu.memory_space<vmem>>[vector<16xi32>], vector<16xi32>,
        %get3A_546 = arith.constant 48 : index
        %get3A_547 = tpu.vector_load %arg13[%get3A_546] {strides = array<i32>} : memref<256xi32, #tpu.memory_space<vmem>>, vector<16xi32>,
        %broadcast_in_dim3A_548 = arith.constant true
        %broadcast_in_dim3A_549 = vector.broadcast %broadcast_in_dim3A_548 : i1 to vector<16xi1>
        %masked_cumsum3A_550 = tpu.scan <sum>, %get3A_547 masked %broadcast_in_dim3A_549 : vector<16xi32>, vector<16xi1> -> vector<16xi32>
        %add3A_551 = arith.addi %masked_cumsum3A_550, %gather3A_545 : vector<16xi32>
        %sub3A_552 = arith.subi %add3A_551, %get3A_547 : vector<16xi32>
        %ge3A_553 = arith.cmpi sge, %add3A_551, %sub3A_419 : vector<16xi32>
        %eq3A_554 = arith.constant 0 : i32
        %eq3A_555 = vector.broadcast %eq3A_554 : i32 to vector<16xi32>
        %eq3A_556 = arith.cmpi eq, %select_n3A_540, %eq3A_555 : vector<16xi32>
        %and3A_557 = arith.andi %ge3A_553, %eq3A_556 : vector<16xi1>
        %all_reduce_ffs3A_558 = tpu.all_reduce %and3A_557 {dim = 0 : i64, kind = #tpu.reduction_kind<find_first_set>} : vector<16xi1> -> vector<16xi32>
        %lt3A_559 = arith.constant 16 : i32
        %lt3A_560 = vector.broadcast %lt3A_559 : i32 to vector<16xi32>
        %lt3A_561 = arith.cmpi slt, %all_reduce_ffs3A_558, %lt3A_560 : vector<16xi32>
        %eq3A_562 = arith.constant 0 : i32
        %eq3A_563 = vector.broadcast %eq3A_562 : i32 to vector<16xi32>
        %eq3A_564 = arith.cmpi eq, %select_n3A_540, %eq3A_563 : vector<16xi32>
        %and3A_565 = arith.andi %lt3A_561, %eq3A_564 : vector<16xi1>
        %swap3A_566 = arith.constant 0 : index
        %swap3A_567 = tpu.vector_load %arg16[%swap3A_566] {strides = array<i32>} : memref<16xi32, #tpu.memory_space<vmem>>, vector<16xi32>,
        tpu.vector_store %arg16[%swap3A_566], %sub3A_552 {strides = array<i32>} : memref<16xi32, #tpu.memory_space<vmem>>, vector<16xi32>,
        %min3A_568 = arith.constant 15 : i32
        %min3A_569 = vector.broadcast %min3A_568 : i32 to vector<16xi32>
        %min3A_570 = arith.minsi %all_reduce_ffs3A_558, %min3A_569 : vector<16xi32>
        %gather3A_571 = tpu.vector_load_idx %arg16[%min3A_570] : memref<16xi32, #tpu.memory_space<vmem>>[vector<16xi32>], vector<16xi32>,
        %add3A_572 = arith.constant 48 : i32
        %add3A_573 = vector.broadcast %add3A_572 : i32 to vector<16xi32>
        %add3A_574 = arith.addi %add3A_573, %all_reduce_ffs3A_558 : vector<16xi32>
        %select_n3A_575 = arith.select %and3A_565, %add3A_574, %select_n3A_536 : vector<16xi1>, vector<16xi32>
        %select_n3A_576 = arith.select %and3A_565, %gather3A_571, %select_n3A_537 : vector<16xi1>, vector<16xi32>
        %jit3A_577 = arith.constant 1 : i32
        %broadcast_in_dim3A_578 = vector.broadcast %jit3A_577 : i32 to vector<16xi32>
        %select_n3A_579 = arith.select %and3A_565, %broadcast_in_dim3A_578, %select_n3A_540 : vector<16xi1>, vector<16xi32>
        %swap3A_580 = arith.constant 0 : index
        %swap3A_581 = tpu.vector_load %arg16[%swap3A_580] {strides = array<i32>} : memref<16xi32, #tpu.memory_space<vmem>>, vector<16xi32>,
        tpu.vector_store %arg16[%swap3A_580], %add3A_551 {strides = array<i32>} : memref<16xi32, #tpu.memory_space<vmem>>, vector<16xi32>,
        %broadcast_in_dim3A_582 = arith.constant 15 : i32
        %broadcast_in_dim3A_583 = vector.broadcast %broadcast_in_dim3A_582 : i32 to vector<16xi32>
        %gather3A_584 = tpu.vector_load_idx %arg16[%broadcast_in_dim3A_583] : memref<16xi32, #tpu.memory_space<vmem>>[vector<16xi32>], vector<16xi32>,
        %get3A_585 = arith.constant 64 : index
        %get3A_586 = tpu.vector_load %arg13[%get3A_585] {strides = array<i32>} : memref<256xi32, #tpu.memory_space<vmem>>, vector<16xi32>,
        %broadcast_in_dim3A_587 = arith.constant true
        %broadcast_in_dim3A_588 = vector.broadcast %broadcast_in_dim3A_587 : i1 to vector<16xi1>
        %masked_cumsum3A_589 = tpu.scan <sum>, %get3A_586 masked %broadcast_in_dim3A_588 : vector<16xi32>, vector<16xi1> -> vector<16xi32>
        %add3A_590 = arith.addi %masked_cumsum3A_589, %gather3A_584 : vector<16xi32>
        %sub3A_591 = arith.subi %add3A_590, %get3A_586 : vector<16xi32>
        %ge3A_592 = arith.cmpi sge, %add3A_590, %sub3A_419 : vector<16xi32>
        %eq3A_593 = arith.constant 0 : i32
        %eq3A_594 = vector.broadcast %eq3A_593 : i32 to vector<16xi32>
        %eq3A_595 = arith.cmpi eq, %select_n3A_579, %eq3A_594 : vector<16xi32>
        %and3A_596 = arith.andi %ge3A_592, %eq3A_595 : vector<16xi1>
        %all_reduce_ffs3A_597 = tpu.all_reduce %and3A_596 {dim = 0 : i64, kind = #tpu.reduction_kind<find_first_set>} : vector<16xi1> -> vector<16xi32>
        %lt3A_598 = arith.constant 16 : i32
        %lt3A_599 = vector.broadcast %lt3A_598 : i32 to vector<16xi32>
        %lt3A_600 = arith.cmpi slt, %all_reduce_ffs3A_597, %lt3A_599 : vector<16xi32>
        %eq3A_601 = arith.constant 0 : i32
        %eq3A_602 = vector.broadcast %eq3A_601 : i32 to vector<16xi32>
        %eq3A_603 = arith.cmpi eq, %select_n3A_579, %eq3A_602 : vector<16xi32>
        %and3A_604 = arith.andi %lt3A_600, %eq3A_603 : vector<16xi1>
        %swap3A_605 = arith.constant 0 : index
        %swap3A_606 = tpu.vector_load %arg16[%swap3A_605] {strides = array<i32>} : memref<16xi32, #tpu.memory_space<vmem>>, vector<16xi32>,
        tpu.vector_store %arg16[%swap3A_605], %sub3A_591 {strides = array<i32>} : memref<16xi32, #tpu.memory_space<vmem>>, vector<16xi32>,
        %min3A_607 = arith.constant 15 : i32
        %min3A_608 = vector.broadcast %min3A_607 : i32 to vector<16xi32>
        %min3A_609 = arith.minsi %all_reduce_ffs3A_597, %min3A_608 : vector<16xi32>
        %gather3A_610 = tpu.vector_load_idx %arg16[%min3A_609] : memref<16xi32, #tpu.memory_space<vmem>>[vector<16xi32>], vector<16xi32>,
        %add3A_611 = arith.constant 64 : i32
        %add3A_612 = vector.broadcast %add3A_611 : i32 to vector<16xi32>
        %add3A_613 = arith.addi %add3A_612, %all_reduce_ffs3A_597 : vector<16xi32>
        %select_n3A_614 = arith.select %and3A_604, %add3A_613, %select_n3A_575 : vector<16xi1>, vector<16xi32>
        %select_n3A_615 = arith.select %and3A_604, %gather3A_610, %select_n3A_576 : vector<16xi1>, vector<16xi32>
        %jit3A_616 = arith.constant 1 : i32
        %broadcast_in_dim3A_617 = vector.broadcast %jit3A_616 : i32 to vector<16xi32>
        %select_n3A_618 = arith.select %and3A_604, %broadcast_in_dim3A_617, %select_n3A_579 : vector<16xi1>, vector<16xi32>
        %swap3A_619 = arith.constant 0 : index
        %swap3A_620 = tpu.vector_load %arg16[%swap3A_619] {strides = array<i32>} : memref<16xi32, #tpu.memory_space<vmem>>, vector<16xi32>,
        tpu.vector_store %arg16[%swap3A_619], %add3A_590 {strides = array<i32>} : memref<16xi32, #tpu.memory_space<vmem>>, vector<16xi32>,
        %broadcast_in_dim3A_621 = arith.constant 15 : i32
        %broadcast_in_dim3A_622 = vector.broadcast %broadcast_in_dim3A_621 : i32 to vector<16xi32>
        %gather3A_623 = tpu.vector_load_idx %arg16[%broadcast_in_dim3A_622] : memref<16xi32, #tpu.memory_space<vmem>>[vector<16xi32>], vector<16xi32>,
        %get3A_624 = arith.constant 80 : index
        %get3A_625 = tpu.vector_load %arg13[%get3A_624] {strides = array<i32>} : memref<256xi32, #tpu.memory_space<vmem>>, vector<16xi32>,
        %broadcast_in_dim3A_626 = arith.constant true
        %broadcast_in_dim3A_627 = vector.broadcast %broadcast_in_dim3A_626 : i1 to vector<16xi1>
        %masked_cumsum3A_628 = tpu.scan <sum>, %get3A_625 masked %broadcast_in_dim3A_627 : vector<16xi32>, vector<16xi1> -> vector<16xi32>
        %add3A_629 = arith.addi %masked_cumsum3A_628, %gather3A_623 : vector<16xi32>
        %sub3A_630 = arith.subi %add3A_629, %get3A_625 : vector<16xi32>
        %ge3A_631 = arith.cmpi sge, %add3A_629, %sub3A_419 : vector<16xi32>
        %eq3A_632 = arith.constant 0 : i32
        %eq3A_633 = vector.broadcast %eq3A_632 : i32 to vector<16xi32>
        %eq3A_634 = arith.cmpi eq, %select_n3A_618, %eq3A_633 : vector<16xi32>
        %and3A_635 = arith.andi %ge3A_631, %eq3A_634 : vector<16xi1>
        %all_reduce_ffs3A_636 = tpu.all_reduce %and3A_635 {dim = 0 : i64, kind = #tpu.reduction_kind<find_first_set>} : vector<16xi1> -> vector<16xi32>
        %lt3A_637 = arith.constant 16 : i32
        %lt3A_638 = vector.broadcast %lt3A_637 : i32 to vector<16xi32>
        %lt3A_639 = arith.cmpi slt, %all_reduce_ffs3A_636, %lt3A_638 : vector<16xi32>
        %eq3A_640 = arith.constant 0 : i32
        %eq3A_641 = vector.broadcast %eq3A_640 : i32 to vector<16xi32>
        %eq3A_642 = arith.cmpi eq, %select_n3A_618, %eq3A_641 : vector<16xi32>
        %and3A_643 = arith.andi %lt3A_639, %eq3A_642 : vector<16xi1>
        %swap3A_644 = arith.constant 0 : index
        %swap3A_645 = tpu.vector_load %arg16[%swap3A_644] {strides = array<i32>} : memref<16xi32, #tpu.memory_space<vmem>>, vector<16xi32>,
        tpu.vector_store %arg16[%swap3A_644], %sub3A_630 {strides = array<i32>} : memref<16xi32, #tpu.memory_space<vmem>>, vector<16xi32>,
        %min3A_646 = arith.constant 15 : i32
        %min3A_647 = vector.broadcast %min3A_646 : i32 to vector<16xi32>
        %min3A_648 = arith.minsi %all_reduce_ffs3A_636, %min3A_647 : vector<16xi32>
        %gather3A_649 = tpu.vector_load_idx %arg16[%min3A_648] : memref<16xi32, #tpu.memory_space<vmem>>[vector<16xi32>], vector<16xi32>,
        %add3A_650 = arith.constant 80 : i32
        %add3A_651 = vector.broadcast %add3A_650 : i32 to vector<16xi32>
        %add3A_652 = arith.addi %add3A_651, %all_reduce_ffs3A_636 : vector<16xi32>
        %select_n3A_653 = arith.select %and3A_643, %add3A_652, %select_n3A_614 : vector<16xi1>, vector<16xi32>
        %select_n3A_654 = arith.select %and3A_643, %gather3A_649, %select_n3A_615 : vector<16xi1>, vector<16xi32>
        %jit3A_655 = arith.constant 1 : i32
        %broadcast_in_dim3A_656 = vector.broadcast %jit3A_655 : i32 to vector<16xi32>
        %select_n3A_657 = arith.select %and3A_643, %broadcast_in_dim3A_656, %select_n3A_618 : vector<16xi1>, vector<16xi32>
        %swap3A_658 = arith.constant 0 : index
        %swap3A_659 = tpu.vector_load %arg16[%swap3A_658] {strides = array<i32>} : memref<16xi32, #tpu.memory_space<vmem>>, vector<16xi32>,
        tpu.vector_store %arg16[%swap3A_658], %add3A_629 {strides = array<i32>} : memref<16xi32, #tpu.memory_space<vmem>>, vector<16xi32>,
        %broadcast_in_dim3A_660 = arith.constant 15 : i32
        %broadcast_in_dim3A_661 = vector.broadcast %broadcast_in_dim3A_660 : i32 to vector<16xi32>
        %gather3A_662 = tpu.vector_load_idx %arg16[%broadcast_in_dim3A_661] : memref<16xi32, #tpu.memory_space<vmem>>[vector<16xi32>], vector<16xi32>,
        %get3A_663 = arith.constant 96 : index
        %get3A_664 = tpu.vector_load %arg13[%get3A_663] {strides = array<i32>} : memref<256xi32, #tpu.memory_space<vmem>>, vector<16xi32>,
        %broadcast_in_dim3A_665 = arith.constant true
        %broadcast_in_dim3A_666 = vector.broadcast %broadcast_in_dim3A_665 : i1 to vector<16xi1>
        %masked_cumsum3A_667 = tpu.scan <sum>, %get3A_664 masked %broadcast_in_dim3A_666 : vector<16xi32>, vector<16xi1> -> vector<16xi32>
        %add3A_668 = arith.addi %masked_cumsum3A_667, %gather3A_662 : vector<16xi32>
        %sub3A_669 = arith.subi %add3A_668, %get3A_664 : vector<16xi32>
        %ge3A_670 = arith.cmpi sge, %add3A_668, %sub3A_419 : vector<16xi32>
        %eq3A_671 = arith.constant 0 : i32
        %eq3A_672 = vector.broadcast %eq3A_671 : i32 to vector<16xi32>
        %eq3A_673 = arith.cmpi eq, %select_n3A_657, %eq3A_672 : vector<16xi32>
        %and3A_674 = arith.andi %ge3A_670, %eq3A_673 : vector<16xi1>
        %all_reduce_ffs3A_675 = tpu.all_reduce %and3A_674 {dim = 0 : i64, kind = #tpu.reduction_kind<find_first_set>} : vector<16xi1> -> vector<16xi32>
        %lt3A_676 = arith.constant 16 : i32
        %lt3A_677 = vector.broadcast %lt3A_676 : i32 to vector<16xi32>
        %lt3A_678 = arith.cmpi slt, %all_reduce_ffs3A_675, %lt3A_677 : vector<16xi32>
        %eq3A_679 = arith.constant 0 : i32
        %eq3A_680 = vector.broadcast %eq3A_679 : i32 to vector<16xi32>
        %eq3A_681 = arith.cmpi eq, %select_n3A_657, %eq3A_680 : vector<16xi32>
        %and3A_682 = arith.andi %lt3A_678, %eq3A_681 : vector<16xi1>
        %swap3A_683 = arith.constant 0 : index
        %swap3A_684 = tpu.vector_load %arg16[%swap3A_683] {strides = array<i32>} : memref<16xi32, #tpu.memory_space<vmem>>, vector<16xi32>,
        tpu.vector_store %arg16[%swap3A_683], %sub3A_669 {strides = array<i32>} : memref<16xi32, #tpu.memory_space<vmem>>, vector<16xi32>,
        %min3A_685 = arith.constant 15 : i32
        %min3A_686 = vector.broadcast %min3A_685 : i32 to vector<16xi32>
        %min3A_687 = arith.minsi %all_reduce_ffs3A_675, %min3A_686 : vector<16xi32>
        %gather3A_688 = tpu.vector_load_idx %arg16[%min3A_687] : memref<16xi32, #tpu.memory_space<vmem>>[vector<16xi32>], vector<16xi32>,
        %add3A_689 = arith.constant 96 : i32
        %add3A_690 = vector.broadcast %add3A_689 : i32 to vector<16xi32>
        %add3A_691 = arith.addi %add3A_690, %all_reduce_ffs3A_675 : vector<16xi32>
        %select_n3A_692 = arith.select %and3A_682, %add3A_691, %select_n3A_653 : vector<16xi1>, vector<16xi32>
        %select_n3A_693 = arith.select %and3A_682, %gather3A_688, %select_n3A_654 : vector<16xi1>, vector<16xi32>
        %jit3A_694 = arith.constant 1 : i32
        %broadcast_in_dim3A_695 = vector.broadcast %jit3A_694 : i32 to vector<16xi32>
        %select_n3A_696 = arith.select %and3A_682, %broadcast_in_dim3A_695, %select_n3A_657 : vector<16xi1>, vector<16xi32>
        %swap3A_697 = arith.constant 0 : index
        %swap3A_698 = tpu.vector_load %arg16[%swap3A_697] {strides = array<i32>} : memref<16xi32, #tpu.memory_space<vmem>>, vector<16xi32>,
        tpu.vector_store %arg16[%swap3A_697], %add3A_668 {strides = array<i32>} : memref<16xi32, #tpu.memory_space<vmem>>, vector<16xi32>,
        %broadcast_in_dim3A_699 = arith.constant 15 : i32
        %broadcast_in_dim3A_700 = vector.broadcast %broadcast_in_dim3A_699 : i32 to vector<16xi32>
        %gather3A_701 = tpu.vector_load_idx %arg16[%broadcast_in_dim3A_700] : memref<16xi32, #tpu.memory_space<vmem>>[vector<16xi32>], vector<16xi32>,
        %get3A_702 = arith.constant 112 : index
        %get3A_703 = tpu.vector_load %arg13[%get3A_702] {strides = array<i32>} : memref<256xi32, #tpu.memory_space<vmem>>, vector<16xi32>,
        %broadcast_in_dim3A_704 = arith.constant true
        %broadcast_in_dim3A_705 = vector.broadcast %broadcast_in_dim3A_704 : i1 to vector<16xi1>
        %masked_cumsum3A_706 = tpu.scan <sum>, %get3A_703 masked %broadcast_in_dim3A_705 : vector<16xi32>, vector<16xi1> -> vector<16xi32>
        %add3A_707 = arith.addi %masked_cumsum3A_706, %gather3A_701 : vector<16xi32>
        %sub3A_708 = arith.subi %add3A_707, %get3A_703 : vector<16xi32>
        %ge3A_709 = arith.cmpi sge, %add3A_707, %sub3A_419 : vector<16xi32>
        %eq3A_710 = arith.constant 0 : i32
        %eq3A_711 = vector.broadcast %eq3A_710 : i32 to vector<16xi32>
        %eq3A_712 = arith.cmpi eq, %select_n3A_696, %eq3A_711 : vector<16xi32>
        %and3A_713 = arith.andi %ge3A_709, %eq3A_712 : vector<16xi1>
        %all_reduce_ffs3A_714 = tpu.all_reduce %and3A_713 {dim = 0 : i64, kind = #tpu.reduction_kind<find_first_set>} : vector<16xi1> -> vector<16xi32>
        %lt3A_715 = arith.constant 16 : i32
        %lt3A_716 = vector.broadcast %lt3A_715 : i32 to vector<16xi32>
        %lt3A_717 = arith.cmpi slt, %all_reduce_ffs3A_714, %lt3A_716 : vector<16xi32>
        %eq3A_718 = arith.constant 0 : i32
        %eq3A_719 = vector.broadcast %eq3A_718 : i32 to vector<16xi32>
        %eq3A_720 = arith.cmpi eq, %select_n3A_696, %eq3A_719 : vector<16xi32>
        %and3A_721 = arith.andi %lt3A_717, %eq3A_720 : vector<16xi1>
        %swap3A_722 = arith.constant 0 : index
        %swap3A_723 = tpu.vector_load %arg16[%swap3A_722] {strides = array<i32>} : memref<16xi32, #tpu.memory_space<vmem>>, vector<16xi32>,
        tpu.vector_store %arg16[%swap3A_722], %sub3A_708 {strides = array<i32>} : memref<16xi32, #tpu.memory_space<vmem>>, vector<16xi32>,
        %min3A_724 = arith.constant 15 : i32
        %min3A_725 = vector.broadcast %min3A_724 : i32 to vector<16xi32>
        %min3A_726 = arith.minsi %all_reduce_ffs3A_714, %min3A_725 : vector<16xi32>
        %gather3A_727 = tpu.vector_load_idx %arg16[%min3A_726] : memref<16xi32, #tpu.memory_space<vmem>>[vector<16xi32>], vector<16xi32>,
        %add3A_728 = arith.constant 112 : i32
        %add3A_729 = vector.broadcast %add3A_728 : i32 to vector<16xi32>
        %add3A_730 = arith.addi %add3A_729, %all_reduce_ffs3A_714 : vector<16xi32>
        %select_n3A_731 = arith.select %and3A_721, %add3A_730, %select_n3A_692 : vector<16xi1>, vector<16xi32>
        %select_n3A_732 = arith.select %and3A_721, %gather3A_727, %select_n3A_693 : vector<16xi1>, vector<16xi32>
        %jit3A_733 = arith.constant 1 : i32
        %broadcast_in_dim3A_734 = vector.broadcast %jit3A_733 : i32 to vector<16xi32>
        %select_n3A_735 = arith.select %and3A_721, %broadcast_in_dim3A_734, %select_n3A_696 : vector<16xi1>, vector<16xi32>
        %swap3A_736 = arith.constant 0 : index
        %swap3A_737 = tpu.vector_load %arg16[%swap3A_736] {strides = array<i32>} : memref<16xi32, #tpu.memory_space<vmem>>, vector<16xi32>,
        tpu.vector_store %arg16[%swap3A_736], %add3A_707 {strides = array<i32>} : memref<16xi32, #tpu.memory_space<vmem>>, vector<16xi32>,
        %broadcast_in_dim3A_738 = arith.constant 15 : i32
        %broadcast_in_dim3A_739 = vector.broadcast %broadcast_in_dim3A_738 : i32 to vector<16xi32>
        %gather3A_740 = tpu.vector_load_idx %arg16[%broadcast_in_dim3A_739] : memref<16xi32, #tpu.memory_space<vmem>>[vector<16xi32>], vector<16xi32>,
        %get3A_741 = arith.constant 128 : index
        %get3A_742 = tpu.vector_load %arg13[%get3A_741] {strides = array<i32>} : memref<256xi32, #tpu.memory_space<vmem>>, vector<16xi32>,
        %broadcast_in_dim3A_743 = arith.constant true
        %broadcast_in_dim3A_744 = vector.broadcast %broadcast_in_dim3A_743 : i1 to vector<16xi1>
        %masked_cumsum3A_745 = tpu.scan <sum>, %get3A_742 masked %broadcast_in_dim3A_744 : vector<16xi32>, vector<16xi1> -> vector<16xi32>
        %add3A_746 = arith.addi %masked_cumsum3A_745, %gather3A_740 : vector<16xi32>
        %sub3A_747 = arith.subi %add3A_746, %get3A_742 : vector<16xi32>
        %ge3A_748 = arith.cmpi sge, %add3A_746, %sub3A_419 : vector<16xi32>
        %eq3A_749 = arith.constant 0 : i32
        %eq3A_750 = vector.broadcast %eq3A_749 : i32 to vector<16xi32>
        %eq3A_751 = arith.cmpi eq, %select_n3A_735, %eq3A_750 : vector<16xi32>
        %and3A_752 = arith.andi %ge3A_748, %eq3A_751 : vector<16xi1>
        %all_reduce_ffs3A_753 = tpu.all_reduce %and3A_752 {dim = 0 : i64, kind = #tpu.reduction_kind<find_first_set>} : vector<16xi1> -> vector<16xi32>
        %lt3A_754 = arith.constant 16 : i32
        %lt3A_755 = vector.broadcast %lt3A_754 : i32 to vector<16xi32>
        %lt3A_756 = arith.cmpi slt, %all_reduce_ffs3A_753, %lt3A_755 : vector<16xi32>
        %eq3A_757 = arith.constant 0 : i32
        %eq3A_758 = vector.broadcast %eq3A_757 : i32 to vector<16xi32>
        %eq3A_759 = arith.cmpi eq, %select_n3A_735, %eq3A_758 : vector<16xi32>
        %and3A_760 = arith.andi %lt3A_756, %eq3A_759 : vector<16xi1>
        %swap3A_761 = arith.constant 0 : index
        %swap3A_762 = tpu.vector_load %arg16[%swap3A_761] {strides = array<i32>} : memref<16xi32, #tpu.memory_space<vmem>>, vector<16xi32>,
        tpu.vector_store %arg16[%swap3A_761], %sub3A_747 {strides = array<i32>} : memref<16xi32, #tpu.memory_space<vmem>>, vector<16xi32>,
        %min3A_763 = arith.constant 15 : i32
        %min3A_764 = vector.broadcast %min3A_763 : i32 to vector<16xi32>
        %min3A_765 = arith.minsi %all_reduce_ffs3A_753, %min3A_764 : vector<16xi32>
        %gather3A_766 = tpu.vector_load_idx %arg16[%min3A_765] : memref<16xi32, #tpu.memory_space<vmem>>[vector<16xi32>], vector<16xi32>,
        %add3A_767 = arith.constant 128 : i32
        %add3A_768 = vector.broadcast %add3A_767 : i32 to vector<16xi32>
        %add3A_769 = arith.addi %add3A_768, %all_reduce_ffs3A_753 : vector<16xi32>
        %select_n3A_770 = arith.select %and3A_760, %add3A_769, %select_n3A_731 : vector<16xi1>, vector<16xi32>
        %select_n3A_771 = arith.select %and3A_760, %gather3A_766, %select_n3A_732 : vector<16xi1>, vector<16xi32>
        %jit3A_772 = arith.constant 1 : i32
        %broadcast_in_dim3A_773 = vector.broadcast %jit3A_772 : i32 to vector<16xi32>
        %select_n3A_774 = arith.select %and3A_760, %broadcast_in_dim3A_773, %select_n3A_735 : vector<16xi1>, vector<16xi32>
        %swap3A_775 = arith.constant 0 : index
        %swap3A_776 = tpu.vector_load %arg16[%swap3A_775] {strides = array<i32>} : memref<16xi32, #tpu.memory_space<vmem>>, vector<16xi32>,
        tpu.vector_store %arg16[%swap3A_775], %add3A_746 {strides = array<i32>} : memref<16xi32, #tpu.memory_space<vmem>>, vector<16xi32>,
        %broadcast_in_dim3A_777 = arith.constant 15 : i32
        %broadcast_in_dim3A_778 = vector.broadcast %broadcast_in_dim3A_777 : i32 to vector<16xi32>
        %gather3A_779 = tpu.vector_load_idx %arg16[%broadcast_in_dim3A_778] : memref<16xi32, #tpu.memory_space<vmem>>[vector<16xi32>], vector<16xi32>,
        %get3A_780 = arith.constant 144 : index
        %get3A_781 = tpu.vector_load %arg13[%get3A_780] {strides = array<i32>} : memref<256xi32, #tpu.memory_space<vmem>>, vector<16xi32>,
        %broadcast_in_dim3A_782 = arith.constant true
        %broadcast_in_dim3A_783 = vector.broadcast %broadcast_in_dim3A_782 : i1 to vector<16xi1>
        %masked_cumsum3A_784 = tpu.scan <sum>, %get3A_781 masked %broadcast_in_dim3A_783 : vector<16xi32>, vector<16xi1> -> vector<16xi32>
        %add3A_785 = arith.addi %masked_cumsum3A_784, %gather3A_779 : vector<16xi32>
        %sub3A_786 = arith.subi %add3A_785, %get3A_781 : vector<16xi32>
        %ge3A_787 = arith.cmpi sge, %add3A_785, %sub3A_419 : vector<16xi32>
        %eq3A_788 = arith.constant 0 : i32
        %eq3A_789 = vector.broadcast %eq3A_788 : i32 to vector<16xi32>
        %eq3A_790 = arith.cmpi eq, %select_n3A_774, %eq3A_789 : vector<16xi32>
        %and3A_791 = arith.andi %ge3A_787, %eq3A_790 : vector<16xi1>
        %all_reduce_ffs3A_792 = tpu.all_reduce %and3A_791 {dim = 0 : i64, kind = #tpu.reduction_kind<find_first_set>} : vector<16xi1> -> vector<16xi32>
        %lt3A_793 = arith.constant 16 : i32
        %lt3A_794 = vector.broadcast %lt3A_793 : i32 to vector<16xi32>
        %lt3A_795 = arith.cmpi slt, %all_reduce_ffs3A_792, %lt3A_794 : vector<16xi32>
        %eq3A_796 = arith.constant 0 : i32
        %eq3A_797 = vector.broadcast %eq3A_796 : i32 to vector<16xi32>
        %eq3A_798 = arith.cmpi eq, %select_n3A_774, %eq3A_797 : vector<16xi32>
        %and3A_799 = arith.andi %lt3A_795, %eq3A_798 : vector<16xi1>
        %swap3A_800 = arith.constant 0 : index
        %swap3A_801 = tpu.vector_load %arg16[%swap3A_800] {strides = array<i32>} : memref<16xi32, #tpu.memory_space<vmem>>, vector<16xi32>,
        tpu.vector_store %arg16[%swap3A_800], %sub3A_786 {strides = array<i32>} : memref<16xi32, #tpu.memory_space<vmem>>, vector<16xi32>,
        %min3A_802 = arith.constant 15 : i32
        %min3A_803 = vector.broadcast %min3A_802 : i32 to vector<16xi32>
        %min3A_804 = arith.minsi %all_reduce_ffs3A_792, %min3A_803 : vector<16xi32>
        %gather3A_805 = tpu.vector_load_idx %arg16[%min3A_804] : memref<16xi32, #tpu.memory_space<vmem>>[vector<16xi32>], vector<16xi32>,
        %add3A_806 = arith.constant 144 : i32
        %add3A_807 = vector.broadcast %add3A_806 : i32 to vector<16xi32>
        %add3A_808 = arith.addi %add3A_807, %all_reduce_ffs3A_792 : vector<16xi32>
        %select_n3A_809 = arith.select %and3A_799, %add3A_808, %select_n3A_770 : vector<16xi1>, vector<16xi32>
        %select_n3A_810 = arith.select %and3A_799, %gather3A_805, %select_n3A_771 : vector<16xi1>, vector<16xi32>
        %jit3A_811 = arith.constant 1 : i32
        %broadcast_in_dim3A_812 = vector.broadcast %jit3A_811 : i32 to vector<16xi32>
        %select_n3A_813 = arith.select %and3A_799, %broadcast_in_dim3A_812, %select_n3A_774 : vector<16xi1>, vector<16xi32>
        %swap3A_814 = arith.constant 0 : index
        %swap3A_815 = tpu.vector_load %arg16[%swap3A_814] {strides = array<i32>} : memref<16xi32, #tpu.memory_space<vmem>>, vector<16xi32>,
        tpu.vector_store %arg16[%swap3A_814], %add3A_785 {strides = array<i32>} : memref<16xi32, #tpu.memory_space<vmem>>, vector<16xi32>,
        %broadcast_in_dim3A_816 = arith.constant 15 : i32
        %broadcast_in_dim3A_817 = vector.broadcast %broadcast_in_dim3A_816 : i32 to vector<16xi32>
        %gather3A_818 = tpu.vector_load_idx %arg16[%broadcast_in_dim3A_817] : memref<16xi32, #tpu.memory_space<vmem>>[vector<16xi32>], vector<16xi32>,
        %get3A_819 = arith.constant 160 : index
        %get3A_820 = tpu.vector_load %arg13[%get3A_819] {strides = array<i32>} : memref<256xi32, #tpu.memory_space<vmem>>, vector<16xi32>,
        %broadcast_in_dim3A_821 = arith.constant true
        %broadcast_in_dim3A_822 = vector.broadcast %broadcast_in_dim3A_821 : i1 to vector<16xi1>
        %masked_cumsum3A_823 = tpu.scan <sum>, %get3A_820 masked %broadcast_in_dim3A_822 : vector<16xi32>, vector<16xi1> -> vector<16xi32>
        %add3A_824 = arith.addi %masked_cumsum3A_823, %gather3A_818 : vector<16xi32>
        %sub3A_825 = arith.subi %add3A_824, %get3A_820 : vector<16xi32>
        %ge3A_826 = arith.cmpi sge, %add3A_824, %sub3A_419 : vector<16xi32>
        %eq3A_827 = arith.constant 0 : i32
        %eq3A_828 = vector.broadcast %eq3A_827 : i32 to vector<16xi32>
        %eq3A_829 = arith.cmpi eq, %select_n3A_813, %eq3A_828 : vector<16xi32>
        %and3A_830 = arith.andi %ge3A_826, %eq3A_829 : vector<16xi1>
        %all_reduce_ffs3A_831 = tpu.all_reduce %and3A_830 {dim = 0 : i64, kind = #tpu.reduction_kind<find_first_set>} : vector<16xi1> -> vector<16xi32>
        %lt3A_832 = arith.constant 16 : i32
        %lt3A_833 = vector.broadcast %lt3A_832 : i32 to vector<16xi32>
        %lt3A_834 = arith.cmpi slt, %all_reduce_ffs3A_831, %lt3A_833 : vector<16xi32>
        %eq3A_835 = arith.constant 0 : i32
        %eq3A_836 = vector.broadcast %eq3A_835 : i32 to vector<16xi32>
        %eq3A_837 = arith.cmpi eq, %select_n3A_813, %eq3A_836 : vector<16xi32>
        %and3A_838 = arith.andi %lt3A_834, %eq3A_837 : vector<16xi1>
        %swap3A_839 = arith.constant 0 : index
        %swap3A_840 = tpu.vector_load %arg16[%swap3A_839] {strides = array<i32>} : memref<16xi32, #tpu.memory_space<vmem>>, vector<16xi32>,
        tpu.vector_store %arg16[%swap3A_839], %sub3A_825 {strides = array<i32>} : memref<16xi32, #tpu.memory_space<vmem>>, vector<16xi32>,
        %min3A_841 = arith.constant 15 : i32
        %min3A_842 = vector.broadcast %min3A_841 : i32 to vector<16xi32>
        %min3A_843 = arith.minsi %all_reduce_ffs3A_831, %min3A_842 : vector<16xi32>
        %gather3A_844 = tpu.vector_load_idx %arg16[%min3A_843] : memref<16xi32, #tpu.memory_space<vmem>>[vector<16xi32>], vector<16xi32>,
        %add3A_845 = arith.constant 160 : i32
        %add3A_846 = vector.broadcast %add3A_845 : i32 to vector<16xi32>
        %add3A_847 = arith.addi %add3A_846, %all_reduce_ffs3A_831 : vector<16xi32>
        %select_n3A_848 = arith.select %and3A_838, %add3A_847, %select_n3A_809 : vector<16xi1>, vector<16xi32>
        %select_n3A_849 = arith.select %and3A_838, %gather3A_844, %select_n3A_810 : vector<16xi1>, vector<16xi32>
        %jit3A_850 = arith.constant 1 : i32
        %broadcast_in_dim3A_851 = vector.broadcast %jit3A_850 : i32 to vector<16xi32>
        %select_n3A_852 = arith.select %and3A_838, %broadcast_in_dim3A_851, %select_n3A_813 : vector<16xi1>, vector<16xi32>
        %swap3A_853 = arith.constant 0 : index
        %swap3A_854 = tpu.vector_load %arg16[%swap3A_853] {strides = array<i32>} : memref<16xi32, #tpu.memory_space<vmem>>, vector<16xi32>,
        tpu.vector_store %arg16[%swap3A_853], %add3A_824 {strides = array<i32>} : memref<16xi32, #tpu.memory_space<vmem>>, vector<16xi32>,
        %broadcast_in_dim3A_855 = arith.constant 15 : i32
        %broadcast_in_dim3A_856 = vector.broadcast %broadcast_in_dim3A_855 : i32 to vector<16xi32>
        %gather3A_857 = tpu.vector_load_idx %arg16[%broadcast_in_dim3A_856] : memref<16xi32, #tpu.memory_space<vmem>>[vector<16xi32>], vector<16xi32>,
        %get3A_858 = arith.constant 176 : index
        %get3A_859 = tpu.vector_load %arg13[%get3A_858] {strides = array<i32>} : memref<256xi32, #tpu.memory_space<vmem>>, vector<16xi32>,
        %broadcast_in_dim3A_860 = arith.constant true
        %broadcast_in_dim3A_861 = vector.broadcast %broadcast_in_dim3A_860 : i1 to vector<16xi1>
        %masked_cumsum3A_862 = tpu.scan <sum>, %get3A_859 masked %broadcast_in_dim3A_861 : vector<16xi32>, vector<16xi1> -> vector<16xi32>
        %add3A_863 = arith.addi %masked_cumsum3A_862, %gather3A_857 : vector<16xi32>
        %sub3A_864 = arith.subi %add3A_863, %get3A_859 : vector<16xi32>
        %ge3A_865 = arith.cmpi sge, %add3A_863, %sub3A_419 : vector<16xi32>
        %eq3A_866 = arith.constant 0 : i32
        %eq3A_867 = vector.broadcast %eq3A_866 : i32 to vector<16xi32>
        %eq3A_868 = arith.cmpi eq, %select_n3A_852, %eq3A_867 : vector<16xi32>
        %and3A_869 = arith.andi %ge3A_865, %eq3A_868 : vector<16xi1>
        %all_reduce_ffs3A_870 = tpu.all_reduce %and3A_869 {dim = 0 : i64, kind = #tpu.reduction_kind<find_first_set>} : vector<16xi1> -> vector<16xi32>
        %lt3A_871 = arith.constant 16 : i32
        %lt3A_872 = vector.broadcast %lt3A_871 : i32 to vector<16xi32>
        %lt3A_873 = arith.cmpi slt, %all_reduce_ffs3A_870, %lt3A_872 : vector<16xi32>
        %eq3A_874 = arith.constant 0 : i32
        %eq3A_875 = vector.broadcast %eq3A_874 : i32 to vector<16xi32>
        %eq3A_876 = arith.cmpi eq, %select_n3A_852, %eq3A_875 : vector<16xi32>
        %and3A_877 = arith.andi %lt3A_873, %eq3A_876 : vector<16xi1>
        %swap3A_878 = arith.constant 0 : index
        %swap3A_879 = tpu.vector_load %arg16[%swap3A_878] {strides = array<i32>} : memref<16xi32, #tpu.memory_space<vmem>>, vector<16xi32>,
        tpu.vector_store %arg16[%swap3A_878], %sub3A_864 {strides = array<i32>} : memref<16xi32, #tpu.memory_space<vmem>>, vector<16xi32>,
        %min3A_880 = arith.constant 15 : i32
        %min3A_881 = vector.broadcast %min3A_880 : i32 to vector<16xi32>
        %min3A_882 = arith.minsi %all_reduce_ffs3A_870, %min3A_881 : vector<16xi32>
        %gather3A_883 = tpu.vector_load_idx %arg16[%min3A_882] : memref<16xi32, #tpu.memory_space<vmem>>[vector<16xi32>], vector<16xi32>,
        %add3A_884 = arith.constant 176 : i32
        %add3A_885 = vector.broadcast %add3A_884 : i32 to vector<16xi32>
        %add3A_886 = arith.addi %add3A_885, %all_reduce_ffs3A_870 : vector<16xi32>
        %select_n3A_887 = arith.select %and3A_877, %add3A_886, %select_n3A_848 : vector<16xi1>, vector<16xi32>
        %select_n3A_888 = arith.select %and3A_877, %gather3A_883, %select_n3A_849 : vector<16xi1>, vector<16xi32>
        %jit3A_889 = arith.constant 1 : i32
        %broadcast_in_dim3A_890 = vector.broadcast %jit3A_889 : i32 to vector<16xi32>
        %select_n3A_891 = arith.select %and3A_877, %broadcast_in_dim3A_890, %select_n3A_852 : vector<16xi1>, vector<16xi32>
        %swap3A_892 = arith.constant 0 : index
        %swap3A_893 = tpu.vector_load %arg16[%swap3A_892] {strides = array<i32>} : memref<16xi32, #tpu.memory_space<vmem>>, vector<16xi32>,
        tpu.vector_store %arg16[%swap3A_892], %add3A_863 {strides = array<i32>} : memref<16xi32, #tpu.memory_space<vmem>>, vector<16xi32>,
        %broadcast_in_dim3A_894 = arith.constant 15 : i32
        %broadcast_in_dim3A_895 = vector.broadcast %broadcast_in_dim3A_894 : i32 to vector<16xi32>
        %gather3A_896 = tpu.vector_load_idx %arg16[%broadcast_in_dim3A_895] : memref<16xi32, #tpu.memory_space<vmem>>[vector<16xi32>], vector<16xi32>,
        %get3A_897 = arith.constant 192 : index
        %get3A_898 = tpu.vector_load %arg13[%get3A_897] {strides = array<i32>} : memref<256xi32, #tpu.memory_space<vmem>>, vector<16xi32>,
        %broadcast_in_dim3A_899 = arith.constant true
        %broadcast_in_dim3A_900 = vector.broadcast %broadcast_in_dim3A_899 : i1 to vector<16xi1>
        %masked_cumsum3A_901 = tpu.scan <sum>, %get3A_898 masked %broadcast_in_dim3A_900 : vector<16xi32>, vector<16xi1> -> vector<16xi32>
        %add3A_902 = arith.addi %masked_cumsum3A_901, %gather3A_896 : vector<16xi32>
        %sub3A_903 = arith.subi %add3A_902, %get3A_898 : vector<16xi32>
        %ge3A_904 = arith.cmpi sge, %add3A_902, %sub3A_419 : vector<16xi32>
        %eq3A_905 = arith.constant 0 : i32
        %eq3A_906 = vector.broadcast %eq3A_905 : i32 to vector<16xi32>
        %eq3A_907 = arith.cmpi eq, %select_n3A_891, %eq3A_906 : vector<16xi32>
        %and3A_908 = arith.andi %ge3A_904, %eq3A_907 : vector<16xi1>
        %all_reduce_ffs3A_909 = tpu.all_reduce %and3A_908 {dim = 0 : i64, kind = #tpu.reduction_kind<find_first_set>} : vector<16xi1> -> vector<16xi32>
        %lt3A_910 = arith.constant 16 : i32
        %lt3A_911 = vector.broadcast %lt3A_910 : i32 to vector<16xi32>
        %lt3A_912 = arith.cmpi slt, %all_reduce_ffs3A_909, %lt3A_911 : vector<16xi32>
        %eq3A_913 = arith.constant 0 : i32
        %eq3A_914 = vector.broadcast %eq3A_913 : i32 to vector<16xi32>
        %eq3A_915 = arith.cmpi eq, %select_n3A_891, %eq3A_914 : vector<16xi32>
        %and3A_916 = arith.andi %lt3A_912, %eq3A_915 : vector<16xi1>
        %swap3A_917 = arith.constant 0 : index
        %swap3A_918 = tpu.vector_load %arg16[%swap3A_917] {strides = array<i32>} : memref<16xi32, #tpu.memory_space<vmem>>, vector<16xi32>,
        tpu.vector_store %arg16[%swap3A_917], %sub3A_903 {strides = array<i32>} : memref<16xi32, #tpu.memory_space<vmem>>, vector<16xi32>,
        %min3A_919 = arith.constant 15 : i32
        %min3A_920 = vector.broadcast %min3A_919 : i32 to vector<16xi32>
        %min3A_921 = arith.minsi %all_reduce_ffs3A_909, %min3A_920 : vector<16xi32>
        %gather3A_922 = tpu.vector_load_idx %arg16[%min3A_921] : memref<16xi32, #tpu.memory_space<vmem>>[vector<16xi32>], vector<16xi32>,
        %add3A_923 = arith.constant 192 : i32
        %add3A_924 = vector.broadcast %add3A_923 : i32 to vector<16xi32>
        %add3A_925 = arith.addi %add3A_924, %all_reduce_ffs3A_909 : vector<16xi32>
        %select_n3A_926 = arith.select %and3A_916, %add3A_925, %select_n3A_887 : vector<16xi1>, vector<16xi32>
        %select_n3A_927 = arith.select %and3A_916, %gather3A_922, %select_n3A_888 : vector<16xi1>, vector<16xi32>
        %jit3A_928 = arith.constant 1 : i32
        %broadcast_in_dim3A_929 = vector.broadcast %jit3A_928 : i32 to vector<16xi32>
        %select_n3A_930 = arith.select %and3A_916, %broadcast_in_dim3A_929, %select_n3A_891 : vector<16xi1>, vector<16xi32>
        %swap3A_931 = arith.constant 0 : index
        %swap3A_932 = tpu.vector_load %arg16[%swap3A_931] {strides = array<i32>} : memref<16xi32, #tpu.memory_space<vmem>>, vector<16xi32>,
        tpu.vector_store %arg16[%swap3A_931], %add3A_902 {strides = array<i32>} : memref<16xi32, #tpu.memory_space<vmem>>, vector<16xi32>,
        %broadcast_in_dim3A_933 = arith.constant 15 : i32
        %broadcast_in_dim3A_934 = vector.broadcast %broadcast_in_dim3A_933 : i32 to vector<16xi32>
        %gather3A_935 = tpu.vector_load_idx %arg16[%broadcast_in_dim3A_934] : memref<16xi32, #tpu.memory_space<vmem>>[vector<16xi32>], vector<16xi32>,
        %get3A_936 = arith.constant 208 : index
        %get3A_937 = tpu.vector_load %arg13[%get3A_936] {strides = array<i32>} : memref<256xi32, #tpu.memory_space<vmem>>, vector<16xi32>,
        %broadcast_in_dim3A_938 = arith.constant true
        %broadcast_in_dim3A_939 = vector.broadcast %broadcast_in_dim3A_938 : i1 to vector<16xi1>
        %masked_cumsum3A_940 = tpu.scan <sum>, %get3A_937 masked %broadcast_in_dim3A_939 : vector<16xi32>, vector<16xi1> -> vector<16xi32>
        %add3A_941 = arith.addi %masked_cumsum3A_940, %gather3A_935 : vector<16xi32>
        %sub3A_942 = arith.subi %add3A_941, %get3A_937 : vector<16xi32>
        %ge3A_943 = arith.cmpi sge, %add3A_941, %sub3A_419 : vector<16xi32>
        %eq3A_944 = arith.constant 0 : i32
        %eq3A_945 = vector.broadcast %eq3A_944 : i32 to vector<16xi32>
        %eq3A_946 = arith.cmpi eq, %select_n3A_930, %eq3A_945 : vector<16xi32>
        %and3A_947 = arith.andi %ge3A_943, %eq3A_946 : vector<16xi1>
        %all_reduce_ffs3A_948 = tpu.all_reduce %and3A_947 {dim = 0 : i64, kind = #tpu.reduction_kind<find_first_set>} : vector<16xi1> -> vector<16xi32>
        %lt3A_949 = arith.constant 16 : i32
        %lt3A_950 = vector.broadcast %lt3A_949 : i32 to vector<16xi32>
        %lt3A_951 = arith.cmpi slt, %all_reduce_ffs3A_948, %lt3A_950 : vector<16xi32>
        %eq3A_952 = arith.constant 0 : i32
        %eq3A_953 = vector.broadcast %eq3A_952 : i32 to vector<16xi32>
        %eq3A_954 = arith.cmpi eq, %select_n3A_930, %eq3A_953 : vector<16xi32>
        %and3A_955 = arith.andi %lt3A_951, %eq3A_954 : vector<16xi1>
        %swap3A_956 = arith.constant 0 : index
        %swap3A_957 = tpu.vector_load %arg16[%swap3A_956] {strides = array<i32>} : memref<16xi32, #tpu.memory_space<vmem>>, vector<16xi32>,
        tpu.vector_store %arg16[%swap3A_956], %sub3A_942 {strides = array<i32>} : memref<16xi32, #tpu.memory_space<vmem>>, vector<16xi32>,
        %min3A_958 = arith.constant 15 : i32
        %min3A_959 = vector.broadcast %min3A_958 : i32 to vector<16xi32>
        %min3A_960 = arith.minsi %all_reduce_ffs3A_948, %min3A_959 : vector<16xi32>
        %gather3A_961 = tpu.vector_load_idx %arg16[%min3A_960] : memref<16xi32, #tpu.memory_space<vmem>>[vector<16xi32>], vector<16xi32>,
        %add3A_962 = arith.constant 208 : i32
        %add3A_963 = vector.broadcast %add3A_962 : i32 to vector<16xi32>
        %add3A_964 = arith.addi %add3A_963, %all_reduce_ffs3A_948 : vector<16xi32>
        %select_n3A_965 = arith.select %and3A_955, %add3A_964, %select_n3A_926 : vector<16xi1>, vector<16xi32>
        %select_n3A_966 = arith.select %and3A_955, %gather3A_961, %select_n3A_927 : vector<16xi1>, vector<16xi32>
        %jit3A_967 = arith.constant 1 : i32
        %broadcast_in_dim3A_968 = vector.broadcast %jit3A_967 : i32 to vector<16xi32>
        %select_n3A_969 = arith.select %and3A_955, %broadcast_in_dim3A_968, %select_n3A_930 : vector<16xi1>, vector<16xi32>
        %swap3A_970 = arith.constant 0 : index
        %swap3A_971 = tpu.vector_load %arg16[%swap3A_970] {strides = array<i32>} : memref<16xi32, #tpu.memory_space<vmem>>, vector<16xi32>,
        tpu.vector_store %arg16[%swap3A_970], %add3A_941 {strides = array<i32>} : memref<16xi32, #tpu.memory_space<vmem>>, vector<16xi32>,
        %broadcast_in_dim3A_972 = arith.constant 15 : i32
        %broadcast_in_dim3A_973 = vector.broadcast %broadcast_in_dim3A_972 : i32 to vector<16xi32>
        %gather3A_974 = tpu.vector_load_idx %arg16[%broadcast_in_dim3A_973] : memref<16xi32, #tpu.memory_space<vmem>>[vector<16xi32>], vector<16xi32>,
        %get3A_975 = arith.constant 224 : index
        %get3A_976 = tpu.vector_load %arg13[%get3A_975] {strides = array<i32>} : memref<256xi32, #tpu.memory_space<vmem>>, vector<16xi32>,
        %broadcast_in_dim3A_977 = arith.constant true
        %broadcast_in_dim3A_978 = vector.broadcast %broadcast_in_dim3A_977 : i1 to vector<16xi1>
        %masked_cumsum3A_979 = tpu.scan <sum>, %get3A_976 masked %broadcast_in_dim3A_978 : vector<16xi32>, vector<16xi1> -> vector<16xi32>
        %add3A_980 = arith.addi %masked_cumsum3A_979, %gather3A_974 : vector<16xi32>
        %sub3A_981 = arith.subi %add3A_980, %get3A_976 : vector<16xi32>
        %ge3A_982 = arith.cmpi sge, %add3A_980, %sub3A_419 : vector<16xi32>
        %eq3A_983 = arith.constant 0 : i32
        %eq3A_984 = vector.broadcast %eq3A_983 : i32 to vector<16xi32>
        %eq3A_985 = arith.cmpi eq, %select_n3A_969, %eq3A_984 : vector<16xi32>
        %and3A_986 = arith.andi %ge3A_982, %eq3A_985 : vector<16xi1>
        %all_reduce_ffs3A_987 = tpu.all_reduce %and3A_986 {dim = 0 : i64, kind = #tpu.reduction_kind<find_first_set>} : vector<16xi1> -> vector<16xi32>
        %lt3A_988 = arith.constant 16 : i32
        %lt3A_989 = vector.broadcast %lt3A_988 : i32 to vector<16xi32>
        %lt3A_990 = arith.cmpi slt, %all_reduce_ffs3A_987, %lt3A_989 : vector<16xi32>
        %eq3A_991 = arith.constant 0 : i32
        %eq3A_992 = vector.broadcast %eq3A_991 : i32 to vector<16xi32>
        %eq3A_993 = arith.cmpi eq, %select_n3A_969, %eq3A_992 : vector<16xi32>
        %and3A_994 = arith.andi %lt3A_990, %eq3A_993 : vector<16xi1>
        %swap3A_995 = arith.constant 0 : index
        %swap3A_996 = tpu.vector_load %arg16[%swap3A_995] {strides = array<i32>} : memref<16xi32, #tpu.memory_space<vmem>>, vector<16xi32>,
        tpu.vector_store %arg16[%swap3A_995], %sub3A_981 {strides = array<i32>} : memref<16xi32, #tpu.memory_space<vmem>>, vector<16xi32>,
        %min3A_997 = arith.constant 15 : i32
        %min3A_998 = vector.broadcast %min3A_997 : i32 to vector<16xi32>
        %min3A_999 = arith.minsi %all_reduce_ffs3A_987, %min3A_998 : vector<16xi32>
        %gather3A_1000 = tpu.vector_load_idx %arg16[%min3A_999] : memref<16xi32, #tpu.memory_space<vmem>>[vector<16xi32>], vector<16xi32>,
        %add3A_1001 = arith.constant 224 : i32
        %add3A_1002 = vector.broadcast %add3A_1001 : i32 to vector<16xi32>
        %add3A_1003 = arith.addi %add3A_1002, %all_reduce_ffs3A_987 : vector<16xi32>
        %select_n3A_1004 = arith.select %and3A_994, %add3A_1003, %select_n3A_965 : vector<16xi1>, vector<16xi32>
        %select_n3A_1005 = arith.select %and3A_994, %gather3A_1000, %select_n3A_966 : vector<16xi1>, vector<16xi32>
        %jit3A_1006 = arith.constant 1 : i32
        %broadcast_in_dim3A_1007 = vector.broadcast %jit3A_1006 : i32 to vector<16xi32>
        %select_n3A_1008 = arith.select %and3A_994, %broadcast_in_dim3A_1007, %select_n3A_969 : vector<16xi1>, vector<16xi32>
        %swap3A_1009 = arith.constant 0 : index
        %swap3A_1010 = tpu.vector_load %arg16[%swap3A_1009] {strides = array<i32>} : memref<16xi32, #tpu.memory_space<vmem>>, vector<16xi32>,
        tpu.vector_store %arg16[%swap3A_1009], %add3A_980 {strides = array<i32>} : memref<16xi32, #tpu.memory_space<vmem>>, vector<16xi32>,
        %broadcast_in_dim3A_1011 = arith.constant 15 : i32
        %broadcast_in_dim3A_1012 = vector.broadcast %broadcast_in_dim3A_1011 : i32 to vector<16xi32>
        %gather3A_1013 = tpu.vector_load_idx %arg16[%broadcast_in_dim3A_1012] : memref<16xi32, #tpu.memory_space<vmem>>[vector<16xi32>], vector<16xi32>,
        %get3A_1014 = arith.constant 240 : index
        %get3A_1015 = tpu.vector_load %arg13[%get3A_1014] {strides = array<i32>} : memref<256xi32, #tpu.memory_space<vmem>>, vector<16xi32>,
        %broadcast_in_dim3A_1016 = arith.constant true
        %broadcast_in_dim3A_1017 = vector.broadcast %broadcast_in_dim3A_1016 : i1 to vector<16xi1>
        %masked_cumsum3A_1018 = tpu.scan <sum>, %get3A_1015 masked %broadcast_in_dim3A_1017 : vector<16xi32>, vector<16xi1> -> vector<16xi32>
        %add3A_1019 = arith.addi %masked_cumsum3A_1018, %gather3A_1013 : vector<16xi32>
        %sub3A_1020 = arith.subi %add3A_1019, %get3A_1015 : vector<16xi32>
        %ge3A_1021 = arith.cmpi sge, %add3A_1019, %sub3A_419 : vector<16xi32>
        %eq3A_1022 = arith.constant 0 : i32
        %eq3A_1023 = vector.broadcast %eq3A_1022 : i32 to vector<16xi32>
        %eq3A_1024 = arith.cmpi eq, %select_n3A_1008, %eq3A_1023 : vector<16xi32>
        %and3A_1025 = arith.andi %ge3A_1021, %eq3A_1024 : vector<16xi1>
        %all_reduce_ffs3A_1026 = tpu.all_reduce %and3A_1025 {dim = 0 : i64, kind = #tpu.reduction_kind<find_first_set>} : vector<16xi1> -> vector<16xi32>
        %lt3A_1027 = arith.constant 16 : i32
        %lt3A_1028 = vector.broadcast %lt3A_1027 : i32 to vector<16xi32>
        %lt3A_1029 = arith.cmpi slt, %all_reduce_ffs3A_1026, %lt3A_1028 : vector<16xi32>
        %eq3A_1030 = arith.constant 0 : i32
        %eq3A_1031 = vector.broadcast %eq3A_1030 : i32 to vector<16xi32>
        %eq3A_1032 = arith.cmpi eq, %select_n3A_1008, %eq3A_1031 : vector<16xi32>
        %and3A_1033 = arith.andi %lt3A_1029, %eq3A_1032 : vector<16xi1>
        %swap3A_1034 = arith.constant 0 : index
        %swap3A_1035 = tpu.vector_load %arg16[%swap3A_1034] {strides = array<i32>} : memref<16xi32, #tpu.memory_space<vmem>>, vector<16xi32>,
        tpu.vector_store %arg16[%swap3A_1034], %sub3A_1020 {strides = array<i32>} : memref<16xi32, #tpu.memory_space<vmem>>, vector<16xi32>,
        %min3A_1036 = arith.constant 15 : i32
        %min3A_1037 = vector.broadcast %min3A_1036 : i32 to vector<16xi32>
        %min3A_1038 = arith.minsi %all_reduce_ffs3A_1026, %min3A_1037 : vector<16xi32>
        %gather3A_1039 = tpu.vector_load_idx %arg16[%min3A_1038] : memref<16xi32, #tpu.memory_space<vmem>>[vector<16xi32>], vector<16xi32>,
        %add3A_1040 = arith.constant 240 : i32
        %add3A_1041 = vector.broadcast %add3A_1040 : i32 to vector<16xi32>
        %add3A_1042 = arith.addi %add3A_1041, %all_reduce_ffs3A_1026 : vector<16xi32>
        %select_n3A_1043 = arith.select %and3A_1033, %add3A_1042, %select_n3A_1004 : vector<16xi1>, vector<16xi32>
        %select_n3A_1044 = arith.select %and3A_1033, %gather3A_1039, %select_n3A_1005 : vector<16xi1>, vector<16xi32>
        %jit3A_1045 = arith.constant 1 : i32
        %broadcast_in_dim3A_1046 = vector.broadcast %jit3A_1045 : i32 to vector<16xi32>
        %select_n3A_1047 = arith.select %and3A_1033, %broadcast_in_dim3A_1046, %select_n3A_1008 : vector<16xi1>, vector<16xi32>
        %swap3A_1048 = arith.constant 0 : index
        %swap3A_1049 = tpu.vector_load %arg16[%swap3A_1048] {strides = array<i32>} : memref<16xi32, #tpu.memory_space<vmem>>, vector<16xi32>,
        tpu.vector_store %arg16[%swap3A_1048], %add3A_1019 {strides = array<i32>} : memref<16xi32, #tpu.memory_space<vmem>>, vector<16xi32>,
        %broadcast_in_dim3A_1050 = arith.constant 15 : i32
        %broadcast_in_dim3A_1051 = vector.broadcast %broadcast_in_dim3A_1050 : i32 to vector<16xi32>
        %gather3A_1052 = tpu.vector_load_idx %arg16[%broadcast_in_dim3A_1051] : memref<16xi32, #tpu.memory_space<vmem>>[vector<16xi32>], vector<16xi32>,
        %shift_left3A = arith.constant 8 : i32
        %shift_left3A_1053 = vector.broadcast %shift_left3A : i32 to vector<16xi32>
        %shift_left3A_1054 = arith.shli %select_n3A_401, %shift_left3A_1053 : vector<16xi32>
        %or3A = arith.ori %shift_left3A_1054, %select_n3A_1043 : vector<16xi32>
        %add3A_1055 = arith.addi %select_n3A_402, %select_n3A_1044 : vector<16xi32>
        %swap3A_1056 = arith.constant 0 : index
        %swap3A_1057 = tpu.vector_load %arg13[%swap3A_1056] {strides = array<i32>} : memref<256xi32, #tpu.memory_space<vmem>>, vector<16xi32>,
        tpu.vector_store %arg13[%swap3A_1056], %broadcast_in_dim3A_45 {strides = array<i32>} : memref<256xi32, #tpu.memory_space<vmem>>, vector<16xi32>,
        %swap3A_1058 = arith.constant 16 : index
        %swap3A_1059 = tpu.vector_load %arg13[%swap3A_1058] {strides = array<i32>} : memref<256xi32, #tpu.memory_space<vmem>>, vector<16xi32>,
        tpu.vector_store %arg13[%swap3A_1058], %broadcast_in_dim3A_45 {strides = array<i32>} : memref<256xi32, #tpu.memory_space<vmem>>, vector<16xi32>,
        %swap3A_1060 = arith.constant 32 : index
        %swap3A_1061 = tpu.vector_load %arg13[%swap3A_1060] {strides = array<i32>} : memref<256xi32, #tpu.memory_space<vmem>>, vector<16xi32>,
        tpu.vector_store %arg13[%swap3A_1060], %broadcast_in_dim3A_45 {strides = array<i32>} : memref<256xi32, #tpu.memory_space<vmem>>, vector<16xi32>,
        %swap3A_1062 = arith.constant 48 : index
        %swap3A_1063 = tpu.vector_load %arg13[%swap3A_1062] {strides = array<i32>} : memref<256xi32, #tpu.memory_space<vmem>>, vector<16xi32>,
        tpu.vector_store %arg13[%swap3A_1062], %broadcast_in_dim3A_45 {strides = array<i32>} : memref<256xi32, #tpu.memory_space<vmem>>, vector<16xi32>,
        %swap3A_1064 = arith.constant 64 : index
        %swap3A_1065 = tpu.vector_load %arg13[%swap3A_1064] {strides = array<i32>} : memref<256xi32, #tpu.memory_space<vmem>>, vector<16xi32>,
        tpu.vector_store %arg13[%swap3A_1064], %broadcast_in_dim3A_45 {strides = array<i32>} : memref<256xi32, #tpu.memory_space<vmem>>, vector<16xi32>,
        %swap3A_1066 = arith.constant 80 : index
        %swap3A_1067 = tpu.vector_load %arg13[%swap3A_1066] {strides = array<i32>} : memref<256xi32, #tpu.memory_space<vmem>>, vector<16xi32>,
        tpu.vector_store %arg13[%swap3A_1066], %broadcast_in_dim3A_45 {strides = array<i32>} : memref<256xi32, #tpu.memory_space<vmem>>, vector<16xi32>,
        %swap3A_1068 = arith.constant 96 : index
        %swap3A_1069 = tpu.vector_load %arg13[%swap3A_1068] {strides = array<i32>} : memref<256xi32, #tpu.memory_space<vmem>>, vector<16xi32>,
        tpu.vector_store %arg13[%swap3A_1068], %broadcast_in_dim3A_45 {strides = array<i32>} : memref<256xi32, #tpu.memory_space<vmem>>, vector<16xi32>,
        %swap3A_1070 = arith.constant 112 : index
        %swap3A_1071 = tpu.vector_load %arg13[%swap3A_1070] {strides = array<i32>} : memref<256xi32, #tpu.memory_space<vmem>>, vector<16xi32>,
        tpu.vector_store %arg13[%swap3A_1070], %broadcast_in_dim3A_45 {strides = array<i32>} : memref<256xi32, #tpu.memory_space<vmem>>, vector<16xi32>,
        %swap3A_1072 = arith.constant 128 : index
        %swap3A_1073 = tpu.vector_load %arg13[%swap3A_1072] {strides = array<i32>} : memref<256xi32, #tpu.memory_space<vmem>>, vector<16xi32>,
        tpu.vector_store %arg13[%swap3A_1072], %broadcast_in_dim3A_45 {strides = array<i32>} : memref<256xi32, #tpu.memory_space<vmem>>, vector<16xi32>,
        %swap3A_1074 = arith.constant 144 : index
        %swap3A_1075 = tpu.vector_load %arg13[%swap3A_1074] {strides = array<i32>} : memref<256xi32, #tpu.memory_space<vmem>>, vector<16xi32>,
        tpu.vector_store %arg13[%swap3A_1074], %broadcast_in_dim3A_45 {strides = array<i32>} : memref<256xi32, #tpu.memory_space<vmem>>, vector<16xi32>,
        %swap3A_1076 = arith.constant 160 : index
        %swap3A_1077 = tpu.vector_load %arg13[%swap3A_1076] {strides = array<i32>} : memref<256xi32, #tpu.memory_space<vmem>>, vector<16xi32>,
        tpu.vector_store %arg13[%swap3A_1076], %broadcast_in_dim3A_45 {strides = array<i32>} : memref<256xi32, #tpu.memory_space<vmem>>, vector<16xi32>,
        %swap3A_1078 = arith.constant 176 : index
        %swap3A_1079 = tpu.vector_load %arg13[%swap3A_1078] {strides = array<i32>} : memref<256xi32, #tpu.memory_space<vmem>>, vector<16xi32>,
        tpu.vector_store %arg13[%swap3A_1078], %broadcast_in_dim3A_45 {strides = array<i32>} : memref<256xi32, #tpu.memory_space<vmem>>, vector<16xi32>,
        %swap3A_1080 = arith.constant 192 : index
        %swap3A_1081 = tpu.vector_load %arg13[%swap3A_1080] {strides = array<i32>} : memref<256xi32, #tpu.memory_space<vmem>>, vector<16xi32>,
        tpu.vector_store %arg13[%swap3A_1080], %broadcast_in_dim3A_45 {strides = array<i32>} : memref<256xi32, #tpu.memory_space<vmem>>, vector<16xi32>,
        %swap3A_1082 = arith.constant 208 : index
        %swap3A_1083 = tpu.vector_load %arg13[%swap3A_1082] {strides = array<i32>} : memref<256xi32, #tpu.memory_space<vmem>>, vector<16xi32>,
        tpu.vector_store %arg13[%swap3A_1082], %broadcast_in_dim3A_45 {strides = array<i32>} : memref<256xi32, #tpu.memory_space<vmem>>, vector<16xi32>,
        %swap3A_1084 = arith.constant 224 : index
        %swap3A_1085 = tpu.vector_load %arg13[%swap3A_1084] {strides = array<i32>} : memref<256xi32, #tpu.memory_space<vmem>>, vector<16xi32>,
        tpu.vector_store %arg13[%swap3A_1084], %broadcast_in_dim3A_45 {strides = array<i32>} : memref<256xi32, #tpu.memory_space<vmem>>, vector<16xi32>,
        %swap3A_1086 = arith.constant 240 : index
        %swap3A_1087 = tpu.vector_load %arg13[%swap3A_1086] {strides = array<i32>} : memref<256xi32, #tpu.memory_space<vmem>>, vector<16xi32>,
        tpu.vector_store %arg13[%swap3A_1086], %broadcast_in_dim3A_45 {strides = array<i32>} : memref<256xi32, #tpu.memory_space<vmem>>, vector<16xi32>,
        %scan3A_1088 = arith.constant 0 : i32
        %scan3A_1089 = arith.constant 0 : i32
        %scan3A_1090 = arith.constant 256 : i32
        %scan3A_1091 = arith.addi %scan3A_1089, %scan3A_1090 : i32
        %scan3A_1092 = arith.constant 1 : i32
        scf.for %scan3A_2093 = %scan3A_1089 to %scan3A_1091 step %scan3A_1092  : i32 {
          %mul3A_2094 = arith.constant 16 : i32
          %mul3A_2095 = arith.muli %scan3A_2093, %mul3A_2094 : i32
          %get3A_2096 = arith.index_cast %mul3A_2095 : i32 to index
          %get3A_2097 = tpu.vector_load %arg11[%get3A_2096] {strides = array<i32>} : memref<4096xi32, #tpu.memory_space<vmem>>, vector<16xi32>,
          %shift_right_arithmetic3A = arith.constant 16 : i32
          %shift_right_arithmetic3A_2098 = vector.broadcast %shift_right_arithmetic3A : i32 to vector<16xi32>
          %shift_right_arithmetic3A_2099 = arith.shrsi %get3A_2097, %shift_right_arithmetic3A_2098 : vector<16xi32>
          %eq3A_2100 = arith.cmpi eq, %shift_right_arithmetic3A_2099, %or3A : vector<16xi32>
          %shift_right_arithmetic3A_2101 = arith.constant 8 : i32
          %shift_right_arithmetic3A_2102 = vector.broadcast %shift_right_arithmetic3A_2101 : i32 to vector<16xi32>
          %shift_right_arithmetic3A_2103 = arith.shrsi %get3A_2097, %shift_right_arithmetic3A_2102 : vector<16xi32>
          %and3A_2104 = arith.constant 255 : i32
          %and3A_2105 = vector.broadcast %and3A_2104 : i32 to vector<16xi32>
          %and3A_2106 = arith.andi %shift_right_arithmetic3A_2103, %and3A_2105 : vector<16xi32>
          tpu.vector_store_idx %arg13[%and3A_2106], %broadcast_in_dim3A_0 masked %eq3A_2100 {add = true} : memref<256xi32, #tpu.memory_space<vmem>>[vector<16xi32>], vector<16xi32>, vector<16xi1>
        }
        %scan3A_1093 = arith.constant 256 : i32
        %broadcast_in_dim3A_1094 = arith.constant 32 : i32
        %broadcast_in_dim3A_1095 = vector.broadcast %broadcast_in_dim3A_1094 : i32 to vector<16xi32>
        %sub3A_1096 = arith.subi %broadcast_in_dim3A_1095, %add3A_1055 : vector<16xi32>
        %broadcast_in_dim3A_1097 = arith.constant 0 : i32
        %broadcast_in_dim3A_1098 = vector.broadcast %broadcast_in_dim3A_1097 : i32 to vector<16xi32>
        %broadcast_in_dim3A_1099 = arith.constant 0 : i32
        %broadcast_in_dim3A_1100 = vector.broadcast %broadcast_in_dim3A_1099 : i32 to vector<16xi32>
        %broadcast_in_dim3A_1101 = arith.constant 0 : i32
        %broadcast_in_dim3A_1102 = vector.broadcast %broadcast_in_dim3A_1101 : i32 to vector<16xi32>
        %broadcast_in_dim3A_1103 = arith.constant 0 : i32
        %broadcast_in_dim3A_1104 = vector.broadcast %broadcast_in_dim3A_1103 : i32 to vector<16xi32>
        %iota3A_1105 = tpu.iota {dimensions = array<i32: 0>} : vector<16xi32>
        %get3A_1106 = arith.constant 0 : index
        %get3A_1107 = tpu.vector_load %arg13[%get3A_1106] {strides = array<i32>} : memref<256xi32, #tpu.memory_space<vmem>>, vector<16xi32>,
        %broadcast_in_dim3A_1108 = arith.constant true
        %broadcast_in_dim3A_1109 = vector.broadcast %broadcast_in_dim3A_1108 : i1 to vector<16xi1>
        %masked_cumsum3A_1110 = tpu.scan <sum>, %get3A_1107 masked %broadcast_in_dim3A_1109 : vector<16xi32>, vector<16xi1> -> vector<16xi32>
        %add3A_1111 = arith.addi %masked_cumsum3A_1110, %broadcast_in_dim3A_1098 : vector<16xi32>
        %sub3A_1112 = arith.subi %add3A_1111, %get3A_1107 : vector<16xi32>
        %ge3A_1113 = arith.cmpi sge, %add3A_1111, %sub3A_1096 : vector<16xi32>
        %eq3A_1114 = arith.constant 0 : i32
        %eq3A_1115 = vector.broadcast %eq3A_1114 : i32 to vector<16xi32>
        %eq3A_1116 = arith.cmpi eq, %broadcast_in_dim3A_1100, %eq3A_1115 : vector<16xi32>
        %and3A_1117 = arith.andi %ge3A_1113, %eq3A_1116 : vector<16xi1>
        %all_reduce_ffs3A_1118 = tpu.all_reduce %and3A_1117 {dim = 0 : i64, kind = #tpu.reduction_kind<find_first_set>} : vector<16xi1> -> vector<16xi32>
        %lt3A_1119 = arith.constant 16 : i32
        %lt3A_1120 = vector.broadcast %lt3A_1119 : i32 to vector<16xi32>
        %lt3A_1121 = arith.cmpi slt, %all_reduce_ffs3A_1118, %lt3A_1120 : vector<16xi32>
        %eq3A_1122 = arith.constant 0 : i32
        %eq3A_1123 = vector.broadcast %eq3A_1122 : i32 to vector<16xi32>
        %eq3A_1124 = arith.cmpi eq, %broadcast_in_dim3A_1100, %eq3A_1123 : vector<16xi32>
        %and3A_1125 = arith.andi %lt3A_1121, %eq3A_1124 : vector<16xi1>
        %swap3A_1126 = arith.constant 0 : index
        %swap3A_1127 = tpu.vector_load %arg16[%swap3A_1126] {strides = array<i32>} : memref<16xi32, #tpu.memory_space<vmem>>, vector<16xi32>,
        tpu.vector_store %arg16[%swap3A_1126], %sub3A_1112 {strides = array<i32>} : memref<16xi32, #tpu.memory_space<vmem>>, vector<16xi32>,
        %min3A_1128 = arith.constant 15 : i32
        %min3A_1129 = vector.broadcast %min3A_1128 : i32 to vector<16xi32>
        %min3A_1130 = arith.minsi %all_reduce_ffs3A_1118, %min3A_1129 : vector<16xi32>
        %gather3A_1131 = tpu.vector_load_idx %arg16[%min3A_1130] : memref<16xi32, #tpu.memory_space<vmem>>[vector<16xi32>], vector<16xi32>,
        %add3A_1132 = arith.constant 0 : i32
        %add3A_1133 = vector.broadcast %add3A_1132 : i32 to vector<16xi32>
        %add3A_1134 = arith.addi %add3A_1133, %all_reduce_ffs3A_1118 : vector<16xi32>
        %select_n3A_1135 = arith.select %and3A_1125, %add3A_1134, %broadcast_in_dim3A_1102 : vector<16xi1>, vector<16xi32>
        %select_n3A_1136 = arith.select %and3A_1125, %gather3A_1131, %broadcast_in_dim3A_1104 : vector<16xi1>, vector<16xi32>
        %jit3A_1137 = arith.constant 1 : i32
        %broadcast_in_dim3A_1138 = vector.broadcast %jit3A_1137 : i32 to vector<16xi32>
        %select_n3A_1139 = arith.select %and3A_1125, %broadcast_in_dim3A_1138, %broadcast_in_dim3A_1100 : vector<16xi1>, vector<16xi32>
        %swap3A_1140 = arith.constant 0 : index
        %swap3A_1141 = tpu.vector_load %arg16[%swap3A_1140] {strides = array<i32>} : memref<16xi32, #tpu.memory_space<vmem>>, vector<16xi32>,
        tpu.vector_store %arg16[%swap3A_1140], %add3A_1111 {strides = array<i32>} : memref<16xi32, #tpu.memory_space<vmem>>, vector<16xi32>,
        %broadcast_in_dim3A_1142 = arith.constant 15 : i32
        %broadcast_in_dim3A_1143 = vector.broadcast %broadcast_in_dim3A_1142 : i32 to vector<16xi32>
        %gather3A_1144 = tpu.vector_load_idx %arg16[%broadcast_in_dim3A_1143] : memref<16xi32, #tpu.memory_space<vmem>>[vector<16xi32>], vector<16xi32>,
        %get3A_1145 = arith.constant 16 : index
        %get3A_1146 = tpu.vector_load %arg13[%get3A_1145] {strides = array<i32>} : memref<256xi32, #tpu.memory_space<vmem>>, vector<16xi32>,
        %broadcast_in_dim3A_1147 = arith.constant true
        %broadcast_in_dim3A_1148 = vector.broadcast %broadcast_in_dim3A_1147 : i1 to vector<16xi1>
        %masked_cumsum3A_1149 = tpu.scan <sum>, %get3A_1146 masked %broadcast_in_dim3A_1148 : vector<16xi32>, vector<16xi1> -> vector<16xi32>
        %add3A_1150 = arith.addi %masked_cumsum3A_1149, %gather3A_1144 : vector<16xi32>
        %sub3A_1151 = arith.subi %add3A_1150, %get3A_1146 : vector<16xi32>
        %ge3A_1152 = arith.cmpi sge, %add3A_1150, %sub3A_1096 : vector<16xi32>
        %eq3A_1153 = arith.constant 0 : i32
        %eq3A_1154 = vector.broadcast %eq3A_1153 : i32 to vector<16xi32>
        %eq3A_1155 = arith.cmpi eq, %select_n3A_1139, %eq3A_1154 : vector<16xi32>
        %and3A_1156 = arith.andi %ge3A_1152, %eq3A_1155 : vector<16xi1>
        %all_reduce_ffs3A_1157 = tpu.all_reduce %and3A_1156 {dim = 0 : i64, kind = #tpu.reduction_kind<find_first_set>} : vector<16xi1> -> vector<16xi32>
        %lt3A_1158 = arith.constant 16 : i32
        %lt3A_1159 = vector.broadcast %lt3A_1158 : i32 to vector<16xi32>
        %lt3A_1160 = arith.cmpi slt, %all_reduce_ffs3A_1157, %lt3A_1159 : vector<16xi32>
        %eq3A_1161 = arith.constant 0 : i32
        %eq3A_1162 = vector.broadcast %eq3A_1161 : i32 to vector<16xi32>
        %eq3A_1163 = arith.cmpi eq, %select_n3A_1139, %eq3A_1162 : vector<16xi32>
        %and3A_1164 = arith.andi %lt3A_1160, %eq3A_1163 : vector<16xi1>
        %swap3A_1165 = arith.constant 0 : index
        %swap3A_1166 = tpu.vector_load %arg16[%swap3A_1165] {strides = array<i32>} : memref<16xi32, #tpu.memory_space<vmem>>, vector<16xi32>,
        tpu.vector_store %arg16[%swap3A_1165], %sub3A_1151 {strides = array<i32>} : memref<16xi32, #tpu.memory_space<vmem>>, vector<16xi32>,
        %min3A_1167 = arith.constant 15 : i32
        %min3A_1168 = vector.broadcast %min3A_1167 : i32 to vector<16xi32>
        %min3A_1169 = arith.minsi %all_reduce_ffs3A_1157, %min3A_1168 : vector<16xi32>
        %gather3A_1170 = tpu.vector_load_idx %arg16[%min3A_1169] : memref<16xi32, #tpu.memory_space<vmem>>[vector<16xi32>], vector<16xi32>,
        %add3A_1171 = arith.constant 16 : i32
        %add3A_1172 = vector.broadcast %add3A_1171 : i32 to vector<16xi32>
        %add3A_1173 = arith.addi %add3A_1172, %all_reduce_ffs3A_1157 : vector<16xi32>
        %select_n3A_1174 = arith.select %and3A_1164, %add3A_1173, %select_n3A_1135 : vector<16xi1>, vector<16xi32>
        %select_n3A_1175 = arith.select %and3A_1164, %gather3A_1170, %select_n3A_1136 : vector<16xi1>, vector<16xi32>
        %jit3A_1176 = arith.constant 1 : i32
        %broadcast_in_dim3A_1177 = vector.broadcast %jit3A_1176 : i32 to vector<16xi32>
        %select_n3A_1178 = arith.select %and3A_1164, %broadcast_in_dim3A_1177, %select_n3A_1139 : vector<16xi1>, vector<16xi32>
        %swap3A_1179 = arith.constant 0 : index
        %swap3A_1180 = tpu.vector_load %arg16[%swap3A_1179] {strides = array<i32>} : memref<16xi32, #tpu.memory_space<vmem>>, vector<16xi32>,
        tpu.vector_store %arg16[%swap3A_1179], %add3A_1150 {strides = array<i32>} : memref<16xi32, #tpu.memory_space<vmem>>, vector<16xi32>,
        %broadcast_in_dim3A_1181 = arith.constant 15 : i32
        %broadcast_in_dim3A_1182 = vector.broadcast %broadcast_in_dim3A_1181 : i32 to vector<16xi32>
        %gather3A_1183 = tpu.vector_load_idx %arg16[%broadcast_in_dim3A_1182] : memref<16xi32, #tpu.memory_space<vmem>>[vector<16xi32>], vector<16xi32>,
        %get3A_1184 = arith.constant 32 : index
        %get3A_1185 = tpu.vector_load %arg13[%get3A_1184] {strides = array<i32>} : memref<256xi32, #tpu.memory_space<vmem>>, vector<16xi32>,
        %broadcast_in_dim3A_1186 = arith.constant true
        %broadcast_in_dim3A_1187 = vector.broadcast %broadcast_in_dim3A_1186 : i1 to vector<16xi1>
        %masked_cumsum3A_1188 = tpu.scan <sum>, %get3A_1185 masked %broadcast_in_dim3A_1187 : vector<16xi32>, vector<16xi1> -> vector<16xi32>
        %add3A_1189 = arith.addi %masked_cumsum3A_1188, %gather3A_1183 : vector<16xi32>
        %sub3A_1190 = arith.subi %add3A_1189, %get3A_1185 : vector<16xi32>
        %ge3A_1191 = arith.cmpi sge, %add3A_1189, %sub3A_1096 : vector<16xi32>
        %eq3A_1192 = arith.constant 0 : i32
        %eq3A_1193 = vector.broadcast %eq3A_1192 : i32 to vector<16xi32>
        %eq3A_1194 = arith.cmpi eq, %select_n3A_1178, %eq3A_1193 : vector<16xi32>
        %and3A_1195 = arith.andi %ge3A_1191, %eq3A_1194 : vector<16xi1>
        %all_reduce_ffs3A_1196 = tpu.all_reduce %and3A_1195 {dim = 0 : i64, kind = #tpu.reduction_kind<find_first_set>} : vector<16xi1> -> vector<16xi32>
        %lt3A_1197 = arith.constant 16 : i32
        %lt3A_1198 = vector.broadcast %lt3A_1197 : i32 to vector<16xi32>
        %lt3A_1199 = arith.cmpi slt, %all_reduce_ffs3A_1196, %lt3A_1198 : vector<16xi32>
        %eq3A_1200 = arith.constant 0 : i32
        %eq3A_1201 = vector.broadcast %eq3A_1200 : i32 to vector<16xi32>
        %eq3A_1202 = arith.cmpi eq, %select_n3A_1178, %eq3A_1201 : vector<16xi32>
        %and3A_1203 = arith.andi %lt3A_1199, %eq3A_1202 : vector<16xi1>
        %swap3A_1204 = arith.constant 0 : index
        %swap3A_1205 = tpu.vector_load %arg16[%swap3A_1204] {strides = array<i32>} : memref<16xi32, #tpu.memory_space<vmem>>, vector<16xi32>,
        tpu.vector_store %arg16[%swap3A_1204], %sub3A_1190 {strides = array<i32>} : memref<16xi32, #tpu.memory_space<vmem>>, vector<16xi32>,
        %min3A_1206 = arith.constant 15 : i32
        %min3A_1207 = vector.broadcast %min3A_1206 : i32 to vector<16xi32>
        %min3A_1208 = arith.minsi %all_reduce_ffs3A_1196, %min3A_1207 : vector<16xi32>
        %gather3A_1209 = tpu.vector_load_idx %arg16[%min3A_1208] : memref<16xi32, #tpu.memory_space<vmem>>[vector<16xi32>], vector<16xi32>,
        %add3A_1210 = arith.constant 32 : i32
        %add3A_1211 = vector.broadcast %add3A_1210 : i32 to vector<16xi32>
        %add3A_1212 = arith.addi %add3A_1211, %all_reduce_ffs3A_1196 : vector<16xi32>
        %select_n3A_1213 = arith.select %and3A_1203, %add3A_1212, %select_n3A_1174 : vector<16xi1>, vector<16xi32>
        %select_n3A_1214 = arith.select %and3A_1203, %gather3A_1209, %select_n3A_1175 : vector<16xi1>, vector<16xi32>
        %jit3A_1215 = arith.constant 1 : i32
        %broadcast_in_dim3A_1216 = vector.broadcast %jit3A_1215 : i32 to vector<16xi32>
        %select_n3A_1217 = arith.select %and3A_1203, %broadcast_in_dim3A_1216, %select_n3A_1178 : vector<16xi1>, vector<16xi32>
        %swap3A_1218 = arith.constant 0 : index
        %swap3A_1219 = tpu.vector_load %arg16[%swap3A_1218] {strides = array<i32>} : memref<16xi32, #tpu.memory_space<vmem>>, vector<16xi32>,
        tpu.vector_store %arg16[%swap3A_1218], %add3A_1189 {strides = array<i32>} : memref<16xi32, #tpu.memory_space<vmem>>, vector<16xi32>,
        %broadcast_in_dim3A_1220 = arith.constant 15 : i32
        %broadcast_in_dim3A_1221 = vector.broadcast %broadcast_in_dim3A_1220 : i32 to vector<16xi32>
        %gather3A_1222 = tpu.vector_load_idx %arg16[%broadcast_in_dim3A_1221] : memref<16xi32, #tpu.memory_space<vmem>>[vector<16xi32>], vector<16xi32>,
        %get3A_1223 = arith.constant 48 : index
        %get3A_1224 = tpu.vector_load %arg13[%get3A_1223] {strides = array<i32>} : memref<256xi32, #tpu.memory_space<vmem>>, vector<16xi32>,
        %broadcast_in_dim3A_1225 = arith.constant true
        %broadcast_in_dim3A_1226 = vector.broadcast %broadcast_in_dim3A_1225 : i1 to vector<16xi1>
        %masked_cumsum3A_1227 = tpu.scan <sum>, %get3A_1224 masked %broadcast_in_dim3A_1226 : vector<16xi32>, vector<16xi1> -> vector<16xi32>
        %add3A_1228 = arith.addi %masked_cumsum3A_1227, %gather3A_1222 : vector<16xi32>
        %sub3A_1229 = arith.subi %add3A_1228, %get3A_1224 : vector<16xi32>
        %ge3A_1230 = arith.cmpi sge, %add3A_1228, %sub3A_1096 : vector<16xi32>
        %eq3A_1231 = arith.constant 0 : i32
        %eq3A_1232 = vector.broadcast %eq3A_1231 : i32 to vector<16xi32>
        %eq3A_1233 = arith.cmpi eq, %select_n3A_1217, %eq3A_1232 : vector<16xi32>
        %and3A_1234 = arith.andi %ge3A_1230, %eq3A_1233 : vector<16xi1>
        %all_reduce_ffs3A_1235 = tpu.all_reduce %and3A_1234 {dim = 0 : i64, kind = #tpu.reduction_kind<find_first_set>} : vector<16xi1> -> vector<16xi32>
        %lt3A_1236 = arith.constant 16 : i32
        %lt3A_1237 = vector.broadcast %lt3A_1236 : i32 to vector<16xi32>
        %lt3A_1238 = arith.cmpi slt, %all_reduce_ffs3A_1235, %lt3A_1237 : vector<16xi32>
        %eq3A_1239 = arith.constant 0 : i32
        %eq3A_1240 = vector.broadcast %eq3A_1239 : i32 to vector<16xi32>
        %eq3A_1241 = arith.cmpi eq, %select_n3A_1217, %eq3A_1240 : vector<16xi32>
        %and3A_1242 = arith.andi %lt3A_1238, %eq3A_1241 : vector<16xi1>
        %swap3A_1243 = arith.constant 0 : index
        %swap3A_1244 = tpu.vector_load %arg16[%swap3A_1243] {strides = array<i32>} : memref<16xi32, #tpu.memory_space<vmem>>, vector<16xi32>,
        tpu.vector_store %arg16[%swap3A_1243], %sub3A_1229 {strides = array<i32>} : memref<16xi32, #tpu.memory_space<vmem>>, vector<16xi32>,
        %min3A_1245 = arith.constant 15 : i32
        %min3A_1246 = vector.broadcast %min3A_1245 : i32 to vector<16xi32>
        %min3A_1247 = arith.minsi %all_reduce_ffs3A_1235, %min3A_1246 : vector<16xi32>
        %gather3A_1248 = tpu.vector_load_idx %arg16[%min3A_1247] : memref<16xi32, #tpu.memory_space<vmem>>[vector<16xi32>], vector<16xi32>,
        %add3A_1249 = arith.constant 48 : i32
        %add3A_1250 = vector.broadcast %add3A_1249 : i32 to vector<16xi32>
        %add3A_1251 = arith.addi %add3A_1250, %all_reduce_ffs3A_1235 : vector<16xi32>
        %select_n3A_1252 = arith.select %and3A_1242, %add3A_1251, %select_n3A_1213 : vector<16xi1>, vector<16xi32>
        %select_n3A_1253 = arith.select %and3A_1242, %gather3A_1248, %select_n3A_1214 : vector<16xi1>, vector<16xi32>
        %jit3A_1254 = arith.constant 1 : i32
        %broadcast_in_dim3A_1255 = vector.broadcast %jit3A_1254 : i32 to vector<16xi32>
        %select_n3A_1256 = arith.select %and3A_1242, %broadcast_in_dim3A_1255, %select_n3A_1217 : vector<16xi1>, vector<16xi32>
        %swap3A_1257 = arith.constant 0 : index
        %swap3A_1258 = tpu.vector_load %arg16[%swap3A_1257] {strides = array<i32>} : memref<16xi32, #tpu.memory_space<vmem>>, vector<16xi32>,
        tpu.vector_store %arg16[%swap3A_1257], %add3A_1228 {strides = array<i32>} : memref<16xi32, #tpu.memory_space<vmem>>, vector<16xi32>,
        %broadcast_in_dim3A_1259 = arith.constant 15 : i32
        %broadcast_in_dim3A_1260 = vector.broadcast %broadcast_in_dim3A_1259 : i32 to vector<16xi32>
        %gather3A_1261 = tpu.vector_load_idx %arg16[%broadcast_in_dim3A_1260] : memref<16xi32, #tpu.memory_space<vmem>>[vector<16xi32>], vector<16xi32>,
        %get3A_1262 = arith.constant 64 : index
        %get3A_1263 = tpu.vector_load %arg13[%get3A_1262] {strides = array<i32>} : memref<256xi32, #tpu.memory_space<vmem>>, vector<16xi32>,
        %broadcast_in_dim3A_1264 = arith.constant true
        %broadcast_in_dim3A_1265 = vector.broadcast %broadcast_in_dim3A_1264 : i1 to vector<16xi1>
        %masked_cumsum3A_1266 = tpu.scan <sum>, %get3A_1263 masked %broadcast_in_dim3A_1265 : vector<16xi32>, vector<16xi1> -> vector<16xi32>
        %add3A_1267 = arith.addi %masked_cumsum3A_1266, %gather3A_1261 : vector<16xi32>
        %sub3A_1268 = arith.subi %add3A_1267, %get3A_1263 : vector<16xi32>
        %ge3A_1269 = arith.cmpi sge, %add3A_1267, %sub3A_1096 : vector<16xi32>
        %eq3A_1270 = arith.constant 0 : i32
        %eq3A_1271 = vector.broadcast %eq3A_1270 : i32 to vector<16xi32>
        %eq3A_1272 = arith.cmpi eq, %select_n3A_1256, %eq3A_1271 : vector<16xi32>
        %and3A_1273 = arith.andi %ge3A_1269, %eq3A_1272 : vector<16xi1>
        %all_reduce_ffs3A_1274 = tpu.all_reduce %and3A_1273 {dim = 0 : i64, kind = #tpu.reduction_kind<find_first_set>} : vector<16xi1> -> vector<16xi32>
        %lt3A_1275 = arith.constant 16 : i32
        %lt3A_1276 = vector.broadcast %lt3A_1275 : i32 to vector<16xi32>
        %lt3A_1277 = arith.cmpi slt, %all_reduce_ffs3A_1274, %lt3A_1276 : vector<16xi32>
        %eq3A_1278 = arith.constant 0 : i32
        %eq3A_1279 = vector.broadcast %eq3A_1278 : i32 to vector<16xi32>
        %eq3A_1280 = arith.cmpi eq, %select_n3A_1256, %eq3A_1279 : vector<16xi32>
        %and3A_1281 = arith.andi %lt3A_1277, %eq3A_1280 : vector<16xi1>
        %swap3A_1282 = arith.constant 0 : index
        %swap3A_1283 = tpu.vector_load %arg16[%swap3A_1282] {strides = array<i32>} : memref<16xi32, #tpu.memory_space<vmem>>, vector<16xi32>,
        tpu.vector_store %arg16[%swap3A_1282], %sub3A_1268 {strides = array<i32>} : memref<16xi32, #tpu.memory_space<vmem>>, vector<16xi32>,
        %min3A_1284 = arith.constant 15 : i32
        %min3A_1285 = vector.broadcast %min3A_1284 : i32 to vector<16xi32>
        %min3A_1286 = arith.minsi %all_reduce_ffs3A_1274, %min3A_1285 : vector<16xi32>
        %gather3A_1287 = tpu.vector_load_idx %arg16[%min3A_1286] : memref<16xi32, #tpu.memory_space<vmem>>[vector<16xi32>], vector<16xi32>,
        %add3A_1288 = arith.constant 64 : i32
        %add3A_1289 = vector.broadcast %add3A_1288 : i32 to vector<16xi32>
        %add3A_1290 = arith.addi %add3A_1289, %all_reduce_ffs3A_1274 : vector<16xi32>
        %select_n3A_1291 = arith.select %and3A_1281, %add3A_1290, %select_n3A_1252 : vector<16xi1>, vector<16xi32>
        %select_n3A_1292 = arith.select %and3A_1281, %gather3A_1287, %select_n3A_1253 : vector<16xi1>, vector<16xi32>
        %jit3A_1293 = arith.constant 1 : i32
        %broadcast_in_dim3A_1294 = vector.broadcast %jit3A_1293 : i32 to vector<16xi32>
        %select_n3A_1295 = arith.select %and3A_1281, %broadcast_in_dim3A_1294, %select_n3A_1256 : vector<16xi1>, vector<16xi32>
        %swap3A_1296 = arith.constant 0 : index
        %swap3A_1297 = tpu.vector_load %arg16[%swap3A_1296] {strides = array<i32>} : memref<16xi32, #tpu.memory_space<vmem>>, vector<16xi32>,
        tpu.vector_store %arg16[%swap3A_1296], %add3A_1267 {strides = array<i32>} : memref<16xi32, #tpu.memory_space<vmem>>, vector<16xi32>,
        %broadcast_in_dim3A_1298 = arith.constant 15 : i32
        %broadcast_in_dim3A_1299 = vector.broadcast %broadcast_in_dim3A_1298 : i32 to vector<16xi32>
        %gather3A_1300 = tpu.vector_load_idx %arg16[%broadcast_in_dim3A_1299] : memref<16xi32, #tpu.memory_space<vmem>>[vector<16xi32>], vector<16xi32>,
        %get3A_1301 = arith.constant 80 : index
        %get3A_1302 = tpu.vector_load %arg13[%get3A_1301] {strides = array<i32>} : memref<256xi32, #tpu.memory_space<vmem>>, vector<16xi32>,
        %broadcast_in_dim3A_1303 = arith.constant true
        %broadcast_in_dim3A_1304 = vector.broadcast %broadcast_in_dim3A_1303 : i1 to vector<16xi1>
        %masked_cumsum3A_1305 = tpu.scan <sum>, %get3A_1302 masked %broadcast_in_dim3A_1304 : vector<16xi32>, vector<16xi1> -> vector<16xi32>
        %add3A_1306 = arith.addi %masked_cumsum3A_1305, %gather3A_1300 : vector<16xi32>
        %sub3A_1307 = arith.subi %add3A_1306, %get3A_1302 : vector<16xi32>
        %ge3A_1308 = arith.cmpi sge, %add3A_1306, %sub3A_1096 : vector<16xi32>
        %eq3A_1309 = arith.constant 0 : i32
        %eq3A_1310 = vector.broadcast %eq3A_1309 : i32 to vector<16xi32>
        %eq3A_1311 = arith.cmpi eq, %select_n3A_1295, %eq3A_1310 : vector<16xi32>
        %and3A_1312 = arith.andi %ge3A_1308, %eq3A_1311 : vector<16xi1>
        %all_reduce_ffs3A_1313 = tpu.all_reduce %and3A_1312 {dim = 0 : i64, kind = #tpu.reduction_kind<find_first_set>} : vector<16xi1> -> vector<16xi32>
        %lt3A_1314 = arith.constant 16 : i32
        %lt3A_1315 = vector.broadcast %lt3A_1314 : i32 to vector<16xi32>
        %lt3A_1316 = arith.cmpi slt, %all_reduce_ffs3A_1313, %lt3A_1315 : vector<16xi32>
        %eq3A_1317 = arith.constant 0 : i32
        %eq3A_1318 = vector.broadcast %eq3A_1317 : i32 to vector<16xi32>
        %eq3A_1319 = arith.cmpi eq, %select_n3A_1295, %eq3A_1318 : vector<16xi32>
        %and3A_1320 = arith.andi %lt3A_1316, %eq3A_1319 : vector<16xi1>
        %swap3A_1321 = arith.constant 0 : index
        %swap3A_1322 = tpu.vector_load %arg16[%swap3A_1321] {strides = array<i32>} : memref<16xi32, #tpu.memory_space<vmem>>, vector<16xi32>,
        tpu.vector_store %arg16[%swap3A_1321], %sub3A_1307 {strides = array<i32>} : memref<16xi32, #tpu.memory_space<vmem>>, vector<16xi32>,
        %min3A_1323 = arith.constant 15 : i32
        %min3A_1324 = vector.broadcast %min3A_1323 : i32 to vector<16xi32>
        %min3A_1325 = arith.minsi %all_reduce_ffs3A_1313, %min3A_1324 : vector<16xi32>
        %gather3A_1326 = tpu.vector_load_idx %arg16[%min3A_1325] : memref<16xi32, #tpu.memory_space<vmem>>[vector<16xi32>], vector<16xi32>,
        %add3A_1327 = arith.constant 80 : i32
        %add3A_1328 = vector.broadcast %add3A_1327 : i32 to vector<16xi32>
        %add3A_1329 = arith.addi %add3A_1328, %all_reduce_ffs3A_1313 : vector<16xi32>
        %select_n3A_1330 = arith.select %and3A_1320, %add3A_1329, %select_n3A_1291 : vector<16xi1>, vector<16xi32>
        %select_n3A_1331 = arith.select %and3A_1320, %gather3A_1326, %select_n3A_1292 : vector<16xi1>, vector<16xi32>
        %jit3A_1332 = arith.constant 1 : i32
        %broadcast_in_dim3A_1333 = vector.broadcast %jit3A_1332 : i32 to vector<16xi32>
        %select_n3A_1334 = arith.select %and3A_1320, %broadcast_in_dim3A_1333, %select_n3A_1295 : vector<16xi1>, vector<16xi32>
        %swap3A_1335 = arith.constant 0 : index
        %swap3A_1336 = tpu.vector_load %arg16[%swap3A_1335] {strides = array<i32>} : memref<16xi32, #tpu.memory_space<vmem>>, vector<16xi32>,
        tpu.vector_store %arg16[%swap3A_1335], %add3A_1306 {strides = array<i32>} : memref<16xi32, #tpu.memory_space<vmem>>, vector<16xi32>,
        %broadcast_in_dim3A_1337 = arith.constant 15 : i32
        %broadcast_in_dim3A_1338 = vector.broadcast %broadcast_in_dim3A_1337 : i32 to vector<16xi32>
        %gather3A_1339 = tpu.vector_load_idx %arg16[%broadcast_in_dim3A_1338] : memref<16xi32, #tpu.memory_space<vmem>>[vector<16xi32>], vector<16xi32>,
        %get3A_1340 = arith.constant 96 : index
        %get3A_1341 = tpu.vector_load %arg13[%get3A_1340] {strides = array<i32>} : memref<256xi32, #tpu.memory_space<vmem>>, vector<16xi32>,
        %broadcast_in_dim3A_1342 = arith.constant true
        %broadcast_in_dim3A_1343 = vector.broadcast %broadcast_in_dim3A_1342 : i1 to vector<16xi1>
        %masked_cumsum3A_1344 = tpu.scan <sum>, %get3A_1341 masked %broadcast_in_dim3A_1343 : vector<16xi32>, vector<16xi1> -> vector<16xi32>
        %add3A_1345 = arith.addi %masked_cumsum3A_1344, %gather3A_1339 : vector<16xi32>
        %sub3A_1346 = arith.subi %add3A_1345, %get3A_1341 : vector<16xi32>
        %ge3A_1347 = arith.cmpi sge, %add3A_1345, %sub3A_1096 : vector<16xi32>
        %eq3A_1348 = arith.constant 0 : i32
        %eq3A_1349 = vector.broadcast %eq3A_1348 : i32 to vector<16xi32>
        %eq3A_1350 = arith.cmpi eq, %select_n3A_1334, %eq3A_1349 : vector<16xi32>
        %and3A_1351 = arith.andi %ge3A_1347, %eq3A_1350 : vector<16xi1>
        %all_reduce_ffs3A_1352 = tpu.all_reduce %and3A_1351 {dim = 0 : i64, kind = #tpu.reduction_kind<find_first_set>} : vector<16xi1> -> vector<16xi32>
        %lt3A_1353 = arith.constant 16 : i32
        %lt3A_1354 = vector.broadcast %lt3A_1353 : i32 to vector<16xi32>
        %lt3A_1355 = arith.cmpi slt, %all_reduce_ffs3A_1352, %lt3A_1354 : vector<16xi32>
        %eq3A_1356 = arith.constant 0 : i32
        %eq3A_1357 = vector.broadcast %eq3A_1356 : i32 to vector<16xi32>
        %eq3A_1358 = arith.cmpi eq, %select_n3A_1334, %eq3A_1357 : vector<16xi32>
        %and3A_1359 = arith.andi %lt3A_1355, %eq3A_1358 : vector<16xi1>
        %swap3A_1360 = arith.constant 0 : index
        %swap3A_1361 = tpu.vector_load %arg16[%swap3A_1360] {strides = array<i32>} : memref<16xi32, #tpu.memory_space<vmem>>, vector<16xi32>,
        tpu.vector_store %arg16[%swap3A_1360], %sub3A_1346 {strides = array<i32>} : memref<16xi32, #tpu.memory_space<vmem>>, vector<16xi32>,
        %min3A_1362 = arith.constant 15 : i32
        %min3A_1363 = vector.broadcast %min3A_1362 : i32 to vector<16xi32>
        %min3A_1364 = arith.minsi %all_reduce_ffs3A_1352, %min3A_1363 : vector<16xi32>
        %gather3A_1365 = tpu.vector_load_idx %arg16[%min3A_1364] : memref<16xi32, #tpu.memory_space<vmem>>[vector<16xi32>], vector<16xi32>,
        %add3A_1366 = arith.constant 96 : i32
        %add3A_1367 = vector.broadcast %add3A_1366 : i32 to vector<16xi32>
        %add3A_1368 = arith.addi %add3A_1367, %all_reduce_ffs3A_1352 : vector<16xi32>
        %select_n3A_1369 = arith.select %and3A_1359, %add3A_1368, %select_n3A_1330 : vector<16xi1>, vector<16xi32>
        %select_n3A_1370 = arith.select %and3A_1359, %gather3A_1365, %select_n3A_1331 : vector<16xi1>, vector<16xi32>
        %jit3A_1371 = arith.constant 1 : i32
        %broadcast_in_dim3A_1372 = vector.broadcast %jit3A_1371 : i32 to vector<16xi32>
        %select_n3A_1373 = arith.select %and3A_1359, %broadcast_in_dim3A_1372, %select_n3A_1334 : vector<16xi1>, vector<16xi32>
        %swap3A_1374 = arith.constant 0 : index
        %swap3A_1375 = tpu.vector_load %arg16[%swap3A_1374] {strides = array<i32>} : memref<16xi32, #tpu.memory_space<vmem>>, vector<16xi32>,
        tpu.vector_store %arg16[%swap3A_1374], %add3A_1345 {strides = array<i32>} : memref<16xi32, #tpu.memory_space<vmem>>, vector<16xi32>,
        %broadcast_in_dim3A_1376 = arith.constant 15 : i32
        %broadcast_in_dim3A_1377 = vector.broadcast %broadcast_in_dim3A_1376 : i32 to vector<16xi32>
        %gather3A_1378 = tpu.vector_load_idx %arg16[%broadcast_in_dim3A_1377] : memref<16xi32, #tpu.memory_space<vmem>>[vector<16xi32>], vector<16xi32>,
        %get3A_1379 = arith.constant 112 : index
        %get3A_1380 = tpu.vector_load %arg13[%get3A_1379] {strides = array<i32>} : memref<256xi32, #tpu.memory_space<vmem>>, vector<16xi32>,
        %broadcast_in_dim3A_1381 = arith.constant true
        %broadcast_in_dim3A_1382 = vector.broadcast %broadcast_in_dim3A_1381 : i1 to vector<16xi1>
        %masked_cumsum3A_1383 = tpu.scan <sum>, %get3A_1380 masked %broadcast_in_dim3A_1382 : vector<16xi32>, vector<16xi1> -> vector<16xi32>
        %add3A_1384 = arith.addi %masked_cumsum3A_1383, %gather3A_1378 : vector<16xi32>
        %sub3A_1385 = arith.subi %add3A_1384, %get3A_1380 : vector<16xi32>
        %ge3A_1386 = arith.cmpi sge, %add3A_1384, %sub3A_1096 : vector<16xi32>
        %eq3A_1387 = arith.constant 0 : i32
        %eq3A_1388 = vector.broadcast %eq3A_1387 : i32 to vector<16xi32>
        %eq3A_1389 = arith.cmpi eq, %select_n3A_1373, %eq3A_1388 : vector<16xi32>
        %and3A_1390 = arith.andi %ge3A_1386, %eq3A_1389 : vector<16xi1>
        %all_reduce_ffs3A_1391 = tpu.all_reduce %and3A_1390 {dim = 0 : i64, kind = #tpu.reduction_kind<find_first_set>} : vector<16xi1> -> vector<16xi32>
        %lt3A_1392 = arith.constant 16 : i32
        %lt3A_1393 = vector.broadcast %lt3A_1392 : i32 to vector<16xi32>
        %lt3A_1394 = arith.cmpi slt, %all_reduce_ffs3A_1391, %lt3A_1393 : vector<16xi32>
        %eq3A_1395 = arith.constant 0 : i32
        %eq3A_1396 = vector.broadcast %eq3A_1395 : i32 to vector<16xi32>
        %eq3A_1397 = arith.cmpi eq, %select_n3A_1373, %eq3A_1396 : vector<16xi32>
        %and3A_1398 = arith.andi %lt3A_1394, %eq3A_1397 : vector<16xi1>
        %swap3A_1399 = arith.constant 0 : index
        %swap3A_1400 = tpu.vector_load %arg16[%swap3A_1399] {strides = array<i32>} : memref<16xi32, #tpu.memory_space<vmem>>, vector<16xi32>,
        tpu.vector_store %arg16[%swap3A_1399], %sub3A_1385 {strides = array<i32>} : memref<16xi32, #tpu.memory_space<vmem>>, vector<16xi32>,
        %min3A_1401 = arith.constant 15 : i32
        %min3A_1402 = vector.broadcast %min3A_1401 : i32 to vector<16xi32>
        %min3A_1403 = arith.minsi %all_reduce_ffs3A_1391, %min3A_1402 : vector<16xi32>
        %gather3A_1404 = tpu.vector_load_idx %arg16[%min3A_1403] : memref<16xi32, #tpu.memory_space<vmem>>[vector<16xi32>], vector<16xi32>,
        %add3A_1405 = arith.constant 112 : i32
        %add3A_1406 = vector.broadcast %add3A_1405 : i32 to vector<16xi32>
        %add3A_1407 = arith.addi %add3A_1406, %all_reduce_ffs3A_1391 : vector<16xi32>
        %select_n3A_1408 = arith.select %and3A_1398, %add3A_1407, %select_n3A_1369 : vector<16xi1>, vector<16xi32>
        %select_n3A_1409 = arith.select %and3A_1398, %gather3A_1404, %select_n3A_1370 : vector<16xi1>, vector<16xi32>
        %jit3A_1410 = arith.constant 1 : i32
        %broadcast_in_dim3A_1411 = vector.broadcast %jit3A_1410 : i32 to vector<16xi32>
        %select_n3A_1412 = arith.select %and3A_1398, %broadcast_in_dim3A_1411, %select_n3A_1373 : vector<16xi1>, vector<16xi32>
        %swap3A_1413 = arith.constant 0 : index
        %swap3A_1414 = tpu.vector_load %arg16[%swap3A_1413] {strides = array<i32>} : memref<16xi32, #tpu.memory_space<vmem>>, vector<16xi32>,
        tpu.vector_store %arg16[%swap3A_1413], %add3A_1384 {strides = array<i32>} : memref<16xi32, #tpu.memory_space<vmem>>, vector<16xi32>,
        %broadcast_in_dim3A_1415 = arith.constant 15 : i32
        %broadcast_in_dim3A_1416 = vector.broadcast %broadcast_in_dim3A_1415 : i32 to vector<16xi32>
        %gather3A_1417 = tpu.vector_load_idx %arg16[%broadcast_in_dim3A_1416] : memref<16xi32, #tpu.memory_space<vmem>>[vector<16xi32>], vector<16xi32>,
        %get3A_1418 = arith.constant 128 : index
        %get3A_1419 = tpu.vector_load %arg13[%get3A_1418] {strides = array<i32>} : memref<256xi32, #tpu.memory_space<vmem>>, vector<16xi32>,
        %broadcast_in_dim3A_1420 = arith.constant true
        %broadcast_in_dim3A_1421 = vector.broadcast %broadcast_in_dim3A_1420 : i1 to vector<16xi1>
        %masked_cumsum3A_1422 = tpu.scan <sum>, %get3A_1419 masked %broadcast_in_dim3A_1421 : vector<16xi32>, vector<16xi1> -> vector<16xi32>
        %add3A_1423 = arith.addi %masked_cumsum3A_1422, %gather3A_1417 : vector<16xi32>
        %sub3A_1424 = arith.subi %add3A_1423, %get3A_1419 : vector<16xi32>
        %ge3A_1425 = arith.cmpi sge, %add3A_1423, %sub3A_1096 : vector<16xi32>
        %eq3A_1426 = arith.constant 0 : i32
        %eq3A_1427 = vector.broadcast %eq3A_1426 : i32 to vector<16xi32>
        %eq3A_1428 = arith.cmpi eq, %select_n3A_1412, %eq3A_1427 : vector<16xi32>
        %and3A_1429 = arith.andi %ge3A_1425, %eq3A_1428 : vector<16xi1>
        %all_reduce_ffs3A_1430 = tpu.all_reduce %and3A_1429 {dim = 0 : i64, kind = #tpu.reduction_kind<find_first_set>} : vector<16xi1> -> vector<16xi32>
        %lt3A_1431 = arith.constant 16 : i32
        %lt3A_1432 = vector.broadcast %lt3A_1431 : i32 to vector<16xi32>
        %lt3A_1433 = arith.cmpi slt, %all_reduce_ffs3A_1430, %lt3A_1432 : vector<16xi32>
        %eq3A_1434 = arith.constant 0 : i32
        %eq3A_1435 = vector.broadcast %eq3A_1434 : i32 to vector<16xi32>
        %eq3A_1436 = arith.cmpi eq, %select_n3A_1412, %eq3A_1435 : vector<16xi32>
        %and3A_1437 = arith.andi %lt3A_1433, %eq3A_1436 : vector<16xi1>
        %swap3A_1438 = arith.constant 0 : index
        %swap3A_1439 = tpu.vector_load %arg16[%swap3A_1438] {strides = array<i32>} : memref<16xi32, #tpu.memory_space<vmem>>, vector<16xi32>,
        tpu.vector_store %arg16[%swap3A_1438], %sub3A_1424 {strides = array<i32>} : memref<16xi32, #tpu.memory_space<vmem>>, vector<16xi32>,
        %min3A_1440 = arith.constant 15 : i32
        %min3A_1441 = vector.broadcast %min3A_1440 : i32 to vector<16xi32>
        %min3A_1442 = arith.minsi %all_reduce_ffs3A_1430, %min3A_1441 : vector<16xi32>
        %gather3A_1443 = tpu.vector_load_idx %arg16[%min3A_1442] : memref<16xi32, #tpu.memory_space<vmem>>[vector<16xi32>], vector<16xi32>,
        %add3A_1444 = arith.constant 128 : i32
        %add3A_1445 = vector.broadcast %add3A_1444 : i32 to vector<16xi32>
        %add3A_1446 = arith.addi %add3A_1445, %all_reduce_ffs3A_1430 : vector<16xi32>
        %select_n3A_1447 = arith.select %and3A_1437, %add3A_1446, %select_n3A_1408 : vector<16xi1>, vector<16xi32>
        %select_n3A_1448 = arith.select %and3A_1437, %gather3A_1443, %select_n3A_1409 : vector<16xi1>, vector<16xi32>
        %jit3A_1449 = arith.constant 1 : i32
        %broadcast_in_dim3A_1450 = vector.broadcast %jit3A_1449 : i32 to vector<16xi32>
        %select_n3A_1451 = arith.select %and3A_1437, %broadcast_in_dim3A_1450, %select_n3A_1412 : vector<16xi1>, vector<16xi32>
        %swap3A_1452 = arith.constant 0 : index
        %swap3A_1453 = tpu.vector_load %arg16[%swap3A_1452] {strides = array<i32>} : memref<16xi32, #tpu.memory_space<vmem>>, vector<16xi32>,
        tpu.vector_store %arg16[%swap3A_1452], %add3A_1423 {strides = array<i32>} : memref<16xi32, #tpu.memory_space<vmem>>, vector<16xi32>,
        %broadcast_in_dim3A_1454 = arith.constant 15 : i32
        %broadcast_in_dim3A_1455 = vector.broadcast %broadcast_in_dim3A_1454 : i32 to vector<16xi32>
        %gather3A_1456 = tpu.vector_load_idx %arg16[%broadcast_in_dim3A_1455] : memref<16xi32, #tpu.memory_space<vmem>>[vector<16xi32>], vector<16xi32>,
        %get3A_1457 = arith.constant 144 : index
        %get3A_1458 = tpu.vector_load %arg13[%get3A_1457] {strides = array<i32>} : memref<256xi32, #tpu.memory_space<vmem>>, vector<16xi32>,
        %broadcast_in_dim3A_1459 = arith.constant true
        %broadcast_in_dim3A_1460 = vector.broadcast %broadcast_in_dim3A_1459 : i1 to vector<16xi1>
        %masked_cumsum3A_1461 = tpu.scan <sum>, %get3A_1458 masked %broadcast_in_dim3A_1460 : vector<16xi32>, vector<16xi1> -> vector<16xi32>
        %add3A_1462 = arith.addi %masked_cumsum3A_1461, %gather3A_1456 : vector<16xi32>
        %sub3A_1463 = arith.subi %add3A_1462, %get3A_1458 : vector<16xi32>
        %ge3A_1464 = arith.cmpi sge, %add3A_1462, %sub3A_1096 : vector<16xi32>
        %eq3A_1465 = arith.constant 0 : i32
        %eq3A_1466 = vector.broadcast %eq3A_1465 : i32 to vector<16xi32>
        %eq3A_1467 = arith.cmpi eq, %select_n3A_1451, %eq3A_1466 : vector<16xi32>
        %and3A_1468 = arith.andi %ge3A_1464, %eq3A_1467 : vector<16xi1>
        %all_reduce_ffs3A_1469 = tpu.all_reduce %and3A_1468 {dim = 0 : i64, kind = #tpu.reduction_kind<find_first_set>} : vector<16xi1> -> vector<16xi32>
        %lt3A_1470 = arith.constant 16 : i32
        %lt3A_1471 = vector.broadcast %lt3A_1470 : i32 to vector<16xi32>
        %lt3A_1472 = arith.cmpi slt, %all_reduce_ffs3A_1469, %lt3A_1471 : vector<16xi32>
        %eq3A_1473 = arith.constant 0 : i32
        %eq3A_1474 = vector.broadcast %eq3A_1473 : i32 to vector<16xi32>
        %eq3A_1475 = arith.cmpi eq, %select_n3A_1451, %eq3A_1474 : vector<16xi32>
        %and3A_1476 = arith.andi %lt3A_1472, %eq3A_1475 : vector<16xi1>
        %swap3A_1477 = arith.constant 0 : index
        %swap3A_1478 = tpu.vector_load %arg16[%swap3A_1477] {strides = array<i32>} : memref<16xi32, #tpu.memory_space<vmem>>, vector<16xi32>,
        tpu.vector_store %arg16[%swap3A_1477], %sub3A_1463 {strides = array<i32>} : memref<16xi32, #tpu.memory_space<vmem>>, vector<16xi32>,
        %min3A_1479 = arith.constant 15 : i32
        %min3A_1480 = vector.broadcast %min3A_1479 : i32 to vector<16xi32>
        %min3A_1481 = arith.minsi %all_reduce_ffs3A_1469, %min3A_1480 : vector<16xi32>
        %gather3A_1482 = tpu.vector_load_idx %arg16[%min3A_1481] : memref<16xi32, #tpu.memory_space<vmem>>[vector<16xi32>], vector<16xi32>,
        %add3A_1483 = arith.constant 144 : i32
        %add3A_1484 = vector.broadcast %add3A_1483 : i32 to vector<16xi32>
        %add3A_1485 = arith.addi %add3A_1484, %all_reduce_ffs3A_1469 : vector<16xi32>
        %select_n3A_1486 = arith.select %and3A_1476, %add3A_1485, %select_n3A_1447 : vector<16xi1>, vector<16xi32>
        %select_n3A_1487 = arith.select %and3A_1476, %gather3A_1482, %select_n3A_1448 : vector<16xi1>, vector<16xi32>
        %jit3A_1488 = arith.constant 1 : i32
        %broadcast_in_dim3A_1489 = vector.broadcast %jit3A_1488 : i32 to vector<16xi32>
        %select_n3A_1490 = arith.select %and3A_1476, %broadcast_in_dim3A_1489, %select_n3A_1451 : vector<16xi1>, vector<16xi32>
        %swap3A_1491 = arith.constant 0 : index
        %swap3A_1492 = tpu.vector_load %arg16[%swap3A_1491] {strides = array<i32>} : memref<16xi32, #tpu.memory_space<vmem>>, vector<16xi32>,
        tpu.vector_store %arg16[%swap3A_1491], %add3A_1462 {strides = array<i32>} : memref<16xi32, #tpu.memory_space<vmem>>, vector<16xi32>,
        %broadcast_in_dim3A_1493 = arith.constant 15 : i32
        %broadcast_in_dim3A_1494 = vector.broadcast %broadcast_in_dim3A_1493 : i32 to vector<16xi32>
        %gather3A_1495 = tpu.vector_load_idx %arg16[%broadcast_in_dim3A_1494] : memref<16xi32, #tpu.memory_space<vmem>>[vector<16xi32>], vector<16xi32>,
        %get3A_1496 = arith.constant 160 : index
        %get3A_1497 = tpu.vector_load %arg13[%get3A_1496] {strides = array<i32>} : memref<256xi32, #tpu.memory_space<vmem>>, vector<16xi32>,
        %broadcast_in_dim3A_1498 = arith.constant true
        %broadcast_in_dim3A_1499 = vector.broadcast %broadcast_in_dim3A_1498 : i1 to vector<16xi1>
        %masked_cumsum3A_1500 = tpu.scan <sum>, %get3A_1497 masked %broadcast_in_dim3A_1499 : vector<16xi32>, vector<16xi1> -> vector<16xi32>
        %add3A_1501 = arith.addi %masked_cumsum3A_1500, %gather3A_1495 : vector<16xi32>
        %sub3A_1502 = arith.subi %add3A_1501, %get3A_1497 : vector<16xi32>
        %ge3A_1503 = arith.cmpi sge, %add3A_1501, %sub3A_1096 : vector<16xi32>
        %eq3A_1504 = arith.constant 0 : i32
        %eq3A_1505 = vector.broadcast %eq3A_1504 : i32 to vector<16xi32>
        %eq3A_1506 = arith.cmpi eq, %select_n3A_1490, %eq3A_1505 : vector<16xi32>
        %and3A_1507 = arith.andi %ge3A_1503, %eq3A_1506 : vector<16xi1>
        %all_reduce_ffs3A_1508 = tpu.all_reduce %and3A_1507 {dim = 0 : i64, kind = #tpu.reduction_kind<find_first_set>} : vector<16xi1> -> vector<16xi32>
        %lt3A_1509 = arith.constant 16 : i32
        %lt3A_1510 = vector.broadcast %lt3A_1509 : i32 to vector<16xi32>
        %lt3A_1511 = arith.cmpi slt, %all_reduce_ffs3A_1508, %lt3A_1510 : vector<16xi32>
        %eq3A_1512 = arith.constant 0 : i32
        %eq3A_1513 = vector.broadcast %eq3A_1512 : i32 to vector<16xi32>
        %eq3A_1514 = arith.cmpi eq, %select_n3A_1490, %eq3A_1513 : vector<16xi32>
        %and3A_1515 = arith.andi %lt3A_1511, %eq3A_1514 : vector<16xi1>
        %swap3A_1516 = arith.constant 0 : index
        %swap3A_1517 = tpu.vector_load %arg16[%swap3A_1516] {strides = array<i32>} : memref<16xi32, #tpu.memory_space<vmem>>, vector<16xi32>,
        tpu.vector_store %arg16[%swap3A_1516], %sub3A_1502 {strides = array<i32>} : memref<16xi32, #tpu.memory_space<vmem>>, vector<16xi32>,
        %min3A_1518 = arith.constant 15 : i32
        %min3A_1519 = vector.broadcast %min3A_1518 : i32 to vector<16xi32>
        %min3A_1520 = arith.minsi %all_reduce_ffs3A_1508, %min3A_1519 : vector<16xi32>
        %gather3A_1521 = tpu.vector_load_idx %arg16[%min3A_1520] : memref<16xi32, #tpu.memory_space<vmem>>[vector<16xi32>], vector<16xi32>,
        %add3A_1522 = arith.constant 160 : i32
        %add3A_1523 = vector.broadcast %add3A_1522 : i32 to vector<16xi32>
        %add3A_1524 = arith.addi %add3A_1523, %all_reduce_ffs3A_1508 : vector<16xi32>
        %select_n3A_1525 = arith.select %and3A_1515, %add3A_1524, %select_n3A_1486 : vector<16xi1>, vector<16xi32>
        %select_n3A_1526 = arith.select %and3A_1515, %gather3A_1521, %select_n3A_1487 : vector<16xi1>, vector<16xi32>
        %jit3A_1527 = arith.constant 1 : i32
        %broadcast_in_dim3A_1528 = vector.broadcast %jit3A_1527 : i32 to vector<16xi32>
        %select_n3A_1529 = arith.select %and3A_1515, %broadcast_in_dim3A_1528, %select_n3A_1490 : vector<16xi1>, vector<16xi32>
        %swap3A_1530 = arith.constant 0 : index
        %swap3A_1531 = tpu.vector_load %arg16[%swap3A_1530] {strides = array<i32>} : memref<16xi32, #tpu.memory_space<vmem>>, vector<16xi32>,
        tpu.vector_store %arg16[%swap3A_1530], %add3A_1501 {strides = array<i32>} : memref<16xi32, #tpu.memory_space<vmem>>, vector<16xi32>,
        %broadcast_in_dim3A_1532 = arith.constant 15 : i32
        %broadcast_in_dim3A_1533 = vector.broadcast %broadcast_in_dim3A_1532 : i32 to vector<16xi32>
        %gather3A_1534 = tpu.vector_load_idx %arg16[%broadcast_in_dim3A_1533] : memref<16xi32, #tpu.memory_space<vmem>>[vector<16xi32>], vector<16xi32>,
        %get3A_1535 = arith.constant 176 : index
        %get3A_1536 = tpu.vector_load %arg13[%get3A_1535] {strides = array<i32>} : memref<256xi32, #tpu.memory_space<vmem>>, vector<16xi32>,
        %broadcast_in_dim3A_1537 = arith.constant true
        %broadcast_in_dim3A_1538 = vector.broadcast %broadcast_in_dim3A_1537 : i1 to vector<16xi1>
        %masked_cumsum3A_1539 = tpu.scan <sum>, %get3A_1536 masked %broadcast_in_dim3A_1538 : vector<16xi32>, vector<16xi1> -> vector<16xi32>
        %add3A_1540 = arith.addi %masked_cumsum3A_1539, %gather3A_1534 : vector<16xi32>
        %sub3A_1541 = arith.subi %add3A_1540, %get3A_1536 : vector<16xi32>
        %ge3A_1542 = arith.cmpi sge, %add3A_1540, %sub3A_1096 : vector<16xi32>
        %eq3A_1543 = arith.constant 0 : i32
        %eq3A_1544 = vector.broadcast %eq3A_1543 : i32 to vector<16xi32>
        %eq3A_1545 = arith.cmpi eq, %select_n3A_1529, %eq3A_1544 : vector<16xi32>
        %and3A_1546 = arith.andi %ge3A_1542, %eq3A_1545 : vector<16xi1>
        %all_reduce_ffs3A_1547 = tpu.all_reduce %and3A_1546 {dim = 0 : i64, kind = #tpu.reduction_kind<find_first_set>} : vector<16xi1> -> vector<16xi32>
        %lt3A_1548 = arith.constant 16 : i32
        %lt3A_1549 = vector.broadcast %lt3A_1548 : i32 to vector<16xi32>
        %lt3A_1550 = arith.cmpi slt, %all_reduce_ffs3A_1547, %lt3A_1549 : vector<16xi32>
        %eq3A_1551 = arith.constant 0 : i32
        %eq3A_1552 = vector.broadcast %eq3A_1551 : i32 to vector<16xi32>
        %eq3A_1553 = arith.cmpi eq, %select_n3A_1529, %eq3A_1552 : vector<16xi32>
        %and3A_1554 = arith.andi %lt3A_1550, %eq3A_1553 : vector<16xi1>
        %swap3A_1555 = arith.constant 0 : index
        %swap3A_1556 = tpu.vector_load %arg16[%swap3A_1555] {strides = array<i32>} : memref<16xi32, #tpu.memory_space<vmem>>, vector<16xi32>,
        tpu.vector_store %arg16[%swap3A_1555], %sub3A_1541 {strides = array<i32>} : memref<16xi32, #tpu.memory_space<vmem>>, vector<16xi32>,
        %min3A_1557 = arith.constant 15 : i32
        %min3A_1558 = vector.broadcast %min3A_1557 : i32 to vector<16xi32>
        %min3A_1559 = arith.minsi %all_reduce_ffs3A_1547, %min3A_1558 : vector<16xi32>
        %gather3A_1560 = tpu.vector_load_idx %arg16[%min3A_1559] : memref<16xi32, #tpu.memory_space<vmem>>[vector<16xi32>], vector<16xi32>,
        %add3A_1561 = arith.constant 176 : i32
        %add3A_1562 = vector.broadcast %add3A_1561 : i32 to vector<16xi32>
        %add3A_1563 = arith.addi %add3A_1562, %all_reduce_ffs3A_1547 : vector<16xi32>
        %select_n3A_1564 = arith.select %and3A_1554, %add3A_1563, %select_n3A_1525 : vector<16xi1>, vector<16xi32>
        %select_n3A_1565 = arith.select %and3A_1554, %gather3A_1560, %select_n3A_1526 : vector<16xi1>, vector<16xi32>
        %jit3A_1566 = arith.constant 1 : i32
        %broadcast_in_dim3A_1567 = vector.broadcast %jit3A_1566 : i32 to vector<16xi32>
        %select_n3A_1568 = arith.select %and3A_1554, %broadcast_in_dim3A_1567, %select_n3A_1529 : vector<16xi1>, vector<16xi32>
        %swap3A_1569 = arith.constant 0 : index
        %swap3A_1570 = tpu.vector_load %arg16[%swap3A_1569] {strides = array<i32>} : memref<16xi32, #tpu.memory_space<vmem>>, vector<16xi32>,
        tpu.vector_store %arg16[%swap3A_1569], %add3A_1540 {strides = array<i32>} : memref<16xi32, #tpu.memory_space<vmem>>, vector<16xi32>,
        %broadcast_in_dim3A_1571 = arith.constant 15 : i32
        %broadcast_in_dim3A_1572 = vector.broadcast %broadcast_in_dim3A_1571 : i32 to vector<16xi32>
        %gather3A_1573 = tpu.vector_load_idx %arg16[%broadcast_in_dim3A_1572] : memref<16xi32, #tpu.memory_space<vmem>>[vector<16xi32>], vector<16xi32>,
        %get3A_1574 = arith.constant 192 : index
        %get3A_1575 = tpu.vector_load %arg13[%get3A_1574] {strides = array<i32>} : memref<256xi32, #tpu.memory_space<vmem>>, vector<16xi32>,
        %broadcast_in_dim3A_1576 = arith.constant true
        %broadcast_in_dim3A_1577 = vector.broadcast %broadcast_in_dim3A_1576 : i1 to vector<16xi1>
        %masked_cumsum3A_1578 = tpu.scan <sum>, %get3A_1575 masked %broadcast_in_dim3A_1577 : vector<16xi32>, vector<16xi1> -> vector<16xi32>
        %add3A_1579 = arith.addi %masked_cumsum3A_1578, %gather3A_1573 : vector<16xi32>
        %sub3A_1580 = arith.subi %add3A_1579, %get3A_1575 : vector<16xi32>
        %ge3A_1581 = arith.cmpi sge, %add3A_1579, %sub3A_1096 : vector<16xi32>
        %eq3A_1582 = arith.constant 0 : i32
        %eq3A_1583 = vector.broadcast %eq3A_1582 : i32 to vector<16xi32>
        %eq3A_1584 = arith.cmpi eq, %select_n3A_1568, %eq3A_1583 : vector<16xi32>
        %and3A_1585 = arith.andi %ge3A_1581, %eq3A_1584 : vector<16xi1>
        %all_reduce_ffs3A_1586 = tpu.all_reduce %and3A_1585 {dim = 0 : i64, kind = #tpu.reduction_kind<find_first_set>} : vector<16xi1> -> vector<16xi32>
        %lt3A_1587 = arith.constant 16 : i32
        %lt3A_1588 = vector.broadcast %lt3A_1587 : i32 to vector<16xi32>
        %lt3A_1589 = arith.cmpi slt, %all_reduce_ffs3A_1586, %lt3A_1588 : vector<16xi32>
        %eq3A_1590 = arith.constant 0 : i32
        %eq3A_1591 = vector.broadcast %eq3A_1590 : i32 to vector<16xi32>
        %eq3A_1592 = arith.cmpi eq, %select_n3A_1568, %eq3A_1591 : vector<16xi32>
        %and3A_1593 = arith.andi %lt3A_1589, %eq3A_1592 : vector<16xi1>
        %swap3A_1594 = arith.constant 0 : index
        %swap3A_1595 = tpu.vector_load %arg16[%swap3A_1594] {strides = array<i32>} : memref<16xi32, #tpu.memory_space<vmem>>, vector<16xi32>,
        tpu.vector_store %arg16[%swap3A_1594], %sub3A_1580 {strides = array<i32>} : memref<16xi32, #tpu.memory_space<vmem>>, vector<16xi32>,
        %min3A_1596 = arith.constant 15 : i32
        %min3A_1597 = vector.broadcast %min3A_1596 : i32 to vector<16xi32>
        %min3A_1598 = arith.minsi %all_reduce_ffs3A_1586, %min3A_1597 : vector<16xi32>
        %gather3A_1599 = tpu.vector_load_idx %arg16[%min3A_1598] : memref<16xi32, #tpu.memory_space<vmem>>[vector<16xi32>], vector<16xi32>,
        %add3A_1600 = arith.constant 192 : i32
        %add3A_1601 = vector.broadcast %add3A_1600 : i32 to vector<16xi32>
        %add3A_1602 = arith.addi %add3A_1601, %all_reduce_ffs3A_1586 : vector<16xi32>
        %select_n3A_1603 = arith.select %and3A_1593, %add3A_1602, %select_n3A_1564 : vector<16xi1>, vector<16xi32>
        %select_n3A_1604 = arith.select %and3A_1593, %gather3A_1599, %select_n3A_1565 : vector<16xi1>, vector<16xi32>
        %jit3A_1605 = arith.constant 1 : i32
        %broadcast_in_dim3A_1606 = vector.broadcast %jit3A_1605 : i32 to vector<16xi32>
        %select_n3A_1607 = arith.select %and3A_1593, %broadcast_in_dim3A_1606, %select_n3A_1568 : vector<16xi1>, vector<16xi32>
        %swap3A_1608 = arith.constant 0 : index
        %swap3A_1609 = tpu.vector_load %arg16[%swap3A_1608] {strides = array<i32>} : memref<16xi32, #tpu.memory_space<vmem>>, vector<16xi32>,
        tpu.vector_store %arg16[%swap3A_1608], %add3A_1579 {strides = array<i32>} : memref<16xi32, #tpu.memory_space<vmem>>, vector<16xi32>,
        %broadcast_in_dim3A_1610 = arith.constant 15 : i32
        %broadcast_in_dim3A_1611 = vector.broadcast %broadcast_in_dim3A_1610 : i32 to vector<16xi32>
        %gather3A_1612 = tpu.vector_load_idx %arg16[%broadcast_in_dim3A_1611] : memref<16xi32, #tpu.memory_space<vmem>>[vector<16xi32>], vector<16xi32>,
        %get3A_1613 = arith.constant 208 : index
        %get3A_1614 = tpu.vector_load %arg13[%get3A_1613] {strides = array<i32>} : memref<256xi32, #tpu.memory_space<vmem>>, vector<16xi32>,
        %broadcast_in_dim3A_1615 = arith.constant true
        %broadcast_in_dim3A_1616 = vector.broadcast %broadcast_in_dim3A_1615 : i1 to vector<16xi1>
        %masked_cumsum3A_1617 = tpu.scan <sum>, %get3A_1614 masked %broadcast_in_dim3A_1616 : vector<16xi32>, vector<16xi1> -> vector<16xi32>
        %add3A_1618 = arith.addi %masked_cumsum3A_1617, %gather3A_1612 : vector<16xi32>
        %sub3A_1619 = arith.subi %add3A_1618, %get3A_1614 : vector<16xi32>
        %ge3A_1620 = arith.cmpi sge, %add3A_1618, %sub3A_1096 : vector<16xi32>
        %eq3A_1621 = arith.constant 0 : i32
        %eq3A_1622 = vector.broadcast %eq3A_1621 : i32 to vector<16xi32>
        %eq3A_1623 = arith.cmpi eq, %select_n3A_1607, %eq3A_1622 : vector<16xi32>
        %and3A_1624 = arith.andi %ge3A_1620, %eq3A_1623 : vector<16xi1>
        %all_reduce_ffs3A_1625 = tpu.all_reduce %and3A_1624 {dim = 0 : i64, kind = #tpu.reduction_kind<find_first_set>} : vector<16xi1> -> vector<16xi32>
        %lt3A_1626 = arith.constant 16 : i32
        %lt3A_1627 = vector.broadcast %lt3A_1626 : i32 to vector<16xi32>
        %lt3A_1628 = arith.cmpi slt, %all_reduce_ffs3A_1625, %lt3A_1627 : vector<16xi32>
        %eq3A_1629 = arith.constant 0 : i32
        %eq3A_1630 = vector.broadcast %eq3A_1629 : i32 to vector<16xi32>
        %eq3A_1631 = arith.cmpi eq, %select_n3A_1607, %eq3A_1630 : vector<16xi32>
        %and3A_1632 = arith.andi %lt3A_1628, %eq3A_1631 : vector<16xi1>
        %swap3A_1633 = arith.constant 0 : index
        %swap3A_1634 = tpu.vector_load %arg16[%swap3A_1633] {strides = array<i32>} : memref<16xi32, #tpu.memory_space<vmem>>, vector<16xi32>,
        tpu.vector_store %arg16[%swap3A_1633], %sub3A_1619 {strides = array<i32>} : memref<16xi32, #tpu.memory_space<vmem>>, vector<16xi32>,
        %min3A_1635 = arith.constant 15 : i32
        %min3A_1636 = vector.broadcast %min3A_1635 : i32 to vector<16xi32>
        %min3A_1637 = arith.minsi %all_reduce_ffs3A_1625, %min3A_1636 : vector<16xi32>
        %gather3A_1638 = tpu.vector_load_idx %arg16[%min3A_1637] : memref<16xi32, #tpu.memory_space<vmem>>[vector<16xi32>], vector<16xi32>,
        %add3A_1639 = arith.constant 208 : i32
        %add3A_1640 = vector.broadcast %add3A_1639 : i32 to vector<16xi32>
        %add3A_1641 = arith.addi %add3A_1640, %all_reduce_ffs3A_1625 : vector<16xi32>
        %select_n3A_1642 = arith.select %and3A_1632, %add3A_1641, %select_n3A_1603 : vector<16xi1>, vector<16xi32>
        %select_n3A_1643 = arith.select %and3A_1632, %gather3A_1638, %select_n3A_1604 : vector<16xi1>, vector<16xi32>
        %jit3A_1644 = arith.constant 1 : i32
        %broadcast_in_dim3A_1645 = vector.broadcast %jit3A_1644 : i32 to vector<16xi32>
        %select_n3A_1646 = arith.select %and3A_1632, %broadcast_in_dim3A_1645, %select_n3A_1607 : vector<16xi1>, vector<16xi32>
        %swap3A_1647 = arith.constant 0 : index
        %swap3A_1648 = tpu.vector_load %arg16[%swap3A_1647] {strides = array<i32>} : memref<16xi32, #tpu.memory_space<vmem>>, vector<16xi32>,
        tpu.vector_store %arg16[%swap3A_1647], %add3A_1618 {strides = array<i32>} : memref<16xi32, #tpu.memory_space<vmem>>, vector<16xi32>,
        %broadcast_in_dim3A_1649 = arith.constant 15 : i32
        %broadcast_in_dim3A_1650 = vector.broadcast %broadcast_in_dim3A_1649 : i32 to vector<16xi32>
        %gather3A_1651 = tpu.vector_load_idx %arg16[%broadcast_in_dim3A_1650] : memref<16xi32, #tpu.memory_space<vmem>>[vector<16xi32>], vector<16xi32>,
        %get3A_1652 = arith.constant 224 : index
        %get3A_1653 = tpu.vector_load %arg13[%get3A_1652] {strides = array<i32>} : memref<256xi32, #tpu.memory_space<vmem>>, vector<16xi32>,
        %broadcast_in_dim3A_1654 = arith.constant true
        %broadcast_in_dim3A_1655 = vector.broadcast %broadcast_in_dim3A_1654 : i1 to vector<16xi1>
        %masked_cumsum3A_1656 = tpu.scan <sum>, %get3A_1653 masked %broadcast_in_dim3A_1655 : vector<16xi32>, vector<16xi1> -> vector<16xi32>
        %add3A_1657 = arith.addi %masked_cumsum3A_1656, %gather3A_1651 : vector<16xi32>
        %sub3A_1658 = arith.subi %add3A_1657, %get3A_1653 : vector<16xi32>
        %ge3A_1659 = arith.cmpi sge, %add3A_1657, %sub3A_1096 : vector<16xi32>
        %eq3A_1660 = arith.constant 0 : i32
        %eq3A_1661 = vector.broadcast %eq3A_1660 : i32 to vector<16xi32>
        %eq3A_1662 = arith.cmpi eq, %select_n3A_1646, %eq3A_1661 : vector<16xi32>
        %and3A_1663 = arith.andi %ge3A_1659, %eq3A_1662 : vector<16xi1>
        %all_reduce_ffs3A_1664 = tpu.all_reduce %and3A_1663 {dim = 0 : i64, kind = #tpu.reduction_kind<find_first_set>} : vector<16xi1> -> vector<16xi32>
        %lt3A_1665 = arith.constant 16 : i32
        %lt3A_1666 = vector.broadcast %lt3A_1665 : i32 to vector<16xi32>
        %lt3A_1667 = arith.cmpi slt, %all_reduce_ffs3A_1664, %lt3A_1666 : vector<16xi32>
        %eq3A_1668 = arith.constant 0 : i32
        %eq3A_1669 = vector.broadcast %eq3A_1668 : i32 to vector<16xi32>
        %eq3A_1670 = arith.cmpi eq, %select_n3A_1646, %eq3A_1669 : vector<16xi32>
        %and3A_1671 = arith.andi %lt3A_1667, %eq3A_1670 : vector<16xi1>
        %swap3A_1672 = arith.constant 0 : index
        %swap3A_1673 = tpu.vector_load %arg16[%swap3A_1672] {strides = array<i32>} : memref<16xi32, #tpu.memory_space<vmem>>, vector<16xi32>,
        tpu.vector_store %arg16[%swap3A_1672], %sub3A_1658 {strides = array<i32>} : memref<16xi32, #tpu.memory_space<vmem>>, vector<16xi32>,
        %min3A_1674 = arith.constant 15 : i32
        %min3A_1675 = vector.broadcast %min3A_1674 : i32 to vector<16xi32>
        %min3A_1676 = arith.minsi %all_reduce_ffs3A_1664, %min3A_1675 : vector<16xi32>
        %gather3A_1677 = tpu.vector_load_idx %arg16[%min3A_1676] : memref<16xi32, #tpu.memory_space<vmem>>[vector<16xi32>], vector<16xi32>,
        %add3A_1678 = arith.constant 224 : i32
        %add3A_1679 = vector.broadcast %add3A_1678 : i32 to vector<16xi32>
        %add3A_1680 = arith.addi %add3A_1679, %all_reduce_ffs3A_1664 : vector<16xi32>
        %select_n3A_1681 = arith.select %and3A_1671, %add3A_1680, %select_n3A_1642 : vector<16xi1>, vector<16xi32>
        %select_n3A_1682 = arith.select %and3A_1671, %gather3A_1677, %select_n3A_1643 : vector<16xi1>, vector<16xi32>
        %jit3A_1683 = arith.constant 1 : i32
        %broadcast_in_dim3A_1684 = vector.broadcast %jit3A_1683 : i32 to vector<16xi32>
        %select_n3A_1685 = arith.select %and3A_1671, %broadcast_in_dim3A_1684, %select_n3A_1646 : vector<16xi1>, vector<16xi32>
        %swap3A_1686 = arith.constant 0 : index
        %swap3A_1687 = tpu.vector_load %arg16[%swap3A_1686] {strides = array<i32>} : memref<16xi32, #tpu.memory_space<vmem>>, vector<16xi32>,
        tpu.vector_store %arg16[%swap3A_1686], %add3A_1657 {strides = array<i32>} : memref<16xi32, #tpu.memory_space<vmem>>, vector<16xi32>,
        %broadcast_in_dim3A_1688 = arith.constant 15 : i32
        %broadcast_in_dim3A_1689 = vector.broadcast %broadcast_in_dim3A_1688 : i32 to vector<16xi32>
        %gather3A_1690 = tpu.vector_load_idx %arg16[%broadcast_in_dim3A_1689] : memref<16xi32, #tpu.memory_space<vmem>>[vector<16xi32>], vector<16xi32>,
        %get3A_1691 = arith.constant 240 : index
        %get3A_1692 = tpu.vector_load %arg13[%get3A_1691] {strides = array<i32>} : memref<256xi32, #tpu.memory_space<vmem>>, vector<16xi32>,
        %broadcast_in_dim3A_1693 = arith.constant true
        %broadcast_in_dim3A_1694 = vector.broadcast %broadcast_in_dim3A_1693 : i1 to vector<16xi1>
        %masked_cumsum3A_1695 = tpu.scan <sum>, %get3A_1692 masked %broadcast_in_dim3A_1694 : vector<16xi32>, vector<16xi1> -> vector<16xi32>
        %add3A_1696 = arith.addi %masked_cumsum3A_1695, %gather3A_1690 : vector<16xi32>
        %sub3A_1697 = arith.subi %add3A_1696, %get3A_1692 : vector<16xi32>
        %ge3A_1698 = arith.cmpi sge, %add3A_1696, %sub3A_1096 : vector<16xi32>
        %eq3A_1699 = arith.constant 0 : i32
        %eq3A_1700 = vector.broadcast %eq3A_1699 : i32 to vector<16xi32>
        %eq3A_1701 = arith.cmpi eq, %select_n3A_1685, %eq3A_1700 : vector<16xi32>
        %and3A_1702 = arith.andi %ge3A_1698, %eq3A_1701 : vector<16xi1>
        %all_reduce_ffs3A_1703 = tpu.all_reduce %and3A_1702 {dim = 0 : i64, kind = #tpu.reduction_kind<find_first_set>} : vector<16xi1> -> vector<16xi32>
        %lt3A_1704 = arith.constant 16 : i32
        %lt3A_1705 = vector.broadcast %lt3A_1704 : i32 to vector<16xi32>
        %lt3A_1706 = arith.cmpi slt, %all_reduce_ffs3A_1703, %lt3A_1705 : vector<16xi32>
        %eq3A_1707 = arith.constant 0 : i32
        %eq3A_1708 = vector.broadcast %eq3A_1707 : i32 to vector<16xi32>
        %eq3A_1709 = arith.cmpi eq, %select_n3A_1685, %eq3A_1708 : vector<16xi32>
        %and3A_1710 = arith.andi %lt3A_1706, %eq3A_1709 : vector<16xi1>
        %swap3A_1711 = arith.constant 0 : index
        %swap3A_1712 = tpu.vector_load %arg16[%swap3A_1711] {strides = array<i32>} : memref<16xi32, #tpu.memory_space<vmem>>, vector<16xi32>,
        tpu.vector_store %arg16[%swap3A_1711], %sub3A_1697 {strides = array<i32>} : memref<16xi32, #tpu.memory_space<vmem>>, vector<16xi32>,
        %min3A_1713 = arith.constant 15 : i32
        %min3A_1714 = vector.broadcast %min3A_1713 : i32 to vector<16xi32>
        %min3A_1715 = arith.minsi %all_reduce_ffs3A_1703, %min3A_1714 : vector<16xi32>
        %gather3A_1716 = tpu.vector_load_idx %arg16[%min3A_1715] : memref<16xi32, #tpu.memory_space<vmem>>[vector<16xi32>], vector<16xi32>,
        %add3A_1717 = arith.constant 240 : i32
        %add3A_1718 = vector.broadcast %add3A_1717 : i32 to vector<16xi32>
        %add3A_1719 = arith.addi %add3A_1718, %all_reduce_ffs3A_1703 : vector<16xi32>
        %select_n3A_1720 = arith.select %and3A_1710, %add3A_1719, %select_n3A_1681 : vector<16xi1>, vector<16xi32>
        %select_n3A_1721 = arith.select %and3A_1710, %gather3A_1716, %select_n3A_1682 : vector<16xi1>, vector<16xi32>
        %jit3A_1722 = arith.constant 1 : i32
        %broadcast_in_dim3A_1723 = vector.broadcast %jit3A_1722 : i32 to vector<16xi32>
        %select_n3A_1724 = arith.select %and3A_1710, %broadcast_in_dim3A_1723, %select_n3A_1685 : vector<16xi1>, vector<16xi32>
        %swap3A_1725 = arith.constant 0 : index
        %swap3A_1726 = tpu.vector_load %arg16[%swap3A_1725] {strides = array<i32>} : memref<16xi32, #tpu.memory_space<vmem>>, vector<16xi32>,
        tpu.vector_store %arg16[%swap3A_1725], %add3A_1696 {strides = array<i32>} : memref<16xi32, #tpu.memory_space<vmem>>, vector<16xi32>,
        %broadcast_in_dim3A_1727 = arith.constant 15 : i32
        %broadcast_in_dim3A_1728 = vector.broadcast %broadcast_in_dim3A_1727 : i32 to vector<16xi32>
        %gather3A_1729 = tpu.vector_load_idx %arg16[%broadcast_in_dim3A_1728] : memref<16xi32, #tpu.memory_space<vmem>>[vector<16xi32>], vector<16xi32>,
        %shift_left3A_1730 = arith.constant 8 : i32
        %shift_left3A_1731 = vector.broadcast %shift_left3A_1730 : i32 to vector<16xi32>
        %shift_left3A_1732 = arith.shli %or3A, %shift_left3A_1731 : vector<16xi32>
        %or3A_1733 = arith.ori %shift_left3A_1732, %select_n3A_1720 : vector<16xi32>
        %broadcast_in_dim3A_1734 = arith.constant 0 : i32
        %broadcast_in_dim3A_1735 = vector.broadcast %broadcast_in_dim3A_1734 : i32 to vector<16xi32>
        %scan3A_1736 = arith.constant 0 : i32
        %scan3A_1737 = arith.constant 256 : i32
        %scan3A_1738 = arith.addi %scan3A_1736, %scan3A_1737 : i32
        %scan3A_1739 = arith.constant 1 : i32
        %scan3A_1740 = scf.for %scan3A_2093 = %scan3A_1736 to %scan3A_1738 step %scan3A_1739 iter_args(%scan3A_2094 = %broadcast_in_dim3A_1735) -> (vector<16xi32>)  : i32 {
          %mul3A_2095 = arith.constant 16 : i32
          %mul3A_2096 = arith.muli %scan3A_2093, %mul3A_2095 : i32
          %get3A_2097 = arith.index_cast %mul3A_2096 : i32 to index
          %get3A_2098 = tpu.vector_load %arg11[%get3A_2097] {strides = array<i32>} : memref<4096xi32, #tpu.memory_space<vmem>>, vector<16xi32>,
          %shift_right_arithmetic3A = arith.constant 8 : i32
          %shift_right_arithmetic3A_2099 = vector.broadcast %shift_right_arithmetic3A : i32 to vector<16xi32>
          %shift_right_arithmetic3A_2100 = arith.shrsi %get3A_2098, %shift_right_arithmetic3A_2099 : vector<16xi32>
          %le3A = arith.cmpi sle, %shift_right_arithmetic3A_2100, %or3A_1733 : vector<16xi32>
          %jit3A_2101 = arith.constant 1 : i32
          %jit3A_2102 = arith.constant 0 : i32
          %broadcast_in_dim3A_2103 = vector.broadcast %jit3A_2101 : i32 to vector<16xi32>
          %broadcast_in_dim3A_2104 = vector.broadcast %jit3A_2102 : i32 to vector<16xi32>
          %select_n3A_2105 = arith.select %le3A, %broadcast_in_dim3A_2103, %broadcast_in_dim3A_2104 : vector<16xi1>, vector<16xi32>
          %broadcast_in_dim3A_2106 = arith.constant true
          %broadcast_in_dim3A_2107 = vector.broadcast %broadcast_in_dim3A_2106 : i1 to vector<16xi1>
          %masked_cumsum3A_2108 = tpu.scan <sum>, %select_n3A_2105 masked %broadcast_in_dim3A_2107 : vector<16xi32>, vector<16xi1> -> vector<16xi32>
          %add3A_2109 = arith.addi %scan3A_2094, %masked_cumsum3A_2108 : vector<16xi32>
          %sub3A_2110 = arith.subi %add3A_2109, %select_n3A_2105 : vector<16xi32>
          %mul3A_2111 = arith.constant 16 : i32
          %mul3A_2112 = arith.muli %scan3A_2093, %mul3A_2111 : i32
          %add3A_2113 = vector.broadcast %mul3A_2112 : i32 to vector<16xi32>
          %add3A_2114 = arith.addi %add3A_2113, %iota3A : vector<16xi32>
          %lt3A_2115 = arith.constant 32 : i32
          %lt3A_2116 = vector.broadcast %lt3A_2115 : i32 to vector<16xi32>
          %lt3A_2117 = arith.cmpi slt, %sub3A_2110, %lt3A_2116 : vector<16xi32>
          %and3A_2118 = arith.andi %le3A, %lt3A_2117 : vector<16xi1>
          tpu.vector_store_idx %arg14[%sub3A_2110], %add3A_2114 masked %and3A_2118 : memref<32xi32, #tpu.memory_space<vmem>>[vector<16xi32>], vector<16xi32>, vector<16xi1>
          %all_reduce_population_count3A = tpu.all_reduce %le3A {dim = 0 : i64, kind = #tpu.reduction_kind<sum>} : vector<16xi1> -> vector<16xi32>
          %add3A_2119 = arith.addi %scan3A_2094, %all_reduce_population_count3A : vector<16xi32>
          scf.yield %add3A_2119 : vector<16xi32>
        }
        %scan3A_1741 = arith.constant 256 : i32
        %broadcast_in_dim3A_1742 = arith.constant -3.000000e+38 : f32
        %broadcast_in_dim3A_1743 = vector.broadcast %broadcast_in_dim3A_1742 : f32 to vector<16xf32>
        %broadcast_in_dim3A_1744 = arith.constant -3.000000e+38 : f32
        %broadcast_in_dim3A_1745 = vector.broadcast %broadcast_in_dim3A_1744 : f32 to vector<16xf32>
        %broadcast_in_dim3A_1746 = arith.constant 0 : i32
        %broadcast_in_dim3A_1747 = vector.broadcast %broadcast_in_dim3A_1746 : i32 to vector<16xi32>
        %gather3A_1748 = tpu.vector_load_idx %arg14[%broadcast_in_dim3A_1747] : memref<32xi32, #tpu.memory_space<vmem>>[vector<16xi32>], vector<16xi32>,
        %gather3A_1749 = tpu.vector_load_idx %arg8[%gather3A_1748, %iota3A] : memref<4096x16xi32, #tpu.memory_space<vmem>>[vector<16xi32>, vector<16xi32>], vector<16xi32>,
        %bitcast3A = vector.bitcast %gather3A_1749 : vector<16xi32> to vector<32xbf16>
        %unpack3A = tpu.unpack_subelements %bitcast3A, 0 {pack_format = #tpu.pack_format<interleaved>} : vector<32xbf16> -> vector<16xf32>
        %unpack3A_1750 = tpu.unpack_subelements %bitcast3A, 1 {pack_format = #tpu.pack_format<interleaved>} : vector<32xbf16> -> vector<16xf32>
        %max3A = arith.maximumf %broadcast_in_dim3A_1743, %unpack3A : vector<16xf32>
        %max3A_1751 = arith.maximumf %broadcast_in_dim3A_1745, %unpack3A_1750 : vector<16xf32>
        %broadcast_in_dim3A_1752 = arith.constant 1 : i32
        %broadcast_in_dim3A_1753 = vector.broadcast %broadcast_in_dim3A_1752 : i32 to vector<16xi32>
        %gather3A_1754 = tpu.vector_load_idx %arg14[%broadcast_in_dim3A_1753] : memref<32xi32, #tpu.memory_space<vmem>>[vector<16xi32>], vector<16xi32>,
        %gather3A_1755 = tpu.vector_load_idx %arg8[%gather3A_1754, %iota3A] : memref<4096x16xi32, #tpu.memory_space<vmem>>[vector<16xi32>, vector<16xi32>], vector<16xi32>,
        %bitcast3A_1756 = vector.bitcast %gather3A_1755 : vector<16xi32> to vector<32xbf16>
        %unpack3A_1757 = tpu.unpack_subelements %bitcast3A_1756, 0 {pack_format = #tpu.pack_format<interleaved>} : vector<32xbf16> -> vector<16xf32>
        %unpack3A_1758 = tpu.unpack_subelements %bitcast3A_1756, 1 {pack_format = #tpu.pack_format<interleaved>} : vector<32xbf16> -> vector<16xf32>
        %max3A_1759 = arith.maximumf %max3A, %unpack3A_1757 : vector<16xf32>
        %max3A_1760 = arith.maximumf %max3A_1751, %unpack3A_1758 : vector<16xf32>
        %broadcast_in_dim3A_1761 = arith.constant 2 : i32
        %broadcast_in_dim3A_1762 = vector.broadcast %broadcast_in_dim3A_1761 : i32 to vector<16xi32>
        %gather3A_1763 = tpu.vector_load_idx %arg14[%broadcast_in_dim3A_1762] : memref<32xi32, #tpu.memory_space<vmem>>[vector<16xi32>], vector<16xi32>,
        %gather3A_1764 = tpu.vector_load_idx %arg8[%gather3A_1763, %iota3A] : memref<4096x16xi32, #tpu.memory_space<vmem>>[vector<16xi32>, vector<16xi32>], vector<16xi32>,
        %bitcast3A_1765 = vector.bitcast %gather3A_1764 : vector<16xi32> to vector<32xbf16>
        %unpack3A_1766 = tpu.unpack_subelements %bitcast3A_1765, 0 {pack_format = #tpu.pack_format<interleaved>} : vector<32xbf16> -> vector<16xf32>
        %unpack3A_1767 = tpu.unpack_subelements %bitcast3A_1765, 1 {pack_format = #tpu.pack_format<interleaved>} : vector<32xbf16> -> vector<16xf32>
        %max3A_1768 = arith.maximumf %max3A_1759, %unpack3A_1766 : vector<16xf32>
        %max3A_1769 = arith.maximumf %max3A_1760, %unpack3A_1767 : vector<16xf32>
        %broadcast_in_dim3A_1770 = arith.constant 3 : i32
        %broadcast_in_dim3A_1771 = vector.broadcast %broadcast_in_dim3A_1770 : i32 to vector<16xi32>
        %gather3A_1772 = tpu.vector_load_idx %arg14[%broadcast_in_dim3A_1771] : memref<32xi32, #tpu.memory_space<vmem>>[vector<16xi32>], vector<16xi32>,
        %gather3A_1773 = tpu.vector_load_idx %arg8[%gather3A_1772, %iota3A] : memref<4096x16xi32, #tpu.memory_space<vmem>>[vector<16xi32>, vector<16xi32>], vector<16xi32>,
        %bitcast3A_1774 = vector.bitcast %gather3A_1773 : vector<16xi32> to vector<32xbf16>
        %unpack3A_1775 = tpu.unpack_subelements %bitcast3A_1774, 0 {pack_format = #tpu.pack_format<interleaved>} : vector<32xbf16> -> vector<16xf32>
        %unpack3A_1776 = tpu.unpack_subelements %bitcast3A_1774, 1 {pack_format = #tpu.pack_format<interleaved>} : vector<32xbf16> -> vector<16xf32>
        %max3A_1777 = arith.maximumf %max3A_1768, %unpack3A_1775 : vector<16xf32>
        %max3A_1778 = arith.maximumf %max3A_1769, %unpack3A_1776 : vector<16xf32>
        %broadcast_in_dim3A_1779 = arith.constant 4 : i32
        %broadcast_in_dim3A_1780 = vector.broadcast %broadcast_in_dim3A_1779 : i32 to vector<16xi32>
        %gather3A_1781 = tpu.vector_load_idx %arg14[%broadcast_in_dim3A_1780] : memref<32xi32, #tpu.memory_space<vmem>>[vector<16xi32>], vector<16xi32>,
        %gather3A_1782 = tpu.vector_load_idx %arg8[%gather3A_1781, %iota3A] : memref<4096x16xi32, #tpu.memory_space<vmem>>[vector<16xi32>, vector<16xi32>], vector<16xi32>,
        %bitcast3A_1783 = vector.bitcast %gather3A_1782 : vector<16xi32> to vector<32xbf16>
        %unpack3A_1784 = tpu.unpack_subelements %bitcast3A_1783, 0 {pack_format = #tpu.pack_format<interleaved>} : vector<32xbf16> -> vector<16xf32>
        %unpack3A_1785 = tpu.unpack_subelements %bitcast3A_1783, 1 {pack_format = #tpu.pack_format<interleaved>} : vector<32xbf16> -> vector<16xf32>
        %max3A_1786 = arith.maximumf %max3A_1777, %unpack3A_1784 : vector<16xf32>
        %max3A_1787 = arith.maximumf %max3A_1778, %unpack3A_1785 : vector<16xf32>
        %broadcast_in_dim3A_1788 = arith.constant 5 : i32
        %broadcast_in_dim3A_1789 = vector.broadcast %broadcast_in_dim3A_1788 : i32 to vector<16xi32>
        %gather3A_1790 = tpu.vector_load_idx %arg14[%broadcast_in_dim3A_1789] : memref<32xi32, #tpu.memory_space<vmem>>[vector<16xi32>], vector<16xi32>,
        %gather3A_1791 = tpu.vector_load_idx %arg8[%gather3A_1790, %iota3A] : memref<4096x16xi32, #tpu.memory_space<vmem>>[vector<16xi32>, vector<16xi32>], vector<16xi32>,
        %bitcast3A_1792 = vector.bitcast %gather3A_1791 : vector<16xi32> to vector<32xbf16>
        %unpack3A_1793 = tpu.unpack_subelements %bitcast3A_1792, 0 {pack_format = #tpu.pack_format<interleaved>} : vector<32xbf16> -> vector<16xf32>
        %unpack3A_1794 = tpu.unpack_subelements %bitcast3A_1792, 1 {pack_format = #tpu.pack_format<interleaved>} : vector<32xbf16> -> vector<16xf32>
        %max3A_1795 = arith.maximumf %max3A_1786, %unpack3A_1793 : vector<16xf32>
        %max3A_1796 = arith.maximumf %max3A_1787, %unpack3A_1794 : vector<16xf32>
        %broadcast_in_dim3A_1797 = arith.constant 6 : i32
        %broadcast_in_dim3A_1798 = vector.broadcast %broadcast_in_dim3A_1797 : i32 to vector<16xi32>
        %gather3A_1799 = tpu.vector_load_idx %arg14[%broadcast_in_dim3A_1798] : memref<32xi32, #tpu.memory_space<vmem>>[vector<16xi32>], vector<16xi32>,
        %gather3A_1800 = tpu.vector_load_idx %arg8[%gather3A_1799, %iota3A] : memref<4096x16xi32, #tpu.memory_space<vmem>>[vector<16xi32>, vector<16xi32>], vector<16xi32>,
        %bitcast3A_1801 = vector.bitcast %gather3A_1800 : vector<16xi32> to vector<32xbf16>
        %unpack3A_1802 = tpu.unpack_subelements %bitcast3A_1801, 0 {pack_format = #tpu.pack_format<interleaved>} : vector<32xbf16> -> vector<16xf32>
        %unpack3A_1803 = tpu.unpack_subelements %bitcast3A_1801, 1 {pack_format = #tpu.pack_format<interleaved>} : vector<32xbf16> -> vector<16xf32>
        %max3A_1804 = arith.maximumf %max3A_1795, %unpack3A_1802 : vector<16xf32>
        %max3A_1805 = arith.maximumf %max3A_1796, %unpack3A_1803 : vector<16xf32>
        %broadcast_in_dim3A_1806 = arith.constant 7 : i32
        %broadcast_in_dim3A_1807 = vector.broadcast %broadcast_in_dim3A_1806 : i32 to vector<16xi32>
        %gather3A_1808 = tpu.vector_load_idx %arg14[%broadcast_in_dim3A_1807] : memref<32xi32, #tpu.memory_space<vmem>>[vector<16xi32>], vector<16xi32>,
        %gather3A_1809 = tpu.vector_load_idx %arg8[%gather3A_1808, %iota3A] : memref<4096x16xi32, #tpu.memory_space<vmem>>[vector<16xi32>, vector<16xi32>], vector<16xi32>,
        %bitcast3A_1810 = vector.bitcast %gather3A_1809 : vector<16xi32> to vector<32xbf16>
        %unpack3A_1811 = tpu.unpack_subelements %bitcast3A_1810, 0 {pack_format = #tpu.pack_format<interleaved>} : vector<32xbf16> -> vector<16xf32>
        %unpack3A_1812 = tpu.unpack_subelements %bitcast3A_1810, 1 {pack_format = #tpu.pack_format<interleaved>} : vector<32xbf16> -> vector<16xf32>
        %max3A_1813 = arith.maximumf %max3A_1804, %unpack3A_1811 : vector<16xf32>
        %max3A_1814 = arith.maximumf %max3A_1805, %unpack3A_1812 : vector<16xf32>
        %broadcast_in_dim3A_1815 = arith.constant 8 : i32
        %broadcast_in_dim3A_1816 = vector.broadcast %broadcast_in_dim3A_1815 : i32 to vector<16xi32>
        %gather3A_1817 = tpu.vector_load_idx %arg14[%broadcast_in_dim3A_1816] : memref<32xi32, #tpu.memory_space<vmem>>[vector<16xi32>], vector<16xi32>,
        %gather3A_1818 = tpu.vector_load_idx %arg8[%gather3A_1817, %iota3A] : memref<4096x16xi32, #tpu.memory_space<vmem>>[vector<16xi32>, vector<16xi32>], vector<16xi32>,
        %bitcast3A_1819 = vector.bitcast %gather3A_1818 : vector<16xi32> to vector<32xbf16>
        %unpack3A_1820 = tpu.unpack_subelements %bitcast3A_1819, 0 {pack_format = #tpu.pack_format<interleaved>} : vector<32xbf16> -> vector<16xf32>
        %unpack3A_1821 = tpu.unpack_subelements %bitcast3A_1819, 1 {pack_format = #tpu.pack_format<interleaved>} : vector<32xbf16> -> vector<16xf32>
        %max3A_1822 = arith.maximumf %max3A_1813, %unpack3A_1820 : vector<16xf32>
        %max3A_1823 = arith.maximumf %max3A_1814, %unpack3A_1821 : vector<16xf32>
        %broadcast_in_dim3A_1824 = arith.constant 9 : i32
        %broadcast_in_dim3A_1825 = vector.broadcast %broadcast_in_dim3A_1824 : i32 to vector<16xi32>
        %gather3A_1826 = tpu.vector_load_idx %arg14[%broadcast_in_dim3A_1825] : memref<32xi32, #tpu.memory_space<vmem>>[vector<16xi32>], vector<16xi32>,
        %gather3A_1827 = tpu.vector_load_idx %arg8[%gather3A_1826, %iota3A] : memref<4096x16xi32, #tpu.memory_space<vmem>>[vector<16xi32>, vector<16xi32>], vector<16xi32>,
        %bitcast3A_1828 = vector.bitcast %gather3A_1827 : vector<16xi32> to vector<32xbf16>
        %unpack3A_1829 = tpu.unpack_subelements %bitcast3A_1828, 0 {pack_format = #tpu.pack_format<interleaved>} : vector<32xbf16> -> vector<16xf32>
        %unpack3A_1830 = tpu.unpack_subelements %bitcast3A_1828, 1 {pack_format = #tpu.pack_format<interleaved>} : vector<32xbf16> -> vector<16xf32>
        %max3A_1831 = arith.maximumf %max3A_1822, %unpack3A_1829 : vector<16xf32>
        %max3A_1832 = arith.maximumf %max3A_1823, %unpack3A_1830 : vector<16xf32>
        %broadcast_in_dim3A_1833 = arith.constant 10 : i32
        %broadcast_in_dim3A_1834 = vector.broadcast %broadcast_in_dim3A_1833 : i32 to vector<16xi32>
        %gather3A_1835 = tpu.vector_load_idx %arg14[%broadcast_in_dim3A_1834] : memref<32xi32, #tpu.memory_space<vmem>>[vector<16xi32>], vector<16xi32>,
        %gather3A_1836 = tpu.vector_load_idx %arg8[%gather3A_1835, %iota3A] : memref<4096x16xi32, #tpu.memory_space<vmem>>[vector<16xi32>, vector<16xi32>], vector<16xi32>,
        %bitcast3A_1837 = vector.bitcast %gather3A_1836 : vector<16xi32> to vector<32xbf16>
        %unpack3A_1838 = tpu.unpack_subelements %bitcast3A_1837, 0 {pack_format = #tpu.pack_format<interleaved>} : vector<32xbf16> -> vector<16xf32>
        %unpack3A_1839 = tpu.unpack_subelements %bitcast3A_1837, 1 {pack_format = #tpu.pack_format<interleaved>} : vector<32xbf16> -> vector<16xf32>
        %max3A_1840 = arith.maximumf %max3A_1831, %unpack3A_1838 : vector<16xf32>
        %max3A_1841 = arith.maximumf %max3A_1832, %unpack3A_1839 : vector<16xf32>
        %broadcast_in_dim3A_1842 = arith.constant 11 : i32
        %broadcast_in_dim3A_1843 = vector.broadcast %broadcast_in_dim3A_1842 : i32 to vector<16xi32>
        %gather3A_1844 = tpu.vector_load_idx %arg14[%broadcast_in_dim3A_1843] : memref<32xi32, #tpu.memory_space<vmem>>[vector<16xi32>], vector<16xi32>,
        %gather3A_1845 = tpu.vector_load_idx %arg8[%gather3A_1844, %iota3A] : memref<4096x16xi32, #tpu.memory_space<vmem>>[vector<16xi32>, vector<16xi32>], vector<16xi32>,
        %bitcast3A_1846 = vector.bitcast %gather3A_1845 : vector<16xi32> to vector<32xbf16>
        %unpack3A_1847 = tpu.unpack_subelements %bitcast3A_1846, 0 {pack_format = #tpu.pack_format<interleaved>} : vector<32xbf16> -> vector<16xf32>
        %unpack3A_1848 = tpu.unpack_subelements %bitcast3A_1846, 1 {pack_format = #tpu.pack_format<interleaved>} : vector<32xbf16> -> vector<16xf32>
        %max3A_1849 = arith.maximumf %max3A_1840, %unpack3A_1847 : vector<16xf32>
        %max3A_1850 = arith.maximumf %max3A_1841, %unpack3A_1848 : vector<16xf32>
        %broadcast_in_dim3A_1851 = arith.constant 12 : i32
        %broadcast_in_dim3A_1852 = vector.broadcast %broadcast_in_dim3A_1851 : i32 to vector<16xi32>
        %gather3A_1853 = tpu.vector_load_idx %arg14[%broadcast_in_dim3A_1852] : memref<32xi32, #tpu.memory_space<vmem>>[vector<16xi32>], vector<16xi32>,
        %gather3A_1854 = tpu.vector_load_idx %arg8[%gather3A_1853, %iota3A] : memref<4096x16xi32, #tpu.memory_space<vmem>>[vector<16xi32>, vector<16xi32>], vector<16xi32>,
        %bitcast3A_1855 = vector.bitcast %gather3A_1854 : vector<16xi32> to vector<32xbf16>
        %unpack3A_1856 = tpu.unpack_subelements %bitcast3A_1855, 0 {pack_format = #tpu.pack_format<interleaved>} : vector<32xbf16> -> vector<16xf32>
        %unpack3A_1857 = tpu.unpack_subelements %bitcast3A_1855, 1 {pack_format = #tpu.pack_format<interleaved>} : vector<32xbf16> -> vector<16xf32>
        %max3A_1858 = arith.maximumf %max3A_1849, %unpack3A_1856 : vector<16xf32>
        %max3A_1859 = arith.maximumf %max3A_1850, %unpack3A_1857 : vector<16xf32>
        %broadcast_in_dim3A_1860 = arith.constant 13 : i32
        %broadcast_in_dim3A_1861 = vector.broadcast %broadcast_in_dim3A_1860 : i32 to vector<16xi32>
        %gather3A_1862 = tpu.vector_load_idx %arg14[%broadcast_in_dim3A_1861] : memref<32xi32, #tpu.memory_space<vmem>>[vector<16xi32>], vector<16xi32>,
        %gather3A_1863 = tpu.vector_load_idx %arg8[%gather3A_1862, %iota3A] : memref<4096x16xi32, #tpu.memory_space<vmem>>[vector<16xi32>, vector<16xi32>], vector<16xi32>,
        %bitcast3A_1864 = vector.bitcast %gather3A_1863 : vector<16xi32> to vector<32xbf16>
        %unpack3A_1865 = tpu.unpack_subelements %bitcast3A_1864, 0 {pack_format = #tpu.pack_format<interleaved>} : vector<32xbf16> -> vector<16xf32>
        %unpack3A_1866 = tpu.unpack_subelements %bitcast3A_1864, 1 {pack_format = #tpu.pack_format<interleaved>} : vector<32xbf16> -> vector<16xf32>
        %max3A_1867 = arith.maximumf %max3A_1858, %unpack3A_1865 : vector<16xf32>
        %max3A_1868 = arith.maximumf %max3A_1859, %unpack3A_1866 : vector<16xf32>
        %broadcast_in_dim3A_1869 = arith.constant 14 : i32
        %broadcast_in_dim3A_1870 = vector.broadcast %broadcast_in_dim3A_1869 : i32 to vector<16xi32>
        %gather3A_1871 = tpu.vector_load_idx %arg14[%broadcast_in_dim3A_1870] : memref<32xi32, #tpu.memory_space<vmem>>[vector<16xi32>], vector<16xi32>,
        %gather3A_1872 = tpu.vector_load_idx %arg8[%gather3A_1871, %iota3A] : memref<4096x16xi32, #tpu.memory_space<vmem>>[vector<16xi32>, vector<16xi32>], vector<16xi32>,
        %bitcast3A_1873 = vector.bitcast %gather3A_1872 : vector<16xi32> to vector<32xbf16>
        %unpack3A_1874 = tpu.unpack_subelements %bitcast3A_1873, 0 {pack_format = #tpu.pack_format<interleaved>} : vector<32xbf16> -> vector<16xf32>
        %unpack3A_1875 = tpu.unpack_subelements %bitcast3A_1873, 1 {pack_format = #tpu.pack_format<interleaved>} : vector<32xbf16> -> vector<16xf32>
        %max3A_1876 = arith.maximumf %max3A_1867, %unpack3A_1874 : vector<16xf32>
        %max3A_1877 = arith.maximumf %max3A_1868, %unpack3A_1875 : vector<16xf32>
        %broadcast_in_dim3A_1878 = arith.constant 15 : i32
        %broadcast_in_dim3A_1879 = vector.broadcast %broadcast_in_dim3A_1878 : i32 to vector<16xi32>
        %gather3A_1880 = tpu.vector_load_idx %arg14[%broadcast_in_dim3A_1879] : memref<32xi32, #tpu.memory_space<vmem>>[vector<16xi32>], vector<16xi32>,
        %gather3A_1881 = tpu.vector_load_idx %arg8[%gather3A_1880, %iota3A] : memref<4096x16xi32, #tpu.memory_space<vmem>>[vector<16xi32>, vector<16xi32>], vector<16xi32>,
        %bitcast3A_1882 = vector.bitcast %gather3A_1881 : vector<16xi32> to vector<32xbf16>
        %unpack3A_1883 = tpu.unpack_subelements %bitcast3A_1882, 0 {pack_format = #tpu.pack_format<interleaved>} : vector<32xbf16> -> vector<16xf32>
        %unpack3A_1884 = tpu.unpack_subelements %bitcast3A_1882, 1 {pack_format = #tpu.pack_format<interleaved>} : vector<32xbf16> -> vector<16xf32>
        %max3A_1885 = arith.maximumf %max3A_1876, %unpack3A_1883 : vector<16xf32>
        %max3A_1886 = arith.maximumf %max3A_1877, %unpack3A_1884 : vector<16xf32>
        %broadcast_in_dim3A_1887 = arith.constant 16 : i32
        %broadcast_in_dim3A_1888 = vector.broadcast %broadcast_in_dim3A_1887 : i32 to vector<16xi32>
        %gather3A_1889 = tpu.vector_load_idx %arg14[%broadcast_in_dim3A_1888] : memref<32xi32, #tpu.memory_space<vmem>>[vector<16xi32>], vector<16xi32>,
        %gather3A_1890 = tpu.vector_load_idx %arg8[%gather3A_1889, %iota3A] : memref<4096x16xi32, #tpu.memory_space<vmem>>[vector<16xi32>, vector<16xi32>], vector<16xi32>,
        %bitcast3A_1891 = vector.bitcast %gather3A_1890 : vector<16xi32> to vector<32xbf16>
        %unpack3A_1892 = tpu.unpack_subelements %bitcast3A_1891, 0 {pack_format = #tpu.pack_format<interleaved>} : vector<32xbf16> -> vector<16xf32>
        %unpack3A_1893 = tpu.unpack_subelements %bitcast3A_1891, 1 {pack_format = #tpu.pack_format<interleaved>} : vector<32xbf16> -> vector<16xf32>
        %max3A_1894 = arith.maximumf %max3A_1885, %unpack3A_1892 : vector<16xf32>
        %max3A_1895 = arith.maximumf %max3A_1886, %unpack3A_1893 : vector<16xf32>
        %broadcast_in_dim3A_1896 = arith.constant 17 : i32
        %broadcast_in_dim3A_1897 = vector.broadcast %broadcast_in_dim3A_1896 : i32 to vector<16xi32>
        %gather3A_1898 = tpu.vector_load_idx %arg14[%broadcast_in_dim3A_1897] : memref<32xi32, #tpu.memory_space<vmem>>[vector<16xi32>], vector<16xi32>,
        %gather3A_1899 = tpu.vector_load_idx %arg8[%gather3A_1898, %iota3A] : memref<4096x16xi32, #tpu.memory_space<vmem>>[vector<16xi32>, vector<16xi32>], vector<16xi32>,
        %bitcast3A_1900 = vector.bitcast %gather3A_1899 : vector<16xi32> to vector<32xbf16>
        %unpack3A_1901 = tpu.unpack_subelements %bitcast3A_1900, 0 {pack_format = #tpu.pack_format<interleaved>} : vector<32xbf16> -> vector<16xf32>
        %unpack3A_1902 = tpu.unpack_subelements %bitcast3A_1900, 1 {pack_format = #tpu.pack_format<interleaved>} : vector<32xbf16> -> vector<16xf32>
        %max3A_1903 = arith.maximumf %max3A_1894, %unpack3A_1901 : vector<16xf32>
        %max3A_1904 = arith.maximumf %max3A_1895, %unpack3A_1902 : vector<16xf32>
        %broadcast_in_dim3A_1905 = arith.constant 18 : i32
        %broadcast_in_dim3A_1906 = vector.broadcast %broadcast_in_dim3A_1905 : i32 to vector<16xi32>
        %gather3A_1907 = tpu.vector_load_idx %arg14[%broadcast_in_dim3A_1906] : memref<32xi32, #tpu.memory_space<vmem>>[vector<16xi32>], vector<16xi32>,
        %gather3A_1908 = tpu.vector_load_idx %arg8[%gather3A_1907, %iota3A] : memref<4096x16xi32, #tpu.memory_space<vmem>>[vector<16xi32>, vector<16xi32>], vector<16xi32>,
        %bitcast3A_1909 = vector.bitcast %gather3A_1908 : vector<16xi32> to vector<32xbf16>
        %unpack3A_1910 = tpu.unpack_subelements %bitcast3A_1909, 0 {pack_format = #tpu.pack_format<interleaved>} : vector<32xbf16> -> vector<16xf32>
        %unpack3A_1911 = tpu.unpack_subelements %bitcast3A_1909, 1 {pack_format = #tpu.pack_format<interleaved>} : vector<32xbf16> -> vector<16xf32>
        %max3A_1912 = arith.maximumf %max3A_1903, %unpack3A_1910 : vector<16xf32>
        %max3A_1913 = arith.maximumf %max3A_1904, %unpack3A_1911 : vector<16xf32>
        %broadcast_in_dim3A_1914 = arith.constant 19 : i32
        %broadcast_in_dim3A_1915 = vector.broadcast %broadcast_in_dim3A_1914 : i32 to vector<16xi32>
        %gather3A_1916 = tpu.vector_load_idx %arg14[%broadcast_in_dim3A_1915] : memref<32xi32, #tpu.memory_space<vmem>>[vector<16xi32>], vector<16xi32>,
        %gather3A_1917 = tpu.vector_load_idx %arg8[%gather3A_1916, %iota3A] : memref<4096x16xi32, #tpu.memory_space<vmem>>[vector<16xi32>, vector<16xi32>], vector<16xi32>,
        %bitcast3A_1918 = vector.bitcast %gather3A_1917 : vector<16xi32> to vector<32xbf16>
        %unpack3A_1919 = tpu.unpack_subelements %bitcast3A_1918, 0 {pack_format = #tpu.pack_format<interleaved>} : vector<32xbf16> -> vector<16xf32>
        %unpack3A_1920 = tpu.unpack_subelements %bitcast3A_1918, 1 {pack_format = #tpu.pack_format<interleaved>} : vector<32xbf16> -> vector<16xf32>
        %max3A_1921 = arith.maximumf %max3A_1912, %unpack3A_1919 : vector<16xf32>
        %max3A_1922 = arith.maximumf %max3A_1913, %unpack3A_1920 : vector<16xf32>
        %broadcast_in_dim3A_1923 = arith.constant 20 : i32
        %broadcast_in_dim3A_1924 = vector.broadcast %broadcast_in_dim3A_1923 : i32 to vector<16xi32>
        %gather3A_1925 = tpu.vector_load_idx %arg14[%broadcast_in_dim3A_1924] : memref<32xi32, #tpu.memory_space<vmem>>[vector<16xi32>], vector<16xi32>,
        %gather3A_1926 = tpu.vector_load_idx %arg8[%gather3A_1925, %iota3A] : memref<4096x16xi32, #tpu.memory_space<vmem>>[vector<16xi32>, vector<16xi32>], vector<16xi32>,
        %bitcast3A_1927 = vector.bitcast %gather3A_1926 : vector<16xi32> to vector<32xbf16>
        %unpack3A_1928 = tpu.unpack_subelements %bitcast3A_1927, 0 {pack_format = #tpu.pack_format<interleaved>} : vector<32xbf16> -> vector<16xf32>
        %unpack3A_1929 = tpu.unpack_subelements %bitcast3A_1927, 1 {pack_format = #tpu.pack_format<interleaved>} : vector<32xbf16> -> vector<16xf32>
        %max3A_1930 = arith.maximumf %max3A_1921, %unpack3A_1928 : vector<16xf32>
        %max3A_1931 = arith.maximumf %max3A_1922, %unpack3A_1929 : vector<16xf32>
        %broadcast_in_dim3A_1932 = arith.constant 21 : i32
        %broadcast_in_dim3A_1933 = vector.broadcast %broadcast_in_dim3A_1932 : i32 to vector<16xi32>
        %gather3A_1934 = tpu.vector_load_idx %arg14[%broadcast_in_dim3A_1933] : memref<32xi32, #tpu.memory_space<vmem>>[vector<16xi32>], vector<16xi32>,
        %gather3A_1935 = tpu.vector_load_idx %arg8[%gather3A_1934, %iota3A] : memref<4096x16xi32, #tpu.memory_space<vmem>>[vector<16xi32>, vector<16xi32>], vector<16xi32>,
        %bitcast3A_1936 = vector.bitcast %gather3A_1935 : vector<16xi32> to vector<32xbf16>
        %unpack3A_1937 = tpu.unpack_subelements %bitcast3A_1936, 0 {pack_format = #tpu.pack_format<interleaved>} : vector<32xbf16> -> vector<16xf32>
        %unpack3A_1938 = tpu.unpack_subelements %bitcast3A_1936, 1 {pack_format = #tpu.pack_format<interleaved>} : vector<32xbf16> -> vector<16xf32>
        %max3A_1939 = arith.maximumf %max3A_1930, %unpack3A_1937 : vector<16xf32>
        %max3A_1940 = arith.maximumf %max3A_1931, %unpack3A_1938 : vector<16xf32>
        %broadcast_in_dim3A_1941 = arith.constant 22 : i32
        %broadcast_in_dim3A_1942 = vector.broadcast %broadcast_in_dim3A_1941 : i32 to vector<16xi32>
        %gather3A_1943 = tpu.vector_load_idx %arg14[%broadcast_in_dim3A_1942] : memref<32xi32, #tpu.memory_space<vmem>>[vector<16xi32>], vector<16xi32>,
        %gather3A_1944 = tpu.vector_load_idx %arg8[%gather3A_1943, %iota3A] : memref<4096x16xi32, #tpu.memory_space<vmem>>[vector<16xi32>, vector<16xi32>], vector<16xi32>,
        %bitcast3A_1945 = vector.bitcast %gather3A_1944 : vector<16xi32> to vector<32xbf16>
        %unpack3A_1946 = tpu.unpack_subelements %bitcast3A_1945, 0 {pack_format = #tpu.pack_format<interleaved>} : vector<32xbf16> -> vector<16xf32>
        %unpack3A_1947 = tpu.unpack_subelements %bitcast3A_1945, 1 {pack_format = #tpu.pack_format<interleaved>} : vector<32xbf16> -> vector<16xf32>
        %max3A_1948 = arith.maximumf %max3A_1939, %unpack3A_1946 : vector<16xf32>
        %max3A_1949 = arith.maximumf %max3A_1940, %unpack3A_1947 : vector<16xf32>
        %broadcast_in_dim3A_1950 = arith.constant 23 : i32
        %broadcast_in_dim3A_1951 = vector.broadcast %broadcast_in_dim3A_1950 : i32 to vector<16xi32>
        %gather3A_1952 = tpu.vector_load_idx %arg14[%broadcast_in_dim3A_1951] : memref<32xi32, #tpu.memory_space<vmem>>[vector<16xi32>], vector<16xi32>,
        %gather3A_1953 = tpu.vector_load_idx %arg8[%gather3A_1952, %iota3A] : memref<4096x16xi32, #tpu.memory_space<vmem>>[vector<16xi32>, vector<16xi32>], vector<16xi32>,
        %bitcast3A_1954 = vector.bitcast %gather3A_1953 : vector<16xi32> to vector<32xbf16>
        %unpack3A_1955 = tpu.unpack_subelements %bitcast3A_1954, 0 {pack_format = #tpu.pack_format<interleaved>} : vector<32xbf16> -> vector<16xf32>
        %unpack3A_1956 = tpu.unpack_subelements %bitcast3A_1954, 1 {pack_format = #tpu.pack_format<interleaved>} : vector<32xbf16> -> vector<16xf32>
        %max3A_1957 = arith.maximumf %max3A_1948, %unpack3A_1955 : vector<16xf32>
        %max3A_1958 = arith.maximumf %max3A_1949, %unpack3A_1956 : vector<16xf32>
        %broadcast_in_dim3A_1959 = arith.constant 24 : i32
        %broadcast_in_dim3A_1960 = vector.broadcast %broadcast_in_dim3A_1959 : i32 to vector<16xi32>
        %gather3A_1961 = tpu.vector_load_idx %arg14[%broadcast_in_dim3A_1960] : memref<32xi32, #tpu.memory_space<vmem>>[vector<16xi32>], vector<16xi32>,
        %gather3A_1962 = tpu.vector_load_idx %arg8[%gather3A_1961, %iota3A] : memref<4096x16xi32, #tpu.memory_space<vmem>>[vector<16xi32>, vector<16xi32>], vector<16xi32>,
        %bitcast3A_1963 = vector.bitcast %gather3A_1962 : vector<16xi32> to vector<32xbf16>
        %unpack3A_1964 = tpu.unpack_subelements %bitcast3A_1963, 0 {pack_format = #tpu.pack_format<interleaved>} : vector<32xbf16> -> vector<16xf32>
        %unpack3A_1965 = tpu.unpack_subelements %bitcast3A_1963, 1 {pack_format = #tpu.pack_format<interleaved>} : vector<32xbf16> -> vector<16xf32>
        %max3A_1966 = arith.maximumf %max3A_1957, %unpack3A_1964 : vector<16xf32>
        %max3A_1967 = arith.maximumf %max3A_1958, %unpack3A_1965 : vector<16xf32>
        %broadcast_in_dim3A_1968 = arith.constant 25 : i32
        %broadcast_in_dim3A_1969 = vector.broadcast %broadcast_in_dim3A_1968 : i32 to vector<16xi32>
        %gather3A_1970 = tpu.vector_load_idx %arg14[%broadcast_in_dim3A_1969] : memref<32xi32, #tpu.memory_space<vmem>>[vector<16xi32>], vector<16xi32>,
        %gather3A_1971 = tpu.vector_load_idx %arg8[%gather3A_1970, %iota3A] : memref<4096x16xi32, #tpu.memory_space<vmem>>[vector<16xi32>, vector<16xi32>], vector<16xi32>,
        %bitcast3A_1972 = vector.bitcast %gather3A_1971 : vector<16xi32> to vector<32xbf16>
        %unpack3A_1973 = tpu.unpack_subelements %bitcast3A_1972, 0 {pack_format = #tpu.pack_format<interleaved>} : vector<32xbf16> -> vector<16xf32>
        %unpack3A_1974 = tpu.unpack_subelements %bitcast3A_1972, 1 {pack_format = #tpu.pack_format<interleaved>} : vector<32xbf16> -> vector<16xf32>
        %max3A_1975 = arith.maximumf %max3A_1966, %unpack3A_1973 : vector<16xf32>
        %max3A_1976 = arith.maximumf %max3A_1967, %unpack3A_1974 : vector<16xf32>
        %broadcast_in_dim3A_1977 = arith.constant 26 : i32
        %broadcast_in_dim3A_1978 = vector.broadcast %broadcast_in_dim3A_1977 : i32 to vector<16xi32>
        %gather3A_1979 = tpu.vector_load_idx %arg14[%broadcast_in_dim3A_1978] : memref<32xi32, #tpu.memory_space<vmem>>[vector<16xi32>], vector<16xi32>,
        %gather3A_1980 = tpu.vector_load_idx %arg8[%gather3A_1979, %iota3A] : memref<4096x16xi32, #tpu.memory_space<vmem>>[vector<16xi32>, vector<16xi32>], vector<16xi32>,
        %bitcast3A_1981 = vector.bitcast %gather3A_1980 : vector<16xi32> to vector<32xbf16>
        %unpack3A_1982 = tpu.unpack_subelements %bitcast3A_1981, 0 {pack_format = #tpu.pack_format<interleaved>} : vector<32xbf16> -> vector<16xf32>
        %unpack3A_1983 = tpu.unpack_subelements %bitcast3A_1981, 1 {pack_format = #tpu.pack_format<interleaved>} : vector<32xbf16> -> vector<16xf32>
        %max3A_1984 = arith.maximumf %max3A_1975, %unpack3A_1982 : vector<16xf32>
        %max3A_1985 = arith.maximumf %max3A_1976, %unpack3A_1983 : vector<16xf32>
        %broadcast_in_dim3A_1986 = arith.constant 27 : i32
        %broadcast_in_dim3A_1987 = vector.broadcast %broadcast_in_dim3A_1986 : i32 to vector<16xi32>
        %gather3A_1988 = tpu.vector_load_idx %arg14[%broadcast_in_dim3A_1987] : memref<32xi32, #tpu.memory_space<vmem>>[vector<16xi32>], vector<16xi32>,
        %gather3A_1989 = tpu.vector_load_idx %arg8[%gather3A_1988, %iota3A] : memref<4096x16xi32, #tpu.memory_space<vmem>>[vector<16xi32>, vector<16xi32>], vector<16xi32>,
        %bitcast3A_1990 = vector.bitcast %gather3A_1989 : vector<16xi32> to vector<32xbf16>
        %unpack3A_1991 = tpu.unpack_subelements %bitcast3A_1990, 0 {pack_format = #tpu.pack_format<interleaved>} : vector<32xbf16> -> vector<16xf32>
        %unpack3A_1992 = tpu.unpack_subelements %bitcast3A_1990, 1 {pack_format = #tpu.pack_format<interleaved>} : vector<32xbf16> -> vector<16xf32>
        %max3A_1993 = arith.maximumf %max3A_1984, %unpack3A_1991 : vector<16xf32>
        %max3A_1994 = arith.maximumf %max3A_1985, %unpack3A_1992 : vector<16xf32>
        %broadcast_in_dim3A_1995 = arith.constant 28 : i32
        %broadcast_in_dim3A_1996 = vector.broadcast %broadcast_in_dim3A_1995 : i32 to vector<16xi32>
        %gather3A_1997 = tpu.vector_load_idx %arg14[%broadcast_in_dim3A_1996] : memref<32xi32, #tpu.memory_space<vmem>>[vector<16xi32>], vector<16xi32>,
        %gather3A_1998 = tpu.vector_load_idx %arg8[%gather3A_1997, %iota3A] : memref<4096x16xi32, #tpu.memory_space<vmem>>[vector<16xi32>, vector<16xi32>], vector<16xi32>,
        %bitcast3A_1999 = vector.bitcast %gather3A_1998 : vector<16xi32> to vector<32xbf16>
        %unpack3A_2000 = tpu.unpack_subelements %bitcast3A_1999, 0 {pack_format = #tpu.pack_format<interleaved>} : vector<32xbf16> -> vector<16xf32>
        %unpack3A_2001 = tpu.unpack_subelements %bitcast3A_1999, 1 {pack_format = #tpu.pack_format<interleaved>} : vector<32xbf16> -> vector<16xf32>
        %max3A_2002 = arith.maximumf %max3A_1993, %unpack3A_2000 : vector<16xf32>
        %max3A_2003 = arith.maximumf %max3A_1994, %unpack3A_2001 : vector<16xf32>
        %broadcast_in_dim3A_2004 = arith.constant 29 : i32
        %broadcast_in_dim3A_2005 = vector.broadcast %broadcast_in_dim3A_2004 : i32 to vector<16xi32>
        %gather3A_2006 = tpu.vector_load_idx %arg14[%broadcast_in_dim3A_2005] : memref<32xi32, #tpu.memory_space<vmem>>[vector<16xi32>], vector<16xi32>,
        %gather3A_2007 = tpu.vector_load_idx %arg8[%gather3A_2006, %iota3A] : memref<4096x16xi32, #tpu.memory_space<vmem>>[vector<16xi32>, vector<16xi32>], vector<16xi32>,
        %bitcast3A_2008 = vector.bitcast %gather3A_2007 : vector<16xi32> to vector<32xbf16>
        %unpack3A_2009 = tpu.unpack_subelements %bitcast3A_2008, 0 {pack_format = #tpu.pack_format<interleaved>} : vector<32xbf16> -> vector<16xf32>
        %unpack3A_2010 = tpu.unpack_subelements %bitcast3A_2008, 1 {pack_format = #tpu.pack_format<interleaved>} : vector<32xbf16> -> vector<16xf32>
        %max3A_2011 = arith.maximumf %max3A_2002, %unpack3A_2009 : vector<16xf32>
        %max3A_2012 = arith.maximumf %max3A_2003, %unpack3A_2010 : vector<16xf32>
        %broadcast_in_dim3A_2013 = arith.constant 30 : i32
        %broadcast_in_dim3A_2014 = vector.broadcast %broadcast_in_dim3A_2013 : i32 to vector<16xi32>
        %gather3A_2015 = tpu.vector_load_idx %arg14[%broadcast_in_dim3A_2014] : memref<32xi32, #tpu.memory_space<vmem>>[vector<16xi32>], vector<16xi32>,
        %gather3A_2016 = tpu.vector_load_idx %arg8[%gather3A_2015, %iota3A] : memref<4096x16xi32, #tpu.memory_space<vmem>>[vector<16xi32>, vector<16xi32>], vector<16xi32>,
        %bitcast3A_2017 = vector.bitcast %gather3A_2016 : vector<16xi32> to vector<32xbf16>
        %unpack3A_2018 = tpu.unpack_subelements %bitcast3A_2017, 0 {pack_format = #tpu.pack_format<interleaved>} : vector<32xbf16> -> vector<16xf32>
        %unpack3A_2019 = tpu.unpack_subelements %bitcast3A_2017, 1 {pack_format = #tpu.pack_format<interleaved>} : vector<32xbf16> -> vector<16xf32>
        %max3A_2020 = arith.maximumf %max3A_2011, %unpack3A_2018 : vector<16xf32>
        %max3A_2021 = arith.maximumf %max3A_2012, %unpack3A_2019 : vector<16xf32>
        %broadcast_in_dim3A_2022 = arith.constant 31 : i32
        %broadcast_in_dim3A_2023 = vector.broadcast %broadcast_in_dim3A_2022 : i32 to vector<16xi32>
        %gather3A_2024 = tpu.vector_load_idx %arg14[%broadcast_in_dim3A_2023] : memref<32xi32, #tpu.memory_space<vmem>>[vector<16xi32>], vector<16xi32>,
        %gather3A_2025 = tpu.vector_load_idx %arg8[%gather3A_2024, %iota3A] : memref<4096x16xi32, #tpu.memory_space<vmem>>[vector<16xi32>, vector<16xi32>], vector<16xi32>,
        %bitcast3A_2026 = vector.bitcast %gather3A_2025 : vector<16xi32> to vector<32xbf16>
        %unpack3A_2027 = tpu.unpack_subelements %bitcast3A_2026, 0 {pack_format = #tpu.pack_format<interleaved>} : vector<32xbf16> -> vector<16xf32>
        %unpack3A_2028 = tpu.unpack_subelements %bitcast3A_2026, 1 {pack_format = #tpu.pack_format<interleaved>} : vector<32xbf16> -> vector<16xf32>
        %max3A_2029 = arith.maximumf %max3A_2020, %unpack3A_2027 : vector<16xf32>
        %max3A_2030 = arith.maximumf %max3A_2021, %unpack3A_2028 : vector<16xf32>
        %get3A_2031 = arith.constant 0 : i32
        %get3A_2032 = arith.index_cast %get3A_2031 : i32 to index
        %get3A_2033 = arith.constant 0 : index
        %get3A_2034 = tpu.vector_load %arg10[%get3A_2032, %get3A_2033] {strides = array<i32>} : memref<4x32xf32, #tpu.memory_space<vmem>>, vector<16xf32>,
        %get3A_2035 = arith.constant 0 : i32
        %get3A_2036 = arith.index_cast %get3A_2035 : i32 to index
        %get3A_2037 = arith.constant 16 : index
        %get3A_2038 = tpu.vector_load %arg10[%get3A_2036, %get3A_2037] {strides = array<i32>} : memref<4x32xf32, #tpu.memory_space<vmem>>, vector<16xf32>,
        %get3A_2039 = arith.constant 1 : i32
        %get3A_2040 = arith.index_cast %get3A_2039 : i32 to index
        %get3A_2041 = arith.constant 0 : index
        %get3A_2042 = tpu.vector_load %arg10[%get3A_2040, %get3A_2041] {strides = array<i32>} : memref<4x32xf32, #tpu.memory_space<vmem>>, vector<16xf32>,
        %get3A_2043 = arith.constant 1 : i32
        %get3A_2044 = arith.index_cast %get3A_2043 : i32 to index
        %get3A_2045 = arith.constant 16 : index
        %get3A_2046 = tpu.vector_load %arg10[%get3A_2044, %get3A_2045] {strides = array<i32>} : memref<4x32xf32, #tpu.memory_space<vmem>>, vector<16xf32>,
        %get3A_2047 = arith.constant 2 : i32
        %get3A_2048 = arith.index_cast %get3A_2047 : i32 to index
        %get3A_2049 = arith.constant 0 : index
        %get3A_2050 = tpu.vector_load %arg10[%get3A_2048, %get3A_2049] {strides = array<i32>} : memref<4x32xf32, #tpu.memory_space<vmem>>, vector<16xf32>,
        %get3A_2051 = arith.constant 2 : i32
        %get3A_2052 = arith.index_cast %get3A_2051 : i32 to index
        %get3A_2053 = arith.constant 16 : index
        %get3A_2054 = tpu.vector_load %arg10[%get3A_2052, %get3A_2053] {strides = array<i32>} : memref<4x32xf32, #tpu.memory_space<vmem>>, vector<16xf32>,
        %get3A_2055 = arith.constant 3 : i32
        %get3A_2056 = arith.index_cast %get3A_2055 : i32 to index
        %get3A_2057 = arith.constant 0 : index
        %get3A_2058 = tpu.vector_load %arg10[%get3A_2056, %get3A_2057] {strides = array<i32>} : memref<4x32xf32, #tpu.memory_space<vmem>>, vector<16xf32>,
        %get3A_2059 = arith.constant 3 : i32
        %get3A_2060 = arith.index_cast %get3A_2059 : i32 to index
        %get3A_2061 = arith.constant 16 : index
        %get3A_2062 = tpu.vector_load %arg10[%get3A_2060, %get3A_2061] {strides = array<i32>} : memref<4x32xf32, #tpu.memory_space<vmem>>, vector<16xf32>,
        %mul3A_2063 = arith.mulf %gather3A, %get3A_2034 : vector<16xf32>
        %mul3A_2064 = arith.mulf %gather3A_36, %get3A_2042 : vector<16xf32>
        %add3A_2065 = arith.addf %mul3A_2063, %mul3A_2064 : vector<16xf32>
        %mul3A_2066 = arith.mulf %gather3A_38, %get3A_2050 : vector<16xf32>
        %add3A_2067 = arith.addf %add3A_2065, %mul3A_2066 : vector<16xf32>
        %sub3A_2068 = arith.subf %get3A_2058, %add3A_2067 : vector<16xf32>
        %mul3A_2069 = arith.mulf %gather3A, %get3A_2038 : vector<16xf32>
        %mul3A_2070 = arith.mulf %gather3A_36, %get3A_2046 : vector<16xf32>
        %add3A_2071 = arith.addf %mul3A_2069, %mul3A_2070 : vector<16xf32>
        %mul3A_2072 = arith.mulf %gather3A_38, %get3A_2054 : vector<16xf32>
        %add3A_2073 = arith.addf %add3A_2071, %mul3A_2072 : vector<16xf32>
        %sub3A_2074 = arith.subf %get3A_2062, %add3A_2073 : vector<16xf32>
        %add3A_2075 = arith.addf %max3A_2029, %sub3A_2068 : vector<16xf32>
        %max3A_2076 = arith.constant 0.000000e+00 : f32
        %max3A_2077 = vector.broadcast %max3A_2076 : f32 to vector<16xf32>
        %max3A_2078 = arith.maximumf %add3A_2075, %max3A_2077 : vector<16xf32>
        %add3A_2079 = arith.addf %max3A_2030, %sub3A_2074 : vector<16xf32>
        %max3A_2080 = arith.constant 0.000000e+00 : f32
        %max3A_2081 = vector.broadcast %max3A_2080 : f32 to vector<16xf32>
        %max3A_2082 = arith.maximumf %add3A_2079, %max3A_2081 : vector<16xf32>
        %mul3A_2083 = arith.constant 32 : i32
        %mul3A_2084 = arith.muli %scan3A_31, %mul3A_2083 : i32
        %swap3A_2085 = arith.index_cast %mul3A_2084 : i32 to index
        %swap3A_2086 = tpu.vector_load %arg15[%swap3A_2085] {strides = array<i32>} : memref<512xf32, #tpu.memory_space<vmem>>, vector<16xf32>,
        tpu.vector_store %arg15[%swap3A_2085], %max3A_2078 {strides = array<i32>} : memref<512xf32, #tpu.memory_space<vmem>>, vector<16xf32>,
        %mul3A_2087 = arith.constant 32 : i32
        %mul3A_2088 = arith.muli %scan3A_31, %mul3A_2087 : i32
        %add3A_2089 = arith.constant 16 : i32
        %add3A_2090 = arith.addi %mul3A_2088, %add3A_2089 : i32
        %swap3A_2091 = arith.index_cast %add3A_2090 : i32 to index
        %swap3A_2092 = tpu.vector_load %arg15[%swap3A_2091] {strides = array<i32>} : memref<512xf32, #tpu.memory_space<vmem>>, vector<16xf32>,
        tpu.vector_store %arg15[%swap3A_2091], %max3A_2082 {strides = array<i32>} : memref<512xf32, #tpu.memory_space<vmem>>, vector<16xf32>,
      }
      %scan3A_24 = arith.constant 16 : i32
      %mul3A_25 = arith.constant 2208 : i32
      %mul3A_26 = arith.muli %arg1, %mul3A_25 : i32
      %mul3A_27 = arith.constant 16 : i32
      %mul3A_28 = arith.muli %scan3A_18, %mul3A_27 : i32
      %add3A = arith.addi %mul3A_26, %mul3A_28 : i32
      %mul3A_29 = arith.constant 32 : i32
      %mul3A_30 = arith.muli %add3A, %mul3A_29 : i32
      "tpu.region"() ({
        %run_scoped3A_31 = tpu.sem_alloc : memref<!tpu.dma_semaphore, #tpu.memory_space<semaphore_mem>>
        %dma_start3A = tpu.memref_slice %arg6[%arg0, %mul3A_30] : memref<2x1130496xf32, #tpu.memory_space<hbm>> -> memref<1x512xf32, #tpu.memory_space<hbm>>
        %dma_start3A_32 = tpu.memref_squeeze %dma_start3A : memref<1x512xf32, #tpu.memory_space<hbm>> -> memref<512xf32, #tpu.memory_space<hbm>>
        %dma_start3A_33 = tpu.memref_slice %arg6[%arg0, %mul3A_30] : memref<2x1130496xf32, #tpu.memory_space<hbm>> -> memref<1x512xf32, #tpu.memory_space<hbm>>
        %dma_start3A_34 = tpu.memref_squeeze %dma_start3A_33 : memref<1x512xf32, #tpu.memory_space<hbm>> -> memref<512xf32, #tpu.memory_space<hbm>>
        tpu.enqueue_dma source(%arg15 : memref<512xf32, #tpu.memory_space<vmem>>) target(%dma_start3A_34 : memref<512xf32, #tpu.memory_space<hbm>>) target_semaphore(%run_scoped3A_31 : memref<!tpu.dma_semaphore, #tpu.memory_space<semaphore_mem>>)
        %dma_wait3A = tpu.memref_slice %arg6[%arg0, %mul3A_30] : memref<2x1130496xf32, #tpu.memory_space<hbm>> -> memref<1x512xf32, #tpu.memory_space<hbm>>
        %dma_wait3A_35 = tpu.memref_squeeze %dma_wait3A : memref<1x512xf32, #tpu.memory_space<hbm>> -> memref<512xf32, #tpu.memory_space<hbm>>
        %dma_wait3A_36 = tpu.memref_slice %arg6[%arg0, %mul3A_30] : memref<2x1130496xf32, #tpu.memory_space<hbm>> -> memref<1x512xf32, #tpu.memory_space<hbm>>
        %dma_wait3A_37 = tpu.memref_squeeze %dma_wait3A_36 : memref<1x512xf32, #tpu.memory_space<hbm>> -> memref<512xf32, #tpu.memory_space<hbm>>
        tpu.wait_dma2 semaphore(%run_scoped3A_31 : memref<!tpu.dma_semaphore, #tpu.memory_space<semaphore_mem>>) src(%arg15 : memref<512xf32, #tpu.memory_space<vmem>>) dst(%dma_wait3A_37 : memref<512xf32, #tpu.memory_space<hbm>>)
        tpu.yield
      }) : () -> ()
    }
    %scan3A_17 = arith.constant 138 : i32
    return
  }
}

module attributes {stable_mosaic.version = 14 : i64} {
  func.func @_fe_body(%arg0: i32, %arg1: memref<1x4096x6xf32, #tpu.memory_space<vmem>>, %arg2: memref<6x64xf32, #tpu.memory_space<vmem>>, %arg3: memref<1x64xf32, #tpu.memory_space<vmem>>, %arg4: memref<64x64xf32, #tpu.memory_space<vmem>>, %arg5: memref<1x64xf32, #tpu.memory_space<vmem>>, %arg6: memref<64x32xf32, #tpu.memory_space<vmem>>, %arg7: memref<1x32xf32, #tpu.memory_space<vmem>>, %arg8: memref<32x16xf32, #tpu.memory_space<vmem>>, %arg9: memref<1x16xf32, #tpu.memory_space<vmem>>, %arg10: memref<16x1xf32, #tpu.memory_space<vmem>>, %arg11: memref<1x1xf32, #tpu.memory_space<vmem>>, %arg12: memref<1x40x32xf32, #tpu.memory_space<vmem>>, %arg13: memref<1x4096x32xf32, #tpu.memory_space<vmem>>, %arg14: memref<1x4096x1xf32, #tpu.memory_space<vmem>>, %arg15: memref<1x4096x32xf32, #tpu.memory_space<vmem>>) attributes {dimension_semantics = [#tpu.dimension_semantics<arbitrary>], iteration_bounds = array<i64: 4>, scalar_prefetch = 0 : i64, scratch_operands = 0 : i64, tpu.core_type = #tpu.core_type<tc>, window_params = [{transform_indices = @transform_0, window_bounds = array<i64: 1, 4096, 6>}, {pipeline_mode = #tpu.pipeline_mode<synchronous>, transform_indices = @transform_1, window_bounds = array<i64: 6, 64>}, {pipeline_mode = #tpu.pipeline_mode<synchronous>, transform_indices = @transform_2, window_bounds = array<i64: 1, 64>}, {pipeline_mode = #tpu.pipeline_mode<synchronous>, transform_indices = @transform_3, window_bounds = array<i64: 64, 64>}, {pipeline_mode = #tpu.pipeline_mode<synchronous>, transform_indices = @transform_4, window_bounds = array<i64: 1, 64>}, {pipeline_mode = #tpu.pipeline_mode<synchronous>, transform_indices = @transform_5, window_bounds = array<i64: 64, 32>}, {pipeline_mode = #tpu.pipeline_mode<synchronous>, transform_indices = @transform_6, window_bounds = array<i64: 1, 32>}, {pipeline_mode = #tpu.pipeline_mode<synchronous>, transform_indices = @transform_7, window_bounds = array<i64: 32, 16>}, {pipeline_mode = #tpu.pipeline_mode<synchronous>, transform_indices = @transform_8, window_bounds = array<i64: 1, 16>}, {pipeline_mode = #tpu.pipeline_mode<synchronous>, transform_indices = @transform_9, window_bounds = array<i64: 16, 1>}, {pipeline_mode = #tpu.pipeline_mode<synchronous>, transform_indices = @transform_10, window_bounds = array<i64: 1, 1>}, {transform_indices = @transform_11, window_bounds = array<i64: 1, 40, 32>}, {transform_indices = @transform_12, window_bounds = array<i64: 1, 4096, 32>}, {transform_indices = @transform_13, window_bounds = array<i64: 1, 4096, 1>}, {transform_indices = @transform_14, window_bounds = array<i64: 1, 4096, 32>}]} {
    %get3A = arith.constant 0 : index
    %get3A_0 = arith.constant 0 : index
    %get3A_1 = arith.constant 0 : index
    %get3A_2 = vector.load %arg1[%get3A, %get3A_0, %get3A_1] : memref<1x4096x6xf32, #tpu.memory_space<vmem>>, vector<1x4096x6xf32>
    %get3A_3 = vector.shape_cast %get3A_2 : vector<1x4096x6xf32> to vector<4096x6xf32>
    %get3A_4 = arith.constant 0 : index
    %get3A_5 = arith.constant 0 : index
    %get3A_6 = vector.load %arg2[%get3A_4, %get3A_5] : memref<6x64xf32, #tpu.memory_space<vmem>>, vector<6x64xf32>
    %dot_general3A = arith.constant dense<0.000000e+00> : vector<4096x64xf32>
    %dot_general3A_7 = tpu.matmul %get3A_3, %get3A_6, %dot_general3A {dimension_numbers = #tpu.dot_dimension_numbers<[1], [0], [0], [1], [0, 0, 1, 1], [], []>, transpose_lhs_hint = false} : vector<4096x6xf32>, vector<6x64xf32>, vector<4096x64xf32> -> vector<4096x64xf32>
    %get3A_8 = arith.constant 0 : index
    %get3A_9 = arith.constant 0 : index
    %get3A_10 = vector.load %arg3[%get3A_8, %get3A_9] : memref<1x64xf32, #tpu.memory_space<vmem>>, vector<1x64xf32>
    %add3A = vector.broadcast %get3A_10 : vector<1x64xf32> to vector<4096x64xf32>
    %add3A_11 = arith.addf %dot_general3A_7, %add3A : vector<4096x64xf32>
    %max3A = arith.constant 0.000000e+00 : f32
    %max3A_12 = vector.broadcast %max3A : f32 to vector<4096x64xf32>
    %max3A_13 = arith.maximumf %add3A_11, %max3A_12 : vector<4096x64xf32>
    %get3A_14 = arith.constant 0 : index
    %get3A_15 = arith.constant 0 : index
    %get3A_16 = vector.load %arg4[%get3A_14, %get3A_15] : memref<64x64xf32, #tpu.memory_space<vmem>>, vector<64x64xf32>
    %dot_general3A_17 = arith.constant dense<0.000000e+00> : vector<4096x64xf32>
    %dot_general3A_18 = tpu.matmul %max3A_13, %get3A_16, %dot_general3A_17 {dimension_numbers = #tpu.dot_dimension_numbers<[1], [0], [0], [1], [0, 0, 1, 1], [], []>, transpose_lhs_hint = false} : vector<4096x64xf32>, vector<64x64xf32>, vector<4096x64xf32> -> vector<4096x64xf32>
    %get3A_19 = arith.constant 0 : index
    %get3A_20 = arith.constant 0 : index
    %get3A_21 = vector.load %arg5[%get3A_19, %get3A_20] : memref<1x64xf32, #tpu.memory_space<vmem>>, vector<1x64xf32>
    %add3A_22 = vector.broadcast %get3A_21 : vector<1x64xf32> to vector<4096x64xf32>
    %add3A_23 = arith.addf %dot_general3A_18, %add3A_22 : vector<4096x64xf32>
    %max3A_24 = arith.constant 0.000000e+00 : f32
    %max3A_25 = vector.broadcast %max3A_24 : f32 to vector<4096x64xf32>
    %max3A_26 = arith.maximumf %add3A_23, %max3A_25 : vector<4096x64xf32>
    %get3A_27 = arith.constant 0 : index
    %get3A_28 = arith.constant 0 : index
    %get3A_29 = vector.load %arg6[%get3A_27, %get3A_28] : memref<64x32xf32, #tpu.memory_space<vmem>>, vector<64x32xf32>
    %dot_general3A_30 = arith.constant dense<0.000000e+00> : vector<4096x32xf32>
    %dot_general3A_31 = tpu.matmul %max3A_26, %get3A_29, %dot_general3A_30 {dimension_numbers = #tpu.dot_dimension_numbers<[1], [0], [0], [1], [0, 0, 1, 1], [], []>, transpose_lhs_hint = false} : vector<4096x64xf32>, vector<64x32xf32>, vector<4096x32xf32> -> vector<4096x32xf32>
    %get3A_32 = arith.constant 0 : index
    %get3A_33 = arith.constant 0 : index
    %get3A_34 = vector.load %arg7[%get3A_32, %get3A_33] : memref<1x32xf32, #tpu.memory_space<vmem>>, vector<1x32xf32>
    %add3A_35 = vector.broadcast %get3A_34 : vector<1x32xf32> to vector<4096x32xf32>
    %add3A_36 = arith.addf %dot_general3A_31, %add3A_35 : vector<4096x32xf32>
    %get3A_37 = arith.constant 0 : index
    %get3A_38 = arith.constant 0 : index
    %get3A_39 = vector.load %arg8[%get3A_37, %get3A_38] : memref<32x16xf32, #tpu.memory_space<vmem>>, vector<32x16xf32>
    %dot_general3A_40 = arith.constant dense<0.000000e+00> : vector<4096x16xf32>
    %dot_general3A_41 = tpu.matmul %add3A_36, %get3A_39, %dot_general3A_40 {dimension_numbers = #tpu.dot_dimension_numbers<[1], [0], [0], [1], [0, 0, 1, 1], [], []>, transpose_lhs_hint = false} : vector<4096x32xf32>, vector<32x16xf32>, vector<4096x16xf32> -> vector<4096x16xf32>
    %get3A_42 = arith.constant 0 : index
    %get3A_43 = arith.constant 0 : index
    %get3A_44 = vector.load %arg9[%get3A_42, %get3A_43] : memref<1x16xf32, #tpu.memory_space<vmem>>, vector<1x16xf32>
    %add3A_45 = vector.broadcast %get3A_44 : vector<1x16xf32> to vector<4096x16xf32>
    %add3A_46 = arith.addf %dot_general3A_41, %add3A_45 : vector<4096x16xf32>
    %max3A_47 = arith.constant 0.000000e+00 : f32
    %max3A_48 = vector.broadcast %max3A_47 : f32 to vector<4096x16xf32>
    %max3A_49 = arith.maximumf %add3A_46, %max3A_48 : vector<4096x16xf32>
    %get3A_50 = arith.constant 0 : index
    %get3A_51 = arith.constant 0 : index
    %get3A_52 = vector.load %arg10[%get3A_50, %get3A_51] : memref<16x1xf32, #tpu.memory_space<vmem>>, vector<16x1xf32>
    %dot_general3A_53 = arith.constant dense<0.000000e+00> : vector<4096x1xf32>
    %dot_general3A_54 = tpu.matmul %max3A_49, %get3A_52, %dot_general3A_53 {dimension_numbers = #tpu.dot_dimension_numbers<[1], [0], [0], [1], [0, 0, 1, 1], [], []>, transpose_lhs_hint = false} : vector<4096x16xf32>, vector<16x1xf32>, vector<4096x1xf32> -> vector<4096x1xf32>
    %get3A_55 = arith.constant 0 : index
    %get3A_56 = arith.constant 0 : index
    %get3A_57 = vector.load %arg11[%get3A_55, %get3A_56] : memref<1x1xf32, #tpu.memory_space<vmem>>, vector<1x1xf32>
    %add3A_58 = vector.broadcast %get3A_57 : vector<1x1xf32> to vector<4096x1xf32>
    %add3A_59 = arith.addf %dot_general3A_54, %add3A_58 : vector<4096x1xf32>
    %slice3A = vector.extract_strided_slice %get3A_3 {offsets = [0, 0], sizes = [4096, 3], strides = [1, 1]} : vector<4096x6xf32> to vector<4096x3xf32>
    %concatenate3A = tpu.concatenate %slice3A, %add3A_36 in 1 : vector<4096x3xf32>, vector<4096x32xf32> -> vector<4096x35xf32>
    %jit3A = arith.constant 0 : i32
    %convert_element_type3A = arith.sitofp %jit3A : i32 to f32
    %pad3A = vector.broadcast %convert_element_type3A : f32 to vector<4096x5xf32>
    %pad3A_60 = tpu.concatenate %concatenate3A, %pad3A in 1 : vector<4096x35xf32>, vector<4096x5xf32> -> vector<4096x40xf32>
    %get3A_61 = arith.constant 0 : index
    %get3A_62 = arith.constant 0 : index
    %get3A_63 = arith.constant 0 : index
    %get3A_64 = vector.load %arg12[%get3A_61, %get3A_62, %get3A_63] : memref<1x40x32xf32, #tpu.memory_space<vmem>>, vector<1x40x32xf32>
    %get3A_65 = vector.shape_cast %get3A_64 : vector<1x40x32xf32> to vector<40x32xf32>
    %dot_general3A_66 = arith.constant dense<0.000000e+00> : vector<4096x32xf32>
    %dot_general3A_67 = tpu.matmul %pad3A_60, %get3A_65, %dot_general3A_66 {dimension_numbers = #tpu.dot_dimension_numbers<[1], [0], [0], [1], [0, 0, 1, 1], [], []>, transpose_lhs_hint = false} : vector<4096x40xf32>, vector<40x32xf32>, vector<4096x32xf32> -> vector<4096x32xf32>
    %swap3A = arith.constant 0 : index
    %swap3A_68 = arith.constant 0 : index
    %swap3A_69 = arith.constant 0 : index
    %swap3A_70 = vector.load %arg13[%swap3A, %swap3A_68, %swap3A_69] : memref<1x4096x32xf32, #tpu.memory_space<vmem>>, vector<1x4096x32xf32>
    %swap3A_71 = vector.shape_cast %swap3A_70 : vector<1x4096x32xf32> to vector<4096x32xf32>
    %swap3A_72 = vector.shape_cast %add3A_36 : vector<4096x32xf32> to vector<1x4096x32xf32>
    tpu.vector_store %arg13[%swap3A, %swap3A_68, %swap3A_69], %swap3A_72 {strides = array<i32>} : memref<1x4096x32xf32, #tpu.memory_space<vmem>>, vector<1x4096x32xf32>,
    %swap3A_73 = arith.constant 0 : index
    %swap3A_74 = arith.constant 0 : index
    %swap3A_75 = arith.constant 0 : index
    %swap3A_76 = vector.load %arg14[%swap3A_73, %swap3A_74, %swap3A_75] : memref<1x4096x1xf32, #tpu.memory_space<vmem>>, vector<1x4096x1xf32>
    %swap3A_77 = vector.shape_cast %swap3A_76 : vector<1x4096x1xf32> to vector<4096x1xf32>
    %swap3A_78 = vector.shape_cast %add3A_59 : vector<4096x1xf32> to vector<1x4096x1xf32>
    tpu.vector_store %arg14[%swap3A_73, %swap3A_74, %swap3A_75], %swap3A_78 {strides = array<i32>} : memref<1x4096x1xf32, #tpu.memory_space<vmem>>, vector<1x4096x1xf32>,
    %swap3A_79 = arith.constant 0 : index
    %swap3A_80 = arith.constant 0 : index
    %swap3A_81 = arith.constant 0 : index
    %swap3A_82 = vector.load %arg15[%swap3A_79, %swap3A_80, %swap3A_81] : memref<1x4096x32xf32, #tpu.memory_space<vmem>>, vector<1x4096x32xf32>
    %swap3A_83 = vector.shape_cast %swap3A_82 : vector<1x4096x32xf32> to vector<4096x32xf32>
    %swap3A_84 = vector.shape_cast %dot_general3A_67 : vector<4096x32xf32> to vector<1x4096x32xf32>
    tpu.vector_store %arg15[%swap3A_79, %swap3A_80, %swap3A_81], %swap3A_84 {strides = array<i32>} : memref<1x4096x32xf32, #tpu.memory_space<vmem>>, vector<1x4096x32xf32>,
    return
  }
  func.func @transform_0(%arg0: i32) -> (i32, i32, i32) {
    %c0_i32 = arith.constant 0 : i32
    %c0_i32_0 = arith.constant 0 : i32
    %c0_i32_1 = arith.constant 0 : i32
    return %arg0, %c0_i32, %c0_i32_0 : i32, i32, i32
  }
  func.func @transform_1(%arg0: i32) -> (i32, i32) {
    %c0_i32 = arith.constant 0 : i32
    %c0_i32_0 = arith.constant 0 : i32
    %c0_i32_1 = arith.constant 0 : i32
    return %c0_i32, %c0_i32_0 : i32, i32
  }
  func.func @transform_2(%arg0: i32) -> (i32, i32) {
    %c0_i32 = arith.constant 0 : i32
    %c0_i32_0 = arith.constant 0 : i32
    %c0_i32_1 = arith.constant 0 : i32
    return %c0_i32, %c0_i32_0 : i32, i32
  }
  func.func @transform_3(%arg0: i32) -> (i32, i32) {
    %c0_i32 = arith.constant 0 : i32
    %c0_i32_0 = arith.constant 0 : i32
    %c0_i32_1 = arith.constant 0 : i32
    return %c0_i32, %c0_i32_0 : i32, i32
  }
  func.func @transform_4(%arg0: i32) -> (i32, i32) {
    %c0_i32 = arith.constant 0 : i32
    %c0_i32_0 = arith.constant 0 : i32
    %c0_i32_1 = arith.constant 0 : i32
    return %c0_i32, %c0_i32_0 : i32, i32
  }
  func.func @transform_5(%arg0: i32) -> (i32, i32) {
    %c0_i32 = arith.constant 0 : i32
    %c0_i32_0 = arith.constant 0 : i32
    %c0_i32_1 = arith.constant 0 : i32
    return %c0_i32, %c0_i32_0 : i32, i32
  }
  func.func @transform_6(%arg0: i32) -> (i32, i32) {
    %c0_i32 = arith.constant 0 : i32
    %c0_i32_0 = arith.constant 0 : i32
    %c0_i32_1 = arith.constant 0 : i32
    return %c0_i32, %c0_i32_0 : i32, i32
  }
  func.func @transform_7(%arg0: i32) -> (i32, i32) {
    %c0_i32 = arith.constant 0 : i32
    %c0_i32_0 = arith.constant 0 : i32
    %c0_i32_1 = arith.constant 0 : i32
    return %c0_i32, %c0_i32_0 : i32, i32
  }
  func.func @transform_8(%arg0: i32) -> (i32, i32) {
    %c0_i32 = arith.constant 0 : i32
    %c0_i32_0 = arith.constant 0 : i32
    %c0_i32_1 = arith.constant 0 : i32
    return %c0_i32, %c0_i32_0 : i32, i32
  }
  func.func @transform_9(%arg0: i32) -> (i32, i32) {
    %c0_i32 = arith.constant 0 : i32
    %c0_i32_0 = arith.constant 0 : i32
    %c0_i32_1 = arith.constant 0 : i32
    return %c0_i32, %c0_i32_0 : i32, i32
  }
  func.func @transform_10(%arg0: i32) -> (i32, i32) {
    %c0_i32 = arith.constant 0 : i32
    %c0_i32_0 = arith.constant 0 : i32
    %c0_i32_1 = arith.constant 0 : i32
    return %c0_i32, %c0_i32_0 : i32, i32
  }
  func.func @transform_11(%arg0: i32) -> (i32, i32, i32) {
    %jit3A = arith.constant 2 : i32
    %div3A = arith.divsi %arg0, %jit3A : i32
    %sign3A = arith.constant 0 : i32
    %sign3A_0 = arith.cmpi sgt, %arg0, %sign3A : i32
    %sign3A_1 = arith.extui %sign3A_0 : i1 to i32
    %sign3A_2 = arith.constant 0 : i32
    %sign3A_3 = arith.cmpi slt, %arg0, %sign3A_2 : i32
    %sign3A_4 = arith.extui %sign3A_3 : i1 to i32
    %sign3A_5 = arith.subi %sign3A_1, %sign3A_4 : i32
    %sign3A_6 = arith.constant 0 : i32
    %sign3A_7 = arith.cmpi sgt, %jit3A, %sign3A_6 : i32
    %sign3A_8 = arith.extui %sign3A_7 : i1 to i32
    %sign3A_9 = arith.constant 0 : i32
    %sign3A_10 = arith.cmpi slt, %jit3A, %sign3A_9 : i32
    %sign3A_11 = arith.extui %sign3A_10 : i1 to i32
    %sign3A_12 = arith.subi %sign3A_8, %sign3A_11 : i32
    %ne3A = arith.cmpi ne, %sign3A_5, %sign3A_12 : i32
    %rem3A = arith.remsi %arg0, %jit3A : i32
    %ne3A_13 = arith.constant 0 : i32
    %ne3A_14 = arith.cmpi ne, %rem3A, %ne3A_13 : i32
    %and3A = arith.andi %ne3A, %ne3A_14 : i1
    %sub3A = arith.constant 1 : i32
    %sub3A_15 = arith.subi %div3A, %sub3A : i32
    %select_n3A = arith.select %and3A, %sub3A_15, %div3A : i32
    %c0_i32 = arith.constant 0 : i32
    %c0_i32_16 = arith.constant 0 : i32
    %c0_i32_17 = arith.constant 0 : i32
    return %select_n3A, %c0_i32, %c0_i32_16 : i32, i32, i32
  }
  func.func @transform_12(%arg0: i32) -> (i32, i32, i32) {
    %c0_i32 = arith.constant 0 : i32
    %c0_i32_0 = arith.constant 0 : i32
    %c0_i32_1 = arith.constant 0 : i32
    return %arg0, %c0_i32, %c0_i32_0 : i32, i32, i32
  }
  func.func @transform_13(%arg0: i32) -> (i32, i32, i32) {
    %c0_i32 = arith.constant 0 : i32
    %c0_i32_0 = arith.constant 0 : i32
    %c0_i32_1 = arith.constant 0 : i32
    return %arg0, %c0_i32, %c0_i32_0 : i32, i32, i32
  }
  func.func @transform_14(%arg0: i32) -> (i32, i32, i32) {
    %c0_i32 = arith.constant 0 : i32
    %c0_i32_0 = arith.constant 0 : i32
    %c0_i32_1 = arith.constant 0 : i32
    return %arg0, %c0_i32, %c0_i32_0 : i32, i32, i32
  }
}

</mosaic_0001>

<sc_bundles>
// kernel: kernel.4.cloned.1.call-start
scs
__scs_entry_jumppad:
0x0: {  	(pc) =	sbr.rel $0x88, $3  }
0x1: {  	(tag) =	ssettag $0x0;
	lr =	simm.s32 $0x1  }
0x2: {  	[smem:$0x3F90] =	sst lr;
	_ =	strace $0xD0000000  }
0x3: {  	_ = 	snop  }
0x4: {  	_ = 	snop  }
0x5: {  	_ = 	snop  }
0x6: {  	_ = 	snop  }
0x7: {  	_ = 	snop  }
__scs_overlays_trampoline_lowered:
0x8: {  	[smem:$0x3F9F] =	sst s0  }
0x9: {  	[smem:$0x3FA0] =	sst s1  }
0xa: {  	[smem:$0x3FA1] =	sst s2  }
0xb: {  	[smem:$0x3FA2] =	sst s3  }
0xc: {  	[smem:$0x3FA3] =	sst s4  }
0xd: {  	[smem:$0x3FA4] =	sst s5  }
0xe: {  	[smem:$0x3FA5] =	sst s6  }
0xf: {  	[smem:$0x3FA6] =	sst s7  }
0x10: {  	[smem:$0x3FA7] =	sst s8  }
0x11: {  	[smem:$0x3FA8] =	sst s9;
	s0 =	simm.s32 @!p0 $0x0  }
0x12: {  	s1 =	sld [smem:$0x3F8E];
	s0 =	simm.s32 @p0 $0x1  }
0x13: {  	[smem:$0x3FA9] =	sst s0;
	s0 =	simm.s32 @!p1 $0x0  }
0x14: {  	s2 =	sld [smem:$0x3F8D];
	s0 =	simm.s32 @p1 $0x1  }
0x15: {  	[smem:$0x3FAA] =	sst s0;
	s0 =	simm.s32 @!p2 $0x0  }
0x16: {  	s3 =	sld [smem:$0x3FDB];
	s0 =	simm.s32 @p2 $0x1  }
0x17: {  	s4 =	simm.s32 $0x1BF5;
	[smem:$0x3FAC] =	sst s0  }
0x18: {  	s0 =	sld [smem:$0x3F8F];
	_ =	swait.ge [sflag:s4], $0x0  }
0x19: {  	s7 =	sld [smem:$0x3F90]  }
0x1a: {  	s8 =	sadd.s32 $0xFFFFE003, lr  }
0x1b: {  	s9 =	sadd.s32 $0xFFFFFEF7, lr;
	s5 =	simm.s32 $0xFFFFFFFF;
	p2 =	slt.u32 s8, $0xFFFFF086  }
0x1c: {  	p1 =	slt.u32 s9, $0xF7A;
	s5 =	simm.s32 @!p2 $0x0  }
0x1d: {  	s5 =	simm.s32 @p1 $0x1;
	p0 =	seq.s32 s7, s2  }
0x1e: {  	s7 =	smul.u32 @!p0 $0xF7A, s2;
	p2 =	seq.s32 @!p0 s5, $0x0  }
0x1f: {  	s9 =	smul.u32 $0xF7A, s1;
	s8 =	simm.s32 @!p0 $0x1BF5;
	p2 =	por !p2, p0  }
0x20: {  	[sflag:s8] =	ssyncset.s32 @!p0 $0xFFFFF086;
	s6 =	sadd.s32 @!p0 s3, s7;
	s7 =	simm.s32 @!p0 $0x108  }
0x21: {  	s3 =	sadd.s32 s3, s9;
	s6 =	sadd.s32 @!p0 $0x88, s6;
	s7 =	simm.s32 @p2 $0x1082  }
0x22: {  	[simem:s7], [sflag:s8] =	dma.local @!p0 [hbm:s6], $0xF7A  }
0x23: {  	s9 =	sor.u32 $0xD0000000, s2;
	s6 =	simm.s32 $0x108;
	_ =	swait.ge @!p0 [sflag:s8], $0x0  }
0x24: {  	s3 =	sadd.s32 $0x88, s3;
	s6 =	simm.s32 @!p1 $0x1082;
	[sflag:s4] =	ssyncset.s32 $0xFFFFF086  }
0x25: {  	[simem:s6], [sflag:s4] =	dma.local [hbm:s3], $0xF7A  }
0x26: {  	[smem:$0x3F90] =	sst s1;
	(tag) =	ssettag s2;
	_ =	strace s9  }
0x27: {  	s1 =	sld [smem:$0x3FA0]  }
0x28: {  	s2 =	sld [smem:$0x3FA1]  }
0x29: {  	s4 =	sld [smem:$0x3FA3]  }
0x2a: {  	p0 =	seq.s32 s5, $0x0;
	s5 =	sld [smem:$0x3FA4]  }
0x2b: {  	s6 =	sld [smem:$0x3FA5]  }
0x2c: {  	s7 =	sld [smem:$0x3FA6]  }
0x2d: {  	s3 =	simm.s32 $0x108;
	s8 =	sld [smem:$0x3FA7]  }
0x2e: {  	s3 =	simm.s32 @!p0 $0x1082;
	s9 =	sld [smem:$0x3FA8]  }
0x2f: {  	lr =	sadd.s32 s0, s3;
	s0 =	sld [smem:$0x3F9F]  }
0x30: {  	s3 =	sld [smem:$0x3FA2]  }
0x31: {  	[smem:$0x3FAB] =	sst s10  }
0x32: {  	s10 =	sld [smem:$0x3FA9];
	_ =	sdelay $0x3  }
0x33: {  	p0 =	seq.s32 s10, $0x1;
	s10 =	sld [smem:$0x3FAB];
	_ =	sdelay $0x3  }
0x34: {  	[smem:$0x3FAB] =	sst s10  }
0x35: {  	s10 =	sld [smem:$0x3FAA];
	_ =	sdelay $0x3  }
0x36: {  	p1 =	seq.s32 s10, $0x1;
	s10 =	sld [smem:$0x3FAB];
	_ =	sdelay $0x3  }
0x37: {  	[smem:$0x3FAB] =	sst s10  }
0x38: {  	s10 =	sld [smem:$0x3FAC]  }
0x39: {  	_ = 	snop;
	(pc) =	sbr.ind lr, $3  }
0x3a: {  	_ = 	snop  }
0x3b: {  	_ = 	snop  }
0x3c: {  	p2 =	seq.s32 s10, $0x1;
	s10 =	sld [smem:$0x3FAB]  }
0x3d: {  	_ =	shalt  }
0x3e: {  	_ =	shalt  }
0x3f: {  	_ =	shalt  }
0x40: {  	_ =	shalt  }
0x41: {  	_ =	shalt  }
0x42: {  	_ =	shalt  }
0x43: {  	_ =	shalt  }
0x44: {  	_ =	shalt  }
0x45: {  	_ =	shalt  }
0x46: {  	_ =	shalt  }
0x47: {  	_ =	shalt  }
0x48: {  	_ =	shalt  }
0x49: {  	_ =	shalt  }
0x4a: {  	_ =	shalt  }
0x4b: {  	_ =	shalt  }
0x4c: {  	_ =	shalt  }
0x4d: {  	_ =	shalt  }
0x4e: {  	_ =	shalt  }
0x4f: {  	_ =	shalt  }
0x50: {  	_ =	shalt  }
0x51: {  	_ =	shalt  }
0x52: {  	_ =	shalt  }
0x53: {  	_ =	shalt  }
0x54: {  	_ =	shalt  }
0x55: {  	_ =	shalt  }
0x56: {  	_ =	shalt  }
0x57: {  	_ =	shalt  }
0x58: {  	_ =	shalt  }
0x59: {  	_ =	shalt  }
0x5a: {  	_ =	shalt  }
0x5b: {  	_ =	shalt  }
0x5c: {  	_ =	shalt  }
0x5d: {  	_ =	shalt  }
0x5e: {  	_ =	shalt  }
0x5f: {  	_ =	shalt  }
0x60: {  	_ =	shalt  }
0x61: {  	_ =	shalt  }
0x62: {  	_ =	shalt  }
0x63: {  	_ =	shalt  }
0x64: {  	_ =	shalt  }
0x65: {  	_ =	shalt  }
0x66: {  	_ =	shalt  }
0x67: {  	_ =	shalt  }
0x68: {  	_ =	shalt  }
0x69: {  	_ =	shalt  }
0x6a: {  	_ =	shalt  }
0x6b: {  	_ =	shalt  }
0x6c: {  	_ =	shalt  }
0x6d: {  	_ =	shalt  }
0x6e: {  	_ =	shalt  }
0x6f: {  	_ =	shalt  }
0x70: {  	_ =	shalt  }
0x71: {  	_ =	shalt  }
0x72: {  	_ =	shalt  }
0x73: {  	_ =	shalt  }
0x74: {  	_ =	shalt  }
0x75: {  	_ =	shalt  }
0x76: {  	_ =	shalt  }
0x77: {  	_ =	shalt  }
0x78: {  	_ =	shalt  }
0x79: {  	_ =	shalt  }
0x7a: {  	_ =	shalt  }
0x7b: {  	_ =	shalt  }
0x7c: {  	_ =	shalt  }
0x7d: {  	_ =	shalt  }
0x7e: {  	_ =	shalt  }
0x7f: {  	_ =	shalt  }
0x80: {  	_ =	shalt  }
0x81: {  	_ =	shalt  }
0x82: {  	_ =	shalt  }
0x83: {  	_ =	shalt  }
0x84: {  	_ =	shalt  }
0x85: {  	_ =	shalt  }
0x86: {  	_ =	shalt  }
0x87: {  	_ =	shalt  }
.Lfunc_end0:
.L_simem_size_0:
called_computation_lowered:
.L_overlay_start_0:
0x88: {  	s2 =	sld [smem:$0x3FD9]  }
0x89: {  	s3 =	sld [smem:$0x3FFE];
	_ =	sdelay $0x1  }
0x8a: {  	s1 =	srdreg.scid  }
0x8b: {  	s0 =	sand.u32 $0x1, s1  }
0x8c: {  	s16 =	sshll.u32 s0, $0xA;
	s2 =	sadd.s32 s3, s2  }
0x8d: {  	s2 =	sadd.s32 s2, s16  }
0x8e: {  	[smem:$0x3FB7] =	sst s2  }
0x8f: {  	_ = 	snop  }
0x90: {  	(tm) =	ssettm $0x1  }
0x91: {  	s17 =	sld [smem:$0x3FFB];
	_ =	sdelay $0x3  }
0x92: {  	_ =	strace s17  }
0x93: {  	s2 =	sld [smem:$0x3FFC];
	_ =	sdelay $0x3  }
0x94: {  	_ =	strace s2  }
0x95: {  	s2 =	sld [smem:$0x3FFD];
	_ =	sdelay $0x3  }
0x96: {  	_ =	strace s2  }
0x97: {  	_ =	strace $0x8FFFFFFF  }
0x98: {  	s18 =	sld [smem:$0x3FDB];
	_ =	sdelay $0x1  }
0x99: {  	s19 =	simm.s32 $_scs_section_size  }
0x9a: {  	s4 =	simm.s32 $_size__tile_overlayer_lowered;
	s5 =	simm.s32 $_tile_overlayer_lowered  }
0x9b: {  	s22 =	simm.s32 $0x1BFF;
	s21 =	sshll.u32 s5, $0x1;
	s2 =	sadd.s32 s19, s18  }
0x9c: {  	s6 =	simm.s32 $0x0;
	s20 =	sshll.u32 s4, $0x1;
	s4 =	sadd.s32 s21, s2  }
0x9d: {  	[timem:s6], [sflag:s22] =	dma.local [hbm:s4], s20  }
0x9e: {  	_ =	swait.ge [sflag:s22], s20  }
0x9f: {  	s3 =	ssub.s32 $0x0, s20;
	[sflag:s22] =	ssyncset.done $0x0  }
0xa0: {  	[sflag:s22] =	ssyncadd.s32 s3;
	_ =	sdelay $0x1  }
0xa1: {  	s23 =	simm.s32 $0x1B8B  }
0xa2: {  	_ =	swait.ge [sflag:s23], $0x1  }
0xa3: {  	[sflag:s23] =	ssyncset.done $0x0  }
0xa4: {  	s25 =	simm.s32 $0x1B8E;
	s24 =	sld [smem:$0x3FFE];
	[sflag:s23] =	ssyncadd.s32 $0xFFFFFFFF  }
0xa5: {  	s26 =	simm.s32 $execute0_lowered;
	[smem:$0x3FD2] =	sst s25  }
0xa6: {  	s4 =	sshll.u32 s26, $0x1;
	_ =	strace $0x80000046;
	[dreg:$0x1] =	wrdreg $0xFFFFFFFF  }
0xa7: {  	s28 =	simm.s32 $_size_execute0_lowered;
	s2 =	sadd.s32 s2, s4;
	[dreg:$0x0] =	wrdreg $0x0  }
0xa8: {  	s4 =	sshll.u32 s28, $0x1;
	[dreg:$0x2] =	wrdreg s2  }
0xa9: {  	[dreg:$0x3] =	wrdreg s4  }
0xaa: {  	[dreg:$0x4] =	wrdreg $0xC0  }
0xab: {  	_ =	task [dreg:s6], $0x5FFFF  }
0xac: {  	[dreg:$0x1] =	wrdreg $0xFFFFFFFF  }
0xad: {  	[dreg:$0x0] =	wrdreg $0x60  }
0xae: {  	[dreg:$0x2] =	wrdreg s24  }
0xaf: {  	[dreg:$0x3] =	wrdreg $0x9  }
0xb0: {  	_ =	task.clear_ibuf [dreg:s6], $0x4FFFF;
	_ =	strace $0x90000046  }
0xb1: {  	s29 =	simm.s32 $0x9;
	_ =	strace $0x80000048  }
0xb2: {  	_ =	swait.ge [sflag:s29], $0x1  }
0xb3: {  	[sflag:s29] =	ssyncadd.s32 $0xFFFFFFFF  }
0xb4: {  	_ =	strace $0x90000048  }
0xb5: {  	_ =	sfence  }
0xb6: {  	s30 =	sld [smem:$0x0];
	_ =	sdelay $0x2  }
0xb7: {  	s31 =	sshll.u32 s1, $0xD;
	s1 =	sshrl.u32 s1, $0x2  }
0xb8: {  	s3 =	sand.u32 $0x4000, s31;
	s1 =	sadd.s32 s1, s30  }
0xb9: {  	s0 =	sor.u32 s3, s0;
	s1 =	sshll.u32 s1, $0x11  }
0xba: {  	s0 =	sor.u32 s1, s0  }
0xbb: {  	s0 =	sadd.s32 $0x8F2B, s0  }
0xbc: {  	[sflag:s0] =	ssyncadd.remote.s32 $0x1  }
0xbd: {  	_ =	sfence.sel $0xFFFF  }
0xbe: {  	[dreg:$0x0] =	wrdreg $0xFFFFFFFF;
	(pc) =	sbr.abs _section_cstart, $3  }
0xbf: {  	[dreg:$0x1] =	wrdreg $0xFFFFFFFF  }
0xc0: {  	_ =	task.clear_ibuf [dreg:s6], $0x2FFFF;
	_ =	strace $0x9FFFFFFF  }
0xc1: {  	(tm) =	ssettm $0x7FFFFFFF  }
tec
execute0_lowered:
.L_overlay_start_1:
0x0: {  	(tag) =	ssettag $0x1  }
0x1: {  	s1 =	srdreg.scid  }
0x2: {  	s0 =	stileid.u32;
	s2 =	rddreg [dreg:$0x0]  }
0x3: {  	s3 =	simm.s32 $0x0;
	s13 =	simm.s32 $0x4000;
	s14 =	simm.s32 $0x14000  }
0x4: {  	s15 =	simm.s32 $0x148A0;
	s16 =	simm.s32 $0x15140;
	s17 =	simm.s32 $0x159E0  }
0x5: {  	s18 =	simm.s32 $0x16A60;
	s19 =	simm.s32 $0x16E00;
	s20 =	simm.s32 $0x16AE0  }
0x6: {  	s21 =	simm.s32 $0x16BE0;
	s22 =	simm.s32 $0x16C00;
	s4 =	smul.u32 $0x8A0, s0  }
0x7: {  	v0 =	vimm.s32 $0x0;
	s5 =	sand.u32 $0x1, s1;
	s1 =	rddreg [dreg:$0x1];
	s31 =	smul.u32 $0x11400, s0  }
0x8: {  	v1 =	vimm.s32 $0x1;
	v2 =	vimm.s32 $0xF;
	v3 =	vlaneseq.u32;
	s23 =	simm.s32 $0x0;
	[smem:$0x7FF] =	sst s3;
	s6 =	smul.u32 $0x19E00, s5  }
0x9: {  	v12 =	vimm.s32 $0xA;
	v13 =	vimm.s32 $0xB;
	v14 =	vimm.s32 $0xC;
	_ =	strace $0x80000047;
	s7 =	sshll.u32 s5, $0xB;
	s30 =	sshll.u32 s5, $0xD  }
0xa: {  	v15 =	vimm.s32 $0xD;
	v16 =	vimm.s32 $0xE;
	v17 =	vimm.s32 $0x10;
	s8 =	ssub.s32 $0x2, s5;
	s11 =	smul.u32 $0x114000, s5;
	s29 =	sadd.s32 s7, s2  }
0xb: {  	v18 =	vimm.s32 $0x11;
	v19 =	vimm.s32 $0x12;
	v20 =	vimm.s32 $0x13;
	s7 =	sadd.s32 s30, s2;
	s10 =	sshrl.u32 s8, $0x1;
	s4 =	sadd.s32 s4, s6  }
0xc: {  	v21 =	vimm.s32 $0x14;
	v22 =	vimm.s32 $0x15;
	v23 =	vimm.s32 $0x16;
	s12 =	ssub.s32 s8, s10;
	s5 =	sadd.s32 $0x6A00, s29;
	s6 =	sadd.s32 $0x7A00, s7  }
0xd: {  	v24 =	vimm.s32 $0x17;
	v25 =	vimm.s32 $0x18;
	v26 =	vimm.s32 $0x19;
	s10 =	sadd.s32 s31, s11;
	s4 =	sshrl.u32 s4, $0x3;
	s11 =	smax.u32 s12, $0x1  }
0xe: {  	v27 =	vimm.s32 $0x1A;
	v28 =	vimm.s32 $0x1B;
	v29 =	vimm.s32 $0x1C;
	s12 =	simm.s32 $0x1;
	s9 =	sadd.s32 s4, s2;
	s4 =	sadd.s32 $0xBA00, s2  }
0xf: {  	v30 =	vimm.s32 $0x1D;
	v31 =	vimm.s32 $0x1E;
	v32 =	vimm.s32 $0x1F;
	s7 =	sadd.s32 $0x200, s9;
	s8 =	sadd.s32 $0x1340, s9;
	s9 =	sadd.s32 $0x2480, s9  }
.LBB2_1:
0x10: {  	[tilespmem:s3], [sflag:$0x1] =	stream.linear.gather [hbm4b:s5+s3], $0x4000, $0x38;
	[tilespmem:$0x16E10] =	vst v63  }
0x11: {  	_ =	swait.ge [sflag:s12], $0x4000  }
0x12: {  	[sflag:s12] =	ssyncset.done $0x0  }
0x13: {  	[sflag:s12] =	ssyncadd.s32 $0xFFFFC000  }
0x14: {  	[tilespmem:s13], [sflag:$0x1] =	stream.linear.gather [hbm4b:s6+s3], $0x10000, $0x38;
	[tilespmem:$0x16E10] =	vst v63  }
0x15: {  	_ =	swait.ge [sflag:s12], $0x10000  }
0x16: {  	[sflag:s12] =	ssyncset.done $0x0  }
0x17: {  	[sflag:s12] =	ssyncadd.s32 $0xFFFF0000  }
0x18: {  	[tilespmem:s14], [sflag:$0x1] =	stream.linear.gather [hbm4b:s7+s3], $0x8A0, $0x38;
	[tilespmem:$0x16E10] =	vst v63  }
0x19: {  	_ =	swait.ge [sflag:s12], $0x8A0  }
0x1a: {  	[sflag:s12] =	ssyncset.done $0x0  }
0x1b: {  	[sflag:s12] =	ssyncadd.s32 $0xFFFFF760  }
0x1c: {  	[tilespmem:s15], [sflag:$0x1] =	stream.linear.gather [hbm4b:s8+s3], $0x8A0, $0x38;
	[tilespmem:$0x16E10] =	vst v63  }
0x1d: {  	_ =	swait.ge [sflag:s12], $0x8A0  }
0x1e: {  	[sflag:s12] =	ssyncset.done $0x0  }
0x1f: {  	[sflag:s12] =	ssyncadd.s32 $0xFFFFF760  }
0x20: {  	[tilespmem:s16], [sflag:$0x1] =	stream.linear.gather [hbm4b:s9+s3], $0x8A0, $0x38;
	[tilespmem:$0x16E10] =	vst v63  }
0x21: {  	_ =	swait.ge [sflag:s12], $0x8A0  }
0x22: {  	[sflag:s12] =	ssyncset.done $0x0  }
0x23: {  	[sflag:s12] =	ssyncadd.s32 $0xFFFFF760  }
0x24: {  	[tilespmem:s17], [sflag:$0x1] =	stream.linear.gather [hbm4b:s2+s3], $0x80, $0x38;
	[tilespmem:$0x16E10] =	vst v63  }
0x25: {  	_ =	swait.ge [sflag:s12], $0x80  }
0x26: {  	[sflag:s12] =	ssyncset.done $0x0  }
0x27: {  	s24 =	simm.s32 $0x0;
	[sflag:s12] =	ssyncadd.s32 $0xFFFFFF80  }
.LBB2_2:
0x28: {  	s25 =	sshll.u32 s24, $0x4;
	s26 =	simm.s32 $0x0  }
.LBB2_3:
0x29: {  	s28 =	sadd.s32 s25, s26  }
0x2a: {  	v4 =	vmov s28  }
0x2b: {  	v33 =	vand.u32 $0xFFF, v4  }
0x2c: {  	v34 =	vadd.s32 $0x8A0, v33  }
0x2d: {  	v33 =	vadd.s32 $0x1140, v33;
	_ =	sdelay $0x2  }
0x2e: {  	v35 =	vld.idx.msk [tilespmem:v4+s14+$0x0], $0xffff  }
0x2f: {  	v34 =	vld.idx.msk [tilespmem:v34+s14+$0x0], $0xffff  }
0x30: {  	v33 =	vld.idx.msk [tilespmem:v33+s14+$0x0], $0xffff;
	[tilespmem:$0x16A60] =	vst v0  }
0x31: {  	[tilespmem:$0x16A70] =	vst v0  }
0x32: {  	[tilespmem:$0x16A80] =	vst v0  }
0x33: {  	[tilespmem:$0x16A90] =	vst v0  }
0x34: {  	[tilespmem:$0x16AA0] =	vst v0  }
0x35: {  	[tilespmem:$0x16AB0] =	vst v0  }
0x36: {  	[tilespmem:$0x16AC0] =	vst v0  }
0x37: {  	[tilespmem:$0x16AD0] =	vst v0  }
0x38: {  	[tilespmem:$0x16AE0] =	vst v0  }
0x39: {  	[tilespmem:$0x16AF0] =	vst v0  }
0x3a: {  	[tilespmem:$0x16B00] =	vst v0  }
0x3b: {  	[tilespmem:$0x16B10] =	vst v0  }
0x3c: {  	[tilespmem:$0x16B20] =	vst v0  }
0x3d: {  	[tilespmem:$0x16B30] =	vst v0  }
0x3e: {  	[tilespmem:$0x16B40] =	vst v0  }
0x3f: {  	[tilespmem:$0x16B50] =	vst v0  }
0x40: {  	[tilespmem:$0x16B60] =	vst v0  }
0x41: {  	[tilespmem:$0x16B70] =	vst v0  }
0x42: {  	[tilespmem:$0x16B80] =	vst v0  }
0x43: {  	[tilespmem:$0x16B90] =	vst v0  }
0x44: {  	[tilespmem:$0x16BA0] =	vst v0;
	v4 =	vmul.f32 v35, v35;
	v36 =	vmul.f32 v34, v34  }
0x45: {  	[tilespmem:$0x16BB0] =	vst v0  }
0x46: {  	[tilespmem:$0x16BC0] =	vst v0;
	v63 =	vmul.f32 v33, v33;
	v4 =	vadd.f32 v36, v4  }
0x47: {  	s28 =	simm.s32 $0x0;
	[tilespmem:$0x16BD0] =	vst v0  }
0x48: {  	s29 =	simm.s32 $0x40;
	v36 =	vld [tilespmem:s28+$0x1000];
	v4 =	vadd.f32 v63, v4  }
.LBB2_4:
0x49: {  	p0 =	sne.s32 s29, $0x3FC0;
	v37 =	vld [tilespmem:s28+$0x0];
	_ =	sdelay $0x1  }
0x4a: {  	v38 =	vld [tilespmem:s28+$0x2000];
	_ =	sdelay $0x2  }
0x4b: {  	v36 =	vmul.f32 v36, v34;
	v37 =	vmul.f32 v37, v35  }
0x4c: {  	v39 =	vld [tilespmem:s28+$0x3000]  }
0x4d: {  	v36 =	vadd.f32 v36, v37;
	v37 =	vmul.f32 v38, v33;
	_ =	sdelay $0x1  }
0x4e: {  	v36 =	vadd.f32 v37, v36;
	_ =	sdelay $0x1  }
0x4f: {  	v37 =	vadd.f32 v39, v4;
	v36 =	vadd.f32 v36, v36;
	_ =	sdelay $0x1  }
0x50: {  	v36 =	vsub.f32 v37, v36;
	_ =	sdelay $0x1  }
0x51: {  	v36 =	vmax.f32 v36, $0.0e+00  }
0x52: {  	v37 =	vshra.s32 v36, $0x18;
	_ =	sdelay $0x1  }
.Ltmp0:
0x53: {  	(pc) =	sbr.rel @p0 .LBB2_4-.Ltmp0, $4  }
0x54: {  	_ = 	snop  }
0x55: {  	[tilespmem:s28+$0x15A60] =	vst v36  }
0x56: {  	s28 =	sshra.s32 s29, $0x2;
	[tilespmem:v37+s18+$0x0] =	vst.idx.add.s32.msk $0xffff, v1  }
0x57: {  	s29 =	sadd.s32 $0x40, s29;
	v36 =	vld [tilespmem:s28+$0x1000]  }
0x58: {  	v37 =	vld [tilespmem:s28+$0x0];
	_ =	sdelay $0x1  }
0x59: {  	v38 =	vld [tilespmem:s28+$0x2000];
	_ =	sdelay $0x2  }
0x5a: {  	v36 =	vmul.f32 v36, v34;
	v37 =	vmul.f32 v37, v35  }
0x5b: {  	v39 =	vld [tilespmem:s28+$0x3000]  }
0x5c: {  	v61 =	vmul.f32 v38, v33;
	v36 =	vadd.f32 v36, v37;
	_ =	sdelay $0x1  }
0x5d: {  	v36 =	vadd.f32 v61, v36;
	_ =	sdelay $0x1  }
0x5e: {  	v4 =	vadd.f32 v39, v4;
	v36 =	vadd.f32 v36, v36;
	_ =	sdelay $0x1  }
0x5f: {  	v4 =	vsub.f32 v4, v36;
	_ =	sdelay $0x1  }
0x60: {  	v4 =	vmax.f32 v4, $0.0e+00  }
0x61: {  	v62 =	vshra.s32 v4, $0x18;
	_ =	sdelay $0x3  }
0x62: {  	[tilespmem:s28+$0x15A60] =	vst v4  }
0x63: {  	[tilespmem:v62+s18+$0x0] =	vst.idx.add.s32.msk $0xffff, v1  }
0x64: {  	v4 =	vld [tilespmem:$0x16A60];
	_ =	sdelay $0x4  }
0x65: {  	(xrf0) =	vadd.scan.msk.s32 $0xffff, v4;
	_ =	sdelay $0x5  }
0x66: {  	v63, _, _ =	vpop (xrf0)  }
0x67: {  	vm0 =	vgt.s32 v63, $0x1F  }
0x68: {  	v43 =	vmctz.xlane vm0;
	_ =	sdelay $0x1  }
0x69: {  	v9 =	vld [tilespmem:$0x16A70];
	vm0 =	vlt.s32 v43, $0xF  }
0x6a: {  	v8 =	vnsel vm0, $0xF, v43;
	_ =	sdelay $0x2  }
0x6b: {  	v4 =	vsub.s32 v63, v4  }
0x6c: {  	(xrf0) =	vadd.scan.msk.s32 $0xffff, v9;
	[tilespmem:$0x16E00] =	vst v4  }
0x6d: {  	v36 =	vld.idx.msk [tilespmem:v8+s19+$0x0], $0xffff;
	[tilespmem:$0x16E00] =	vst v63  }
0x6e: {  	v4 =	vld.idx.msk [tilespmem:v2+s19+$0x0], $0xffff;
	_ =	sdelay $0x3  }
0x6f: {  	v10, _, _ =	vpop (xrf0)  }
0x70: {  	v4 =	vadd.s32 v4, v10  }
0x71: {  	vm0 =	vge.s32 v43, $0x10;
	vm1 =	vgt.s32 v4, $0x1F  }
0x72: {  	vm0 =	vmand vm1, vm0  }
0x73: {  	v11 =	vmctz.xlane vm0;
	_ =	sdelay $0x1  }
0x74: {  	v40 =	vld [tilespmem:$0x16A80];
	vm0 =	vlt.s32 v11, $0xF  }
0x75: {  	v45 =	vnsel vm0, $0xF, v11;
	_ =	sdelay $0x2  }
0x76: {  	v38 =	vsub.s32 v4, v9  }
0x77: {  	(xrf0) =	vadd.scan.msk.s32 $0xffff, v40;
	[tilespmem:$0x16E00] =	vst v38  }
0x78: {  	v38 =	vld.idx.msk [tilespmem:v45+s19+$0x0], $0xffff;
	[tilespmem:$0x16E00] =	vst v4  }
0x79: {  	v4 =	vld.idx.msk [tilespmem:v2+s19+$0x0], $0xffff;
	_ =	sdelay $0x3  }
0x7a: {  	v46, _, _ =	vpop (xrf0);
	vm1 =	vlt.s32 v11, $0x10;
	vm0 =	vlt.s32 v43, $0x10  }
0x7b: {  	vm2 =	vmor vm0, vm1;
	v4 =	vadd.s32 v4, v46  }
0x7c: {  	vm4 =	vmneg vm2;
	vm3 =	vgt.s32 v4, $0x1F  }
0x7d: {  	vm3 =	vmand vm3, vm4  }
0x7e: {  	v44 =	vmctz.xlane vm3;
	_ =	sdelay $0x1  }
0x7f: {  	v41 =	vld [tilespmem:$0x16A90];
	vm3 =	vle.s32 v44, $0xF  }
0x80: {  	v47 =	vnsel vm3, $0xF, v44;
	_ =	sdelay $0x2  }
0x81: {  	v40 =	vsub.s32 v4, v40  }
0x82: {  	(xrf0) =	vadd.scan.msk.s32 $0xffff, v41;
	[tilespmem:$0x16E00] =	vst v40  }
0x83: {  	v39 =	vld.idx.msk [tilespmem:v47+s19+$0x0], $0xffff;
	[tilespmem:$0x16E00] =	vst v4  }
0x84: {  	v4 =	vld.idx.msk [tilespmem:v2+s19+$0x0], $0xffff;
	_ =	sdelay $0x3  }
0x85: {  	v48, _, _ =	vpop (xrf0)  }
0x86: {  	vm3 =	vmor vm2, vm3;
	v40 =	vadd.s32 v4, v48  }
0x87: {  	vm5 =	vmneg vm3;
	vm4 =	vgt.s32 v40, $0x1F  }
0x88: {  	vm4 =	vmand vm4, vm5  }
0x89: {  	v45 =	vmctz.xlane vm4;
	_ =	sdelay $0x1  }
0x8a: {  	v42 =	vld [tilespmem:$0x16AA0];
	vm4 =	vle.s32 v45, $0xF  }
0x8b: {  	v4 =	vnsel vm4, $0xF, v45;
	_ =	sdelay $0x2  }
0x8c: {  	v41 =	vsub.s32 v40, v41  }
0x8d: {  	(xrf0) =	vadd.scan.msk.s32 $0xffff, v42;
	[tilespmem:$0x16E00] =	vst v41  }
0x8e: {  	v4 =	vld.idx.msk [tilespmem:v4+s19+$0x0], $0xffff;
	[tilespmem:$0x16E00] =	vst v40  }
0x8f: {  	v40 =	vld.idx.msk [tilespmem:v2+s19+$0x0], $0xffff;
	_ =	sdelay $0x3  }
0x90: {  	v49, _, _ =	vpop (xrf0)  }
0x91: {  	vm4 =	vmor vm3, vm4;
	v41 =	vadd.s32 v40, v49  }
0x92: {  	vm6 =	vmneg vm4;
	vm5 =	vgt.s32 v41, $0x1F  }
0x93: {  	vm5 =	vmand vm5, vm6  }
0x94: {  	v46 =	vmctz.xlane vm5;
	_ =	sdelay $0x1  }
0x95: {  	v47 =	vld [tilespmem:$0x16AB0];
	vm5 =	vle.s32 v46, $0xF  }
0x96: {  	v50 =	vnsel vm5, $0xF, v46;
	_ =	sdelay $0x2  }
0x97: {  	v42 =	vsub.s32 v41, v42  }
0x98: {  	(xrf0) =	vadd.scan.msk.s32 $0xffff, v47;
	[tilespmem:$0x16E00] =	vst v42  }
0x99: {  	v40 =	vld.idx.msk [tilespmem:v50+s19+$0x0], $0xffff;
	[tilespmem:$0x16E00] =	vst v41  }
0x9a: {  	v41 =	vld.idx.msk [tilespmem:v2+s19+$0x0], $0xffff;
	_ =	sdelay $0x3  }
0x9b: {  	v51, _, _ =	vpop (xrf0)  }
0x9c: {  	vm5 =	vmor vm4, vm5;
	v42 =	vadd.s32 v41, v51  }
0x9d: {  	vm7 =	vmneg vm5;
	vm6 =	vgt.s32 v42, $0x1F  }
0x9e: {  	vm6 =	vmand vm6, vm7  }
0x9f: {  	v48 =	vmctz.xlane vm6;
	_ =	sdelay $0x1  }
0xa0: {  	v49 =	vld [tilespmem:$0x16AC0];
	vm6 =	vle.s32 v48, $0xF  }
0xa1: {  	v52 =	vnsel vm6, $0xF, v48;
	_ =	sdelay $0x2  }
0xa2: {  	v47 =	vsub.s32 v42, v47  }
0xa3: {  	(xrf0) =	vadd.scan.msk.s32 $0xffff, v49;
	[tilespmem:$0x16E00] =	vst v47  }
0xa4: {  	v41 =	vld.idx.msk [tilespmem:v52+s19+$0x0], $0xffff;
	[tilespmem:$0x16E00] =	vst v42  }
0xa5: {  	v42 =	vld.idx.msk [tilespmem:v2+s19+$0x0], $0xffff;
	_ =	sdelay $0x3  }
0xa6: {  	v53, _, _ =	vpop (xrf0)  }
0xa7: {  	vm6 =	vmor vm5, vm6;
	v47 =	vadd.s32 v42, v53  }
0xa8: {  	vm8 =	vmneg vm6;
	vm7 =	vgt.s32 v47, $0x1F  }
0xa9: {  	vm7 =	vmand vm7, vm8  }
0xaa: {  	v50 =	vmctz.xlane vm7;
	_ =	sdelay $0x1  }
0xab: {  	v51 =	vld [tilespmem:$0x16AD0];
	vm7 =	vgt.s32 v50, $0xF  }
0xac: {  	v54 =	vsel vm7, $0xF, v50;
	_ =	sdelay $0x2  }
0xad: {  	v49 =	vsub.s32 v47, v49  }
0xae: {  	(xrf0) =	vadd.scan.msk.s32 $0xffff, v51;
	[tilespmem:$0x16E00] =	vst v49  }
0xaf: {  	v42 =	vld.idx.msk [tilespmem:v54+s19+$0x0], $0xffff;
	[tilespmem:$0x16E00] =	vst v47  }
0xb0: {  	v47 =	vld.idx.msk [tilespmem:v2+s19+$0x0], $0xffff;
	_ =	sdelay $0x3  }
0xb1: {  	v37 =	vadd.s32 $0x10, v11;
	v55, _, _ =	vpop (xrf0)  }
0xb2: {  	v37 =	vnsel vm1, $0x0, v37;
	v47 =	vadd.s32 v47, v55  }
0xb3: {  	v37 =	vsel vm0, v43, v37;
	vm8 =	vmand vm7, vm8;
	vm10 =	vgt.s32 v47, $0x1F  }
0xb4: {  	vm9 =	vgt.s32 v44, $0xF;
	v56 =	vadd.s32 $0x20, v44;
	vm15 =	vmand vm8, vm10  }
0xb5: {  	vm2 =	vmor vm2, vm9;
	vm12 =	vgt.s32 v45, $0xF;
	v57 =	vmctz.xlane vm15  }
0xb6: {  	v37 =	vsel vm2, v37, v56;
	v58 =	vadd.s32 $0x30, v45;
	vm3 =	vmor vm3, vm12  }
0xb7: {  	v37 =	vsel vm3, v37, v58;
	vm14 =	vgt.s32 v46, $0xF;
	vm13 =	vlt.s32 v57, $0xF  }
0xb8: {  	v60 =	vadd.s32 $0x40, v46;
	vm4 =	vmor vm4, vm14;
	v59 =	vnsel vm13, $0xF, v57  }
0xb9: {  	v37 =	vsel vm4, v37, v60;
	v61 =	vadd.s32 $0x50, v48;
	vm15 =	vgt.s32 v48, $0xF  }
0xba: {  	v63 =	vadd.s32 $0x60, v50;
	vm6 =	vmor vm6, vm7;
	vm5 =	vmor vm5, vm15  }
0xbb: {  	v62 =	vsub.s32 v47, v51;
	v37 =	vsel vm5, v37, v61;
	vm7 =	vlt.s32 v57, $0x10  }
0xbc: {  	[tilespmem:$0x16E00] =	vst v62;
	v44 =	vadd.s32 $0x70, v57;
	v37 =	vsel vm6, v37, v63;
	vm7 =	vmand vm8, vm7  }
0xbd: {  	s29 =	simm.s32 $0x0;
	s28 =	simm.s32 $0x40;
	v37 =	vsel vm7, v44, v37;
	v43 =	vld.idx.msk [tilespmem:v59+s19+$0x0], $0xffff;
	[tilespmem:$0x16E00] =	vst v47  }
.LBB2_6:
0xbe: {  	p0 =	sne.s32 s28, $0x3FC0;
	v44 =	vld [tilespmem:s29+$0x15A60];
	_ =	sdelay $0x4  }
0xbf: {  	v45 =	vshra.s32 v44, $0x18  }
0xc0: {  	v44 =	vshrl.u32 v44, $0x10;
	vm8 =	veq.s32 v45, v37  }
0xc1: {  	v44 =	vand.u32 $0xFF, v44  }
.Ltmp1:
0xc2: {  	(pc) =	sbr.rel @p0 .LBB2_6-.Ltmp1, $2  }
0xc3: {  	_ =	sdelay $0x2  }
0xc4: {  	s29 =	sshra.s32 s28, $0x2;
	s28 =	sadd.s32 $0x40, s28;
	[tilespmem:v44+s20+$0x0] =	vst.idx.add.s32.msk vm8, v1  }
0xc5: {  	v44 =	vld [tilespmem:s29+$0x15A60];
	_ =	sdelay $0x4  }
0xc6: {  	v45 =	vshra.s32 v44, $0x18  }
0xc7: {  	v44 =	vshrl.u32 v44, $0x10;
	vm8 =	veq.s32 v45, v37  }
0xc8: {  	v44 =	vand.u32 $0xFF, v44;
	_ =	sdelay $0x4  }
0xc9: {  	[tilespmem:v44+s20+$0x0] =	vst.idx.add.s32.msk vm8, v1  }
0xca: {  	v44 =	vld [tilespmem:$0x16AE0];
	_ =	sdelay $0x1  }
0xcb: {  	v38 =	vnsel vm1, $0x0, v38  }
0xcc: {  	v36 =	vsel vm0, v36, v38  }
0xcd: {  	v36 =	vsel vm2, v36, v39  }
0xce: {  	v4 =	vsel vm3, v36, v4;
	(xrf0) =	vadd.scan.msk.s32 $0xffff, v44  }
0xcf: {  	v4 =	vsel vm4, v4, v40  }
0xd0: {  	v4 =	vsel vm5, v4, v41  }
0xd1: {  	v4 =	vsel vm6, v4, v42;
	_ =	sdelay $0x1  }
0xd2: {  	v36 =	vsel vm7, v43, v4  }
0xd3: {  	v48 =	vsub.s32 $0x20, v36;
	v4, _, _ =	vpop (xrf0)  }
0xd4: {  	vm0 =	vge.s32 v4, v48  }
0xd5: {  	v45 =	vmctz.xlane vm0;
	_ =	sdelay $0x1  }
0xd6: {  	v63 =	vld [tilespmem:$0x16AF0];
	vm0 =	vlt.s32 v45, $0xF  }
0xd7: {  	v62 =	vnsel vm0, $0xF, v45;
	_ =	sdelay $0x2  }
0xd8: {  	v8 =	vsub.s32 v4, v44  }
0xd9: {  	(xrf0) =	vadd.scan.msk.s32 $0xffff, v63;
	[tilespmem:$0x16E00] =	vst v8  }
0xda: {  	v38 =	vld.idx.msk [tilespmem:v62+s19+$0x0], $0xffff;
	[tilespmem:$0x16E00] =	vst v4  }
0xdb: {  	v4 =	vld.idx.msk [tilespmem:v2+s19+$0x0], $0xffff;
	_ =	sdelay $0x3  }
0xdc: {  	v9, _, _ =	vpop (xrf0)  }
0xdd: {  	v4 =	vadd.s32 v4, v9  }
0xde: {  	vm0 =	vge.s32 v45, $0x10;
	vm1 =	vge.s32 v4, v48  }
0xdf: {  	vm0 =	vmand vm1, vm0  }
0xe0: {  	v49 =	vmctz.xlane vm0;
	_ =	sdelay $0x1  }
0xe1: {  	v11 =	vld [tilespmem:$0x16B00];
	vm0 =	vlt.s32 v49, $0xF  }
0xe2: {  	v10 =	vnsel vm0, $0xF, v49;
	_ =	sdelay $0x2  }
0xe3: {  	v39 =	vsub.s32 v4, v63  }
0xe4: {  	(xrf0) =	vadd.scan.msk.s32 $0xffff, v11;
	[tilespmem:$0x16E00] =	vst v39  }
0xe5: {  	v39 =	vld.idx.msk [tilespmem:v10+s19+$0x0], $0xffff;
	[tilespmem:$0x16E00] =	vst v4  }
0xe6: {  	v4 =	vld.idx.msk [tilespmem:v2+s19+$0x0], $0xffff;
	_ =	sdelay $0x2  }
0xe7: {  	v5 =	vimm.s32 $0x0;
	vm1 =	vlt.s32 v45, $0x10  }
0xe8: {  	v46, _, _ =	vpop (xrf0);
	v5 =	vsel vm1, $0xFFFFFFFF, v5;
	vm0 =	vlt.s32 v49, $0x10  }
0xe9: {  	[tilespmem:$0x1FF90] =	vst v5;
	v5 =	vimm.s32 $0x0;
	vm1 =	vmor vm1, vm0;
	v4 =	vadd.s32 v4, v46  }
0xea: {  	v5 =	vsel vm0, $0xFFFFFFFF, v5;
	vm3 =	vmneg vm1;
	vm0 =	vge.s32 v4, v48  }
0xeb: {  	vm0 =	vmand vm0, vm3  }
0xec: {  	v51 =	vmctz.xlane vm0;
	_ =	sdelay $0x1  }
0xed: {  	v50 =	vld [tilespmem:$0x16B10];
	vm0 =	vle.s32 v51, $0xF  }
0xee: {  	v47 =	vnsel vm0, $0xF, v51;
	_ =	sdelay $0x2  }
0xef: {  	v41 =	vsub.s32 v4, v11  }
0xf0: {  	(xrf0) =	vadd.scan.msk.s32 $0xffff, v50;
	[tilespmem:$0x16E00] =	vst v41  }
0xf1: {  	v40 =	vld.idx.msk [tilespmem:v47+s19+$0x0], $0xffff;
	[tilespmem:$0x16E00] =	vst v4  }
0xf2: {  	v4 =	vld.idx.msk [tilespmem:v2+s19+$0x0], $0xffff;
	_ =	sdelay $0x3  }
0xf3: {  	v56, _, _ =	vpop (xrf0);
	[tilespmem:$0x1FFC0] =	vst v5;
	v5 =	vimm.s32 $0x0  }
0xf4: {  	v5 =	vsel vm1, $0xFFFFFFFF, v5;
	vm1 =	vmor vm1, vm0;
	v4 =	vadd.s32 v4, v56  }
0xf5: {  	vm4 =	vmneg vm1;
	vm0 =	vge.s32 v4, v48  }
0xf6: {  	vm0 =	vmand vm0, vm4  }
0xf7: {  	v53 =	vmctz.xlane vm0;
	_ =	sdelay $0x1  }
0xf8: {  	v58 =	vld [tilespmem:$0x16B20];
	vm0 =	vle.s32 v53, $0xF  }
0xf9: {  	v57 =	vnsel vm0, $0xF, v53;
	_ =	sdelay $0x2  }
0xfa: {  	v42 =	vsub.s32 v4, v50  }
0xfb: {  	(xrf0) =	vadd.scan.msk.s32 $0xffff, v58;
	[tilespmem:$0x16E00] =	vst v42  }
0xfc: {  	v41 =	vld.idx.msk [tilespmem:v57+s19+$0x0], $0xffff;
	[tilespmem:$0x16E00] =	vst v4  }
0xfd: {  	v4 =	vld.idx.msk [tilespmem:v2+s19+$0x0], $0xffff;
	_ =	sdelay $0x3  }
0xfe: {  	v59, _, _ =	vpop (xrf0);
	[tilespmem:$0x1FF40] =	vst v5;
	v5 =	vimm.s32 $0x0  }
0xff: {  	v5 =	vsel vm1, $0xFFFFFFFF, v5;
	vm1 =	vmor vm1, vm0;
	v4 =	vadd.s32 v4, v59  }
0x100: {  	vm5 =	vmneg vm1;
	vm0 =	vge.s32 v4, v48  }
0x101: {  	vm0 =	vmand vm0, vm5  }
0x102: {  	v54 =	vmctz.xlane vm0;
	_ =	sdelay $0x1  }
0x103: {  	v61 =	vld [tilespmem:$0x16B30];
	vm0 =	vle.s32 v54, $0xF  }
0x104: {  	v60 =	vnsel vm0, $0xF, v54;
	_ =	sdelay $0x2  }
0x105: {  	v43 =	vsub.s32 v4, v58  }
0x106: {  	(xrf0) =	vadd.scan.msk.s32 $0xffff, v61;
	[tilespmem:$0x16E00] =	vst v43  }
0x107: {  	v42 =	vld.idx.msk [tilespmem:v60+s19+$0x0], $0xffff;
	[tilespmem:$0x16E00] =	vst v4  }
0x108: {  	v4 =	vld.idx.msk [tilespmem:v2+s19+$0x0], $0xffff;
	_ =	sdelay $0x3  }
0x109: {  	v62, _, _ =	vpop (xrf0);
	[tilespmem:$0x1FF50] =	vst v5;
	v5 =	vimm.s32 $0x0  }
0x10a: {  	v5 =	vsel vm1, $0xFFFFFFFF, v5;
	vm1 =	vmor vm1, vm0;
	v4 =	vadd.s32 v4, v62  }
0x10b: {  	vm6 =	vmneg vm1;
	vm0 =	vge.s32 v4, v48  }
0x10c: {  	vm0 =	vmand vm0, vm6  }
0x10d: {  	v56 =	vmctz.xlane vm0;
	_ =	sdelay $0x1  }
0x10e: {  	v46 =	vld [tilespmem:$0x16B40];
	vm0 =	vle.s32 v56, $0xF  }
0x10f: {  	v63 =	vnsel vm0, $0xF, v56;
	_ =	sdelay $0x2  }
0x110: {  	v44 =	vsub.s32 v4, v61  }
0x111: {  	(xrf0) =	vadd.scan.msk.s32 $0xffff, v46;
	[tilespmem:$0x16E00] =	vst v44  }
0x112: {  	v43 =	vld.idx.msk [tilespmem:v63+s19+$0x0], $0xffff;
	[tilespmem:$0x16E00] =	vst v4  }
0x113: {  	v4 =	vld.idx.msk [tilespmem:v2+s19+$0x0], $0xffff;
	_ =	sdelay $0x3  }
0x114: {  	v6, _, _ =	vpop (xrf0);
	[tilespmem:$0x1FF60] =	vst v5;
	v5 =	vimm.s32 $0x0  }
0x115: {  	v5 =	vsel vm1, $0xFFFFFFFF, v5;
	vm1 =	vmor vm1, vm0;
	v4 =	vadd.s32 v4, v6  }
0x116: {  	vm7 =	vmneg vm1;
	vm0 =	vge.s32 v4, v48  }
0x117: {  	vm0 =	vmand vm0, vm7  }
0x118: {  	v58 =	vmctz.xlane vm0;
	_ =	sdelay $0x1  }
0x119: {  	v47 =	vld [tilespmem:$0x16B50];
	vm0 =	vle.s32 v58, $0xF  }
0x11a: {  	v7 =	vnsel vm0, $0xF, v58;
	_ =	sdelay $0x2  }
0x11b: {  	v46 =	vsub.s32 v4, v46  }
0x11c: {  	(xrf0) =	vadd.scan.msk.s32 $0xffff, v47;
	[tilespmem:$0x16E00] =	vst v46  }
0x11d: {  	v44 =	vld.idx.msk [tilespmem:v7+s19+$0x0], $0xffff;
	[tilespmem:$0x16E00] =	vst v4  }
0x11e: {  	v4 =	vld.idx.msk [tilespmem:v2+s19+$0x0], $0xffff;
	_ =	sdelay $0x3  }
0x11f: {  	v8, _, _ =	vpop (xrf0);
	[tilespmem:$0x1FF70] =	vst v5;
	v5 =	vimm.s32 $0x0  }
0x120: {  	v5 =	vsel vm1, $0xFFFFFFFF, v5;
	vm1 =	vmor vm1, vm0;
	v4 =	vadd.s32 v4, v8  }
0x121: {  	vm8 =	vmneg vm1;
	vm0 =	vge.s32 v4, v48  }
0x122: {  	vm0 =	vmand vm0, vm8  }
0x123: {  	v60 =	vmctz.xlane vm0;
	_ =	sdelay $0x1  }
0x124: {  	v50 =	vld [tilespmem:$0x16B60];
	vm0 =	vle.s32 v60, $0xF  }
0x125: {  	v9 =	vnsel vm0, $0xF, v60;
	_ =	sdelay $0x2  }
0x126: {  	v47 =	vsub.s32 v4, v47  }
0x127: {  	(xrf0) =	vadd.scan.msk.s32 $0xffff, v50;
	[tilespmem:$0x16E00] =	vst v47  }
0x128: {  	v46 =	vld.idx.msk [tilespmem:v9+s19+$0x0], $0xffff;
	[tilespmem:$0x16E00] =	vst v4  }
0x129: {  	v4 =	vld.idx.msk [tilespmem:v2+s19+$0x0], $0xffff;
	_ =	sdelay $0x3  }
0x12a: {  	v10, _, _ =	vpop (xrf0);
	[tilespmem:$0x1FFA0] =	vst v5;
	v5 =	vimm.s32 $0x0  }
0x12b: {  	v5 =	vsel vm1, $0xFFFFFFFF, v5;
	vm1 =	vmor vm1, vm0;
	v4 =	vadd.s32 v4, v10  }
0x12c: {  	vm9 =	vmneg vm1;
	vm0 =	vge.s32 v4, v48  }
0x12d: {  	vm0 =	vmand vm0, vm9  }
0x12e: {  	v62 =	vmctz.xlane vm0;
	_ =	sdelay $0x1  }
0x12f: {  	v52 =	vld [tilespmem:$0x16B70];
	vm0 =	vle.s32 v62, $0xF  }
0x130: {  	v11 =	vnsel vm0, $0xF, v62;
	_ =	sdelay $0x2  }
0x131: {  	v50 =	vsub.s32 v4, v50  }
0x132: {  	(xrf0) =	vadd.scan.msk.s32 $0xffff, v52;
	[tilespmem:$0x16E00] =	vst v50  }
0x133: {  	v47 =	vld.idx.msk [tilespmem:v11+s19+$0x0], $0xffff;
	[tilespmem:$0x16E00] =	vst v4  }
0x134: {  	v4 =	vld.idx.msk [tilespmem:v2+s19+$0x0], $0xffff;
	_ =	sdelay $0x3  }
0x135: {  	v55, _, _ =	vpop (xrf0)  }
0x136: {  	vm2 =	vmor vm1, vm0;
	v4 =	vadd.s32 v4, v55  }
0x137: {  	vm10 =	vmneg vm2;
	vm0 =	vge.s32 v4, v48  }
0x138: {  	vm0 =	vmand vm0, vm10  }
0x139: {  	v63 =	vmctz.xlane vm0;
	_ =	sdelay $0x1  }
0x13a: {  	v55 =	vld [tilespmem:$0x16B80];
	vm0 =	vle.s32 v63, $0xF  }
0x13b: {  	v57 =	vnsel vm0, $0xF, v63;
	_ =	sdelay $0x2  }
0x13c: {  	v52 =	vsub.s32 v4, v52  }
0x13d: {  	[tilespmem:$0x16E00] =	vst v52;
	(xrf0) =	vadd.scan.msk.s32 $0xffff, v55  }
0x13e: {  	v50 =	vld.idx.msk [tilespmem:v57+s19+$0x0], $0xffff;
	[tilespmem:$0x16E00] =	vst v4  }
0x13f: {  	v4 =	vld.idx.msk [tilespmem:v2+s19+$0x0], $0xffff;
	_ =	sdelay $0x3  }
0x140: {  	v59, _, _ =	vpop (xrf0)  }
0x141: {  	vm10 =	vmor vm2, vm0;
	v57 =	vadd.s32 v4, v59  }
0x142: {  	vm11 =	vmneg vm10;
	vm0 =	vge.s32 v57, v48  }
0x143: {  	vm0 =	vmand vm0, vm11  }
0x144: {  	v4 =	vmctz.xlane vm0;
	_ =	sdelay $0x1  }
0x145: {  	v59 =	vld [tilespmem:$0x16B90];
	vm0 =	vle.s32 v4, $0xF  }
0x146: {  	v61 =	vnsel vm0, $0xF, v4;
	_ =	sdelay $0x2  }
0x147: {  	v55 =	vsub.s32 v57, v55  }
0x148: {  	[tilespmem:$0x16E00] =	vst v55;
	(xrf0) =	vadd.scan.msk.s32 $0xffff, v59  }
0x149: {  	v52 =	vld.idx.msk [tilespmem:v61+s19+$0x0], $0xffff;
	[tilespmem:$0x16E00] =	vst v57  }
0x14a: {  	v55 =	vld.idx.msk [tilespmem:v2+s19+$0x0], $0xffff;
	_ =	sdelay $0x3  }
0x14b: {  	[tilespmem:$0x1FFB0] =	vst v5;
	v5 =	vimm.s32 $0x0;
	v6, _, _ =	vpop (xrf0)  }
0x14c: {  	v5 =	vsel vm1, $0xFFFFFFFF, v5;
	vm11 =	vmor vm10, vm0;
	v57 =	vadd.s32 v55, v6  }
0x14d: {  	[tilespmem:$0x1FFD0] =	vst v5;
	v5 =	vimm.s32 $0x0;
	vm12 =	vmneg vm11;
	vm0 =	vge.s32 v57, v48  }
0x14e: {  	v5 =	vsel vm2, $0xFFFFFFFF, v5;
	vm0 =	vmand vm0, vm12  }
0x14f: {  	[tilespmem:$0x1FFF0] =	vst v5;
	v5 =	vmctz.xlane vm0;
	_ =	sdelay $0x1  }
0x150: {  	v61 =	vld [tilespmem:$0x16BA0];
	vm0 =	vle.s32 v5, $0xF  }
0x151: {  	v7 =	vnsel vm0, $0xF, v5;
	_ =	sdelay $0x2  }
0x152: {  	v59 =	vsub.s32 v57, v59  }
0x153: {  	(xrf0) =	vadd.scan.msk.s32 $0xffff, v61;
	[tilespmem:$0x16E00] =	vst v59  }
0x154: {  	v55 =	vld.idx.msk [tilespmem:v7+s19+$0x0], $0xffff;
	[tilespmem:$0x16E00] =	vst v57  }
0x155: {  	v57 =	vld.idx.msk [tilespmem:v2+s19+$0x0], $0xffff;
	_ =	sdelay $0x3  }
0x156: {  	v8, _, _ =	vpop (xrf0)  }
0x157: {  	vm12 =	vmor vm11, vm0;
	v59 =	vadd.s32 v57, v8  }
0x158: {  	vm13 =	vmneg vm12;
	vm0 =	vge.s32 v59, v48  }
0x159: {  	vm0 =	vmand vm0, vm13  }
0x15a: {  	v6 =	vmctz.xlane vm0;
	_ =	sdelay $0x1  }
0x15b: {  	v7 =	vld [tilespmem:$0x16BB0];
	vm0 =	vle.s32 v6, $0xF  }
0x15c: {  	v9 =	vnsel vm0, $0xF, v6;
	_ =	sdelay $0x2  }
0x15d: {  	v61 =	vsub.s32 v59, v61  }
0x15e: {  	(xrf0) =	vadd.scan.msk.s32 $0xffff, v7;
	[tilespmem:$0x16E00] =	vst v61  }
0x15f: {  	v57 =	vld.idx.msk [tilespmem:v9+s19+$0x0], $0xffff;
	[tilespmem:$0x16E00] =	vst v59  }
0x160: {  	v59 =	vld.idx.msk [tilespmem:v2+s19+$0x0], $0xffff;
	_ =	sdelay $0x3  }
0x161: {  	v10, _, _ =	vpop (xrf0)  }
0x162: {  	vm13 =	vmor vm12, vm0;
	v61 =	vadd.s32 v59, v10  }
0x163: {  	vm14 =	vmneg vm13;
	vm0 =	vge.s32 v61, v48  }
0x164: {  	vm0 =	vmand vm0, vm14  }
0x165: {  	v8 =	vmctz.xlane vm0;
	_ =	sdelay $0x1  }
0x166: {  	v9 =	vld [tilespmem:$0x16BC0];
	vm0 =	vle.s32 v8, $0xF  }
0x167: {  	v59 =	vnsel vm0, $0xF, v8;
	_ =	sdelay $0x2  }
0x168: {  	v7 =	vsub.s32 v61, v7  }
0x169: {  	(xrf0) =	vadd.scan.msk.s32 $0xffff, v9;
	[tilespmem:$0x16E00] =	vst v7  }
0x16a: {  	v59 =	vld.idx.msk [tilespmem:v59+s19+$0x0], $0xffff;
	[tilespmem:$0x16E00] =	vst v61  }
0x16b: {  	v7 =	vld.idx.msk [tilespmem:v2+s19+$0x0], $0xffff;
	_ =	sdelay $0x3  }
0x16c: {  	v11, _, _ =	vpop (xrf0)  }
0x16d: {  	vm14 =	vmor vm13, vm0;
	v7 =	vadd.s32 v7, v11  }
0x16e: {  	vm1 =	vmneg vm14;
	v11 =	vld [tilespmem:$0x16BD0];
	vm0 =	vge.s32 v7, v48  }
0x16f: {  	vm0 =	vmand vm0, vm1  }
0x170: {  	v10 =	vmctz.xlane vm0;
	_ =	sdelay $0x1  }
0x171: {  	vm15 =	vgt.s32 v10, $0xF  }
0x172: {  	(xrf0) =	vadd.scan.msk.s32 $0xffff, v11;
	v61 =	vsel vm15, $0xF, v10;
	_ =	sdelay $0x2  }
0x173: {  	v9 =	vsub.s32 v7, v9  }
0x174: {  	[tilespmem:$0x16E00] =	vst v9  }
0x175: {  	v61 =	vld.idx.msk [tilespmem:v61+s19+$0x0], $0xffff;
	[tilespmem:$0x16E00] =	vst v7  }
0x176: {  	v9, _, _ =	vpop (xrf0);
	v7 =	vld.idx.msk [tilespmem:v2+s19+$0x0], $0xffff;
	[tilespmem:$0x1FF80] =	vst v0  }
0x177: {  	v0 =	vld [tilespmem:$0x1FF40];
	_ =	sdelay $0x4  }
0x178: {  	vm3 =	vnez.u8 v0;
	v0 =	vld [tilespmem:$0x1FF80];
	_ =	sdelay $0x3  }
0x179: {  	v7 =	vadd.s32 v7, v9  }
0x17a: {  	vm9 =	vmand vm15, vm1;
	vm1 =	vge.s32 v7, v48;
	[tilespmem:$0x1FF80] =	vst v0  }
0x17b: {  	vm1 =	vmand vm9, vm1;
	v0 =	vld [tilespmem:$0x1FF50]  }
0x17c: {  	v9 =	vmctz.xlane vm1;
	_ =	sdelay $0x1  }
0x17d: {  	vm1 =	vlt.s32 v9, $0xF  }
0x17e: {  	v48 =	vnsel vm1, $0xF, v9;
	vm1 =	vgt.s32 v51, $0xF  }
0x17f: {  	vm3 =	vmor vm3, vm1;
	vm1 =	vnez.u8 v0;
	v0 =	vld [tilespmem:$0x1FF80];
	_ =	sdelay $0x4  }
0x180: {  	[tilespmem:$0x1FF80] =	vst v0  }
0x181: {  	v0 =	vld [tilespmem:$0x1FF60];
	_ =	sdelay $0x4  }
0x182: {  	vm5 =	vnez.u8 v0;
	v0 =	vld [tilespmem:$0x1FF80];
	_ =	sdelay $0x4  }
0x183: {  	[tilespmem:$0x1FF80] =	vst v0  }
0x184: {  	v0 =	vld [tilespmem:$0x1FF70];
	_ =	sdelay $0x2  }
0x185: {  	vm0 =	vgt.s32 v53, $0xF  }
0x186: {  	vm8 =	vmor vm1, vm0;
	vm0 =	vgt.s32 v54, $0xF  }
0x187: {  	vm2 =	vmor vm5, vm0;
	vm0 =	vnez.u8 v0;
	v0 =	vld [tilespmem:$0x1FF80];
	_ =	sdelay $0x4  }
0x188: {  	[tilespmem:$0x1FF80] =	vst v0  }
0x189: {  	v0 =	vld [tilespmem:$0x1FF90];
	_ =	sdelay $0x3  }
0x18a: {  	vm1 =	vgt.s32 v56, $0xF  }
0x18b: {  	v11 =	vsub.s32 v7, v11;
	vm4 =	vmor vm0, vm1;
	vm1 =	vnez.u8 v0;
	v0 =	vld [tilespmem:$0x1FF80]  }
0x18c: {  	[tilespmem:$0x16E00] =	vst v11;
	v11 =	vld [tilespmem:$0x1FFA0];
	_ =	sdelay $0x4  }
0x18d: {  	vm5 =	vnez.u8 v11;
	v11 =	vadd.s32 $0x10, v49;
	v49 =	vld [tilespmem:$0x1FFB0];
	_ =	sdelay $0x3  }
0x18e: {  	vm0 =	vgt.s32 v58, $0xF  }
0x18f: {  	vm6 =	vmor vm5, vm0;
	vm5 =	vnez.u8 v49;
	v49 =	vld [tilespmem:$0x1FFC0];
	_ =	sdelay $0x3  }
0x190: {  	vm0 =	vgt.s32 v60, $0xF  }
0x191: {  	vm7 =	vmor vm5, vm0;
	vm0 =	vnez.u8 v49;
	v49 =	vld [tilespmem:$0x1FFD0];
	_ =	sdelay $0x1  }
0x192: {  	v48 =	vld.idx.msk [tilespmem:v48+s19+$0x0], $0xffff;
	[tilespmem:$0x16E00] =	vst v7;
	v7 =	vnsel vm0, $0x0, v11  }
0x193: {  	vm14 =	vmor vm14, vm15;
	v51 =	vadd.s32 $0x20, v51;
	v7 =	vsel vm1, v45, v7  }
0x194: {  	v54 =	vadd.s32 $0x40, v54;
	[tilespmem:$0x16AE0] =	vst v0;
	v7 =	vsel vm3, v7, v51;
	v51 =	vadd.s32 $0x30, v53;
	v53 =	vld [tilespmem:$0x1FFF0]  }
0x195: {  	v56 =	vadd.s32 $0x50, v56;
	[tilespmem:$0x16AF0] =	vst v0;
	vm5 =	vnez.u8 v49;
	v49 =	vimm.s32 $0x0  }
0x196: {  	v58 =	vadd.s32 $0x60, v58;
	[tilespmem:$0x16B00] =	vst v0;
	v45 =	vsel vm3, $0xFFFFFFFF, v49;
	vm3 =	vmmov vm8  }
0x197: {  	[tilespmem:$0x16B10] =	vst v0;
	v60 =	vadd.s32 $0x70, v60;
	vm0 =	vgt.s32 v62, $0xF;
	v7 =	vsel vm3, v7, v51  }
0x198: {  	[tilespmem:$0x16B20] =	vst v0;
	v62 =	vadd.s32 $0x80, v62;
	vm5 =	vmor vm5, vm0;
	v7 =	vsel vm2, v7, v54  }
0x199: {  	[tilespmem:$0x16B30] =	vst v0;
	vm0 =	vgt.s32 v63, $0xF;
	vm8 =	vnez.u8 v53;
	v7 =	vsel vm4, v7, v56  }
0x19a: {  	[tilespmem:$0x16B40] =	vst v0;
	v63 =	vadd.s32 $0x90, v63;
	vm8 =	vmor vm8, vm0;
	v7 =	vsel vm6, v7, v58  }
0x19b: {  	[tilespmem:$0x16B50] =	vst v0;
	vm0 =	vgt.s32 v4, $0xF;
	v4 =	vadd.s32 $0xA0, v4;
	v7 =	vsel vm7, v7, v60  }
0x19c: {  	[tilespmem:$0x16B60] =	vst v0;
	vm10 =	vmor vm10, vm0;
	vm0 =	vgt.s32 v5, $0xF;
	v7 =	vsel vm5, v7, v62  }
0x19d: {  	[tilespmem:$0x16B70] =	vst v0;
	vm11 =	vmor vm11, vm0;
	vm0 =	vgt.s32 v6, $0xF;
	v7 =	vsel vm8, v7, v63  }
0x19e: {  	[tilespmem:$0x16B80] =	vst v0;
	v5 =	vadd.s32 $0xB0, v5;
	vm12 =	vmor vm12, vm0;
	v4 =	vsel vm10, v7, v4  }
0x19f: {  	[tilespmem:$0x16B90] =	vst v0;
	vm0 =	vgt.s32 v8, $0xF;
	v4 =	vsel vm11, v4, v5;
	v5 =	vadd.s32 $0xC0, v6  }
0x1a0: {  	[tilespmem:$0x16BA0] =	vst v0;
	vm13 =	vmor vm13, vm0;
	v4 =	vsel vm12, v4, v5;
	v5 =	vadd.s32 $0xD0, v8  }
0x1a1: {  	[tilespmem:$0x16BB0] =	vst v0;
	vm0 =	vlt.s32 v9, $0x10;
	v4 =	vsel vm13, v4, v5;
	v5 =	vadd.s32 $0xE0, v10  }
0x1a2: {  	[tilespmem:$0x16BC0] =	vst v0;
	vm15 =	vmand vm9, vm0;
	v4 =	vsel vm14, v4, v5;
	v5 =	vadd.s32 $0xF0, v9  }
0x1a3: {  	[tilespmem:$0x16BD0] =	vst v0;
	v4 =	vsel vm15, v5, v4;
	v5 =	vshll.u32 v37, $0x8  }
0x1a4: {  	s29 =	simm.s32 $0x0;
	s28 =	simm.s32 $0x40;
	[tilespmem:$0x1FFE0] =	vst v45;
	v37 =	vor.u32 v5, v4  }
.LBB2_8:
0x1a5: {  	p0 =	sne.s32 s28, $0x3FC0;
	v4 =	vld [tilespmem:s29+$0x15A60];
	_ =	sdelay $0x4  }
0x1a6: {  	v5 =	vshra.s32 v4, $0x10  }
0x1a7: {  	v4 =	vshrl.u32 v4, $0x8;
	vm0 =	veq.s32 v5, v37  }
0x1a8: {  	v4 =	vand.u32 $0xFF, v4  }
.Ltmp2:
0x1a9: {  	(pc) =	sbr.rel @p0 .LBB2_8-.Ltmp2, $2  }
0x1aa: {  	_ =	sdelay $0x2  }
0x1ab: {  	s29 =	sshra.s32 s28, $0x2;
	s28 =	sadd.s32 $0x40, s28;
	[tilespmem:v4+s20+$0x0] =	vst.idx.add.s32.msk vm0, v1  }
0x1ac: {  	v4 =	vld [tilespmem:s29+$0x15A60];
	_ =	sdelay $0x4  }
0x1ad: {  	v5 =	vshra.s32 v4, $0x10  }
0x1ae: {  	v4 =	vshrl.u32 v4, $0x8;
	vm0 =	veq.s32 v5, v37  }
0x1af: {  	v4 =	vand.u32 $0xFF, v4;
	_ =	sdelay $0x4  }
0x1b0: {  	[tilespmem:v4+s20+$0x0] =	vst.idx.add.s32.msk vm0, v1  }
0x1b1: {  	v4 =	vld [tilespmem:$0x16AE0];
	_ =	sdelay $0x4  }
0x1b2: {  	(xrf0) =	vadd.scan.msk.s32 $0xffff, v4  }
0x1b3: {  	v4 =	vld [tilespmem:$0x16AF0];
	_ =	sdelay $0x4  }
0x1b4: {  	v5, _, _ =	vpop (xrf0);
	(xrf0) =	vadd.scan.msk.s32 $0xffff, v4  }
0x1b5: {  	v6 =	vld [tilespmem:$0x16B00];
	_ =	sdelay $0x4  }
0x1b6: {  	v7, _, _ =	vpop (xrf0);
	(xrf0) =	vadd.scan.msk.s32 $0xffff, v6;
	v6 =	vld [tilespmem:$0x1FFC0]  }
0x1b7: {  	v9 =	vld [tilespmem:$0x1FFE0];
	[tilespmem:$0x16E00] =	vst v5  }
0x1b8: {  	v4 =	vld.idx.msk [tilespmem:v2+s19+$0x0], $0xffff;
	_ =	sdelay $0x2  }
0x1b9: {  	vm9 =	vnez.u8 v6  }
0x1ba: {  	v6 =	vnsel vm9, $0x0, v39  }
0x1bb: {  	v4 =	vadd.s32 v4, v7;
	vm9 =	vnez.u8 v9;
	v6 =	vsel vm1, v38, v6  }
0x1bc: {  	[tilespmem:$0x16E00] =	vst v4;
	v6 =	vsel vm9, v6, v40  }
0x1bd: {  	v7 =	vld.idx.msk [tilespmem:v2+s19+$0x0], $0xffff;
	v6 =	vsel vm3, v6, v41  }
0x1be: {  	v8 =	vld [tilespmem:$0x16B10];
	v6 =	vsel vm2, v6, v42  }
0x1bf: {  	v6 =	vsel vm4, v6, v43  }
0x1c0: {  	v6 =	vsel vm6, v6, v44  }
0x1c1: {  	v45, _, _ =	vpop (xrf0);
	v6 =	vsel vm7, v6, v46  }
0x1c2: {  	v7 =	vadd.s32 v7, v45;
	v6 =	vsel vm5, v6, v47  }
0x1c3: {  	(xrf0) =	vadd.scan.msk.s32 $0xffff, v8;
	[tilespmem:$0x16E00] =	vst v7;
	v6 =	vsel vm8, v6, v50  }
0x1c4: {  	v49 =	vld.idx.msk [tilespmem:v2+s19+$0x0], $0xffff;
	v6 =	vsel vm10, v6, v52  }
0x1c5: {  	v50 =	vld [tilespmem:$0x16B20];
	v6 =	vsel vm11, v6, v55  }
0x1c6: {  	v6 =	vsel vm12, v6, v57  }
0x1c7: {  	v6 =	vsel vm13, v6, v59  }
0x1c8: {  	v6 =	vsel vm14, v6, v61  }
0x1c9: {  	v10, _, _ =	vpop (xrf0);
	v6 =	vsel vm15, v48, v6  }
0x1ca: {  	v8 =	vadd.s32 v49, v10;
	(xrf0) =	vadd.scan.msk.s32 $0xffff, v50;
	v6 =	vadd.s32 v6, v36  }
0x1cb: {  	[tilespmem:$0x16E00] =	vst v8;
	v36 =	vsub.s32 $0x20, v6  }
0x1cc: {  	v51 =	vld.idx.msk [tilespmem:v2+s19+$0x0], $0xffff;
	vm11 =	vge.s32 v5, v36  }
0x1cd: {  	v5 =	vmctz.xlane vm11  }
0x1ce: {  	v52 =	vld [tilespmem:$0x16B30]  }
0x1cf: {  	vm12 =	vge.s32 v4, v36;
	vm0 =	vge.s32 v5, $0x10  }
0x1d0: {  	v6, _, _ =	vpop (xrf0);
	vm0 =	vmand vm12, vm0  }
0x1d1: {  	v4 =	vadd.s32 v51, v6;
	v6 =	vmctz.xlane vm0;
	_ =	sdelay $0x1  }
0x1d2: {  	(xrf0) =	vadd.scan.msk.s32 $0xffff, v52;
	vm2 =	vlt.s32 v5, $0x10;
	vm3 =	vlt.s32 v6, $0x10  }
0x1d3: {  	v54 =	vld [tilespmem:$0x16B40];
	[tilespmem:$0x16E00] =	vst v4;
	vm0 =	vmor vm2, vm3  }
0x1d4: {  	vm13 =	vge.s32 v7, v36;
	v53 =	vld.idx.msk [tilespmem:v2+s19+$0x0], $0xffff;
	vm14 =	vmneg vm0  }
0x1d5: {  	vm1 =	vmand vm13, vm14  }
0x1d6: {  	v9 =	vmctz.xlane vm1;
	_ =	sdelay $0x1  }
0x1d7: {  	v7, _, _ =	vpop (xrf0);
	vm1 =	vle.s32 v9, $0xF  }
0x1d8: {  	(xrf0) =	vadd.scan.msk.s32 $0xffff, v54;
	v7 =	vadd.s32 v53, v7;
	vm1 =	vmor vm0, vm1  }
0x1d9: {  	v11 =	vld [tilespmem:$0x16B50];
	vm15 =	vge.s32 v8, v36;
	[tilespmem:$0x16E00] =	vst v7;
	vm8 =	vmneg vm1  }
0x1da: {  	v55 =	vld.idx.msk [tilespmem:v2+s19+$0x0], $0xffff;
	vm4 =	vmand vm15, vm8  }
0x1db: {  	v8 =	vmctz.xlane vm4;
	_ =	sdelay $0x1  }
0x1dc: {  	vm4 =	vle.s32 v8, $0xF  }
0x1dd: {  	v56, _, _ =	vpop (xrf0);
	vm4 =	vmor vm1, vm4  }
0x1de: {  	vm9 =	vge.s32 v4, v36;
	(xrf0) =	vadd.scan.msk.s32 $0xffff, v11;
	v10 =	vadd.s32 v55, v56;
	vm10 =	vmneg vm4  }
0x1df: {  	v4 =	vld [tilespmem:$0x16B60];
	[tilespmem:$0x16E00] =	vst v10;
	vm5 =	vmand vm9, vm10  }
0x1e0: {  	v57 =	vld.idx.msk [tilespmem:v2+s19+$0x0], $0xffff;
	v38 =	vmctz.xlane vm5;
	_ =	sdelay $0x1  }
0x1e1: {  	vm5 =	vle.s32 v38, $0xF  }
0x1e2: {  	vm6 =	vmor vm4, vm5  }
0x1e3: {  	vm11 =	vge.s32 v7, v36;
	v58, _, _ =	vpop (xrf0);
	vm12 =	vmneg vm6  }
0x1e4: {  	(xrf0) =	vadd.scan.msk.s32 $0xffff, v4;
	v11 =	vadd.s32 v57, v58;
	vm5 =	vmand vm11, vm12  }
0x1e5: {  	v7 =	vld [tilespmem:$0x16B70];
	[tilespmem:$0x16E00] =	vst v11;
	v39 =	vmctz.xlane vm5  }
0x1e6: {  	v4 =	vld.idx.msk [tilespmem:v2+s19+$0x0], $0xffff  }
0x1e7: {  	vm5 =	vle.s32 v39, $0xF  }
0x1e8: {  	vm5 =	vmor vm6, vm5  }
0x1e9: {  	vm13 =	vge.s32 v10, v36;
	vm14 =	vmneg vm5  }
0x1ea: {  	v59, _, _ =	vpop (xrf0);
	vm7 =	vmand vm13, vm14  }
0x1eb: {  	(xrf0) =	vadd.scan.msk.s32 $0xffff, v7;
	v4 =	vadd.s32 v4, v59;
	v7 =	vmctz.xlane vm7  }
0x1ec: {  	v61 =	vld [tilespmem:$0x16B80];
	[tilespmem:$0x16E00] =	vst v4  }
0x1ed: {  	v60 =	vld.idx.msk [tilespmem:v2+s19+$0x0], $0xffff;
	vm7 =	vle.s32 v7, $0xF  }
0x1ee: {  	vm7 =	vmor vm5, vm7  }
0x1ef: {  	vm15 =	vge.s32 v11, v36;
	vm9 =	vmneg vm7  }
0x1f0: {  	vm8 =	vmand vm15, vm9  }
0x1f1: {  	v62, _, _ =	vpop (xrf0);
	v63 =	vmctz.xlane vm8  }
0x1f2: {  	(xrf0) =	vadd.scan.msk.s32 $0xffff, v61;
	v10 =	vadd.s32 v60, v62  }
0x1f3: {  	v46 =	vld [tilespmem:$0x16B90];
	[tilespmem:$0x16E00] =	vst v10;
	vm8 =	vle.s32 v63, $0xF  }
0x1f4: {  	v45 =	vld.idx.msk [tilespmem:v2+s19+$0x0], $0xffff;
	vm8 =	vmor vm7, vm8  }
0x1f5: {  	vm12 =	vge.s32 v4, v36;
	vm13 =	vmneg vm8  }
0x1f6: {  	vm9 =	vmand vm12, vm13  }
0x1f7: {  	v4 =	vmctz.xlane vm9  }
0x1f8: {  	v47, _, _ =	vpop (xrf0)  }
0x1f9: {  	(xrf0) =	vadd.scan.msk.s32 $0xffff, v46;
	v40 =	vadd.s32 v45, v47;
	vm9 =	vle.s32 v4, $0xF  }
0x1fa: {  	v49 =	vld [tilespmem:$0x16BA0];
	[tilespmem:$0x16E00] =	vst v40;
	vm9 =	vmor vm8, vm9  }
0x1fb: {  	vm14 =	vge.s32 v10, v36;
	v48 =	vld.idx.msk [tilespmem:v2+s19+$0x0], $0xffff;
	vm15 =	vmneg vm9  }
0x1fc: {  	vm10 =	vmand vm14, vm15  }
0x1fd: {  	v50 =	vmctz.xlane vm10;
	_ =	sdelay $0x1  }
0x1fe: {  	v51, _, _ =	vpop (xrf0);
	vm10 =	vle.s32 v50, $0xF  }
0x1ff: {  	(xrf0) =	vadd.scan.msk.s32 $0xffff, v49;
	v41 =	vadd.s32 v48, v51;
	vm10 =	vmor vm9, vm10  }
0x200: {  	v53 =	vld [tilespmem:$0x16BB0];
	vm11 =	vge.s32 v40, v36;
	[tilespmem:$0x16E00] =	vst v41;
	vm12 =	vmneg vm10  }
0x201: {  	v52 =	vld.idx.msk [tilespmem:v2+s19+$0x0], $0xffff;
	vm11 =	vmand vm11, vm12  }
0x202: {  	v6 =	vadd.s32 $0x10, v6;
	v54 =	vmctz.xlane vm11  }
0x203: {  	v6 =	vnsel vm3, $0x0, v6  }
0x204: {  	v5 =	vsel vm2, v5, v6;
	vm11 =	vgt.s32 v9, $0xF;
	vm12 =	vle.s32 v54, $0xF  }
0x205: {  	v6 =	vadd.s32 $0x20, v9;
	v55, _, _ =	vpop (xrf0);
	vm2 =	vmor vm0, vm11;
	vm0 =	vmor vm10, vm12  }
0x206: {  	(xrf0) =	vadd.scan.msk.s32 $0xffff, v53;
	vm13 =	vge.s32 v41, v36;
	v9 =	vadd.s32 v52, v55;
	vm14 =	vmneg vm0  }
0x207: {  	vm11 =	vgt.s32 v8, $0xF;
	[tilespmem:$0x16E00] =	vst v9;
	v5 =	vsel vm2, v5, v6;
	vm15 =	vmand vm13, vm14  }
0x208: {  	vm1 =	vmor vm1, vm11;
	v6 =	vadd.s32 $0x30, v8;
	v57 =	vld.idx.msk [tilespmem:v2+s19+$0x0], $0xffff;
	v56 =	vmctz.xlane vm15  }
0x209: {  	v5 =	vsel vm1, v5, v6;
	vm12 =	vgt.s32 v38, $0xF;
	v6 =	vld [tilespmem:$0x16BC0]  }
0x20a: {  	v38 =	vadd.s32 $0x40, v38;
	vm1 =	vmor vm4, vm12;
	vm2 =	vle.s32 v56, $0xF  }
0x20b: {  	v59 =	vadd.s32 $0x50, v39;
	v5 =	vsel vm1, v5, v38;
	vm1 =	vmor vm0, vm2  }
0x20c: {  	v58, _, _ =	vpop (xrf0);
	vm12 =	vgt.s32 v7, $0xF;
	vm15 =	vge.s32 v9, v36;
	vm11 =	vmneg vm1  }
0x20d: {  	vm13 =	vgt.s32 v39, $0xF;
	v9 =	vadd.s32 v57, v58;
	vm3 =	vmand vm15, vm11  }
0x20e: {  	vm14 =	vmor vm6, vm13;
	[tilespmem:$0x16E00] =	vst v9;
	(xrf0) =	vadd.scan.msk.s32 $0xffff, v6;
	v60 =	vmctz.xlane vm3  }
0x20f: {  	vm13 =	vmor vm5, vm12;
	v5 =	vsel vm14, v5, v59;
	v6 =	vadd.s32 $0x60, v7;
	v7 =	vld.idx.msk [tilespmem:v2+s19+$0x0], $0xffff  }
0x210: {  	v11 =	vadd.s32 $0x70, v63;
	v5 =	vsel vm13, v5, v6;
	v6 =	vld [tilespmem:$0x16BD0];
	vm3 =	vle.s32 v60, $0xF  }
0x211: {  	vm14 =	vgt.s32 v63, $0xF;
	vm12 =	vge.s32 v9, v36;
	vm2 =	vmor vm1, vm3  }
0x212: {  	vm15 =	vmor vm7, vm14;
	vm11 =	vgt.s32 v4, $0xF;
	vm13 =	vmneg vm2  }
0x213: {  	v4 =	vadd.s32 $0x80, v4;
	v5 =	vsel vm15, v5, v11;
	vm14 =	vmand vm12, vm13  }
0x214: {  	vm15 =	vgt.s32 v50, $0xF;
	v62, _, _ =	vpop (xrf0);
	vm3 =	vmor vm8, vm11;
	v61 =	vmctz.xlane vm14  }
0x215: {  	(xrf0) =	vadd.scan.msk.s32 $0xffff, v6;
	v6 =	vadd.s32 $0x90, v50;
	v4 =	vsel vm3, v5, v4;
	v5 =	vadd.s32 v7, v62  }
0x216: {  	vm8 =	vmor vm9, vm15;
	vm9 =	vgt.s32 v54, $0xF;
	[tilespmem:$0x16E00] =	vst v5;
	vm11 =	vle.s32 v61, $0xF  }
0x217: {  	vm15 =	vgt.s32 v56, $0xF;
	v4 =	vsel vm8, v4, v6;
	v6 =	vld.idx.msk [tilespmem:v2+s19+$0x0], $0xffff;
	vm4 =	vmor vm2, vm11  }
0x218: {  	vm13 =	vge.s32 v5, v36;
	v5 =	vadd.s32 $0xB0, v56;
	vm14 =	vmneg vm4  }
0x219: {  	v7 =	vadd.s32 $0xA0, v54;
	vm12 =	vmor vm10, vm9;
	vm5 =	vmand vm13, vm14  }
0x21a: {  	vm0 =	vmor vm0, vm15;
	v4 =	vsel vm12, v4, v7;
	v7 =	vmctz.xlane vm5  }
0x21b: {  	vm8 =	vgt.s32 v60, $0xF;
	v4 =	vsel vm0, v4, v5;
	v5, _, _ =	vpop (xrf0)  }
0x21c: {  	vm0 =	vmor vm1, vm8;
	v5 =	vadd.s32 v6, v5;
	vm9 =	vgt.s32 v7, $0xF  }
0x21d: {  	vm12 =	vgt.s32 v61, $0xF;
	vm10 =	vge.s32 v5, v36;
	vm11 =	vmand vm9, vm14  }
0x21e: {  	v63 =	vadd.s32 $0xD0, v61;
	v6 =	vadd.s32 $0xC0, v60;
	vm3 =	vmand vm11, vm10  }
0x21f: {  	v4 =	vsel vm0, v4, v6;
	vm0 =	vmor vm2, vm12;
	v6 =	vmctz.xlane vm3  }
0x220: {  	v4 =	vsel vm0, v4, v63  }
0x221: {  	v7 =	vadd.s32 $0xE0, v7;
	vm13 =	vmor vm4, vm9;
	vm14 =	vlt.s32 v6, $0x10  }
0x222: {  	v4 =	vsel vm13, v4, v7;
	v6 =	vadd.s32 $0xF0, v6;
	vm15 =	vmand vm11, vm14  }
0x223: {  	s29 =	simm.s32 $0x15A60;
	[tilespmem:$0x16E00] =	vst v5;
	v5 =	vshll.u32 v37, $0x8;
	v4 =	vsel vm15, v6, v4  }
0x224: {  	s28 =	simm.s32 $0x0;
	s30 =	simm.s32 $0x10;
	v36 =	vimm.s32 $0x0;
	v37 =	vimm.s32 $0x0;
	v38 =	vld [tilespmem:s29+$0x0];
	v4 =	vor.u32 v5, v4  }
.LBB2_10:
0x225: {  	p0 =	sne.s32 s30, $0xFF0;
	_ =	sdelay $0x3  }
0x226: {  	v5 =	vshra.s32 v38, $0x8  }
0x227: {  	vm0 =	vle.s32 v5, v4  }
0x228: {  	v5 =	vsel vm0, $0x1, v0;
	v6 =	vmpcnt.ones.xlane vm0  }
0x229: {  	(xrf0) =	vadd.scan.msk.s32 $0xffff, v5  }
0x22a: {  	v36 =	vadd.s32 v36, v6;
	_ =	sdelay $0x3  }
0x22b: {  	v5 =	vsel vm0, $0xFFFFFFFF, v0  }
0x22c: {  	v5 =	vadd.s32 v5, v37;
	v37 =	vmov v36;
	v6, _, _ =	vpop (xrf0)  }
0x22d: {  	v5 =	vadd.s32 v6, v5  }
0x22e: {  	vm1 =	vlt.s32 v5, $0x20  }
0x22f: {  	vm0 =	vmand vm0, vm1;
	_ =	sdelay $0x2  }
.Ltmp3:
0x230: {  	(pc) =	sbr.rel @p0 .LBB2_10-.Ltmp3, $4  }
0x231: {  	_ = 	snop  }
0x232: {  	v6 =	vor.u32 s28, v3;
	s28 =	smov.u32 s30  }
0x233: {  	s29 =	sadd.s32 $0x10, s29;
	[tilespmem:v5+s21+$0x0] =	vst.idx.msk vm0, v6  }
0x234: {  	s30 =	sadd.s32 $0x10, s30;
	v38 =	vld [tilespmem:s29+$0x0]  }
0x235: {  	_ =	sdelay $0x3  }
0x236: {  	v5 =	vshra.s32 v38, $0x8  }
0x237: {  	vm0 =	vle.s32 v5, v4  }
0x238: {  	v4 =	vsel vm0, $0x1, v0  }
0x239: {  	(xrf0) =	vadd.scan.msk.s32 $0xffff, v4;
	_ =	sdelay $0x4  }
0x23a: {  	v4 =	vsel vm0, $0xFFFFFFFF, v0  }
0x23b: {  	v4 =	vadd.s32 v4, v37;
	v5, _, _ =	vpop (xrf0)  }
0x23c: {  	v4 =	vadd.s32 v5, v4  }
0x23d: {  	vm1 =	vlt.s32 v4, $0x20  }
0x23e: {  	vm0 =	vmand vm0, vm1;
	_ =	sdelay $0x3  }
0x23f: {  	v6 =	vimm.s32 $0x2  }
0x240: {  	v7 =	vimm.s32 $0x3;
	v5 =	vor.u32 s28, v3  }
0x241: {  	v8 =	vimm.s32 $0x4;
	[tilespmem:v4+s21+$0x0] =	vst.idx.msk vm0, v5  }
0x242: {  	v9 =	vimm.s32 $0x5;
	v4 =	vld.msk [tilespmem:s21+$0x0], $0xffff  }
0x243: {  	v10 =	vimm.s32 $0x6;
	v5 =	vld.idx.msk [tilespmem:v1+s21+$0x0], $0xffff  }
0x244: {  	v11 =	vimm.s32 $0x7;
	v6 =	vld.idx.msk [tilespmem:v6+s21+$0x0], $0xffff  }
0x245: {  	v36 =	vimm.s32 $0x8;
	v7 =	vld.idx.msk [tilespmem:v7+s21+$0x0], $0xffff  }
0x246: {  	v55 =	vimm.s32 $0x9;
	v8 =	vld.idx.msk [tilespmem:v8+s21+$0x0], $0xffff  }
0x247: {  	v9 =	vld.idx.msk [tilespmem:v9+s21+$0x0], $0xffff  }
0x248: {  	v10 =	vld.idx.msk [tilespmem:v10+s21+$0x0], $0xffff  }
0x249: {  	v11 =	vld.idx.msk [tilespmem:v11+s21+$0x0], $0xffff  }
0x24a: {  	v36 =	vld.idx.msk [tilespmem:v36+s21+$0x0], $0xffff  }
0x24b: {  	v38 =	vld.idx.msk [tilespmem:v55+s21+$0x0], $0xffff;
	v4 =	vshll.u32 v4, $0x4  }
0x24c: {  	v60 =	vld.idx.msk [tilespmem:v14+s21+$0x0], $0xffff;
	v5 =	vshll.u32 v5, $0x4;
	v4 =	vor.u32 v3, v4  }
0x24d: {  	v56 =	vld.idx.msk [tilespmem:v12+s21+$0x0], $0xffff;
	v7 =	vshll.u32 v7, $0x4;
	v5 =	vor.u32 v3, v5  }
0x24e: {  	v58 =	vld.idx.msk [tilespmem:v13+s21+$0x0], $0xffff;
	v8 =	vshll.u32 v8, $0x4;
	v7 =	vor.u32 v3, v7  }
0x24f: {  	v41 =	vld.idx.msk [tilespmem:v17+s21+$0x0], $0xffff;
	v9 =	vshll.u32 v9, $0x4;
	v8 =	vor.u32 v3, v8  }
0x250: {  	v49 =	vld.idx.msk [tilespmem:v18+s21+$0x0], $0xffff;
	v10 =	vshll.u32 v10, $0x4;
	v38 =	vshll.u32 v38, $0x4;
	v9 =	vor.u32 v3, v9  }
0x251: {  	v10 =	vor.u32 v3, v10;
	v59 =	vor.u32 v3, v38;
	v38 =	vshll.u32 v60, $0x4;
	v4 =	vld.idx.msk [tilespmem:v4+s13+$0x0], $0xffff  }
0x252: {  	v6 =	vshll.u32 v6, $0x4;
	v38 =	vor.u32 v3, v38;
	v5 =	vld.idx.msk [tilespmem:v5+s13+$0x0], $0xffff  }
0x253: {  	v6 =	vor.u32 v3, v6;
	v7 =	vld.idx.msk [tilespmem:v7+s13+$0x0], $0xffff  }
0x254: {  	v8 =	vld.idx.msk [tilespmem:v8+s13+$0x0], $0xffff  }
0x255: {  	v11 =	vshll.u32 v11, $0x4;
	v44 =	vshll.u32 v56, $0x4;
	v9 =	vld.idx.msk [tilespmem:v9+s13+$0x0], $0xffff  }
0x256: {  	v46 =	vshll.u32 v58, $0x4;
	v53 =	vshll.u32 v41, $0x4;
	v55 =	vshll.u32 v49, $0x4;
	v10 =	vld.idx.msk [tilespmem:v10+s13+$0x0], $0xffff  }
0x257: {  	v11 =	vor.u32 v3, v11;
	v52 =	vld.idx.msk [tilespmem:v38+s13+$0x0], $0xffff;
	v38 =	vor.u32 v3, v55;
	v54 =	vunpack.i.l.bf16.f32 v4  }
0x258: {  	v6 =	vld.idx.msk [tilespmem:v6+s13+$0x0], $0xffff;
	v4 =	vunpack.i.u.bf16.f32 v4;
	v39 =	vunpack.i.l.bf16.f32 v5;
	v5 =	vunpack.i.u.bf16.f32 v5  }
0x259: {  	v50 =	vld.idx.msk [tilespmem:v19+s21+$0x0], $0xffff;
	v57 =	vunpack.i.l.bf16.f32 v7;
	v7 =	vunpack.i.u.bf16.f32 v7;
	v61 =	vunpack.i.u.bf16.f32 v8  }
0x25a: {  	v40 =	vld.idx.msk [tilespmem:v15+s21+$0x0], $0xffff;
	v8 =	vunpack.i.l.bf16.f32 v8;
	v62 =	vunpack.i.l.bf16.f32 v9;
	v9 =	vunpack.i.u.bf16.f32 v9  }
0x25b: {  	v63 =	vld.idx.msk [tilespmem:v16+s21+$0x0], $0xffff;
	v47 =	vunpack.i.u.bf16.f32 v10;
	v10 =	vunpack.i.l.bf16.f32 v10;
	v37 =	vmax.f32 v54, $-3.000000010e+38  }
0x25c: {  	v45 =	vld.idx.msk [tilespmem:v2+s21+$0x0], $0xffff;
	v4 =	vmax.f32 v4, $-3.000000010e+38;
	v54 =	vor.u32 v3, v53;
	v37 =	vmax.f32 v37, v39  }
0x25d: {  	v58 =	vld.idx.msk [tilespmem:v20+s21+$0x0], $0xffff;
	v4 =	vmax.f32 v4, v5;
	v5 =	vunpack.i.u.bf16.f32 v6;
	v6 =	vunpack.i.l.bf16.f32 v6  }
0x25e: {  	v11 =	vld.idx.msk [tilespmem:v11+s13+$0x0], $0xffff;
	v39 =	vshll.u32 v50, $0x4;
	v4 =	vmax.f32 v4, v5;
	v5 =	vshll.u32 v36, $0x4  }
0x25f: {  	v50 =	vld.idx.msk [tilespmem:v24+s21+$0x0], $0xffff;
	v6 =	vmax.f32 v37, v6;
	v39 =	vor.u32 v3, v39;
	v5 =	vor.u32 v3, v5  }
0x260: {  	v37 =	vld.idx.msk [tilespmem:v59+s13+$0x0], $0xffff;
	v6 =	vmax.f32 v6, v57;
	v4 =	vmax.f32 v4, v7;
	v7 =	vor.u32 v3, v44  }
0x261: {  	v6 =	vmax.f32 v6, v8;
	v4 =	vmax.f32 v4, v61;
	v8 =	vshll.u32 v63, $0x4;
	v63 =	vld.idx.msk [tilespmem:v38+s13+$0x0], $0xffff  }
0x262: {  	v61 =	vunpack.i.l.bf16.f32 v52;
	v6 =	vmax.f32 v6, v62;
	v62 =	vunpack.i.u.bf16.f32 v52;
	v52 =	vld.idx.msk [tilespmem:v25+s21+$0x0], $0xffff  }
0x263: {  	v36 =	vshll.u32 v45, $0x4;
	v4 =	vmax.f32 v4, v9;
	v6 =	vmax.f32 v6, v10;
	v10 =	vld.idx.msk [tilespmem:v54+s13+$0x0], $0xffff  }
0x264: {  	v36 =	vor.u32 v3, v36;
	v4 =	vmax.f32 v4, v47;
	v47 =	vld.idx.msk [tilespmem:v22+s21+$0x0], $0xffff  }
0x265: {  	v40 =	vshll.u32 v40, $0x4;
	v9 =	vor.u32 v3, v46;
	v45 =	vld.idx.msk [tilespmem:v39+s13+$0x0], $0xffff  }
0x266: {  	v48 =	vor.u32 v3, v40;
	v8 =	vor.u32 v3, v8;
	v5 =	vld.idx.msk [tilespmem:v5+s13+$0x0], $0xffff  }
0x267: {  	v42 =	vunpack.i.u.bf16.f32 v11;
	v11 =	vunpack.i.l.bf16.f32 v11;
	v46 =	vshll.u32 v58, $0x4;
	v7 =	vld.idx.msk [tilespmem:v7+s13+$0x0], $0xffff  }
0x268: {  	v60 =	vld.idx.msk [tilespmem:v21+s21+$0x0], $0xffff;
	v38 =	vshll.u32 v50, $0x4;
	v6 =	vmax.f32 v6, v11;
	v4 =	vmax.f32 v4, v42  }
0x269: {  	v56 =	vunpack.i.l.bf16.f32 v37;
	v37 =	vunpack.i.u.bf16.f32 v37;
	v38 =	vor.u32 v3, v38;
	v36 =	vld.idx.msk [tilespmem:v36+s13+$0x0], $0xffff  }
0x26a: {  	v58 =	vunpack.i.u.bf16.f32 v63;
	v9 =	vld.idx.msk [tilespmem:v9+s13+$0x0], $0xffff;
	v40 =	vshll.u32 v52, $0x4;
	v53 =	vunpack.i.l.bf16.f32 v10  }
0x26b: {  	v8 =	vld.idx.msk [tilespmem:v8+s13+$0x0], $0xffff;
	v10 =	vunpack.i.u.bf16.f32 v10;
	v55 =	vshll.u32 v47, $0x4;
	v11 =	vunpack.i.l.bf16.f32 v45  }
0x26c: {  	v51 =	vunpack.i.l.bf16.f32 v5;
	v5 =	vunpack.i.u.bf16.f32 v5;
	v57 =	vunpack.i.u.bf16.f32 v7  }
0x26d: {  	v7 =	vunpack.i.l.bf16.f32 v7;
	v6 =	vmax.f32 v6, v51;
	v4 =	vmax.f32 v4, v5  }
0x26e: {  	v49 =	vld.idx.msk [tilespmem:v23+s21+$0x0], $0xffff;
	v51 =	vunpack.i.u.bf16.f32 v36;
	v36 =	vunpack.i.l.bf16.f32 v36;
	v6 =	vmax.f32 v6, v56  }
0x26f: {  	v5 =	vld.idx.msk [tilespmem:v48+s13+$0x0], $0xffff;
	v4 =	vmax.f32 v4, v37;
	v59 =	vunpack.i.l.bf16.f32 v9;
	v9 =	vunpack.i.u.bf16.f32 v9  }
0x270: {  	v54 =	vld.idx.msk [tilespmem:v26+s21+$0x0], $0xffff;
	v48 =	vunpack.i.l.bf16.f32 v8;
	v37 =	vshll.u32 v60, $0x4;
	v8 =	vunpack.i.u.bf16.f32 v8  }
0x271: {  	v56 =	vld.idx.msk [tilespmem:v27+s21+$0x0], $0xffff;
	v60 =	vor.u32 v3, v40;
	v6 =	vmax.f32 v6, v7;
	v4 =	vmax.f32 v4, v57  }
0x272: {  	v52 =	vld.idx.msk [tilespmem:v31+s21+$0x0], $0xffff;
	v37 =	vor.u32 v3, v37;
	v7 =	vunpack.i.l.bf16.f32 v63;
	v6 =	vmax.f32 v6, v59  }
0x273: {  	v63 =	vunpack.i.u.bf16.f32 v45;
	v45 =	vld.idx.msk [tilespmem:v38+s13+$0x0], $0xffff;
	v4 =	vmax.f32 v4, v9;
	v6 =	vmax.f32 v6, v61  }
0x274: {  	v4 =	vmax.f32 v4, v62;
	v61 =	vld.idx.msk [tilespmem:v29+s21+$0x0], $0xffff;
	v44 =	vunpack.i.u.bf16.f32 v5;
	v5 =	vunpack.i.l.bf16.f32 v5  }
0x275: {  	v57 =	vshll.u32 v49, $0x4;
	v59 =	vld.idx.msk [tilespmem:v28+s21+$0x0], $0xffff;
	v5 =	vmax.f32 v6, v5;
	v4 =	vmax.f32 v4, v44  }
0x276: {  	v62 =	vld.idx.msk [tilespmem:v30+s21+$0x0], $0xffff;
	v6 =	vor.u32 v3, v46;
	v9 =	vshll.u32 v56, $0x4;
	v5 =	vmax.f32 v5, v48  }
0x277: {  	v47 =	vld.idx.msk [tilespmem:v60+s13+$0x0], $0xffff;
	v4 =	vmax.f32 v4, v8;
	v8 =	vor.u32 v3, v55;
	v9 =	vor.u32 v3, v9  }
0x278: {  	v60 =	vld [tilespmem:$0x159E0];
	v55 =	vunpack.i.l.bf16.f32 v45;
	v56 =	vunpack.i.u.bf16.f32 v45;
	v5 =	vmax.f32 v5, v36  }
0x279: {  	v37 =	vld.idx.msk [tilespmem:v37+s13+$0x0], $0xffff;
	v4 =	vmax.f32 v4, v51;
	v36 =	vshll.u32 v54, $0x4;
	v49 =	vshll.u32 v61, $0x4  }
0x27a: {  	v4 =	vmax.f32 v4, v10;
	v10 =	vor.u32 v3, v57;
	v38 =	vor.u32 v3, v49;
	v49 =	vld [tilespmem:$0x15A30]  }
0x27b: {  	v46 =	vshll.u32 v59, $0x4;
	v59 =	vshll.u32 v52, $0x4;
	v5 =	vmax.f32 v5, v53;
	v6 =	vld.idx.msk [tilespmem:v6+s13+$0x0], $0xffff  }
0x27c: {  	v36 =	vor.u32 v3, v36;
	v48 =	vor.u32 v3, v46;
	v39 =	vshll.u32 v62, $0x4;
	v8 =	vld.idx.msk [tilespmem:v8+s13+$0x0], $0xffff  }
0x27d: {  	v5 =	vmax.f32 v5, v7;
	v4 =	vmax.f32 v4, v58;
	v39 =	vor.u32 v3, v39;
	v9 =	vld.idx.msk [tilespmem:v9+s13+$0x0], $0xffff  }
0x27e: {  	v54 =	vld.idx.msk [tilespmem:v32+s21+$0x0], $0xffff;
	v5 =	vmax.f32 v5, v11;
	v4 =	vmax.f32 v4, v63;
	v58 =	vunpack.i.u.bf16.f32 v47  }
0x27f: {  	v52 =	vmul.f32 v60, v35;
	v50 =	vunpack.i.l.bf16.f32 v37;
	v37 =	vunpack.i.u.bf16.f32 v37;
	v10 =	vld.idx.msk [tilespmem:v10+s13+$0x0], $0xffff  }
0x280: {  	v62 =	vld [tilespmem:$0x159F0];
	v60 =	vmul.f32 v49, v33;
	v44 =	vunpack.i.l.bf16.f32 v6;
	v6 =	vunpack.i.u.bf16.f32 v6  }
0x281: {  	v36 =	vld.idx.msk [tilespmem:v36+s13+$0x0], $0xffff;
	v5 =	vmax.f32 v5, v44;
	v4 =	vmax.f32 v4, v6;
	v51 =	vunpack.i.u.bf16.f32 v8  }
0x282: {  	v63 =	vld [tilespmem:$0x15A00];
	v8 =	vunpack.i.l.bf16.f32 v8;
	v6 =	vunpack.i.l.bf16.f32 v47;
	v44 =	vunpack.i.u.bf16.f32 v9  }
0x283: {  	v7 =	vld.idx.msk [tilespmem:v48+s13+$0x0], $0xffff;
	v9 =	vunpack.i.l.bf16.f32 v9;
	v5 =	vmax.f32 v5, v50;
	v4 =	vmax.f32 v4, v37  }
0x284: {  	v57 =	vld.idx.msk [tilespmem:v38+s13+$0x0], $0xffff;
	v37 =	vshll.u32 v54, $0x4;
	v5 =	vmax.f32 v5, v8;
	v53 =	vunpack.i.l.bf16.f32 v10  }
0x285: {  	v11 =	vld.idx.msk [tilespmem:v39+s13+$0x0], $0xffff;
	v54 =	vmul.f32 v62, v35;
	v4 =	vmax.f32 v4, v51;
	v5 =	vmax.f32 v5, v53  }
0x286: {  	v45 =	vld [tilespmem:$0x15A10];
	v10 =	vunpack.i.u.bf16.f32 v10;
	v61 =	vunpack.i.l.bf16.f32 v36;
	v5 =	vmax.f32 v5, v55  }
0x287: {  	v47 =	vld [tilespmem:$0x15A20];
	v36 =	vunpack.i.u.bf16.f32 v36;
	v5 =	vmax.f32 v5, v6;
	v6 =	vor.u32 v3, v59  }
0x288: {  	v37 =	vor.u32 v3, v37;
	v46 =	vunpack.i.l.bf16.f32 v7;
	v7 =	vunpack.i.u.bf16.f32 v7  }
0x289: {  	v4 =	vmax.f32 v4, v10;
	v48 =	vunpack.i.l.bf16.f32 v57;
	v50 =	vunpack.i.u.bf16.f32 v57  }
0x28a: {  	v53 =	vmul.f32 v63, v34;
	v57 =	vld [tilespmem:$0x15A40];
	v4 =	vmax.f32 v4, v56;
	v55 =	vunpack.i.l.bf16.f32 v11  }
0x28b: {  	v56 =	vmul.f32 v45, v34;
	v11 =	vunpack.i.u.bf16.f32 v11;
	v4 =	vmax.f32 v4, v58;
	v58 =	vld [tilespmem:$0x15A50]  }
0x28c: {  	v8 =	vadd.f32 v53, v52;
	v59 =	vmul.f32 v47, v33;
	v5 =	vmax.f32 v5, v61;
	v6 =	vld.idx.msk [tilespmem:v6+s13+$0x0], $0xffff  }
0x28d: {  	v4 =	vmax.f32 v4, v36;
	v10 =	vadd.f32 v56, v54;
	v5 =	vmax.f32 v5, v9;
	v51 =	vld.idx.msk [tilespmem:v37+s13+$0x0], $0xffff  }
0x28e: {  	v4 =	vmax.f32 v4, v44;
	v8 =	vadd.f32 v59, v8;
	v5 =	vmax.f32 v5, v46  }
0x28f: {  	v4 =	vmax.f32 v4, v7;
	v10 =	vadd.f32 v60, v10;
	v5 =	vmax.f32 v5, v48  }
0x290: {  	v4 =	vmax.f32 v4, v50;
	v8 =	vsub.f32 v57, v8;
	v5 =	vmax.f32 v5, v55  }
0x291: {  	v4 =	vmax.f32 v4, v11;
	v63 =	vsub.f32 v58, v10;
	v61 =	vunpack.i.l.bf16.f32 v6  }
0x292: {  	s31 =	sshll.u32 s26, $0x5;
	s26 =	sadd.s32 $0x1, s26;
	v62 =	vunpack.i.l.bf16.f32 v51;
	v6 =	vunpack.i.u.bf16.f32 v6;
	v5 =	vmax.f32 v5, v61  }
0x293: {  	p0 =	sne.s32 s26, $0x10;
	v7 =	vunpack.i.u.bf16.f32 v51;
	v4 =	vmax.f32 v4, v6;
	v5 =	vmax.f32 v5, v62  }
.Ltmp4:
0x294: {  	v4 =	vmax.f32 v4, v7;
	v5 =	vadd.f32 v8, v5;
	(pc) =	sbr.rel @p0 .LBB2_3-.Ltmp4, $4  }
0x295: {  	v4 =	vadd.f32 v63, v4  }
0x296: {  	s28 =	sand.u32 $0x3FFFFFE0, s31;
	v5 =	vmax.f32 v5, $0.0e+00  }
0x297: {  	v4 =	vmax.f32 v4, $0.0e+00;
	[tilespmem:s28+$0x16C00] =	vst v5  }
0x298: {  	[tilespmem:s28+$0x16C10] =	vst v4  }
0x299: {  	s25 =	sshll.u32 s24, $0x9  }
0x29a: {  	s24 =	sadd.s32 $0x1, s24;
	s25 =	sadd.s32 s25, s10  }
0x29b: {  	p0 =	sne.s32 s24, $0x8A;
	s25 =	sshrl.u32 s25, $0x3  }
.Ltmp5:
0x29c: {  	s25 =	sadd.s32 s4, s25;
	(pc) =	sbr.rel @p0 .LBB2_2-.Ltmp5, $4  }
0x29d: {  	[hbm4b:s25+s3] =	stream.linear.scatter [tilespmem:s22], [sflag:$0x1], $0x200, $0x38;
	[tilespmem:$0x16E10] =	vst v63  }
0x29e: {  	_ =	swait.ge [sflag:s12], $0x200  }
0x29f: {  	[sflag:s12] =	ssyncset.done $0x0  }
0x2a0: {  	[sflag:s12] =	ssyncadd.s32 $0xFFFFFE00  }
0x2a1: {  	s23 =	sadd.s32 $0x1, s23  }
0x2a2: {  	p0 =	sne.s32 s23, s11  }
.Ltmp6:
0x2a3: {  	_ = 	snop;
	(pc) =	sbr.rel @p0 .LBB2_1-.Ltmp6, $1  }
0x2a4: {  	_ =	sdelay $0x3  }
0x2a5: {  	_ =	sfence.sel $0x180000  }
0x2a6: {  	[bflag:$0x0] =	sbarrier.arrive $0xFFFF  }
0x2a7: {  	p0 =	sne.s32 s0, $0x0;
	_ =	strace $0x90000047  }
0x2a8: {  	s0 =	sadd.s32 @!p0 $0x100000, s1;
	[bflag:$0x2] =	sbarrier.arrive $0xFFFF  }
0x2a9: {  	[sflag:s0] =	ssyncadd.tile.s32 @!p0 $0x1;
	_ =	shalt  }
.Lfunc_end2:
_tile_overlayer_lowered:
.L_overlay_start_2:
0x2aa: {  	(tag) =	ssettag $0x2  }
0x2ab: {  	s0 =	rddreg [dreg:$0x0];
	s2 =	stileid.u32  }
0x2ac: {  	s1 =	rddreg [dreg:$0x1];
	p0 =	sne.s32 s2, $0x0  }
0x2ad: {  	s3 =	rddreg [dreg:$0x2];
	[bflag:$0x3] =	sbarrier.arrive $0xFFFF;
	s2 =	simm.s32 @!p0 $0x1C01  }
0x2ae: {  	[timem:s3], [sflag:s2] =	dma.local @!p0 [hbm:s0], s1  }
0x2af: {  	s0 =	simm.s32 @!p0 $0x1  }
0x2b0: {  	_ =	swait.ge @!p0 [sflag:s0], s1  }
0x2b1: {  	s1 =	ssub.s32 @!p0 $0x0, s1;
	[sflag:s0] =	ssyncset.done @!p0 $0x0  }
0x2b2: {  	[sflag:s0] =	ssyncadd.s32 @!p0 s1  }
0x2b3: {  	[bflag:$0x3] =	sbarrier.arrive $0xFFFF  }
0x2b4: {  	_ =	shalt  }

</sc_bundles>
